<compile_context>
chip_gen: v7x
topology: tpu7x:2x2x1
jax: 0.10.2.dev20260603
libtpu: 0.0.44.dev20260713+nightly
codegen_flags: <defaults>
</compile_context>

<pallas_src>
import functools

import jax
import jax.numpy as jnp
from jax import lax
from jax.experimental import pallas as pl
from jax.experimental.pallas import tpu as pltpu
from jax.experimental.pallas import tpu_sc as plsc

NBUF = 2
DEPTH = 1


def kernel(input_ids, embedding_table, pos_emb_table):
    B, L = input_ids.shape
    V, D = embedding_table.shape
    N = B * L
    NW = 32
    LPW = L // NW
    n_per_w = LPW * B
    CHUNK = 64
    n_chunks = n_per_w // CHUNK
    cpl = B // CHUNK
    NS = D // 16
    assert (n_chunks - 2 * DEPTH) % NBUF == 0

    ids_t = input_ids.T.reshape(N).astype(jnp.int32)
    mesh = plsc.VectorSubcoreMesh(core_axis_name="c", subcore_axis_name="s")

    @functools.partial(
        pl.kernel,
        mesh=mesh,
        out_type=jax.ShapeDtypeStruct((N, D), jnp.float32),
        scratch_types=[
            pltpu.VMEM((n_per_w,), jnp.int32),
            pltpu.VMEM((n_chunks, CHUNK), jnp.int32),
            pltpu.VMEM((LPW, D), jnp.float32),
        ] + [pltpu.VMEM((CHUNK, D), jnp.float32)] * NBUF
          + [pltpu.SemaphoreType.DMA] * (2 * NBUF),
    )
    def emb_kernel(ids_hbm, tab_hbm, pos_hbm, out_hbm,
                   idx_v, scat_idx, posbuf, *bufs_and_sems):
        bufs = bufs_and_sems[:NBUF]
        semg = bufs_and_sems[NBUF:2 * NBUF]
        semw = bufs_and_sems[2 * NBUF:]
        wid = lax.axis_index("s") * 2 + lax.axis_index("c")
        l0 = wid * LPW
        base = wid * n_per_w

        def start_gather(c, b):
            off = pl.multiple_of(c * CHUNK, CHUNK)
            pltpu.async_copy(tab_hbm.at[idx_v.at[pl.ds(off, CHUNK)]],
                             bufs[b], semg[b])

        def wait_gather(b):
            pltpu.make_async_copy(tab_hbm.at[idx_v.at[pl.ds(0, CHUNK)]],
                                  bufs[b], semg[b]).wait()

        def start_write(c, b):
            pltpu.async_copy(bufs[b], out_hbm.at[scat_idx.at[c]], semw[b])

        def wait_write(b):
            pltpu.make_async_copy(bufs[b], out_hbm.at[scat_idx.at[0]],
                                  semw[b]).wait()

        def process(c, b):
            buf = bufs[b]
            lsel = c // cpl
            pos_regs = tuple(posbuf[lsel, pl.ds(i * 16, 16)]
                             for i in range(NS))

            def add_row(r, regs):
                for i in range(NS):
                    s = pl.ds(i * 16, 16)
                    buf[r, s] = buf[r, s] + regs[i]
                return regs

            wait_gather(b)
            lax.fori_loop(0, CHUNK, add_row, pos_regs)
            start_write(c, b)

        pltpu.sync_copy(ids_hbm.at[pl.ds(base, n_per_w)], idx_v)
        for c in range(DEPTH):
            start_gather(c, c)
        pltpu.sync_copy(pos_hbm.at[pl.ds(l0, LPW)], posbuf)

        def build_scat(c, carry):
            lsel = c // cpl
            jj = c - lsel * cpl
            for kk in range(CHUNK // 16):
                v = (jj * CHUNK + kk * 16 + lax.iota(jnp.int32, 16)) * L
                scat_idx[c, pl.ds(kk * 16, 16)] = v + l0 + lsel
            return carry

        lax.fori_loop(0, n_chunks, build_scat, 0)

        for c in range(DEPTH):
            start_gather(c + DEPTH, c + DEPTH)
            process(c, c)

        def group(g, carry):
            for k in range(NBUF):
                c = NBUF * g + DEPTH + k
                gb = (DEPTH + k + DEPTH) % NBUF
                wait_write(gb)
                start_gather(c + DEPTH, gb)
                process(c, (DEPTH + k) % NBUF)
            return carry

        lax.fori_loop(0, (n_chunks - 2 * DEPTH) // NBUF, group, 0)

        for c in range(n_chunks - DEPTH, n_chunks):
            wait_write((c + DEPTH) % NBUF)
            process(c, c % NBUF)
        for c in range(n_chunks - DEPTH, n_chunks):
            wait_write(c % NBUF)

    out = emb_kernel(ids_t, embedding_table, pos_emb_table)
    return out.reshape(B, L, D)

# --- scband reference (transcript-rebuilt; emitter-appended) ---
"""Pipeline reference for scband-text-encoder-44246753083925 (READ-ONLY COPY).

The authoritative reference and input builder live on the scoring server;
editing this copy changes nothing except your own understanding.
"""

import jax, jax.numpy as jnp
import numpy as np

VOCAB = 32000
MAX_POS = 64
D = 768
B = 1024
L = 64

def setup_inputs(seed: int = 0) -> dict:
    key = jax.random.key(seed)
    k1, k2, k3 = jax.random.split(key, 3)
    input_ids = jax.random.randint(k1, (B, L), 0, VOCAB, dtype=jnp.int64) if jax.config.jax_enable_x64 else jax.random.randint(k1, (B, L), 0, VOCAB, dtype=jnp.int32)
    embedding_table = jax.random.normal(k2, (VOCAB, D), dtype=jnp.float32) * 0.02
    pos_emb_table = jax.random.normal(k3, (MAX_POS, D), dtype=jnp.float32) * 0.02
    return {"input_ids": input_ids, "embedding_table": embedding_table, "pos_emb_table": pos_emb_table}

def reference(input_ids, embedding_table, pos_emb_table):
    # token embedding lookup (gather)
    token_emb = jnp.take(embedding_table, input_ids, axis=0)  # [B, L, D]
    # positional embedding lookup
    ids = jnp.arange(input_ids.shape[1])[None, :]  # [1, L]
    pos_emb = jnp.take(pos_emb_table, ids, axis=0)  # [1, L, D]
    return token_emb + pos_emb

if __name__ == "__main__":
    import jax
    _d = setup_inputs()
    print(jax.jit(kernel)(*tuple(_d.values())))

</pallas_src>

<mosaic_0001>
#map = affine_map<(d0, d1) -> (0)>
#map1 = affine_map<(d0, d1) -> (0, 0)>
module attributes {stable_mosaic.version = 14 : i64} {
  func.func @emb_kernel(%arg0: i32, %arg1: i32, %arg2: memref<65536xi32, #tpu.memory_space<hbm>>, %arg3: memref<32000x768xf32, #tpu.memory_space<hbm>>, %arg4: memref<64x768xf32, #tpu.memory_space<hbm>>, %arg5: memref<65536x768xf32, #tpu.memory_space<hbm>>, %arg6: memref<2048xi32, #tpu.memory_space<vmem>>, %arg7: memref<32x64xi32, #tpu.memory_space<vmem>>, %arg8: memref<2x768xf32, #tpu.memory_space<vmem>>, %arg9: memref<64x768xf32, #tpu.memory_space<vmem>>, %arg10: memref<64x768xf32, #tpu.memory_space<vmem>>, %arg11: memref<!tpu.dma_semaphore, #tpu.memory_space<semaphore_mem>>, %arg12: memref<!tpu.dma_semaphore, #tpu.memory_space<semaphore_mem>>, %arg13: memref<!tpu.dma_semaphore, #tpu.memory_space<semaphore_mem>>, %arg14: memref<!tpu.dma_semaphore, #tpu.memory_space<semaphore_mem>>) attributes {dimension_semantics = [#tpu.dimension_semantics<core_parallel>, #tpu.dimension_semantics<subcore_parallel>], iteration_bounds = array<i64: 2, 16>, scalar_prefetch = 0 : i64, scratch_operands = 9 : i64, tpu.core_type = #tpu.core_type<sc_vector_subcore>, window_params = [{transform_indices = #map}, {transform_indices = #map1}, {transform_indices = #map1}, {transform_indices = #map1}]} {
    %mul3A = arith.constant 2 : i32
    %mul3A_0 = arith.muli %arg1, %mul3A : i32
    %add3A = arith.addi %mul3A_0, %arg0 : i32
    %mul3A_1 = arith.constant 2 : i32
    %mul3A_2 = arith.muli %add3A, %mul3A_1 : i32
    %mul3A_3 = arith.constant 2048 : i32
    %mul3A_4 = arith.muli %add3A, %mul3A_3 : i32
    "tpu.region"() ({
      %run_scoped3A = tpu.sem_alloc : memref<!tpu.dma_semaphore, #tpu.memory_space<semaphore_mem>>
      %dma_start3A_552 = tpu.memref_slice %arg2[%mul3A_4] : memref<65536xi32, #tpu.memory_space<hbm>> -> memref<2048xi32, #tpu.memory_space<hbm>>
      %dma_start3A_553 = tpu.memref_slice %arg2[%mul3A_4] : memref<65536xi32, #tpu.memory_space<hbm>> -> memref<2048xi32, #tpu.memory_space<hbm>>
      tpu.enqueue_dma source(%dma_start3A_553 : memref<2048xi32, #tpu.memory_space<hbm>>) target(%arg6 : memref<2048xi32, #tpu.memory_space<vmem>>) target_semaphore(%run_scoped3A : memref<!tpu.dma_semaphore, #tpu.memory_space<semaphore_mem>>)
      %dma_wait3A_554 = tpu.memref_slice %arg2[%mul3A_4] : memref<65536xi32, #tpu.memory_space<hbm>> -> memref<2048xi32, #tpu.memory_space<hbm>>
      %dma_wait3A_555 = tpu.memref_slice %arg2[%mul3A_4] : memref<65536xi32, #tpu.memory_space<hbm>> -> memref<2048xi32, #tpu.memory_space<hbm>>
      tpu.wait_dma2 semaphore(%run_scoped3A : memref<!tpu.dma_semaphore, #tpu.memory_space<semaphore_mem>>) src(%dma_wait3A_555 : memref<2048xi32, #tpu.memory_space<hbm>>) dst(%arg6 : memref<2048xi32, #tpu.memory_space<vmem>>)
      tpu.yield
    }) : () -> ()
    %multiple_of3A = arith.constant 0 : i32
    %multiple_of3A_5 = tpu.assume_multiple %multiple_of3A, 64 : i32
    %dma_start3A = tpu.memref_slice %arg6[%multiple_of3A_5] : memref<2048xi32, #tpu.memory_space<vmem>> -> memref<64xi32, #tpu.memory_space<vmem>>
    %dma_start3A_6 = arith.constant 0 : i32
    %dma_start3A_7 = arith.constant 0 : i32
    %dma_start3A_8 = tpu.memref_slice %arg3[%dma_start3A_6, %dma_start3A_7] : memref<32000x768xf32, #tpu.memory_space<hbm>> -> memref<32000x768xf32, #tpu.memory_space<hbm>>
    tpu.enqueue_indirect_dma source(%dma_start3A_8 : memref<32000x768xf32, #tpu.memory_space<hbm>>) target(%arg9 : memref<64x768xf32, #tpu.memory_space<vmem>>) offsets(%dma_start3A : memref<64xi32, #tpu.memory_space<vmem>>) semaphore(%arg11 : memref<!tpu.dma_semaphore, #tpu.memory_space<semaphore_mem>>)
    "tpu.region"() ({
      %run_scoped3A = tpu.sem_alloc : memref<!tpu.dma_semaphore, #tpu.memory_space<semaphore_mem>>
      %dma_start3A_552 = arith.constant 0 : i32
      %dma_start3A_553 = tpu.memref_slice %arg4[%mul3A_2, %dma_start3A_552] : memref<64x768xf32, #tpu.memory_space<hbm>> -> memref<2x768xf32, #tpu.memory_space<hbm>>
      %dma_start3A_554 = arith.constant 0 : i32
      %dma_start3A_555 = tpu.memref_slice %arg4[%mul3A_2, %dma_start3A_554] : memref<64x768xf32, #tpu.memory_space<hbm>> -> memref<2x768xf32, #tpu.memory_space<hbm>>
      tpu.enqueue_dma source(%dma_start3A_555 : memref<2x768xf32, #tpu.memory_space<hbm>>) target(%arg8 : memref<2x768xf32, #tpu.memory_space<vmem>>) target_semaphore(%run_scoped3A : memref<!tpu.dma_semaphore, #tpu.memory_space<semaphore_mem>>)
      %dma_wait3A_556 = arith.constant 0 : i32
      %dma_wait3A_557 = tpu.memref_slice %arg4[%mul3A_2, %dma_wait3A_556] : memref<64x768xf32, #tpu.memory_space<hbm>> -> memref<2x768xf32, #tpu.memory_space<hbm>>
      %dma_wait3A_558 = arith.constant 0 : i32
      %dma_wait3A_559 = tpu.memref_slice %arg4[%mul3A_2, %dma_wait3A_558] : memref<64x768xf32, #tpu.memory_space<hbm>> -> memref<2x768xf32, #tpu.memory_space<hbm>>
      tpu.wait_dma2 semaphore(%run_scoped3A : memref<!tpu.dma_semaphore, #tpu.memory_space<semaphore_mem>>) src(%dma_wait3A_559 : memref<2x768xf32, #tpu.memory_space<hbm>>) dst(%arg8 : memref<2x768xf32, #tpu.memory_space<vmem>>)
      tpu.yield
    }) : () -> ()
    %scan3A = arith.constant 0 : i32
    %scan3A_9 = arith.constant 0 : i32
    %scan3A_10 = arith.constant 32 : i32
    %scan3A_11 = arith.addi %scan3A_9, %scan3A_10 : i32
    %scan3A_12 = arith.constant 1 : i32
    scf.for %scan3A_552 = %scan3A_9 to %scan3A_11 step %scan3A_12  : i32 {
      %jit3A = arith.constant 16 : i32
      %div3A = arith.divsi %scan3A_552, %jit3A : i32
      %sign3A = arith.constant 0 : i32
      %sign3A_553 = arith.cmpi sgt, %scan3A_552, %sign3A : i32
      %sign3A_554 = arith.extui %sign3A_553 : i1 to i32
      %sign3A_555 = arith.constant 0 : i32
      %sign3A_556 = arith.cmpi slt, %scan3A_552, %sign3A_555 : i32
      %sign3A_557 = arith.extui %sign3A_556 : i1 to i32
      %sign3A_558 = arith.subi %sign3A_554, %sign3A_557 : i32
      %sign3A_559 = arith.constant 0 : i32
      %sign3A_560 = arith.cmpi sgt, %jit3A, %sign3A_559 : i32
      %sign3A_561 = arith.extui %sign3A_560 : i1 to i32
      %sign3A_562 = arith.constant 0 : i32
      %sign3A_563 = arith.cmpi slt, %jit3A, %sign3A_562 : i32
      %sign3A_564 = arith.extui %sign3A_563 : i1 to i32
      %sign3A_565 = arith.subi %sign3A_561, %sign3A_564 : i32
      %ne3A = arith.cmpi ne, %sign3A_558, %sign3A_565 : i32
      %rem3A = arith.remsi %scan3A_552, %jit3A : i32
      %ne3A_566 = arith.constant 0 : i32
      %ne3A_567 = arith.cmpi ne, %rem3A, %ne3A_566 : i32
      %and3A = arith.andi %ne3A, %ne3A_567 : i1
      %sub3A = arith.constant 1 : i32
      %sub3A_568 = arith.subi %div3A, %sub3A : i32
      %select_n3A = arith.select %and3A, %sub3A_568, %div3A : i32
      %mul3A_569 = arith.constant 16 : i32
      %mul3A_570 = arith.muli %select_n3A, %mul3A_569 : i32
      %sub3A_571 = arith.subi %scan3A_552, %mul3A_570 : i32
      %mul3A_572 = arith.constant 64 : i32
      %mul3A_573 = arith.muli %sub3A_571, %mul3A_572 : i32
      %add3A_574 = arith.constant 0 : i32
      %add3A_575 = arith.addi %mul3A_573, %add3A_574 : i32
      %iota3A = tpu.iota {dimensions = array<i32: 0>} : vector<16xi32>
      %add3A_576 = vector.broadcast %add3A_575 : i32 to vector<16xi32>
      %add3A_577 = arith.addi %add3A_576, %iota3A : vector<16xi32>
      %mul3A_578 = arith.constant 64 : i32
      %mul3A_579 = vector.broadcast %mul3A_578 : i32 to vector<16xi32>
      %mul3A_580 = arith.muli %add3A_577, %mul3A_579 : vector<16xi32>
      %add3A_581 = vector.broadcast %mul3A_2 : i32 to vector<16xi32>
      %add3A_582 = arith.addi %mul3A_580, %add3A_581 : vector<16xi32>
      %add3A_583 = vector.broadcast %select_n3A : i32 to vector<16xi32>
      %add3A_584 = arith.addi %add3A_582, %add3A_583 : vector<16xi32>
      %swap3A = arith.index_cast %scan3A_552 : i32 to index
      %swap3A_585 = arith.constant 0 : index
      %swap3A_586 = tpu.vector_load %arg7[%swap3A, %swap3A_585] {strides = array<i32>} : memref<32x64xi32, #tpu.memory_space<vmem>>, vector<1x16xi32>,
      %swap3A_587 = vector.shape_cast %swap3A_586 : vector<1x16xi32> to vector<16xi32>
      %swap3A_588 = vector.shape_cast %add3A_584 : vector<16xi32> to vector<1x16xi32>
      tpu.vector_store %arg7[%swap3A, %swap3A_585], %swap3A_588 {strides = array<i32>} : memref<32x64xi32, #tpu.memory_space<vmem>>, vector<1x16xi32>,
      %mul3A_589 = arith.constant 64 : i32
      %mul3A_590 = arith.muli %sub3A_571, %mul3A_589 : i32
      %add3A_591 = arith.constant 16 : i32
      %add3A_592 = arith.addi %mul3A_590, %add3A_591 : i32
      %iota3A_593 = tpu.iota {dimensions = array<i32: 0>} : vector<16xi32>
      %add3A_594 = vector.broadcast %add3A_592 : i32 to vector<16xi32>
      %add3A_595 = arith.addi %add3A_594, %iota3A_593 : vector<16xi32>
      %mul3A_596 = arith.constant 64 : i32
      %mul3A_597 = vector.broadcast %mul3A_596 : i32 to vector<16xi32>
      %mul3A_598 = arith.muli %add3A_595, %mul3A_597 : vector<16xi32>
      %add3A_599 = vector.broadcast %mul3A_2 : i32 to vector<16xi32>
      %add3A_600 = arith.addi %mul3A_598, %add3A_599 : vector<16xi32>
      %add3A_601 = vector.broadcast %select_n3A : i32 to vector<16xi32>
      %add3A_602 = arith.addi %add3A_600, %add3A_601 : vector<16xi32>
      %swap3A_603 = arith.index_cast %scan3A_552 : i32 to index
      %swap3A_604 = arith.constant 16 : index
      %swap3A_605 = tpu.vector_load %arg7[%swap3A_603, %swap3A_604] {strides = array<i32>} : memref<32x64xi32, #tpu.memory_space<vmem>>, vector<1x16xi32>,
      %swap3A_606 = vector.shape_cast %swap3A_605 : vector<1x16xi32> to vector<16xi32>
      %swap3A_607 = vector.shape_cast %add3A_602 : vector<16xi32> to vector<1x16xi32>
      tpu.vector_store %arg7[%swap3A_603, %swap3A_604], %swap3A_607 {strides = array<i32>} : memref<32x64xi32, #tpu.memory_space<vmem>>, vector<1x16xi32>,
      %mul3A_608 = arith.constant 64 : i32
      %mul3A_609 = arith.muli %sub3A_571, %mul3A_608 : i32
      %add3A_610 = arith.constant 32 : i32
      %add3A_611 = arith.addi %mul3A_609, %add3A_610 : i32
      %iota3A_612 = tpu.iota {dimensions = array<i32: 0>} : vector<16xi32>
      %add3A_613 = vector.broadcast %add3A_611 : i32 to vector<16xi32>
      %add3A_614 = arith.addi %add3A_613, %iota3A_612 : vector<16xi32>
      %mul3A_615 = arith.constant 64 : i32
      %mul3A_616 = vector.broadcast %mul3A_615 : i32 to vector<16xi32>
      %mul3A_617 = arith.muli %add3A_614, %mul3A_616 : vector<16xi32>
      %add3A_618 = vector.broadcast %mul3A_2 : i32 to vector<16xi32>
      %add3A_619 = arith.addi %mul3A_617, %add3A_618 : vector<16xi32>
      %add3A_620 = vector.broadcast %select_n3A : i32 to vector<16xi32>
      %add3A_621 = arith.addi %add3A_619, %add3A_620 : vector<16xi32>
      %swap3A_622 = arith.index_cast %scan3A_552 : i32 to index
      %swap3A_623 = arith.constant 32 : index
      %swap3A_624 = tpu.vector_load %arg7[%swap3A_622, %swap3A_623] {strides = array<i32>} : memref<32x64xi32, #tpu.memory_space<vmem>>, vector<1x16xi32>,
      %swap3A_625 = vector.shape_cast %swap3A_624 : vector<1x16xi32> to vector<16xi32>
      %swap3A_626 = vector.shape_cast %add3A_621 : vector<16xi32> to vector<1x16xi32>
      tpu.vector_store %arg7[%swap3A_622, %swap3A_623], %swap3A_626 {strides = array<i32>} : memref<32x64xi32, #tpu.memory_space<vmem>>, vector<1x16xi32>,
      %mul3A_627 = arith.constant 64 : i32
      %mul3A_628 = arith.muli %sub3A_571, %mul3A_627 : i32
      %add3A_629 = arith.constant 48 : i32
      %add3A_630 = arith.addi %mul3A_628, %add3A_629 : i32
      %iota3A_631 = tpu.iota {dimensions = array<i32: 0>} : vector<16xi32>
      %add3A_632 = vector.broadcast %add3A_630 : i32 to vector<16xi32>
      %add3A_633 = arith.addi %add3A_632, %iota3A_631 : vector<16xi32>
      %mul3A_634 = arith.constant 64 : i32
      %mul3A_635 = vector.broadcast %mul3A_634 : i32 to vector<16xi32>
      %mul3A_636 = arith.muli %add3A_633, %mul3A_635 : vector<16xi32>
      %add3A_637 = vector.broadcast %mul3A_2 : i32 to vector<16xi32>
      %add3A_638 = arith.addi %mul3A_636, %add3A_637 : vector<16xi32>
      %add3A_639 = vector.broadcast %select_n3A : i32 to vector<16xi32>
      %add3A_640 = arith.addi %add3A_638, %add3A_639 : vector<16xi32>
      %swap3A_641 = arith.index_cast %scan3A_552 : i32 to index
      %swap3A_642 = arith.constant 48 : index
      %swap3A_643 = tpu.vector_load %arg7[%swap3A_641, %swap3A_642] {strides = array<i32>} : memref<32x64xi32, #tpu.memory_space<vmem>>, vector<1x16xi32>,
      %swap3A_644 = vector.shape_cast %swap3A_643 : vector<1x16xi32> to vector<16xi32>
      %swap3A_645 = vector.shape_cast %add3A_640 : vector<16xi32> to vector<1x16xi32>
      tpu.vector_store %arg7[%swap3A_641, %swap3A_642], %swap3A_645 {strides = array<i32>} : memref<32x64xi32, #tpu.memory_space<vmem>>, vector<1x16xi32>,
    }
    %scan3A_13 = arith.constant 32 : i32
    %multiple_of3A_14 = arith.constant 64 : i32
    %multiple_of3A_15 = tpu.assume_multiple %multiple_of3A_14, 64 : i32
    %dma_start3A_16 = tpu.memref_slice %arg6[%multiple_of3A_15] : memref<2048xi32, #tpu.memory_space<vmem>> -> memref<64xi32, #tpu.memory_space<vmem>>
    %dma_start3A_17 = arith.constant 0 : i32
    %dma_start3A_18 = arith.constant 0 : i32
    %dma_start3A_19 = tpu.memref_slice %arg3[%dma_start3A_17, %dma_start3A_18] : memref<32000x768xf32, #tpu.memory_space<hbm>> -> memref<32000x768xf32, #tpu.memory_space<hbm>>
    tpu.enqueue_indirect_dma source(%dma_start3A_19 : memref<32000x768xf32, #tpu.memory_space<hbm>>) target(%arg10 : memref<64x768xf32, #tpu.memory_space<vmem>>) offsets(%dma_start3A_16 : memref<64xi32, #tpu.memory_space<vmem>>) semaphore(%arg12 : memref<!tpu.dma_semaphore, #tpu.memory_space<semaphore_mem>>)
    %get3A = arith.constant 0 : i32
    %get3A_20 = arith.index_cast %get3A : i32 to index
    %get3A_21 = arith.constant 0 : index
    %get3A_22 = tpu.vector_load %arg8[%get3A_20, %get3A_21] {strides = array<i32>} : memref<2x768xf32, #tpu.memory_space<vmem>>, vector<1x16xf32>,
    %get3A_23 = vector.shape_cast %get3A_22 : vector<1x16xf32> to vector<16xf32>
    %get3A_24 = arith.constant 0 : i32
    %get3A_25 = arith.index_cast %get3A_24 : i32 to index
    %get3A_26 = arith.constant 16 : index
    %get3A_27 = tpu.vector_load %arg8[%get3A_25, %get3A_26] {strides = array<i32>} : memref<2x768xf32, #tpu.memory_space<vmem>>, vector<1x16xf32>,
    %get3A_28 = vector.shape_cast %get3A_27 : vector<1x16xf32> to vector<16xf32>
    %get3A_29 = arith.constant 0 : i32
    %get3A_30 = arith.index_cast %get3A_29 : i32 to index
    %get3A_31 = arith.constant 32 : index
    %get3A_32 = tpu.vector_load %arg8[%get3A_30, %get3A_31] {strides = array<i32>} : memref<2x768xf32, #tpu.memory_space<vmem>>, vector<1x16xf32>,
    %get3A_33 = vector.shape_cast %get3A_32 : vector<1x16xf32> to vector<16xf32>
    %get3A_34 = arith.constant 0 : i32
    %get3A_35 = arith.index_cast %get3A_34 : i32 to index
    %get3A_36 = arith.constant 48 : index
    %get3A_37 = tpu.vector_load %arg8[%get3A_35, %get3A_36] {strides = array<i32>} : memref<2x768xf32, #tpu.memory_space<vmem>>, vector<1x16xf32>,
    %get3A_38 = vector.shape_cast %get3A_37 : vector<1x16xf32> to vector<16xf32>
    %get3A_39 = arith.constant 0 : i32
    %get3A_40 = arith.index_cast %get3A_39 : i32 to index
    %get3A_41 = arith.constant 64 : index
    %get3A_42 = tpu.vector_load %arg8[%get3A_40, %get3A_41] {strides = array<i32>} : memref<2x768xf32, #tpu.memory_space<vmem>>, vector<1x16xf32>,
    %get3A_43 = vector.shape_cast %get3A_42 : vector<1x16xf32> to vector<16xf32>
    %get3A_44 = arith.constant 0 : i32
    %get3A_45 = arith.index_cast %get3A_44 : i32 to index
    %get3A_46 = arith.constant 80 : index
    %get3A_47 = tpu.vector_load %arg8[%get3A_45, %get3A_46] {strides = array<i32>} : memref<2x768xf32, #tpu.memory_space<vmem>>, vector<1x16xf32>,
    %get3A_48 = vector.shape_cast %get3A_47 : vector<1x16xf32> to vector<16xf32>
    %get3A_49 = arith.constant 0 : i32
    %get3A_50 = arith.index_cast %get3A_49 : i32 to index
    %get3A_51 = arith.constant 96 : index
    %get3A_52 = tpu.vector_load %arg8[%get3A_50, %get3A_51] {strides = array<i32>} : memref<2x768xf32, #tpu.memory_space<vmem>>, vector<1x16xf32>,
    %get3A_53 = vector.shape_cast %get3A_52 : vector<1x16xf32> to vector<16xf32>
    %get3A_54 = arith.constant 0 : i32
    %get3A_55 = arith.index_cast %get3A_54 : i32 to index
    %get3A_56 = arith.constant 112 : index
    %get3A_57 = tpu.vector_load %arg8[%get3A_55, %get3A_56] {strides = array<i32>} : memref<2x768xf32, #tpu.memory_space<vmem>>, vector<1x16xf32>,
    %get3A_58 = vector.shape_cast %get3A_57 : vector<1x16xf32> to vector<16xf32>
    %get3A_59 = arith.constant 0 : i32
    %get3A_60 = arith.index_cast %get3A_59 : i32 to index
    %get3A_61 = arith.constant 128 : index
    %get3A_62 = tpu.vector_load %arg8[%get3A_60, %get3A_61] {strides = array<i32>} : memref<2x768xf32, #tpu.memory_space<vmem>>, vector<1x16xf32>,
    %get3A_63 = vector.shape_cast %get3A_62 : vector<1x16xf32> to vector<16xf32>
    %get3A_64 = arith.constant 0 : i32
    %get3A_65 = arith.index_cast %get3A_64 : i32 to index
    %get3A_66 = arith.constant 144 : index
    %get3A_67 = tpu.vector_load %arg8[%get3A_65, %get3A_66] {strides = array<i32>} : memref<2x768xf32, #tpu.memory_space<vmem>>, vector<1x16xf32>,
    %get3A_68 = vector.shape_cast %get3A_67 : vector<1x16xf32> to vector<16xf32>
    %get3A_69 = arith.constant 0 : i32
    %get3A_70 = arith.index_cast %get3A_69 : i32 to index
    %get3A_71 = arith.constant 160 : index
    %get3A_72 = tpu.vector_load %arg8[%get3A_70, %get3A_71] {strides = array<i32>} : memref<2x768xf32, #tpu.memory_space<vmem>>, vector<1x16xf32>,
    %get3A_73 = vector.shape_cast %get3A_72 : vector<1x16xf32> to vector<16xf32>
    %get3A_74 = arith.constant 0 : i32
    %get3A_75 = arith.index_cast %get3A_74 : i32 to index
    %get3A_76 = arith.constant 176 : index
    %get3A_77 = tpu.vector_load %arg8[%get3A_75, %get3A_76] {strides = array<i32>} : memref<2x768xf32, #tpu.memory_space<vmem>>, vector<1x16xf32>,
    %get3A_78 = vector.shape_cast %get3A_77 : vector<1x16xf32> to vector<16xf32>
    %get3A_79 = arith.constant 0 : i32
    %get3A_80 = arith.index_cast %get3A_79 : i32 to index
    %get3A_81 = arith.constant 192 : index
    %get3A_82 = tpu.vector_load %arg8[%get3A_80, %get3A_81] {strides = array<i32>} : memref<2x768xf32, #tpu.memory_space<vmem>>, vector<1x16xf32>,
    %get3A_83 = vector.shape_cast %get3A_82 : vector<1x16xf32> to vector<16xf32>
    %get3A_84 = arith.constant 0 : i32
    %get3A_85 = arith.index_cast %get3A_84 : i32 to index
    %get3A_86 = arith.constant 208 : index
    %get3A_87 = tpu.vector_load %arg8[%get3A_85, %get3A_86] {strides = array<i32>} : memref<2x768xf32, #tpu.memory_space<vmem>>, vector<1x16xf32>,
    %get3A_88 = vector.shape_cast %get3A_87 : vector<1x16xf32> to vector<16xf32>
    %get3A_89 = arith.constant 0 : i32
    %get3A_90 = arith.index_cast %get3A_89 : i32 to index
    %get3A_91 = arith.constant 224 : index
    %get3A_92 = tpu.vector_load %arg8[%get3A_90, %get3A_91] {strides = array<i32>} : memref<2x768xf32, #tpu.memory_space<vmem>>, vector<1x16xf32>,
    %get3A_93 = vector.shape_cast %get3A_92 : vector<1x16xf32> to vector<16xf32>
    %get3A_94 = arith.constant 0 : i32
    %get3A_95 = arith.index_cast %get3A_94 : i32 to index
    %get3A_96 = arith.constant 240 : index
    %get3A_97 = tpu.vector_load %arg8[%get3A_95, %get3A_96] {strides = array<i32>} : memref<2x768xf32, #tpu.memory_space<vmem>>, vector<1x16xf32>,
    %get3A_98 = vector.shape_cast %get3A_97 : vector<1x16xf32> to vector<16xf32>
    %get3A_99 = arith.constant 0 : i32
    %get3A_100 = arith.index_cast %get3A_99 : i32 to index
    %get3A_101 = arith.constant 256 : index
    %get3A_102 = tpu.vector_load %arg8[%get3A_100, %get3A_101] {strides = array<i32>} : memref<2x768xf32, #tpu.memory_space<vmem>>, vector<1x16xf32>,
    %get3A_103 = vector.shape_cast %get3A_102 : vector<1x16xf32> to vector<16xf32>
    %get3A_104 = arith.constant 0 : i32
    %get3A_105 = arith.index_cast %get3A_104 : i32 to index
    %get3A_106 = arith.constant 272 : index
    %get3A_107 = tpu.vector_load %arg8[%get3A_105, %get3A_106] {strides = array<i32>} : memref<2x768xf32, #tpu.memory_space<vmem>>, vector<1x16xf32>,
    %get3A_108 = vector.shape_cast %get3A_107 : vector<1x16xf32> to vector<16xf32>
    %get3A_109 = arith.constant 0 : i32
    %get3A_110 = arith.index_cast %get3A_109 : i32 to index
    %get3A_111 = arith.constant 288 : index
    %get3A_112 = tpu.vector_load %arg8[%get3A_110, %get3A_111] {strides = array<i32>} : memref<2x768xf32, #tpu.memory_space<vmem>>, vector<1x16xf32>,
    %get3A_113 = vector.shape_cast %get3A_112 : vector<1x16xf32> to vector<16xf32>
    %get3A_114 = arith.constant 0 : i32
    %get3A_115 = arith.index_cast %get3A_114 : i32 to index
    %get3A_116 = arith.constant 304 : index
    %get3A_117 = tpu.vector_load %arg8[%get3A_115, %get3A_116] {strides = array<i32>} : memref<2x768xf32, #tpu.memory_space<vmem>>, vector<1x16xf32>,
    %get3A_118 = vector.shape_cast %get3A_117 : vector<1x16xf32> to vector<16xf32>
    %get3A_119 = arith.constant 0 : i32
    %get3A_120 = arith.index_cast %get3A_119 : i32 to index
    %get3A_121 = arith.constant 320 : index
    %get3A_122 = tpu.vector_load %arg8[%get3A_120, %get3A_121] {strides = array<i32>} : memref<2x768xf32, #tpu.memory_space<vmem>>, vector<1x16xf32>,
    %get3A_123 = vector.shape_cast %get3A_122 : vector<1x16xf32> to vector<16xf32>
    %get3A_124 = arith.constant 0 : i32
    %get3A_125 = arith.index_cast %get3A_124 : i32 to index
    %get3A_126 = arith.constant 336 : index
    %get3A_127 = tpu.vector_load %arg8[%get3A_125, %get3A_126] {strides = array<i32>} : memref<2x768xf32, #tpu.memory_space<vmem>>, vector<1x16xf32>,
    %get3A_128 = vector.shape_cast %get3A_127 : vector<1x16xf32> to vector<16xf32>
    %get3A_129 = arith.constant 0 : i32
    %get3A_130 = arith.index_cast %get3A_129 : i32 to index
    %get3A_131 = arith.constant 352 : index
    %get3A_132 = tpu.vector_load %arg8[%get3A_130, %get3A_131] {strides = array<i32>} : memref<2x768xf32, #tpu.memory_space<vmem>>, vector<1x16xf32>,
    %get3A_133 = vector.shape_cast %get3A_132 : vector<1x16xf32> to vector<16xf32>
    %get3A_134 = arith.constant 0 : i32
    %get3A_135 = arith.index_cast %get3A_134 : i32 to index
    %get3A_136 = arith.constant 368 : index
    %get3A_137 = tpu.vector_load %arg8[%get3A_135, %get3A_136] {strides = array<i32>} : memref<2x768xf32, #tpu.memory_space<vmem>>, vector<1x16xf32>,
    %get3A_138 = vector.shape_cast %get3A_137 : vector<1x16xf32> to vector<16xf32>
    %get3A_139 = arith.constant 0 : i32
    %get3A_140 = arith.index_cast %get3A_139 : i32 to index
    %get3A_141 = arith.constant 384 : index
    %get3A_142 = tpu.vector_load %arg8[%get3A_140, %get3A_141] {strides = array<i32>} : memref<2x768xf32, #tpu.memory_space<vmem>>, vector<1x16xf32>,
    %get3A_143 = vector.shape_cast %get3A_142 : vector<1x16xf32> to vector<16xf32>
    %get3A_144 = arith.constant 0 : i32
    %get3A_145 = arith.index_cast %get3A_144 : i32 to index
    %get3A_146 = arith.constant 400 : index
    %get3A_147 = tpu.vector_load %arg8[%get3A_145, %get3A_146] {strides = array<i32>} : memref<2x768xf32, #tpu.memory_space<vmem>>, vector<1x16xf32>,
    %get3A_148 = vector.shape_cast %get3A_147 : vector<1x16xf32> to vector<16xf32>
    %get3A_149 = arith.constant 0 : i32
    %get3A_150 = arith.index_cast %get3A_149 : i32 to index
    %get3A_151 = arith.constant 416 : index
    %get3A_152 = tpu.vector_load %arg8[%get3A_150, %get3A_151] {strides = array<i32>} : memref<2x768xf32, #tpu.memory_space<vmem>>, vector<1x16xf32>,
    %get3A_153 = vector.shape_cast %get3A_152 : vector<1x16xf32> to vector<16xf32>
    %get3A_154 = arith.constant 0 : i32
    %get3A_155 = arith.index_cast %get3A_154 : i32 to index
    %get3A_156 = arith.constant 432 : index
    %get3A_157 = tpu.vector_load %arg8[%get3A_155, %get3A_156] {strides = array<i32>} : memref<2x768xf32, #tpu.memory_space<vmem>>, vector<1x16xf32>,
    %get3A_158 = vector.shape_cast %get3A_157 : vector<1x16xf32> to vector<16xf32>
    %get3A_159 = arith.constant 0 : i32
    %get3A_160 = arith.index_cast %get3A_159 : i32 to index
    %get3A_161 = arith.constant 448 : index
    %get3A_162 = tpu.vector_load %arg8[%get3A_160, %get3A_161] {strides = array<i32>} : memref<2x768xf32, #tpu.memory_space<vmem>>, vector<1x16xf32>,
    %get3A_163 = vector.shape_cast %get3A_162 : vector<1x16xf32> to vector<16xf32>
    %get3A_164 = arith.constant 0 : i32
    %get3A_165 = arith.index_cast %get3A_164 : i32 to index
    %get3A_166 = arith.constant 464 : index
    %get3A_167 = tpu.vector_load %arg8[%get3A_165, %get3A_166] {strides = array<i32>} : memref<2x768xf32, #tpu.memory_space<vmem>>, vector<1x16xf32>,
    %get3A_168 = vector.shape_cast %get3A_167 : vector<1x16xf32> to vector<16xf32>
    %get3A_169 = arith.constant 0 : i32
    %get3A_170 = arith.index_cast %get3A_169 : i32 to index
    %get3A_171 = arith.constant 480 : index
    %get3A_172 = tpu.vector_load %arg8[%get3A_170, %get3A_171] {strides = array<i32>} : memref<2x768xf32, #tpu.memory_space<vmem>>, vector<1x16xf32>,
    %get3A_173 = vector.shape_cast %get3A_172 : vector<1x16xf32> to vector<16xf32>
    %get3A_174 = arith.constant 0 : i32
    %get3A_175 = arith.index_cast %get3A_174 : i32 to index
    %get3A_176 = arith.constant 496 : index
    %get3A_177 = tpu.vector_load %arg8[%get3A_175, %get3A_176] {strides = array<i32>} : memref<2x768xf32, #tpu.memory_space<vmem>>, vector<1x16xf32>,
    %get3A_178 = vector.shape_cast %get3A_177 : vector<1x16xf32> to vector<16xf32>
    %get3A_179 = arith.constant 0 : i32
    %get3A_180 = arith.index_cast %get3A_179 : i32 to index
    %get3A_181 = arith.constant 512 : index
    %get3A_182 = tpu.vector_load %arg8[%get3A_180, %get3A_181] {strides = array<i32>} : memref<2x768xf32, #tpu.memory_space<vmem>>, vector<1x16xf32>,
    %get3A_183 = vector.shape_cast %get3A_182 : vector<1x16xf32> to vector<16xf32>
    %get3A_184 = arith.constant 0 : i32
    %get3A_185 = arith.index_cast %get3A_184 : i32 to index
    %get3A_186 = arith.constant 528 : index
    %get3A_187 = tpu.vector_load %arg8[%get3A_185, %get3A_186] {strides = array<i32>} : memref<2x768xf32, #tpu.memory_space<vmem>>, vector<1x16xf32>,
    %get3A_188 = vector.shape_cast %get3A_187 : vector<1x16xf32> to vector<16xf32>
    %get3A_189 = arith.constant 0 : i32
    %get3A_190 = arith.index_cast %get3A_189 : i32 to index
    %get3A_191 = arith.constant 544 : index
    %get3A_192 = tpu.vector_load %arg8[%get3A_190, %get3A_191] {strides = array<i32>} : memref<2x768xf32, #tpu.memory_space<vmem>>, vector<1x16xf32>,
    %get3A_193 = vector.shape_cast %get3A_192 : vector<1x16xf32> to vector<16xf32>
    %get3A_194 = arith.constant 0 : i32
    %get3A_195 = arith.index_cast %get3A_194 : i32 to index
    %get3A_196 = arith.constant 560 : index
    %get3A_197 = tpu.vector_load %arg8[%get3A_195, %get3A_196] {strides = array<i32>} : memref<2x768xf32, #tpu.memory_space<vmem>>, vector<1x16xf32>,
    %get3A_198 = vector.shape_cast %get3A_197 : vector<1x16xf32> to vector<16xf32>
    %get3A_199 = arith.constant 0 : i32
    %get3A_200 = arith.index_cast %get3A_199 : i32 to index
    %get3A_201 = arith.constant 576 : index
    %get3A_202 = tpu.vector_load %arg8[%get3A_200, %get3A_201] {strides = array<i32>} : memref<2x768xf32, #tpu.memory_space<vmem>>, vector<1x16xf32>,
    %get3A_203 = vector.shape_cast %get3A_202 : vector<1x16xf32> to vector<16xf32>
    %get3A_204 = arith.constant 0 : i32
    %get3A_205 = arith.index_cast %get3A_204 : i32 to index
    %get3A_206 = arith.constant 592 : index
    %get3A_207 = tpu.vector_load %arg8[%get3A_205, %get3A_206] {strides = array<i32>} : memref<2x768xf32, #tpu.memory_space<vmem>>, vector<1x16xf32>,
    %get3A_208 = vector.shape_cast %get3A_207 : vector<1x16xf32> to vector<16xf32>
    %get3A_209 = arith.constant 0 : i32
    %get3A_210 = arith.index_cast %get3A_209 : i32 to index
    %get3A_211 = arith.constant 608 : index
    %get3A_212 = tpu.vector_load %arg8[%get3A_210, %get3A_211] {strides = array<i32>} : memref<2x768xf32, #tpu.memory_space<vmem>>, vector<1x16xf32>,
    %get3A_213 = vector.shape_cast %get3A_212 : vector<1x16xf32> to vector<16xf32>
    %get3A_214 = arith.constant 0 : i32
    %get3A_215 = arith.index_cast %get3A_214 : i32 to index
    %get3A_216 = arith.constant 624 : index
    %get3A_217 = tpu.vector_load %arg8[%get3A_215, %get3A_216] {strides = array<i32>} : memref<2x768xf32, #tpu.memory_space<vmem>>, vector<1x16xf32>,
    %get3A_218 = vector.shape_cast %get3A_217 : vector<1x16xf32> to vector<16xf32>
    %get3A_219 = arith.constant 0 : i32
    %get3A_220 = arith.index_cast %get3A_219 : i32 to index
    %get3A_221 = arith.constant 640 : index
    %get3A_222 = tpu.vector_load %arg8[%get3A_220, %get3A_221] {strides = array<i32>} : memref<2x768xf32, #tpu.memory_space<vmem>>, vector<1x16xf32>,
    %get3A_223 = vector.shape_cast %get3A_222 : vector<1x16xf32> to vector<16xf32>
    %get3A_224 = arith.constant 0 : i32
    %get3A_225 = arith.index_cast %get3A_224 : i32 to index
    %get3A_226 = arith.constant 656 : index
    %get3A_227 = tpu.vector_load %arg8[%get3A_225, %get3A_226] {strides = array<i32>} : memref<2x768xf32, #tpu.memory_space<vmem>>, vector<1x16xf32>,
    %get3A_228 = vector.shape_cast %get3A_227 : vector<1x16xf32> to vector<16xf32>
    %get3A_229 = arith.constant 0 : i32
    %get3A_230 = arith.index_cast %get3A_229 : i32 to index
    %get3A_231 = arith.constant 672 : index
    %get3A_232 = tpu.vector_load %arg8[%get3A_230, %get3A_231] {strides = array<i32>} : memref<2x768xf32, #tpu.memory_space<vmem>>, vector<1x16xf32>,
    %get3A_233 = vector.shape_cast %get3A_232 : vector<1x16xf32> to vector<16xf32>
    %get3A_234 = arith.constant 0 : i32
    %get3A_235 = arith.index_cast %get3A_234 : i32 to index
    %get3A_236 = arith.constant 688 : index
    %get3A_237 = tpu.vector_load %arg8[%get3A_235, %get3A_236] {strides = array<i32>} : memref<2x768xf32, #tpu.memory_space<vmem>>, vector<1x16xf32>,
    %get3A_238 = vector.shape_cast %get3A_237 : vector<1x16xf32> to vector<16xf32>
    %get3A_239 = arith.constant 0 : i32
    %get3A_240 = arith.index_cast %get3A_239 : i32 to index
    %get3A_241 = arith.constant 704 : index
    %get3A_242 = tpu.vector_load %arg8[%get3A_240, %get3A_241] {strides = array<i32>} : memref<2x768xf32, #tpu.memory_space<vmem>>, vector<1x16xf32>,
    %get3A_243 = vector.shape_cast %get3A_242 : vector<1x16xf32> to vector<16xf32>
    %get3A_244 = arith.constant 0 : i32
    %get3A_245 = arith.index_cast %get3A_244 : i32 to index
    %get3A_246 = arith.constant 720 : index
    %get3A_247 = tpu.vector_load %arg8[%get3A_245, %get3A_246] {strides = array<i32>} : memref<2x768xf32, #tpu.memory_space<vmem>>, vector<1x16xf32>,
    %get3A_248 = vector.shape_cast %get3A_247 : vector<1x16xf32> to vector<16xf32>
    %get3A_249 = arith.constant 0 : i32
    %get3A_250 = arith.index_cast %get3A_249 : i32 to index
    %get3A_251 = arith.constant 736 : index
    %get3A_252 = tpu.vector_load %arg8[%get3A_250, %get3A_251] {strides = array<i32>} : memref<2x768xf32, #tpu.memory_space<vmem>>, vector<1x16xf32>,
    %get3A_253 = vector.shape_cast %get3A_252 : vector<1x16xf32> to vector<16xf32>
    %get3A_254 = arith.constant 0 : i32
    %get3A_255 = arith.index_cast %get3A_254 : i32 to index
    %get3A_256 = arith.constant 752 : index
    %get3A_257 = tpu.vector_load %arg8[%get3A_255, %get3A_256] {strides = array<i32>} : memref<2x768xf32, #tpu.memory_space<vmem>>, vector<1x16xf32>,
    %get3A_258 = vector.shape_cast %get3A_257 : vector<1x16xf32> to vector<16xf32>
    %dma_wait3A = arith.constant 0 : i32
    %dma_wait3A_259 = tpu.memref_slice %arg6[%dma_wait3A] : memref<2048xi32, #tpu.memory_space<vmem>> -> memref<64xi32, #tpu.memory_space<vmem>>
    %dma_wait3A_260 = arith.constant 0 : i32
    %dma_wait3A_261 = arith.constant 0 : i32
    %dma_wait3A_262 = tpu.memref_slice %arg3[%dma_wait3A_260, %dma_wait3A_261] : memref<32000x768xf32, #tpu.memory_space<hbm>> -> memref<32000x768xf32, #tpu.memory_space<hbm>>
    tpu.wait_indirect_dma semaphore(%arg11 : memref<!tpu.dma_semaphore, #tpu.memory_space<semaphore_mem>>) src(%dma_wait3A_262 : memref<32000x768xf32, #tpu.memory_space<hbm>>) dst(%arg9 : memref<64x768xf32, #tpu.memory_space<vmem>>)
    %scan3A_263 = arith.constant 0 : i32
    %scan3A_264 = arith.constant 64 : i32
    %scan3A_265 = arith.addi %scan3A_263, %scan3A_264 : i32
    %scan3A_266 = arith.constant 1 : i32
    scf.for %scan3A_552 = %scan3A_263 to %scan3A_265 step %scan3A_266  : i32 {
      %get3A_553 = arith.index_cast %scan3A_552 : i32 to index
      %get3A_554 = arith.constant 0 : index
      %get3A_555 = tpu.vector_load %arg9[%get3A_553, %get3A_554] {strides = array<i32>} : memref<64x768xf32, #tpu.memory_space<vmem>>, vector<1x16xf32>,
      %get3A_556 = vector.shape_cast %get3A_555 : vector<1x16xf32> to vector<16xf32>
      %add3A_557 = arith.addf %get3A_556, %get3A_23 : vector<16xf32>
      %swap3A = arith.index_cast %scan3A_552 : i32 to index
      %swap3A_558 = arith.constant 0 : index
      %swap3A_559 = tpu.vector_load %arg9[%swap3A, %swap3A_558] {strides = array<i32>} : memref<64x768xf32, #tpu.memory_space<vmem>>, vector<1x16xf32>,
      %swap3A_560 = vector.shape_cast %swap3A_559 : vector<1x16xf32> to vector<16xf32>
      %swap3A_561 = vector.shape_cast %add3A_557 : vector<16xf32> to vector<1x16xf32>
      tpu.vector_store %arg9[%swap3A, %swap3A_558], %swap3A_561 {strides = array<i32>} : memref<64x768xf32, #tpu.memory_space<vmem>>, vector<1x16xf32>,
      %get3A_562 = arith.index_cast %scan3A_552 : i32 to index
      %get3A_563 = arith.constant 16 : index
      %get3A_564 = tpu.vector_load %arg9[%get3A_562, %get3A_563] {strides = array<i32>} : memref<64x768xf32, #tpu.memory_space<vmem>>, vector<1x16xf32>,
      %get3A_565 = vector.shape_cast %get3A_564 : vector<1x16xf32> to vector<16xf32>
      %add3A_566 = arith.addf %get3A_565, %get3A_28 : vector<16xf32>
      %swap3A_567 = arith.index_cast %scan3A_552 : i32 to index
      %swap3A_568 = arith.constant 16 : index
      %swap3A_569 = tpu.vector_load %arg9[%swap3A_567, %swap3A_568] {strides = array<i32>} : memref<64x768xf32, #tpu.memory_space<vmem>>, vector<1x16xf32>,
      %swap3A_570 = vector.shape_cast %swap3A_569 : vector<1x16xf32> to vector<16xf32>
      %swap3A_571 = vector.shape_cast %add3A_566 : vector<16xf32> to vector<1x16xf32>
      tpu.vector_store %arg9[%swap3A_567, %swap3A_568], %swap3A_571 {strides = array<i32>} : memref<64x768xf32, #tpu.memory_space<vmem>>, vector<1x16xf32>,
      %get3A_572 = arith.index_cast %scan3A_552 : i32 to index
      %get3A_573 = arith.constant 32 : index
      %get3A_574 = tpu.vector_load %arg9[%get3A_572, %get3A_573] {strides = array<i32>} : memref<64x768xf32, #tpu.memory_space<vmem>>, vector<1x16xf32>,
      %get3A_575 = vector.shape_cast %get3A_574 : vector<1x16xf32> to vector<16xf32>
      %add3A_576 = arith.addf %get3A_575, %get3A_33 : vector<16xf32>
      %swap3A_577 = arith.index_cast %scan3A_552 : i32 to index
      %swap3A_578 = arith.constant 32 : index
      %swap3A_579 = tpu.vector_load %arg9[%swap3A_577, %swap3A_578] {strides = array<i32>} : memref<64x768xf32, #tpu.memory_space<vmem>>, vector<1x16xf32>,
      %swap3A_580 = vector.shape_cast %swap3A_579 : vector<1x16xf32> to vector<16xf32>
      %swap3A_581 = vector.shape_cast %add3A_576 : vector<16xf32> to vector<1x16xf32>
      tpu.vector_store %arg9[%swap3A_577, %swap3A_578], %swap3A_581 {strides = array<i32>} : memref<64x768xf32, #tpu.memory_space<vmem>>, vector<1x16xf32>,
      %get3A_582 = arith.index_cast %scan3A_552 : i32 to index
      %get3A_583 = arith.constant 48 : index
      %get3A_584 = tpu.vector_load %arg9[%get3A_582, %get3A_583] {strides = array<i32>} : memref<64x768xf32, #tpu.memory_space<vmem>>, vector<1x16xf32>,
      %get3A_585 = vector.shape_cast %get3A_584 : vector<1x16xf32> to vector<16xf32>
      %add3A_586 = arith.addf %get3A_585, %get3A_38 : vector<16xf32>
      %swap3A_587 = arith.index_cast %scan3A_552 : i32 to index
      %swap3A_588 = arith.constant 48 : index
      %swap3A_589 = tpu.vector_load %arg9[%swap3A_587, %swap3A_588] {strides = array<i32>} : memref<64x768xf32, #tpu.memory_space<vmem>>, vector<1x16xf32>,
      %swap3A_590 = vector.shape_cast %swap3A_589 : vector<1x16xf32> to vector<16xf32>
      %swap3A_591 = vector.shape_cast %add3A_586 : vector<16xf32> to vector<1x16xf32>
      tpu.vector_store %arg9[%swap3A_587, %swap3A_588], %swap3A_591 {strides = array<i32>} : memref<64x768xf32, #tpu.memory_space<vmem>>, vector<1x16xf32>,
      %get3A_592 = arith.index_cast %scan3A_552 : i32 to index
      %get3A_593 = arith.constant 64 : index
      %get3A_594 = tpu.vector_load %arg9[%get3A_592, %get3A_593] {strides = array<i32>} : memref<64x768xf32, #tpu.memory_space<vmem>>, vector<1x16xf32>,
      %get3A_595 = vector.shape_cast %get3A_594 : vector<1x16xf32> to vector<16xf32>
      %add3A_596 = arith.addf %get3A_595, %get3A_43 : vector<16xf32>
      %swap3A_597 = arith.index_cast %scan3A_552 : i32 to index
      %swap3A_598 = arith.constant 64 : index
      %swap3A_599 = tpu.vector_load %arg9[%swap3A_597, %swap3A_598] {strides = array<i32>} : memref<64x768xf32, #tpu.memory_space<vmem>>, vector<1x16xf32>,
      %swap3A_600 = vector.shape_cast %swap3A_599 : vector<1x16xf32> to vector<16xf32>
      %swap3A_601 = vector.shape_cast %add3A_596 : vector<16xf32> to vector<1x16xf32>
      tpu.vector_store %arg9[%swap3A_597, %swap3A_598], %swap3A_601 {strides = array<i32>} : memref<64x768xf32, #tpu.memory_space<vmem>>, vector<1x16xf32>,
      %get3A_602 = arith.index_cast %scan3A_552 : i32 to index
      %get3A_603 = arith.constant 80 : index
      %get3A_604 = tpu.vector_load %arg9[%get3A_602, %get3A_603] {strides = array<i32>} : memref<64x768xf32, #tpu.memory_space<vmem>>, vector<1x16xf32>,
      %get3A_605 = vector.shape_cast %get3A_604 : vector<1x16xf32> to vector<16xf32>
      %add3A_606 = arith.addf %get3A_605, %get3A_48 : vector<16xf32>
      %swap3A_607 = arith.index_cast %scan3A_552 : i32 to index
      %swap3A_608 = arith.constant 80 : index
      %swap3A_609 = tpu.vector_load %arg9[%swap3A_607, %swap3A_608] {strides = array<i32>} : memref<64x768xf32, #tpu.memory_space<vmem>>, vector<1x16xf32>,
      %swap3A_610 = vector.shape_cast %swap3A_609 : vector<1x16xf32> to vector<16xf32>
      %swap3A_611 = vector.shape_cast %add3A_606 : vector<16xf32> to vector<1x16xf32>
      tpu.vector_store %arg9[%swap3A_607, %swap3A_608], %swap3A_611 {strides = array<i32>} : memref<64x768xf32, #tpu.memory_space<vmem>>, vector<1x16xf32>,
      %get3A_612 = arith.index_cast %scan3A_552 : i32 to index
      %get3A_613 = arith.constant 96 : index
      %get3A_614 = tpu.vector_load %arg9[%get3A_612, %get3A_613] {strides = array<i32>} : memref<64x768xf32, #tpu.memory_space<vmem>>, vector<1x16xf32>,
      %get3A_615 = vector.shape_cast %get3A_614 : vector<1x16xf32> to vector<16xf32>
      %add3A_616 = arith.addf %get3A_615, %get3A_53 : vector<16xf32>
      %swap3A_617 = arith.index_cast %scan3A_552 : i32 to index
      %swap3A_618 = arith.constant 96 : index
      %swap3A_619 = tpu.vector_load %arg9[%swap3A_617, %swap3A_618] {strides = array<i32>} : memref<64x768xf32, #tpu.memory_space<vmem>>, vector<1x16xf32>,
      %swap3A_620 = vector.shape_cast %swap3A_619 : vector<1x16xf32> to vector<16xf32>
      %swap3A_621 = vector.shape_cast %add3A_616 : vector<16xf32> to vector<1x16xf32>
      tpu.vector_store %arg9[%swap3A_617, %swap3A_618], %swap3A_621 {strides = array<i32>} : memref<64x768xf32, #tpu.memory_space<vmem>>, vector<1x16xf32>,
      %get3A_622 = arith.index_cast %scan3A_552 : i32 to index
      %get3A_623 = arith.constant 112 : index
      %get3A_624 = tpu.vector_load %arg9[%get3A_622, %get3A_623] {strides = array<i32>} : memref<64x768xf32, #tpu.memory_space<vmem>>, vector<1x16xf32>,
      %get3A_625 = vector.shape_cast %get3A_624 : vector<1x16xf32> to vector<16xf32>
      %add3A_626 = arith.addf %get3A_625, %get3A_58 : vector<16xf32>
      %swap3A_627 = arith.index_cast %scan3A_552 : i32 to index
      %swap3A_628 = arith.constant 112 : index
      %swap3A_629 = tpu.vector_load %arg9[%swap3A_627, %swap3A_628] {strides = array<i32>} : memref<64x768xf32, #tpu.memory_space<vmem>>, vector<1x16xf32>,
      %swap3A_630 = vector.shape_cast %swap3A_629 : vector<1x16xf32> to vector<16xf32>
      %swap3A_631 = vector.shape_cast %add3A_626 : vector<16xf32> to vector<1x16xf32>
      tpu.vector_store %arg9[%swap3A_627, %swap3A_628], %swap3A_631 {strides = array<i32>} : memref<64x768xf32, #tpu.memory_space<vmem>>, vector<1x16xf32>,
      %get3A_632 = arith.index_cast %scan3A_552 : i32 to index
      %get3A_633 = arith.constant 128 : index
      %get3A_634 = tpu.vector_load %arg9[%get3A_632, %get3A_633] {strides = array<i32>} : memref<64x768xf32, #tpu.memory_space<vmem>>, vector<1x16xf32>,
      %get3A_635 = vector.shape_cast %get3A_634 : vector<1x16xf32> to vector<16xf32>
      %add3A_636 = arith.addf %get3A_635, %get3A_63 : vector<16xf32>
      %swap3A_637 = arith.index_cast %scan3A_552 : i32 to index
      %swap3A_638 = arith.constant 128 : index
      %swap3A_639 = tpu.vector_load %arg9[%swap3A_637, %swap3A_638] {strides = array<i32>} : memref<64x768xf32, #tpu.memory_space<vmem>>, vector<1x16xf32>,
      %swap3A_640 = vector.shape_cast %swap3A_639 : vector<1x16xf32> to vector<16xf32>
      %swap3A_641 = vector.shape_cast %add3A_636 : vector<16xf32> to vector<1x16xf32>
      tpu.vector_store %arg9[%swap3A_637, %swap3A_638], %swap3A_641 {strides = array<i32>} : memref<64x768xf32, #tpu.memory_space<vmem>>, vector<1x16xf32>,
      %get3A_642 = arith.index_cast %scan3A_552 : i32 to index
      %get3A_643 = arith.constant 144 : index
      %get3A_644 = tpu.vector_load %arg9[%get3A_642, %get3A_643] {strides = array<i32>} : memref<64x768xf32, #tpu.memory_space<vmem>>, vector<1x16xf32>,
      %get3A_645 = vector.shape_cast %get3A_644 : vector<1x16xf32> to vector<16xf32>
      %add3A_646 = arith.addf %get3A_645, %get3A_68 : vector<16xf32>
      %swap3A_647 = arith.index_cast %scan3A_552 : i32 to index
      %swap3A_648 = arith.constant 144 : index
      %swap3A_649 = tpu.vector_load %arg9[%swap3A_647, %swap3A_648] {strides = array<i32>} : memref<64x768xf32, #tpu.memory_space<vmem>>, vector<1x16xf32>,
      %swap3A_650 = vector.shape_cast %swap3A_649 : vector<1x16xf32> to vector<16xf32>
      %swap3A_651 = vector.shape_cast %add3A_646 : vector<16xf32> to vector<1x16xf32>
      tpu.vector_store %arg9[%swap3A_647, %swap3A_648], %swap3A_651 {strides = array<i32>} : memref<64x768xf32, #tpu.memory_space<vmem>>, vector<1x16xf32>,
      %get3A_652 = arith.index_cast %scan3A_552 : i32 to index
      %get3A_653 = arith.constant 160 : index
      %get3A_654 = tpu.vector_load %arg9[%get3A_652, %get3A_653] {strides = array<i32>} : memref<64x768xf32, #tpu.memory_space<vmem>>, vector<1x16xf32>,
      %get3A_655 = vector.shape_cast %get3A_654 : vector<1x16xf32> to vector<16xf32>
      %add3A_656 = arith.addf %get3A_655, %get3A_73 : vector<16xf32>
      %swap3A_657 = arith.index_cast %scan3A_552 : i32 to index
      %swap3A_658 = arith.constant 160 : index
      %swap3A_659 = tpu.vector_load %arg9[%swap3A_657, %swap3A_658] {strides = array<i32>} : memref<64x768xf32, #tpu.memory_space<vmem>>, vector<1x16xf32>,
      %swap3A_660 = vector.shape_cast %swap3A_659 : vector<1x16xf32> to vector<16xf32>
      %swap3A_661 = vector.shape_cast %add3A_656 : vector<16xf32> to vector<1x16xf32>
      tpu.vector_store %arg9[%swap3A_657, %swap3A_658], %swap3A_661 {strides = array<i32>} : memref<64x768xf32, #tpu.memory_space<vmem>>, vector<1x16xf32>,
      %get3A_662 = arith.index_cast %scan3A_552 : i32 to index
      %get3A_663 = arith.constant 176 : index
      %get3A_664 = tpu.vector_load %arg9[%get3A_662, %get3A_663] {strides = array<i32>} : memref<64x768xf32, #tpu.memory_space<vmem>>, vector<1x16xf32>,
      %get3A_665 = vector.shape_cast %get3A_664 : vector<1x16xf32> to vector<16xf32>
      %add3A_666 = arith.addf %get3A_665, %get3A_78 : vector<16xf32>
      %swap3A_667 = arith.index_cast %scan3A_552 : i32 to index
      %swap3A_668 = arith.constant 176 : index
      %swap3A_669 = tpu.vector_load %arg9[%swap3A_667, %swap3A_668] {strides = array<i32>} : memref<64x768xf32, #tpu.memory_space<vmem>>, vector<1x16xf32>,
      %swap3A_670 = vector.shape_cast %swap3A_669 : vector<1x16xf32> to vector<16xf32>
      %swap3A_671 = vector.shape_cast %add3A_666 : vector<16xf32> to vector<1x16xf32>
      tpu.vector_store %arg9[%swap3A_667, %swap3A_668], %swap3A_671 {strides = array<i32>} : memref<64x768xf32, #tpu.memory_space<vmem>>, vector<1x16xf32>,
      %get3A_672 = arith.index_cast %scan3A_552 : i32 to index
      %get3A_673 = arith.constant 192 : index
      %get3A_674 = tpu.vector_load %arg9[%get3A_672, %get3A_673] {strides = array<i32>} : memref<64x768xf32, #tpu.memory_space<vmem>>, vector<1x16xf32>,
      %get3A_675 = vector.shape_cast %get3A_674 : vector<1x16xf32> to vector<16xf32>
      %add3A_676 = arith.addf %get3A_675, %get3A_83 : vector<16xf32>
      %swap3A_677 = arith.index_cast %scan3A_552 : i32 to index
      %swap3A_678 = arith.constant 192 : index
      %swap3A_679 = tpu.vector_load %arg9[%swap3A_677, %swap3A_678] {strides = array<i32>} : memref<64x768xf32, #tpu.memory_space<vmem>>, vector<1x16xf32>,
      %swap3A_680 = vector.shape_cast %swap3A_679 : vector<1x16xf32> to vector<16xf32>
      %swap3A_681 = vector.shape_cast %add3A_676 : vector<16xf32> to vector<1x16xf32>
      tpu.vector_store %arg9[%swap3A_677, %swap3A_678], %swap3A_681 {strides = array<i32>} : memref<64x768xf32, #tpu.memory_space<vmem>>, vector<1x16xf32>,
      %get3A_682 = arith.index_cast %scan3A_552 : i32 to index
      %get3A_683 = arith.constant 208 : index
      %get3A_684 = tpu.vector_load %arg9[%get3A_682, %get3A_683] {strides = array<i32>} : memref<64x768xf32, #tpu.memory_space<vmem>>, vector<1x16xf32>,
      %get3A_685 = vector.shape_cast %get3A_684 : vector<1x16xf32> to vector<16xf32>
      %add3A_686 = arith.addf %get3A_685, %get3A_88 : vector<16xf32>
      %swap3A_687 = arith.index_cast %scan3A_552 : i32 to index
      %swap3A_688 = arith.constant 208 : index
      %swap3A_689 = tpu.vector_load %arg9[%swap3A_687, %swap3A_688] {strides = array<i32>} : memref<64x768xf32, #tpu.memory_space<vmem>>, vector<1x16xf32>,
      %swap3A_690 = vector.shape_cast %swap3A_689 : vector<1x16xf32> to vector<16xf32>
      %swap3A_691 = vector.shape_cast %add3A_686 : vector<16xf32> to vector<1x16xf32>
      tpu.vector_store %arg9[%swap3A_687, %swap3A_688], %swap3A_691 {strides = array<i32>} : memref<64x768xf32, #tpu.memory_space<vmem>>, vector<1x16xf32>,
      %get3A_692 = arith.index_cast %scan3A_552 : i32 to index
      %get3A_693 = arith.constant 224 : index
      %get3A_694 = tpu.vector_load %arg9[%get3A_692, %get3A_693] {strides = array<i32>} : memref<64x768xf32, #tpu.memory_space<vmem>>, vector<1x16xf32>,
      %get3A_695 = vector.shape_cast %get3A_694 : vector<1x16xf32> to vector<16xf32>
      %add3A_696 = arith.addf %get3A_695, %get3A_93 : vector<16xf32>
      %swap3A_697 = arith.index_cast %scan3A_552 : i32 to index
      %swap3A_698 = arith.constant 224 : index
      %swap3A_699 = tpu.vector_load %arg9[%swap3A_697, %swap3A_698] {strides = array<i32>} : memref<64x768xf32, #tpu.memory_space<vmem>>, vector<1x16xf32>,
      %swap3A_700 = vector.shape_cast %swap3A_699 : vector<1x16xf32> to vector<16xf32>
      %swap3A_701 = vector.shape_cast %add3A_696 : vector<16xf32> to vector<1x16xf32>
      tpu.vector_store %arg9[%swap3A_697, %swap3A_698], %swap3A_701 {strides = array<i32>} : memref<64x768xf32, #tpu.memory_space<vmem>>, vector<1x16xf32>,
      %get3A_702 = arith.index_cast %scan3A_552 : i32 to index
      %get3A_703 = arith.constant 240 : index
      %get3A_704 = tpu.vector_load %arg9[%get3A_702, %get3A_703] {strides = array<i32>} : memref<64x768xf32, #tpu.memory_space<vmem>>, vector<1x16xf32>,
      %get3A_705 = vector.shape_cast %get3A_704 : vector<1x16xf32> to vector<16xf32>
      %add3A_706 = arith.addf %get3A_705, %get3A_98 : vector<16xf32>
      %swap3A_707 = arith.index_cast %scan3A_552 : i32 to index
      %swap3A_708 = arith.constant 240 : index
      %swap3A_709 = tpu.vector_load %arg9[%swap3A_707, %swap3A_708] {strides = array<i32>} : memref<64x768xf32, #tpu.memory_space<vmem>>, vector<1x16xf32>,
      %swap3A_710 = vector.shape_cast %swap3A_709 : vector<1x16xf32> to vector<16xf32>
      %swap3A_711 = vector.shape_cast %add3A_706 : vector<16xf32> to vector<1x16xf32>
      tpu.vector_store %arg9[%swap3A_707, %swap3A_708], %swap3A_711 {strides = array<i32>} : memref<64x768xf32, #tpu.memory_space<vmem>>, vector<1x16xf32>,
      %get3A_712 = arith.index_cast %scan3A_552 : i32 to index
      %get3A_713 = arith.constant 256 : index
      %get3A_714 = tpu.vector_load %arg9[%get3A_712, %get3A_713] {strides = array<i32>} : memref<64x768xf32, #tpu.memory_space<vmem>>, vector<1x16xf32>,
      %get3A_715 = vector.shape_cast %get3A_714 : vector<1x16xf32> to vector<16xf32>
      %add3A_716 = arith.addf %get3A_715, %get3A_103 : vector<16xf32>
      %swap3A_717 = arith.index_cast %scan3A_552 : i32 to index
      %swap3A_718 = arith.constant 256 : index
      %swap3A_719 = tpu.vector_load %arg9[%swap3A_717, %swap3A_718] {strides = array<i32>} : memref<64x768xf32, #tpu.memory_space<vmem>>, vector<1x16xf32>,
      %swap3A_720 = vector.shape_cast %swap3A_719 : vector<1x16xf32> to vector<16xf32>
      %swap3A_721 = vector.shape_cast %add3A_716 : vector<16xf32> to vector<1x16xf32>
      tpu.vector_store %arg9[%swap3A_717, %swap3A_718], %swap3A_721 {strides = array<i32>} : memref<64x768xf32, #tpu.memory_space<vmem>>, vector<1x16xf32>,
      %get3A_722 = arith.index_cast %scan3A_552 : i32 to index
      %get3A_723 = arith.constant 272 : index
      %get3A_724 = tpu.vector_load %arg9[%get3A_722, %get3A_723] {strides = array<i32>} : memref<64x768xf32, #tpu.memory_space<vmem>>, vector<1x16xf32>,
      %get3A_725 = vector.shape_cast %get3A_724 : vector<1x16xf32> to vector<16xf32>
      %add3A_726 = arith.addf %get3A_725, %get3A_108 : vector<16xf32>
      %swap3A_727 = arith.index_cast %scan3A_552 : i32 to index
      %swap3A_728 = arith.constant 272 : index
      %swap3A_729 = tpu.vector_load %arg9[%swap3A_727, %swap3A_728] {strides = array<i32>} : memref<64x768xf32, #tpu.memory_space<vmem>>, vector<1x16xf32>,
      %swap3A_730 = vector.shape_cast %swap3A_729 : vector<1x16xf32> to vector<16xf32>
      %swap3A_731 = vector.shape_cast %add3A_726 : vector<16xf32> to vector<1x16xf32>
      tpu.vector_store %arg9[%swap3A_727, %swap3A_728], %swap3A_731 {strides = array<i32>} : memref<64x768xf32, #tpu.memory_space<vmem>>, vector<1x16xf32>,
      %get3A_732 = arith.index_cast %scan3A_552 : i32 to index
      %get3A_733 = arith.constant 288 : index
      %get3A_734 = tpu.vector_load %arg9[%get3A_732, %get3A_733] {strides = array<i32>} : memref<64x768xf32, #tpu.memory_space<vmem>>, vector<1x16xf32>,
      %get3A_735 = vector.shape_cast %get3A_734 : vector<1x16xf32> to vector<16xf32>
      %add3A_736 = arith.addf %get3A_735, %get3A_113 : vector<16xf32>
      %swap3A_737 = arith.index_cast %scan3A_552 : i32 to index
      %swap3A_738 = arith.constant 288 : index
      %swap3A_739 = tpu.vector_load %arg9[%swap3A_737, %swap3A_738] {strides = array<i32>} : memref<64x768xf32, #tpu.memory_space<vmem>>, vector<1x16xf32>,
      %swap3A_740 = vector.shape_cast %swap3A_739 : vector<1x16xf32> to vector<16xf32>
      %swap3A_741 = vector.shape_cast %add3A_736 : vector<16xf32> to vector<1x16xf32>
      tpu.vector_store %arg9[%swap3A_737, %swap3A_738], %swap3A_741 {strides = array<i32>} : memref<64x768xf32, #tpu.memory_space<vmem>>, vector<1x16xf32>,
      %get3A_742 = arith.index_cast %scan3A_552 : i32 to index
      %get3A_743 = arith.constant 304 : index
      %get3A_744 = tpu.vector_load %arg9[%get3A_742, %get3A_743] {strides = array<i32>} : memref<64x768xf32, #tpu.memory_space<vmem>>, vector<1x16xf32>,
      %get3A_745 = vector.shape_cast %get3A_744 : vector<1x16xf32> to vector<16xf32>
      %add3A_746 = arith.addf %get3A_745, %get3A_118 : vector<16xf32>
      %swap3A_747 = arith.index_cast %scan3A_552 : i32 to index
      %swap3A_748 = arith.constant 304 : index
      %swap3A_749 = tpu.vector_load %arg9[%swap3A_747, %swap3A_748] {strides = array<i32>} : memref<64x768xf32, #tpu.memory_space<vmem>>, vector<1x16xf32>,
      %swap3A_750 = vector.shape_cast %swap3A_749 : vector<1x16xf32> to vector<16xf32>
      %swap3A_751 = vector.shape_cast %add3A_746 : vector<16xf32> to vector<1x16xf32>
      tpu.vector_store %arg9[%swap3A_747, %swap3A_748], %swap3A_751 {strides = array<i32>} : memref<64x768xf32, #tpu.memory_space<vmem>>, vector<1x16xf32>,
      %get3A_752 = arith.index_cast %scan3A_552 : i32 to index
      %get3A_753 = arith.constant 320 : index
      %get3A_754 = tpu.vector_load %arg9[%get3A_752, %get3A_753] {strides = array<i32>} : memref<64x768xf32, #tpu.memory_space<vmem>>, vector<1x16xf32>,
      %get3A_755 = vector.shape_cast %get3A_754 : vector<1x16xf32> to vector<16xf32>
      %add3A_756 = arith.addf %get3A_755, %get3A_123 : vector<16xf32>
      %swap3A_757 = arith.index_cast %scan3A_552 : i32 to index
      %swap3A_758 = arith.constant 320 : index
      %swap3A_759 = tpu.vector_load %arg9[%swap3A_757, %swap3A_758] {strides = array<i32>} : memref<64x768xf32, #tpu.memory_space<vmem>>, vector<1x16xf32>,
      %swap3A_760 = vector.shape_cast %swap3A_759 : vector<1x16xf32> to vector<16xf32>
      %swap3A_761 = vector.shape_cast %add3A_756 : vector<16xf32> to vector<1x16xf32>
      tpu.vector_store %arg9[%swap3A_757, %swap3A_758], %swap3A_761 {strides = array<i32>} : memref<64x768xf32, #tpu.memory_space<vmem>>, vector<1x16xf32>,
      %get3A_762 = arith.index_cast %scan3A_552 : i32 to index
      %get3A_763 = arith.constant 336 : index
      %get3A_764 = tpu.vector_load %arg9[%get3A_762, %get3A_763] {strides = array<i32>} : memref<64x768xf32, #tpu.memory_space<vmem>>, vector<1x16xf32>,
      %get3A_765 = vector.shape_cast %get3A_764 : vector<1x16xf32> to vector<16xf32>
      %add3A_766 = arith.addf %get3A_765, %get3A_128 : vector<16xf32>
      %swap3A_767 = arith.index_cast %scan3A_552 : i32 to index
      %swap3A_768 = arith.constant 336 : index
      %swap3A_769 = tpu.vector_load %arg9[%swap3A_767, %swap3A_768] {strides = array<i32>} : memref<64x768xf32, #tpu.memory_space<vmem>>, vector<1x16xf32>,
      %swap3A_770 = vector.shape_cast %swap3A_769 : vector<1x16xf32> to vector<16xf32>
      %swap3A_771 = vector.shape_cast %add3A_766 : vector<16xf32> to vector<1x16xf32>
      tpu.vector_store %arg9[%swap3A_767, %swap3A_768], %swap3A_771 {strides = array<i32>} : memref<64x768xf32, #tpu.memory_space<vmem>>, vector<1x16xf32>,
      %get3A_772 = arith.index_cast %scan3A_552 : i32 to index
      %get3A_773 = arith.constant 352 : index
      %get3A_774 = tpu.vector_load %arg9[%get3A_772, %get3A_773] {strides = array<i32>} : memref<64x768xf32, #tpu.memory_space<vmem>>, vector<1x16xf32>,
      %get3A_775 = vector.shape_cast %get3A_774 : vector<1x16xf32> to vector<16xf32>
      %add3A_776 = arith.addf %get3A_775, %get3A_133 : vector<16xf32>
      %swap3A_777 = arith.index_cast %scan3A_552 : i32 to index
      %swap3A_778 = arith.constant 352 : index
      %swap3A_779 = tpu.vector_load %arg9[%swap3A_777, %swap3A_778] {strides = array<i32>} : memref<64x768xf32, #tpu.memory_space<vmem>>, vector<1x16xf32>,
      %swap3A_780 = vector.shape_cast %swap3A_779 : vector<1x16xf32> to vector<16xf32>
      %swap3A_781 = vector.shape_cast %add3A_776 : vector<16xf32> to vector<1x16xf32>
      tpu.vector_store %arg9[%swap3A_777, %swap3A_778], %swap3A_781 {strides = array<i32>} : memref<64x768xf32, #tpu.memory_space<vmem>>, vector<1x16xf32>,
      %get3A_782 = arith.index_cast %scan3A_552 : i32 to index
      %get3A_783 = arith.constant 368 : index
      %get3A_784 = tpu.vector_load %arg9[%get3A_782, %get3A_783] {strides = array<i32>} : memref<64x768xf32, #tpu.memory_space<vmem>>, vector<1x16xf32>,
      %get3A_785 = vector.shape_cast %get3A_784 : vector<1x16xf32> to vector<16xf32>
      %add3A_786 = arith.addf %get3A_785, %get3A_138 : vector<16xf32>
      %swap3A_787 = arith.index_cast %scan3A_552 : i32 to index
      %swap3A_788 = arith.constant 368 : index
      %swap3A_789 = tpu.vector_load %arg9[%swap3A_787, %swap3A_788] {strides = array<i32>} : memref<64x768xf32, #tpu.memory_space<vmem>>, vector<1x16xf32>,
      %swap3A_790 = vector.shape_cast %swap3A_789 : vector<1x16xf32> to vector<16xf32>
      %swap3A_791 = vector.shape_cast %add3A_786 : vector<16xf32> to vector<1x16xf32>
      tpu.vector_store %arg9[%swap3A_787, %swap3A_788], %swap3A_791 {strides = array<i32>} : memref<64x768xf32, #tpu.memory_space<vmem>>, vector<1x16xf32>,
      %get3A_792 = arith.index_cast %scan3A_552 : i32 to index
      %get3A_793 = arith.constant 384 : index
      %get3A_794 = tpu.vector_load %arg9[%get3A_792, %get3A_793] {strides = array<i32>} : memref<64x768xf32, #tpu.memory_space<vmem>>, vector<1x16xf32>,
      %get3A_795 = vector.shape_cast %get3A_794 : vector<1x16xf32> to vector<16xf32>
      %add3A_796 = arith.addf %get3A_795, %get3A_143 : vector<16xf32>
      %swap3A_797 = arith.index_cast %scan3A_552 : i32 to index
      %swap3A_798 = arith.constant 384 : index
      %swap3A_799 = tpu.vector_load %arg9[%swap3A_797, %swap3A_798] {strides = array<i32>} : memref<64x768xf32, #tpu.memory_space<vmem>>, vector<1x16xf32>,
      %swap3A_800 = vector.shape_cast %swap3A_799 : vector<1x16xf32> to vector<16xf32>
      %swap3A_801 = vector.shape_cast %add3A_796 : vector<16xf32> to vector<1x16xf32>
      tpu.vector_store %arg9[%swap3A_797, %swap3A_798], %swap3A_801 {strides = array<i32>} : memref<64x768xf32, #tpu.memory_space<vmem>>, vector<1x16xf32>,
      %get3A_802 = arith.index_cast %scan3A_552 : i32 to index
      %get3A_803 = arith.constant 400 : index
      %get3A_804 = tpu.vector_load %arg9[%get3A_802, %get3A_803] {strides = array<i32>} : memref<64x768xf32, #tpu.memory_space<vmem>>, vector<1x16xf32>,
      %get3A_805 = vector.shape_cast %get3A_804 : vector<1x16xf32> to vector<16xf32>
      %add3A_806 = arith.addf %get3A_805, %get3A_148 : vector<16xf32>
      %swap3A_807 = arith.index_cast %scan3A_552 : i32 to index
      %swap3A_808 = arith.constant 400 : index
      %swap3A_809 = tpu.vector_load %arg9[%swap3A_807, %swap3A_808] {strides = array<i32>} : memref<64x768xf32, #tpu.memory_space<vmem>>, vector<1x16xf32>,
      %swap3A_810 = vector.shape_cast %swap3A_809 : vector<1x16xf32> to vector<16xf32>
      %swap3A_811 = vector.shape_cast %add3A_806 : vector<16xf32> to vector<1x16xf32>
      tpu.vector_store %arg9[%swap3A_807, %swap3A_808], %swap3A_811 {strides = array<i32>} : memref<64x768xf32, #tpu.memory_space<vmem>>, vector<1x16xf32>,
      %get3A_812 = arith.index_cast %scan3A_552 : i32 to index
      %get3A_813 = arith.constant 416 : index
      %get3A_814 = tpu.vector_load %arg9[%get3A_812, %get3A_813] {strides = array<i32>} : memref<64x768xf32, #tpu.memory_space<vmem>>, vector<1x16xf32>,
      %get3A_815 = vector.shape_cast %get3A_814 : vector<1x16xf32> to vector<16xf32>
      %add3A_816 = arith.addf %get3A_815, %get3A_153 : vector<16xf32>
      %swap3A_817 = arith.index_cast %scan3A_552 : i32 to index
      %swap3A_818 = arith.constant 416 : index
      %swap3A_819 = tpu.vector_load %arg9[%swap3A_817, %swap3A_818] {strides = array<i32>} : memref<64x768xf32, #tpu.memory_space<vmem>>, vector<1x16xf32>,
      %swap3A_820 = vector.shape_cast %swap3A_819 : vector<1x16xf32> to vector<16xf32>
      %swap3A_821 = vector.shape_cast %add3A_816 : vector<16xf32> to vector<1x16xf32>
      tpu.vector_store %arg9[%swap3A_817, %swap3A_818], %swap3A_821 {strides = array<i32>} : memref<64x768xf32, #tpu.memory_space<vmem>>, vector<1x16xf32>,
      %get3A_822 = arith.index_cast %scan3A_552 : i32 to index
      %get3A_823 = arith.constant 432 : index
      %get3A_824 = tpu.vector_load %arg9[%get3A_822, %get3A_823] {strides = array<i32>} : memref<64x768xf32, #tpu.memory_space<vmem>>, vector<1x16xf32>,
      %get3A_825 = vector.shape_cast %get3A_824 : vector<1x16xf32> to vector<16xf32>
      %add3A_826 = arith.addf %get3A_825, %get3A_158 : vector<16xf32>
      %swap3A_827 = arith.index_cast %scan3A_552 : i32 to index
      %swap3A_828 = arith.constant 432 : index
      %swap3A_829 = tpu.vector_load %arg9[%swap3A_827, %swap3A_828] {strides = array<i32>} : memref<64x768xf32, #tpu.memory_space<vmem>>, vector<1x16xf32>,
      %swap3A_830 = vector.shape_cast %swap3A_829 : vector<1x16xf32> to vector<16xf32>
      %swap3A_831 = vector.shape_cast %add3A_826 : vector<16xf32> to vector<1x16xf32>
      tpu.vector_store %arg9[%swap3A_827, %swap3A_828], %swap3A_831 {strides = array<i32>} : memref<64x768xf32, #tpu.memory_space<vmem>>, vector<1x16xf32>,
      %get3A_832 = arith.index_cast %scan3A_552 : i32 to index
      %get3A_833 = arith.constant 448 : index
      %get3A_834 = tpu.vector_load %arg9[%get3A_832, %get3A_833] {strides = array<i32>} : memref<64x768xf32, #tpu.memory_space<vmem>>, vector<1x16xf32>,
      %get3A_835 = vector.shape_cast %get3A_834 : vector<1x16xf32> to vector<16xf32>
      %add3A_836 = arith.addf %get3A_835, %get3A_163 : vector<16xf32>
      %swap3A_837 = arith.index_cast %scan3A_552 : i32 to index
      %swap3A_838 = arith.constant 448 : index
      %swap3A_839 = tpu.vector_load %arg9[%swap3A_837, %swap3A_838] {strides = array<i32>} : memref<64x768xf32, #tpu.memory_space<vmem>>, vector<1x16xf32>,
      %swap3A_840 = vector.shape_cast %swap3A_839 : vector<1x16xf32> to vector<16xf32>
      %swap3A_841 = vector.shape_cast %add3A_836 : vector<16xf32> to vector<1x16xf32>
      tpu.vector_store %arg9[%swap3A_837, %swap3A_838], %swap3A_841 {strides = array<i32>} : memref<64x768xf32, #tpu.memory_space<vmem>>, vector<1x16xf32>,
      %get3A_842 = arith.index_cast %scan3A_552 : i32 to index
      %get3A_843 = arith.constant 464 : index
      %get3A_844 = tpu.vector_load %arg9[%get3A_842, %get3A_843] {strides = array<i32>} : memref<64x768xf32, #tpu.memory_space<vmem>>, vector<1x16xf32>,
      %get3A_845 = vector.shape_cast %get3A_844 : vector<1x16xf32> to vector<16xf32>
      %add3A_846 = arith.addf %get3A_845, %get3A_168 : vector<16xf32>
      %swap3A_847 = arith.index_cast %scan3A_552 : i32 to index
      %swap3A_848 = arith.constant 464 : index
      %swap3A_849 = tpu.vector_load %arg9[%swap3A_847, %swap3A_848] {strides = array<i32>} : memref<64x768xf32, #tpu.memory_space<vmem>>, vector<1x16xf32>,
      %swap3A_850 = vector.shape_cast %swap3A_849 : vector<1x16xf32> to vector<16xf32>
      %swap3A_851 = vector.shape_cast %add3A_846 : vector<16xf32> to vector<1x16xf32>
      tpu.vector_store %arg9[%swap3A_847, %swap3A_848], %swap3A_851 {strides = array<i32>} : memref<64x768xf32, #tpu.memory_space<vmem>>, vector<1x16xf32>,
      %get3A_852 = arith.index_cast %scan3A_552 : i32 to index
      %get3A_853 = arith.constant 480 : index
      %get3A_854 = tpu.vector_load %arg9[%get3A_852, %get3A_853] {strides = array<i32>} : memref<64x768xf32, #tpu.memory_space<vmem>>, vector<1x16xf32>,
      %get3A_855 = vector.shape_cast %get3A_854 : vector<1x16xf32> to vector<16xf32>
      %add3A_856 = arith.addf %get3A_855, %get3A_173 : vector<16xf32>
      %swap3A_857 = arith.index_cast %scan3A_552 : i32 to index
      %swap3A_858 = arith.constant 480 : index
      %swap3A_859 = tpu.vector_load %arg9[%swap3A_857, %swap3A_858] {strides = array<i32>} : memref<64x768xf32, #tpu.memory_space<vmem>>, vector<1x16xf32>,
      %swap3A_860 = vector.shape_cast %swap3A_859 : vector<1x16xf32> to vector<16xf32>
      %swap3A_861 = vector.shape_cast %add3A_856 : vector<16xf32> to vector<1x16xf32>
      tpu.vector_store %arg9[%swap3A_857, %swap3A_858], %swap3A_861 {strides = array<i32>} : memref<64x768xf32, #tpu.memory_space<vmem>>, vector<1x16xf32>,
      %get3A_862 = arith.index_cast %scan3A_552 : i32 to index
      %get3A_863 = arith.constant 496 : index
      %get3A_864 = tpu.vector_load %arg9[%get3A_862, %get3A_863] {strides = array<i32>} : memref<64x768xf32, #tpu.memory_space<vmem>>, vector<1x16xf32>,
      %get3A_865 = vector.shape_cast %get3A_864 : vector<1x16xf32> to vector<16xf32>
      %add3A_866 = arith.addf %get3A_865, %get3A_178 : vector<16xf32>
      %swap3A_867 = arith.index_cast %scan3A_552 : i32 to index
      %swap3A_868 = arith.constant 496 : index
      %swap3A_869 = tpu.vector_load %arg9[%swap3A_867, %swap3A_868] {strides = array<i32>} : memref<64x768xf32, #tpu.memory_space<vmem>>, vector<1x16xf32>,
      %swap3A_870 = vector.shape_cast %swap3A_869 : vector<1x16xf32> to vector<16xf32>
      %swap3A_871 = vector.shape_cast %add3A_866 : vector<16xf32> to vector<1x16xf32>
      tpu.vector_store %arg9[%swap3A_867, %swap3A_868], %swap3A_871 {strides = array<i32>} : memref<64x768xf32, #tpu.memory_space<vmem>>, vector<1x16xf32>,
      %get3A_872 = arith.index_cast %scan3A_552 : i32 to index
      %get3A_873 = arith.constant 512 : index
      %get3A_874 = tpu.vector_load %arg9[%get3A_872, %get3A_873] {strides = array<i32>} : memref<64x768xf32, #tpu.memory_space<vmem>>, vector<1x16xf32>,
      %get3A_875 = vector.shape_cast %get3A_874 : vector<1x16xf32> to vector<16xf32>
      %add3A_876 = arith.addf %get3A_875, %get3A_183 : vector<16xf32>
      %swap3A_877 = arith.index_cast %scan3A_552 : i32 to index
      %swap3A_878 = arith.constant 512 : index
      %swap3A_879 = tpu.vector_load %arg9[%swap3A_877, %swap3A_878] {strides = array<i32>} : memref<64x768xf32, #tpu.memory_space<vmem>>, vector<1x16xf32>,
      %swap3A_880 = vector.shape_cast %swap3A_879 : vector<1x16xf32> to vector<16xf32>
      %swap3A_881 = vector.shape_cast %add3A_876 : vector<16xf32> to vector<1x16xf32>
      tpu.vector_store %arg9[%swap3A_877, %swap3A_878], %swap3A_881 {strides = array<i32>} : memref<64x768xf32, #tpu.memory_space<vmem>>, vector<1x16xf32>,
      %get3A_882 = arith.index_cast %scan3A_552 : i32 to index
      %get3A_883 = arith.constant 528 : index
      %get3A_884 = tpu.vector_load %arg9[%get3A_882, %get3A_883] {strides = array<i32>} : memref<64x768xf32, #tpu.memory_space<vmem>>, vector<1x16xf32>,
      %get3A_885 = vector.shape_cast %get3A_884 : vector<1x16xf32> to vector<16xf32>
      %add3A_886 = arith.addf %get3A_885, %get3A_188 : vector<16xf32>
      %swap3A_887 = arith.index_cast %scan3A_552 : i32 to index
      %swap3A_888 = arith.constant 528 : index
      %swap3A_889 = tpu.vector_load %arg9[%swap3A_887, %swap3A_888] {strides = array<i32>} : memref<64x768xf32, #tpu.memory_space<vmem>>, vector<1x16xf32>,
      %swap3A_890 = vector.shape_cast %swap3A_889 : vector<1x16xf32> to vector<16xf32>
      %swap3A_891 = vector.shape_cast %add3A_886 : vector<16xf32> to vector<1x16xf32>
      tpu.vector_store %arg9[%swap3A_887, %swap3A_888], %swap3A_891 {strides = array<i32>} : memref<64x768xf32, #tpu.memory_space<vmem>>, vector<1x16xf32>,
      %get3A_892 = arith.index_cast %scan3A_552 : i32 to index
      %get3A_893 = arith.constant 544 : index
      %get3A_894 = tpu.vector_load %arg9[%get3A_892, %get3A_893] {strides = array<i32>} : memref<64x768xf32, #tpu.memory_space<vmem>>, vector<1x16xf32>,
      %get3A_895 = vector.shape_cast %get3A_894 : vector<1x16xf32> to vector<16xf32>
      %add3A_896 = arith.addf %get3A_895, %get3A_193 : vector<16xf32>
      %swap3A_897 = arith.index_cast %scan3A_552 : i32 to index
      %swap3A_898 = arith.constant 544 : index
      %swap3A_899 = tpu.vector_load %arg9[%swap3A_897, %swap3A_898] {strides = array<i32>} : memref<64x768xf32, #tpu.memory_space<vmem>>, vector<1x16xf32>,
      %swap3A_900 = vector.shape_cast %swap3A_899 : vector<1x16xf32> to vector<16xf32>
      %swap3A_901 = vector.shape_cast %add3A_896 : vector<16xf32> to vector<1x16xf32>
      tpu.vector_store %arg9[%swap3A_897, %swap3A_898], %swap3A_901 {strides = array<i32>} : memref<64x768xf32, #tpu.memory_space<vmem>>, vector<1x16xf32>,
      %get3A_902 = arith.index_cast %scan3A_552 : i32 to index
      %get3A_903 = arith.constant 560 : index
      %get3A_904 = tpu.vector_load %arg9[%get3A_902, %get3A_903] {strides = array<i32>} : memref<64x768xf32, #tpu.memory_space<vmem>>, vector<1x16xf32>,
      %get3A_905 = vector.shape_cast %get3A_904 : vector<1x16xf32> to vector<16xf32>
      %add3A_906 = arith.addf %get3A_905, %get3A_198 : vector<16xf32>
      %swap3A_907 = arith.index_cast %scan3A_552 : i32 to index
      %swap3A_908 = arith.constant 560 : index
      %swap3A_909 = tpu.vector_load %arg9[%swap3A_907, %swap3A_908] {strides = array<i32>} : memref<64x768xf32, #tpu.memory_space<vmem>>, vector<1x16xf32>,
      %swap3A_910 = vector.shape_cast %swap3A_909 : vector<1x16xf32> to vector<16xf32>
      %swap3A_911 = vector.shape_cast %add3A_906 : vector<16xf32> to vector<1x16xf32>
      tpu.vector_store %arg9[%swap3A_907, %swap3A_908], %swap3A_911 {strides = array<i32>} : memref<64x768xf32, #tpu.memory_space<vmem>>, vector<1x16xf32>,
      %get3A_912 = arith.index_cast %scan3A_552 : i32 to index
      %get3A_913 = arith.constant 576 : index
      %get3A_914 = tpu.vector_load %arg9[%get3A_912, %get3A_913] {strides = array<i32>} : memref<64x768xf32, #tpu.memory_space<vmem>>, vector<1x16xf32>,
      %get3A_915 = vector.shape_cast %get3A_914 : vector<1x16xf32> to vector<16xf32>
      %add3A_916 = arith.addf %get3A_915, %get3A_203 : vector<16xf32>
      %swap3A_917 = arith.index_cast %scan3A_552 : i32 to index
      %swap3A_918 = arith.constant 576 : index
      %swap3A_919 = tpu.vector_load %arg9[%swap3A_917, %swap3A_918] {strides = array<i32>} : memref<64x768xf32, #tpu.memory_space<vmem>>, vector<1x16xf32>,
      %swap3A_920 = vector.shape_cast %swap3A_919 : vector<1x16xf32> to vector<16xf32>
      %swap3A_921 = vector.shape_cast %add3A_916 : vector<16xf32> to vector<1x16xf32>
      tpu.vector_store %arg9[%swap3A_917, %swap3A_918], %swap3A_921 {strides = array<i32>} : memref<64x768xf32, #tpu.memory_space<vmem>>, vector<1x16xf32>,
      %get3A_922 = arith.index_cast %scan3A_552 : i32 to index
      %get3A_923 = arith.constant 592 : index
      %get3A_924 = tpu.vector_load %arg9[%get3A_922, %get3A_923] {strides = array<i32>} : memref<64x768xf32, #tpu.memory_space<vmem>>, vector<1x16xf32>,
      %get3A_925 = vector.shape_cast %get3A_924 : vector<1x16xf32> to vector<16xf32>
      %add3A_926 = arith.addf %get3A_925, %get3A_208 : vector<16xf32>
      %swap3A_927 = arith.index_cast %scan3A_552 : i32 to index
      %swap3A_928 = arith.constant 592 : index
      %swap3A_929 = tpu.vector_load %arg9[%swap3A_927, %swap3A_928] {strides = array<i32>} : memref<64x768xf32, #tpu.memory_space<vmem>>, vector<1x16xf32>,
      %swap3A_930 = vector.shape_cast %swap3A_929 : vector<1x16xf32> to vector<16xf32>
      %swap3A_931 = vector.shape_cast %add3A_926 : vector<16xf32> to vector<1x16xf32>
      tpu.vector_store %arg9[%swap3A_927, %swap3A_928], %swap3A_931 {strides = array<i32>} : memref<64x768xf32, #tpu.memory_space<vmem>>, vector<1x16xf32>,
      %get3A_932 = arith.index_cast %scan3A_552 : i32 to index
      %get3A_933 = arith.constant 608 : index
      %get3A_934 = tpu.vector_load %arg9[%get3A_932, %get3A_933] {strides = array<i32>} : memref<64x768xf32, #tpu.memory_space<vmem>>, vector<1x16xf32>,
      %get3A_935 = vector.shape_cast %get3A_934 : vector<1x16xf32> to vector<16xf32>
      %add3A_936 = arith.addf %get3A_935, %get3A_213 : vector<16xf32>
      %swap3A_937 = arith.index_cast %scan3A_552 : i32 to index
      %swap3A_938 = arith.constant 608 : index
      %swap3A_939 = tpu.vector_load %arg9[%swap3A_937, %swap3A_938] {strides = array<i32>} : memref<64x768xf32, #tpu.memory_space<vmem>>, vector<1x16xf32>,
      %swap3A_940 = vector.shape_cast %swap3A_939 : vector<1x16xf32> to vector<16xf32>
      %swap3A_941 = vector.shape_cast %add3A_936 : vector<16xf32> to vector<1x16xf32>
      tpu.vector_store %arg9[%swap3A_937, %swap3A_938], %swap3A_941 {strides = array<i32>} : memref<64x768xf32, #tpu.memory_space<vmem>>, vector<1x16xf32>,
      %get3A_942 = arith.index_cast %scan3A_552 : i32 to index
      %get3A_943 = arith.constant 624 : index
      %get3A_944 = tpu.vector_load %arg9[%get3A_942, %get3A_943] {strides = array<i32>} : memref<64x768xf32, #tpu.memory_space<vmem>>, vector<1x16xf32>,
      %get3A_945 = vector.shape_cast %get3A_944 : vector<1x16xf32> to vector<16xf32>
      %add3A_946 = arith.addf %get3A_945, %get3A_218 : vector<16xf32>
      %swap3A_947 = arith.index_cast %scan3A_552 : i32 to index
      %swap3A_948 = arith.constant 624 : index
      %swap3A_949 = tpu.vector_load %arg9[%swap3A_947, %swap3A_948] {strides = array<i32>} : memref<64x768xf32, #tpu.memory_space<vmem>>, vector<1x16xf32>,
      %swap3A_950 = vector.shape_cast %swap3A_949 : vector<1x16xf32> to vector<16xf32>
      %swap3A_951 = vector.shape_cast %add3A_946 : vector<16xf32> to vector<1x16xf32>
      tpu.vector_store %arg9[%swap3A_947, %swap3A_948], %swap3A_951 {strides = array<i32>} : memref<64x768xf32, #tpu.memory_space<vmem>>, vector<1x16xf32>,
      %get3A_952 = arith.index_cast %scan3A_552 : i32 to index
      %get3A_953 = arith.constant 640 : index
      %get3A_954 = tpu.vector_load %arg9[%get3A_952, %get3A_953] {strides = array<i32>} : memref<64x768xf32, #tpu.memory_space<vmem>>, vector<1x16xf32>,
      %get3A_955 = vector.shape_cast %get3A_954 : vector<1x16xf32> to vector<16xf32>
      %add3A_956 = arith.addf %get3A_955, %get3A_223 : vector<16xf32>
      %swap3A_957 = arith.index_cast %scan3A_552 : i32 to index
      %swap3A_958 = arith.constant 640 : index
      %swap3A_959 = tpu.vector_load %arg9[%swap3A_957, %swap3A_958] {strides = array<i32>} : memref<64x768xf32, #tpu.memory_space<vmem>>, vector<1x16xf32>,
      %swap3A_960 = vector.shape_cast %swap3A_959 : vector<1x16xf32> to vector<16xf32>
      %swap3A_961 = vector.shape_cast %add3A_956 : vector<16xf32> to vector<1x16xf32>
      tpu.vector_store %arg9[%swap3A_957, %swap3A_958], %swap3A_961 {strides = array<i32>} : memref<64x768xf32, #tpu.memory_space<vmem>>, vector<1x16xf32>,
      %get3A_962 = arith.index_cast %scan3A_552 : i32 to index
      %get3A_963 = arith.constant 656 : index
      %get3A_964 = tpu.vector_load %arg9[%get3A_962, %get3A_963] {strides = array<i32>} : memref<64x768xf32, #tpu.memory_space<vmem>>, vector<1x16xf32>,
      %get3A_965 = vector.shape_cast %get3A_964 : vector<1x16xf32> to vector<16xf32>
      %add3A_966 = arith.addf %get3A_965, %get3A_228 : vector<16xf32>
      %swap3A_967 = arith.index_cast %scan3A_552 : i32 to index
      %swap3A_968 = arith.constant 656 : index
      %swap3A_969 = tpu.vector_load %arg9[%swap3A_967, %swap3A_968] {strides = array<i32>} : memref<64x768xf32, #tpu.memory_space<vmem>>, vector<1x16xf32>,
      %swap3A_970 = vector.shape_cast %swap3A_969 : vector<1x16xf32> to vector<16xf32>
      %swap3A_971 = vector.shape_cast %add3A_966 : vector<16xf32> to vector<1x16xf32>
      tpu.vector_store %arg9[%swap3A_967, %swap3A_968], %swap3A_971 {strides = array<i32>} : memref<64x768xf32, #tpu.memory_space<vmem>>, vector<1x16xf32>,
      %get3A_972 = arith.index_cast %scan3A_552 : i32 to index
      %get3A_973 = arith.constant 672 : index
      %get3A_974 = tpu.vector_load %arg9[%get3A_972, %get3A_973] {strides = array<i32>} : memref<64x768xf32, #tpu.memory_space<vmem>>, vector<1x16xf32>,
      %get3A_975 = vector.shape_cast %get3A_974 : vector<1x16xf32> to vector<16xf32>
      %add3A_976 = arith.addf %get3A_975, %get3A_233 : vector<16xf32>
      %swap3A_977 = arith.index_cast %scan3A_552 : i32 to index
      %swap3A_978 = arith.constant 672 : index
      %swap3A_979 = tpu.vector_load %arg9[%swap3A_977, %swap3A_978] {strides = array<i32>} : memref<64x768xf32, #tpu.memory_space<vmem>>, vector<1x16xf32>,
      %swap3A_980 = vector.shape_cast %swap3A_979 : vector<1x16xf32> to vector<16xf32>
      %swap3A_981 = vector.shape_cast %add3A_976 : vector<16xf32> to vector<1x16xf32>
      tpu.vector_store %arg9[%swap3A_977, %swap3A_978], %swap3A_981 {strides = array<i32>} : memref<64x768xf32, #tpu.memory_space<vmem>>, vector<1x16xf32>,
      %get3A_982 = arith.index_cast %scan3A_552 : i32 to index
      %get3A_983 = arith.constant 688 : index
      %get3A_984 = tpu.vector_load %arg9[%get3A_982, %get3A_983] {strides = array<i32>} : memref<64x768xf32, #tpu.memory_space<vmem>>, vector<1x16xf32>,
      %get3A_985 = vector.shape_cast %get3A_984 : vector<1x16xf32> to vector<16xf32>
      %add3A_986 = arith.addf %get3A_985, %get3A_238 : vector<16xf32>
      %swap3A_987 = arith.index_cast %scan3A_552 : i32 to index
      %swap3A_988 = arith.constant 688 : index
      %swap3A_989 = tpu.vector_load %arg9[%swap3A_987, %swap3A_988] {strides = array<i32>} : memref<64x768xf32, #tpu.memory_space<vmem>>, vector<1x16xf32>,
      %swap3A_990 = vector.shape_cast %swap3A_989 : vector<1x16xf32> to vector<16xf32>
      %swap3A_991 = vector.shape_cast %add3A_986 : vector<16xf32> to vector<1x16xf32>
      tpu.vector_store %arg9[%swap3A_987, %swap3A_988], %swap3A_991 {strides = array<i32>} : memref<64x768xf32, #tpu.memory_space<vmem>>, vector<1x16xf32>,
      %get3A_992 = arith.index_cast %scan3A_552 : i32 to index
      %get3A_993 = arith.constant 704 : index
      %get3A_994 = tpu.vector_load %arg9[%get3A_992, %get3A_993] {strides = array<i32>} : memref<64x768xf32, #tpu.memory_space<vmem>>, vector<1x16xf32>,
      %get3A_995 = vector.shape_cast %get3A_994 : vector<1x16xf32> to vector<16xf32>
      %add3A_996 = arith.addf %get3A_995, %get3A_243 : vector<16xf32>
      %swap3A_997 = arith.index_cast %scan3A_552 : i32 to index
      %swap3A_998 = arith.constant 704 : index
      %swap3A_999 = tpu.vector_load %arg9[%swap3A_997, %swap3A_998] {strides = array<i32>} : memref<64x768xf32, #tpu.memory_space<vmem>>, vector<1x16xf32>,
      %swap3A_1000 = vector.shape_cast %swap3A_999 : vector<1x16xf32> to vector<16xf32>
      %swap3A_1001 = vector.shape_cast %add3A_996 : vector<16xf32> to vector<1x16xf32>
      tpu.vector_store %arg9[%swap3A_997, %swap3A_998], %swap3A_1001 {strides = array<i32>} : memref<64x768xf32, #tpu.memory_space<vmem>>, vector<1x16xf32>,
      %get3A_1002 = arith.index_cast %scan3A_552 : i32 to index
      %get3A_1003 = arith.constant 720 : index
      %get3A_1004 = tpu.vector_load %arg9[%get3A_1002, %get3A_1003] {strides = array<i32>} : memref<64x768xf32, #tpu.memory_space<vmem>>, vector<1x16xf32>,
      %get3A_1005 = vector.shape_cast %get3A_1004 : vector<1x16xf32> to vector<16xf32>
      %add3A_1006 = arith.addf %get3A_1005, %get3A_248 : vector<16xf32>
      %swap3A_1007 = arith.index_cast %scan3A_552 : i32 to index
      %swap3A_1008 = arith.constant 720 : index
      %swap3A_1009 = tpu.vector_load %arg9[%swap3A_1007, %swap3A_1008] {strides = array<i32>} : memref<64x768xf32, #tpu.memory_space<vmem>>, vector<1x16xf32>,
      %swap3A_1010 = vector.shape_cast %swap3A_1009 : vector<1x16xf32> to vector<16xf32>
      %swap3A_1011 = vector.shape_cast %add3A_1006 : vector<16xf32> to vector<1x16xf32>
      tpu.vector_store %arg9[%swap3A_1007, %swap3A_1008], %swap3A_1011 {strides = array<i32>} : memref<64x768xf32, #tpu.memory_space<vmem>>, vector<1x16xf32>,
      %get3A_1012 = arith.index_cast %scan3A_552 : i32 to index
      %get3A_1013 = arith.constant 736 : index
      %get3A_1014 = tpu.vector_load %arg9[%get3A_1012, %get3A_1013] {strides = array<i32>} : memref<64x768xf32, #tpu.memory_space<vmem>>, vector<1x16xf32>,
      %get3A_1015 = vector.shape_cast %get3A_1014 : vector<1x16xf32> to vector<16xf32>
      %add3A_1016 = arith.addf %get3A_1015, %get3A_253 : vector<16xf32>
      %swap3A_1017 = arith.index_cast %scan3A_552 : i32 to index
      %swap3A_1018 = arith.constant 736 : index
      %swap3A_1019 = tpu.vector_load %arg9[%swap3A_1017, %swap3A_1018] {strides = array<i32>} : memref<64x768xf32, #tpu.memory_space<vmem>>, vector<1x16xf32>,
      %swap3A_1020 = vector.shape_cast %swap3A_1019 : vector<1x16xf32> to vector<16xf32>
      %swap3A_1021 = vector.shape_cast %add3A_1016 : vector<16xf32> to vector<1x16xf32>
      tpu.vector_store %arg9[%swap3A_1017, %swap3A_1018], %swap3A_1021 {strides = array<i32>} : memref<64x768xf32, #tpu.memory_space<vmem>>, vector<1x16xf32>,
      %get3A_1022 = arith.index_cast %scan3A_552 : i32 to index
      %get3A_1023 = arith.constant 752 : index
      %get3A_1024 = tpu.vector_load %arg9[%get3A_1022, %get3A_1023] {strides = array<i32>} : memref<64x768xf32, #tpu.memory_space<vmem>>, vector<1x16xf32>,
      %get3A_1025 = vector.shape_cast %get3A_1024 : vector<1x16xf32> to vector<16xf32>
      %add3A_1026 = arith.addf %get3A_1025, %get3A_258 : vector<16xf32>
      %swap3A_1027 = arith.index_cast %scan3A_552 : i32 to index
      %swap3A_1028 = arith.constant 752 : index
      %swap3A_1029 = tpu.vector_load %arg9[%swap3A_1027, %swap3A_1028] {strides = array<i32>} : memref<64x768xf32, #tpu.memory_space<vmem>>, vector<1x16xf32>,
      %swap3A_1030 = vector.shape_cast %swap3A_1029 : vector<1x16xf32> to vector<16xf32>
      %swap3A_1031 = vector.shape_cast %add3A_1026 : vector<16xf32> to vector<1x16xf32>
      tpu.vector_store %arg9[%swap3A_1027, %swap3A_1028], %swap3A_1031 {strides = array<i32>} : memref<64x768xf32, #tpu.memory_space<vmem>>, vector<1x16xf32>,
    }
    %scan3A_267 = arith.constant 64 : i32
    %dma_start3A_268 = arith.constant 0 : i32
    %dma_start3A_269 = arith.constant 0 : i32
    %dma_start3A_270 = tpu.memref_slice %arg7[%dma_start3A_268, %dma_start3A_269] : memref<32x64xi32, #tpu.memory_space<vmem>> -> memref<1x64xi32, #tpu.memory_space<vmem>>
    %dma_start3A_271 = tpu.memref_squeeze %dma_start3A_270 : memref<1x64xi32, #tpu.memory_space<vmem>> -> memref<64xi32, #tpu.memory_space<vmem>>
    %dma_start3A_272 = arith.constant 0 : i32
    %dma_start3A_273 = arith.constant 0 : i32
    %dma_start3A_274 = tpu.memref_slice %arg5[%dma_start3A_272, %dma_start3A_273] : memref<65536x768xf32, #tpu.memory_space<hbm>> -> memref<65536x768xf32, #tpu.memory_space<hbm>>
    tpu.enqueue_indirect_dma source(%arg9 : memref<64x768xf32, #tpu.memory_space<vmem>>) target(%dma_start3A_274 : memref<65536x768xf32, #tpu.memory_space<hbm>>) offsets(%dma_start3A_271 : memref<64xi32, #tpu.memory_space<vmem>>) semaphore(%arg13 : memref<!tpu.dma_semaphore, #tpu.memory_space<semaphore_mem>>)
    %scan3A_275 = arith.constant 0 : i32
    %scan3A_276 = arith.constant 0 : i32
    %scan3A_277 = arith.constant 15 : i32
    %scan3A_278 = arith.addi %scan3A_276, %scan3A_277 : i32
    %scan3A_279 = arith.constant 1 : i32
    scf.for %scan3A_552 = %scan3A_276 to %scan3A_278 step %scan3A_279  : i32 {
      %mul3A_553 = arith.constant 2 : i32
      %mul3A_554 = arith.muli %mul3A_553, %scan3A_552 : i32
      %add3A_555 = arith.constant 1 : i32
      %add3A_556 = arith.addi %mul3A_554, %add3A_555 : i32
      %add3A_557 = arith.constant 0 : i32
      %add3A_558 = arith.addi %add3A_556, %add3A_557 : i32
      %dma_wait3A_559 = arith.constant 0 : i32
      %dma_wait3A_560 = arith.constant 0 : i32
      %dma_wait3A_561 = tpu.memref_slice %arg7[%dma_wait3A_559, %dma_wait3A_560] : memref<32x64xi32, #tpu.memory_space<vmem>> -> memref<1x64xi32, #tpu.memory_space<vmem>>
      %dma_wait3A_562 = tpu.memref_squeeze %dma_wait3A_561 : memref<1x64xi32, #tpu.memory_space<vmem>> -> memref<64xi32, #tpu.memory_space<vmem>>
      %dma_wait3A_563 = arith.constant 0 : i32
      %dma_wait3A_564 = arith.constant 0 : i32
      %dma_wait3A_565 = tpu.memref_slice %arg5[%dma_wait3A_563, %dma_wait3A_564] : memref<65536x768xf32, #tpu.memory_space<hbm>> -> memref<65536x768xf32, #tpu.memory_space<hbm>>
      tpu.wait_indirect_dma semaphore(%arg13 : memref<!tpu.dma_semaphore, #tpu.memory_space<semaphore_mem>>) src(%arg9 : memref<64x768xf32, #tpu.memory_space<vmem>>) dst(%dma_wait3A_565 : memref<65536x768xf32, #tpu.memory_space<hbm>>)
      %add3A_566 = arith.constant 1 : i32
      %add3A_567 = arith.addi %add3A_558, %add3A_566 : i32
      %mul3A_568 = arith.constant 64 : i32
      %mul3A_569 = arith.muli %add3A_567, %mul3A_568 : i32
      %multiple_of3A_570 = tpu.assume_multiple %mul3A_569, 64 : i32
      %dma_start3A_571 = tpu.memref_slice %arg6[%multiple_of3A_570] : memref<2048xi32, #tpu.memory_space<vmem>> -> memref<64xi32, #tpu.memory_space<vmem>>
      %dma_start3A_572 = arith.constant 0 : i32
      %dma_start3A_573 = arith.constant 0 : i32
      %dma_start3A_574 = tpu.memref_slice %arg3[%dma_start3A_572, %dma_start3A_573] : memref<32000x768xf32, #tpu.memory_space<hbm>> -> memref<32000x768xf32, #tpu.memory_space<hbm>>
      tpu.enqueue_indirect_dma source(%dma_start3A_574 : memref<32000x768xf32, #tpu.memory_space<hbm>>) target(%arg9 : memref<64x768xf32, #tpu.memory_space<vmem>>) offsets(%dma_start3A_571 : memref<64xi32, #tpu.memory_space<vmem>>) semaphore(%arg11 : memref<!tpu.dma_semaphore, #tpu.memory_space<semaphore_mem>>)
      %jit3A = arith.constant 16 : i32
      %div3A = arith.divsi %add3A_558, %jit3A : i32
      %sign3A = arith.constant 0 : i32
      %sign3A_575 = arith.cmpi sgt, %add3A_558, %sign3A : i32
      %sign3A_576 = arith.extui %sign3A_575 : i1 to i32
      %sign3A_577 = arith.constant 0 : i32
      %sign3A_578 = arith.cmpi slt, %add3A_558, %sign3A_577 : i32
      %sign3A_579 = arith.extui %sign3A_578 : i1 to i32
      %sign3A_580 = arith.subi %sign3A_576, %sign3A_579 : i32
      %sign3A_581 = arith.constant 0 : i32
      %sign3A_582 = arith.cmpi sgt, %jit3A, %sign3A_581 : i32
      %sign3A_583 = arith.extui %sign3A_582 : i1 to i32
      %sign3A_584 = arith.constant 0 : i32
      %sign3A_585 = arith.cmpi slt, %jit3A, %sign3A_584 : i32
      %sign3A_586 = arith.extui %sign3A_585 : i1 to i32
      %sign3A_587 = arith.subi %sign3A_583, %sign3A_586 : i32
      %ne3A = arith.cmpi ne, %sign3A_580, %sign3A_587 : i32
      %rem3A = arith.remsi %add3A_558, %jit3A : i32
      %ne3A_588 = arith.constant 0 : i32
      %ne3A_589 = arith.cmpi ne, %rem3A, %ne3A_588 : i32
      %and3A = arith.andi %ne3A, %ne3A_589 : i1
      %sub3A = arith.constant 1 : i32
      %sub3A_590 = arith.subi %div3A, %sub3A : i32
      %select_n3A = arith.select %and3A, %sub3A_590, %div3A : i32
      %get3A_591 = arith.index_cast %select_n3A : i32 to index
      %get3A_592 = arith.constant 0 : index
      %get3A_593 = tpu.vector_load %arg8[%get3A_591, %get3A_592] {strides = array<i32>} : memref<2x768xf32, #tpu.memory_space<vmem>>, vector<1x16xf32>,
      %get3A_594 = vector.shape_cast %get3A_593 : vector<1x16xf32> to vector<16xf32>
      %get3A_595 = arith.index_cast %select_n3A : i32 to index
      %get3A_596 = arith.constant 16 : index
      %get3A_597 = tpu.vector_load %arg8[%get3A_595, %get3A_596] {strides = array<i32>} : memref<2x768xf32, #tpu.memory_space<vmem>>, vector<1x16xf32>,
      %get3A_598 = vector.shape_cast %get3A_597 : vector<1x16xf32> to vector<16xf32>
      %get3A_599 = arith.index_cast %select_n3A : i32 to index
      %get3A_600 = arith.constant 32 : index
      %get3A_601 = tpu.vector_load %arg8[%get3A_599, %get3A_600] {strides = array<i32>} : memref<2x768xf32, #tpu.memory_space<vmem>>, vector<1x16xf32>,
      %get3A_602 = vector.shape_cast %get3A_601 : vector<1x16xf32> to vector<16xf32>
      %get3A_603 = arith.index_cast %select_n3A : i32 to index
      %get3A_604 = arith.constant 48 : index
      %get3A_605 = tpu.vector_load %arg8[%get3A_603, %get3A_604] {strides = array<i32>} : memref<2x768xf32, #tpu.memory_space<vmem>>, vector<1x16xf32>,
      %get3A_606 = vector.shape_cast %get3A_605 : vector<1x16xf32> to vector<16xf32>
      %get3A_607 = arith.index_cast %select_n3A : i32 to index
      %get3A_608 = arith.constant 64 : index
      %get3A_609 = tpu.vector_load %arg8[%get3A_607, %get3A_608] {strides = array<i32>} : memref<2x768xf32, #tpu.memory_space<vmem>>, vector<1x16xf32>,
      %get3A_610 = vector.shape_cast %get3A_609 : vector<1x16xf32> to vector<16xf32>
      %get3A_611 = arith.index_cast %select_n3A : i32 to index
      %get3A_612 = arith.constant 80 : index
      %get3A_613 = tpu.vector_load %arg8[%get3A_611, %get3A_612] {strides = array<i32>} : memref<2x768xf32, #tpu.memory_space<vmem>>, vector<1x16xf32>,
      %get3A_614 = vector.shape_cast %get3A_613 : vector<1x16xf32> to vector<16xf32>
      %get3A_615 = arith.index_cast %select_n3A : i32 to index
      %get3A_616 = arith.constant 96 : index
      %get3A_617 = tpu.vector_load %arg8[%get3A_615, %get3A_616] {strides = array<i32>} : memref<2x768xf32, #tpu.memory_space<vmem>>, vector<1x16xf32>,
      %get3A_618 = vector.shape_cast %get3A_617 : vector<1x16xf32> to vector<16xf32>
      %get3A_619 = arith.index_cast %select_n3A : i32 to index
      %get3A_620 = arith.constant 112 : index
      %get3A_621 = tpu.vector_load %arg8[%get3A_619, %get3A_620] {strides = array<i32>} : memref<2x768xf32, #tpu.memory_space<vmem>>, vector<1x16xf32>,
      %get3A_622 = vector.shape_cast %get3A_621 : vector<1x16xf32> to vector<16xf32>
      %get3A_623 = arith.index_cast %select_n3A : i32 to index
      %get3A_624 = arith.constant 128 : index
      %get3A_625 = tpu.vector_load %arg8[%get3A_623, %get3A_624] {strides = array<i32>} : memref<2x768xf32, #tpu.memory_space<vmem>>, vector<1x16xf32>,
      %get3A_626 = vector.shape_cast %get3A_625 : vector<1x16xf32> to vector<16xf32>
      %get3A_627 = arith.index_cast %select_n3A : i32 to index
      %get3A_628 = arith.constant 144 : index
      %get3A_629 = tpu.vector_load %arg8[%get3A_627, %get3A_628] {strides = array<i32>} : memref<2x768xf32, #tpu.memory_space<vmem>>, vector<1x16xf32>,
      %get3A_630 = vector.shape_cast %get3A_629 : vector<1x16xf32> to vector<16xf32>
      %get3A_631 = arith.index_cast %select_n3A : i32 to index
      %get3A_632 = arith.constant 160 : index
      %get3A_633 = tpu.vector_load %arg8[%get3A_631, %get3A_632] {strides = array<i32>} : memref<2x768xf32, #tpu.memory_space<vmem>>, vector<1x16xf32>,
      %get3A_634 = vector.shape_cast %get3A_633 : vector<1x16xf32> to vector<16xf32>
      %get3A_635 = arith.index_cast %select_n3A : i32 to index
      %get3A_636 = arith.constant 176 : index
      %get3A_637 = tpu.vector_load %arg8[%get3A_635, %get3A_636] {strides = array<i32>} : memref<2x768xf32, #tpu.memory_space<vmem>>, vector<1x16xf32>,
      %get3A_638 = vector.shape_cast %get3A_637 : vector<1x16xf32> to vector<16xf32>
      %get3A_639 = arith.index_cast %select_n3A : i32 to index
      %get3A_640 = arith.constant 192 : index
      %get3A_641 = tpu.vector_load %arg8[%get3A_639, %get3A_640] {strides = array<i32>} : memref<2x768xf32, #tpu.memory_space<vmem>>, vector<1x16xf32>,
      %get3A_642 = vector.shape_cast %get3A_641 : vector<1x16xf32> to vector<16xf32>
      %get3A_643 = arith.index_cast %select_n3A : i32 to index
      %get3A_644 = arith.constant 208 : index
      %get3A_645 = tpu.vector_load %arg8[%get3A_643, %get3A_644] {strides = array<i32>} : memref<2x768xf32, #tpu.memory_space<vmem>>, vector<1x16xf32>,
      %get3A_646 = vector.shape_cast %get3A_645 : vector<1x16xf32> to vector<16xf32>
      %get3A_647 = arith.index_cast %select_n3A : i32 to index
      %get3A_648 = arith.constant 224 : index
      %get3A_649 = tpu.vector_load %arg8[%get3A_647, %get3A_648] {strides = array<i32>} : memref<2x768xf32, #tpu.memory_space<vmem>>, vector<1x16xf32>,
      %get3A_650 = vector.shape_cast %get3A_649 : vector<1x16xf32> to vector<16xf32>
      %get3A_651 = arith.index_cast %select_n3A : i32 to index
      %get3A_652 = arith.constant 240 : index
      %get3A_653 = tpu.vector_load %arg8[%get3A_651, %get3A_652] {strides = array<i32>} : memref<2x768xf32, #tpu.memory_space<vmem>>, vector<1x16xf32>,
      %get3A_654 = vector.shape_cast %get3A_653 : vector<1x16xf32> to vector<16xf32>
      %get3A_655 = arith.index_cast %select_n3A : i32 to index
      %get3A_656 = arith.constant 256 : index
      %get3A_657 = tpu.vector_load %arg8[%get3A_655, %get3A_656] {strides = array<i32>} : memref<2x768xf32, #tpu.memory_space<vmem>>, vector<1x16xf32>,
      %get3A_658 = vector.shape_cast %get3A_657 : vector<1x16xf32> to vector<16xf32>
      %get3A_659 = arith.index_cast %select_n3A : i32 to index
      %get3A_660 = arith.constant 272 : index
      %get3A_661 = tpu.vector_load %arg8[%get3A_659, %get3A_660] {strides = array<i32>} : memref<2x768xf32, #tpu.memory_space<vmem>>, vector<1x16xf32>,
      %get3A_662 = vector.shape_cast %get3A_661 : vector<1x16xf32> to vector<16xf32>
      %get3A_663 = arith.index_cast %select_n3A : i32 to index
      %get3A_664 = arith.constant 288 : index
      %get3A_665 = tpu.vector_load %arg8[%get3A_663, %get3A_664] {strides = array<i32>} : memref<2x768xf32, #tpu.memory_space<vmem>>, vector<1x16xf32>,
      %get3A_666 = vector.shape_cast %get3A_665 : vector<1x16xf32> to vector<16xf32>
      %get3A_667 = arith.index_cast %select_n3A : i32 to index
      %get3A_668 = arith.constant 304 : index
      %get3A_669 = tpu.vector_load %arg8[%get3A_667, %get3A_668] {strides = array<i32>} : memref<2x768xf32, #tpu.memory_space<vmem>>, vector<1x16xf32>,
      %get3A_670 = vector.shape_cast %get3A_669 : vector<1x16xf32> to vector<16xf32>
      %get3A_671 = arith.index_cast %select_n3A : i32 to index
      %get3A_672 = arith.constant 320 : index
      %get3A_673 = tpu.vector_load %arg8[%get3A_671, %get3A_672] {strides = array<i32>} : memref<2x768xf32, #tpu.memory_space<vmem>>, vector<1x16xf32>,
      %get3A_674 = vector.shape_cast %get3A_673 : vector<1x16xf32> to vector<16xf32>
      %get3A_675 = arith.index_cast %select_n3A : i32 to index
      %get3A_676 = arith.constant 336 : index
      %get3A_677 = tpu.vector_load %arg8[%get3A_675, %get3A_676] {strides = array<i32>} : memref<2x768xf32, #tpu.memory_space<vmem>>, vector<1x16xf32>,
      %get3A_678 = vector.shape_cast %get3A_677 : vector<1x16xf32> to vector<16xf32>
      %get3A_679 = arith.index_cast %select_n3A : i32 to index
      %get3A_680 = arith.constant 352 : index
      %get3A_681 = tpu.vector_load %arg8[%get3A_679, %get3A_680] {strides = array<i32>} : memref<2x768xf32, #tpu.memory_space<vmem>>, vector<1x16xf32>,
      %get3A_682 = vector.shape_cast %get3A_681 : vector<1x16xf32> to vector<16xf32>
      %get3A_683 = arith.index_cast %select_n3A : i32 to index
      %get3A_684 = arith.constant 368 : index
      %get3A_685 = tpu.vector_load %arg8[%get3A_683, %get3A_684] {strides = array<i32>} : memref<2x768xf32, #tpu.memory_space<vmem>>, vector<1x16xf32>,
      %get3A_686 = vector.shape_cast %get3A_685 : vector<1x16xf32> to vector<16xf32>
      %get3A_687 = arith.index_cast %select_n3A : i32 to index
      %get3A_688 = arith.constant 384 : index
      %get3A_689 = tpu.vector_load %arg8[%get3A_687, %get3A_688] {strides = array<i32>} : memref<2x768xf32, #tpu.memory_space<vmem>>, vector<1x16xf32>,
      %get3A_690 = vector.shape_cast %get3A_689 : vector<1x16xf32> to vector<16xf32>
      %get3A_691 = arith.index_cast %select_n3A : i32 to index
      %get3A_692 = arith.constant 400 : index
      %get3A_693 = tpu.vector_load %arg8[%get3A_691, %get3A_692] {strides = array<i32>} : memref<2x768xf32, #tpu.memory_space<vmem>>, vector<1x16xf32>,
      %get3A_694 = vector.shape_cast %get3A_693 : vector<1x16xf32> to vector<16xf32>
      %get3A_695 = arith.index_cast %select_n3A : i32 to index
      %get3A_696 = arith.constant 416 : index
      %get3A_697 = tpu.vector_load %arg8[%get3A_695, %get3A_696] {strides = array<i32>} : memref<2x768xf32, #tpu.memory_space<vmem>>, vector<1x16xf32>,
      %get3A_698 = vector.shape_cast %get3A_697 : vector<1x16xf32> to vector<16xf32>
      %get3A_699 = arith.index_cast %select_n3A : i32 to index
      %get3A_700 = arith.constant 432 : index
      %get3A_701 = tpu.vector_load %arg8[%get3A_699, %get3A_700] {strides = array<i32>} : memref<2x768xf32, #tpu.memory_space<vmem>>, vector<1x16xf32>,
      %get3A_702 = vector.shape_cast %get3A_701 : vector<1x16xf32> to vector<16xf32>
      %get3A_703 = arith.index_cast %select_n3A : i32 to index
      %get3A_704 = arith.constant 448 : index
      %get3A_705 = tpu.vector_load %arg8[%get3A_703, %get3A_704] {strides = array<i32>} : memref<2x768xf32, #tpu.memory_space<vmem>>, vector<1x16xf32>,
      %get3A_706 = vector.shape_cast %get3A_705 : vector<1x16xf32> to vector<16xf32>
      %get3A_707 = arith.index_cast %select_n3A : i32 to index
      %get3A_708 = arith.constant 464 : index
      %get3A_709 = tpu.vector_load %arg8[%get3A_707, %get3A_708] {strides = array<i32>} : memref<2x768xf32, #tpu.memory_space<vmem>>, vector<1x16xf32>,
      %get3A_710 = vector.shape_cast %get3A_709 : vector<1x16xf32> to vector<16xf32>
      %get3A_711 = arith.index_cast %select_n3A : i32 to index
      %get3A_712 = arith.constant 480 : index
      %get3A_713 = tpu.vector_load %arg8[%get3A_711, %get3A_712] {strides = array<i32>} : memref<2x768xf32, #tpu.memory_space<vmem>>, vector<1x16xf32>,
      %get3A_714 = vector.shape_cast %get3A_713 : vector<1x16xf32> to vector<16xf32>
      %get3A_715 = arith.index_cast %select_n3A : i32 to index
      %get3A_716 = arith.constant 496 : index
      %get3A_717 = tpu.vector_load %arg8[%get3A_715, %get3A_716] {strides = array<i32>} : memref<2x768xf32, #tpu.memory_space<vmem>>, vector<1x16xf32>,
      %get3A_718 = vector.shape_cast %get3A_717 : vector<1x16xf32> to vector<16xf32>
      %get3A_719 = arith.index_cast %select_n3A : i32 to index
      %get3A_720 = arith.constant 512 : index
      %get3A_721 = tpu.vector_load %arg8[%get3A_719, %get3A_720] {strides = array<i32>} : memref<2x768xf32, #tpu.memory_space<vmem>>, vector<1x16xf32>,
      %get3A_722 = vector.shape_cast %get3A_721 : vector<1x16xf32> to vector<16xf32>
      %get3A_723 = arith.index_cast %select_n3A : i32 to index
      %get3A_724 = arith.constant 528 : index
      %get3A_725 = tpu.vector_load %arg8[%get3A_723, %get3A_724] {strides = array<i32>} : memref<2x768xf32, #tpu.memory_space<vmem>>, vector<1x16xf32>,
      %get3A_726 = vector.shape_cast %get3A_725 : vector<1x16xf32> to vector<16xf32>
      %get3A_727 = arith.index_cast %select_n3A : i32 to index
      %get3A_728 = arith.constant 544 : index
      %get3A_729 = tpu.vector_load %arg8[%get3A_727, %get3A_728] {strides = array<i32>} : memref<2x768xf32, #tpu.memory_space<vmem>>, vector<1x16xf32>,
      %get3A_730 = vector.shape_cast %get3A_729 : vector<1x16xf32> to vector<16xf32>
      %get3A_731 = arith.index_cast %select_n3A : i32 to index
      %get3A_732 = arith.constant 560 : index
      %get3A_733 = tpu.vector_load %arg8[%get3A_731, %get3A_732] {strides = array<i32>} : memref<2x768xf32, #tpu.memory_space<vmem>>, vector<1x16xf32>,
      %get3A_734 = vector.shape_cast %get3A_733 : vector<1x16xf32> to vector<16xf32>
      %get3A_735 = arith.index_cast %select_n3A : i32 to index
      %get3A_736 = arith.constant 576 : index
      %get3A_737 = tpu.vector_load %arg8[%get3A_735, %get3A_736] {strides = array<i32>} : memref<2x768xf32, #tpu.memory_space<vmem>>, vector<1x16xf32>,
      %get3A_738 = vector.shape_cast %get3A_737 : vector<1x16xf32> to vector<16xf32>
      %get3A_739 = arith.index_cast %select_n3A : i32 to index
      %get3A_740 = arith.constant 592 : index
      %get3A_741 = tpu.vector_load %arg8[%get3A_739, %get3A_740] {strides = array<i32>} : memref<2x768xf32, #tpu.memory_space<vmem>>, vector<1x16xf32>,
      %get3A_742 = vector.shape_cast %get3A_741 : vector<1x16xf32> to vector<16xf32>
      %get3A_743 = arith.index_cast %select_n3A : i32 to index
      %get3A_744 = arith.constant 608 : index
      %get3A_745 = tpu.vector_load %arg8[%get3A_743, %get3A_744] {strides = array<i32>} : memref<2x768xf32, #tpu.memory_space<vmem>>, vector<1x16xf32>,
      %get3A_746 = vector.shape_cast %get3A_745 : vector<1x16xf32> to vector<16xf32>
      %get3A_747 = arith.index_cast %select_n3A : i32 to index
      %get3A_748 = arith.constant 624 : index
      %get3A_749 = tpu.vector_load %arg8[%get3A_747, %get3A_748] {strides = array<i32>} : memref<2x768xf32, #tpu.memory_space<vmem>>, vector<1x16xf32>,
      %get3A_750 = vector.shape_cast %get3A_749 : vector<1x16xf32> to vector<16xf32>
      %get3A_751 = arith.index_cast %select_n3A : i32 to index
      %get3A_752 = arith.constant 640 : index
      %get3A_753 = tpu.vector_load %arg8[%get3A_751, %get3A_752] {strides = array<i32>} : memref<2x768xf32, #tpu.memory_space<vmem>>, vector<1x16xf32>,
      %get3A_754 = vector.shape_cast %get3A_753 : vector<1x16xf32> to vector<16xf32>
      %get3A_755 = arith.index_cast %select_n3A : i32 to index
      %get3A_756 = arith.constant 656 : index
      %get3A_757 = tpu.vector_load %arg8[%get3A_755, %get3A_756] {strides = array<i32>} : memref<2x768xf32, #tpu.memory_space<vmem>>, vector<1x16xf32>,
      %get3A_758 = vector.shape_cast %get3A_757 : vector<1x16xf32> to vector<16xf32>
      %get3A_759 = arith.index_cast %select_n3A : i32 to index
      %get3A_760 = arith.constant 672 : index
      %get3A_761 = tpu.vector_load %arg8[%get3A_759, %get3A_760] {strides = array<i32>} : memref<2x768xf32, #tpu.memory_space<vmem>>, vector<1x16xf32>,
      %get3A_762 = vector.shape_cast %get3A_761 : vector<1x16xf32> to vector<16xf32>
      %get3A_763 = arith.index_cast %select_n3A : i32 to index
      %get3A_764 = arith.constant 688 : index
      %get3A_765 = tpu.vector_load %arg8[%get3A_763, %get3A_764] {strides = array<i32>} : memref<2x768xf32, #tpu.memory_space<vmem>>, vector<1x16xf32>,
      %get3A_766 = vector.shape_cast %get3A_765 : vector<1x16xf32> to vector<16xf32>
      %get3A_767 = arith.index_cast %select_n3A : i32 to index
      %get3A_768 = arith.constant 704 : index
      %get3A_769 = tpu.vector_load %arg8[%get3A_767, %get3A_768] {strides = array<i32>} : memref<2x768xf32, #tpu.memory_space<vmem>>, vector<1x16xf32>,
      %get3A_770 = vector.shape_cast %get3A_769 : vector<1x16xf32> to vector<16xf32>
      %get3A_771 = arith.index_cast %select_n3A : i32 to index
      %get3A_772 = arith.constant 720 : index
      %get3A_773 = tpu.vector_load %arg8[%get3A_771, %get3A_772] {strides = array<i32>} : memref<2x768xf32, #tpu.memory_space<vmem>>, vector<1x16xf32>,
      %get3A_774 = vector.shape_cast %get3A_773 : vector<1x16xf32> to vector<16xf32>
      %get3A_775 = arith.index_cast %select_n3A : i32 to index
      %get3A_776 = arith.constant 736 : index
      %get3A_777 = tpu.vector_load %arg8[%get3A_775, %get3A_776] {strides = array<i32>} : memref<2x768xf32, #tpu.memory_space<vmem>>, vector<1x16xf32>,
      %get3A_778 = vector.shape_cast %get3A_777 : vector<1x16xf32> to vector<16xf32>
      %get3A_779 = arith.index_cast %select_n3A : i32 to index
      %get3A_780 = arith.constant 752 : index
      %get3A_781 = tpu.vector_load %arg8[%get3A_779, %get3A_780] {strides = array<i32>} : memref<2x768xf32, #tpu.memory_space<vmem>>, vector<1x16xf32>,
      %get3A_782 = vector.shape_cast %get3A_781 : vector<1x16xf32> to vector<16xf32>
      %dma_wait3A_783 = arith.constant 0 : i32
      %dma_wait3A_784 = tpu.memref_slice %arg6[%dma_wait3A_783] : memref<2048xi32, #tpu.memory_space<vmem>> -> memref<64xi32, #tpu.memory_space<vmem>>
      %dma_wait3A_785 = arith.constant 0 : i32
      %dma_wait3A_786 = arith.constant 0 : i32
      %dma_wait3A_787 = tpu.memref_slice %arg3[%dma_wait3A_785, %dma_wait3A_786] : memref<32000x768xf32, #tpu.memory_space<hbm>> -> memref<32000x768xf32, #tpu.memory_space<hbm>>
      tpu.wait_indirect_dma semaphore(%arg12 : memref<!tpu.dma_semaphore, #tpu.memory_space<semaphore_mem>>) src(%dma_wait3A_787 : memref<32000x768xf32, #tpu.memory_space<hbm>>) dst(%arg10 : memref<64x768xf32, #tpu.memory_space<vmem>>)
      %scan3A_788 = arith.constant 0 : i32
      %scan3A_789 = arith.constant 64 : i32
      %scan3A_790 = arith.addi %scan3A_788, %scan3A_789 : i32
      %scan3A_791 = arith.constant 1 : i32
      scf.for %scan3A_1053 = %scan3A_788 to %scan3A_790 step %scan3A_791  : i32 {
        %get3A_1054 = arith.index_cast %scan3A_1053 : i32 to index
        %get3A_1055 = arith.constant 0 : index
        %get3A_1056 = tpu.vector_load %arg10[%get3A_1054, %get3A_1055] {strides = array<i32>} : memref<64x768xf32, #tpu.memory_space<vmem>>, vector<1x16xf32>,
        %get3A_1057 = vector.shape_cast %get3A_1056 : vector<1x16xf32> to vector<16xf32>
        %add3A_1058 = arith.addf %get3A_1057, %get3A_594 : vector<16xf32>
        %swap3A = arith.index_cast %scan3A_1053 : i32 to index
        %swap3A_1059 = arith.constant 0 : index
        %swap3A_1060 = tpu.vector_load %arg10[%swap3A, %swap3A_1059] {strides = array<i32>} : memref<64x768xf32, #tpu.memory_space<vmem>>, vector<1x16xf32>,
        %swap3A_1061 = vector.shape_cast %swap3A_1060 : vector<1x16xf32> to vector<16xf32>
        %swap3A_1062 = vector.shape_cast %add3A_1058 : vector<16xf32> to vector<1x16xf32>
        tpu.vector_store %arg10[%swap3A, %swap3A_1059], %swap3A_1062 {strides = array<i32>} : memref<64x768xf32, #tpu.memory_space<vmem>>, vector<1x16xf32>,
        %get3A_1063 = arith.index_cast %scan3A_1053 : i32 to index
        %get3A_1064 = arith.constant 16 : index
        %get3A_1065 = tpu.vector_load %arg10[%get3A_1063, %get3A_1064] {strides = array<i32>} : memref<64x768xf32, #tpu.memory_space<vmem>>, vector<1x16xf32>,
        %get3A_1066 = vector.shape_cast %get3A_1065 : vector<1x16xf32> to vector<16xf32>
        %add3A_1067 = arith.addf %get3A_1066, %get3A_598 : vector<16xf32>
        %swap3A_1068 = arith.index_cast %scan3A_1053 : i32 to index
        %swap3A_1069 = arith.constant 16 : index
        %swap3A_1070 = tpu.vector_load %arg10[%swap3A_1068, %swap3A_1069] {strides = array<i32>} : memref<64x768xf32, #tpu.memory_space<vmem>>, vector<1x16xf32>,
        %swap3A_1071 = vector.shape_cast %swap3A_1070 : vector<1x16xf32> to vector<16xf32>
        %swap3A_1072 = vector.shape_cast %add3A_1067 : vector<16xf32> to vector<1x16xf32>
        tpu.vector_store %arg10[%swap3A_1068, %swap3A_1069], %swap3A_1072 {strides = array<i32>} : memref<64x768xf32, #tpu.memory_space<vmem>>, vector<1x16xf32>,
        %get3A_1073 = arith.index_cast %scan3A_1053 : i32 to index
        %get3A_1074 = arith.constant 32 : index
        %get3A_1075 = tpu.vector_load %arg10[%get3A_1073, %get3A_1074] {strides = array<i32>} : memref<64x768xf32, #tpu.memory_space<vmem>>, vector<1x16xf32>,
        %get3A_1076 = vector.shape_cast %get3A_1075 : vector<1x16xf32> to vector<16xf32>
        %add3A_1077 = arith.addf %get3A_1076, %get3A_602 : vector<16xf32>
        %swap3A_1078 = arith.index_cast %scan3A_1053 : i32 to index
        %swap3A_1079 = arith.constant 32 : index
        %swap3A_1080 = tpu.vector_load %arg10[%swap3A_1078, %swap3A_1079] {strides = array<i32>} : memref<64x768xf32, #tpu.memory_space<vmem>>, vector<1x16xf32>,
        %swap3A_1081 = vector.shape_cast %swap3A_1080 : vector<1x16xf32> to vector<16xf32>
        %swap3A_1082 = vector.shape_cast %add3A_1077 : vector<16xf32> to vector<1x16xf32>
        tpu.vector_store %arg10[%swap3A_1078, %swap3A_1079], %swap3A_1082 {strides = array<i32>} : memref<64x768xf32, #tpu.memory_space<vmem>>, vector<1x16xf32>,
        %get3A_1083 = arith.index_cast %scan3A_1053 : i32 to index
        %get3A_1084 = arith.constant 48 : index
        %get3A_1085 = tpu.vector_load %arg10[%get3A_1083, %get3A_1084] {strides = array<i32>} : memref<64x768xf32, #tpu.memory_space<vmem>>, vector<1x16xf32>,
        %get3A_1086 = vector.shape_cast %get3A_1085 : vector<1x16xf32> to vector<16xf32>
        %add3A_1087 = arith.addf %get3A_1086, %get3A_606 : vector<16xf32>
        %swap3A_1088 = arith.index_cast %scan3A_1053 : i32 to index
        %swap3A_1089 = arith.constant 48 : index
        %swap3A_1090 = tpu.vector_load %arg10[%swap3A_1088, %swap3A_1089] {strides = array<i32>} : memref<64x768xf32, #tpu.memory_space<vmem>>, vector<1x16xf32>,
        %swap3A_1091 = vector.shape_cast %swap3A_1090 : vector<1x16xf32> to vector<16xf32>
        %swap3A_1092 = vector.shape_cast %add3A_1087 : vector<16xf32> to vector<1x16xf32>
        tpu.vector_store %arg10[%swap3A_1088, %swap3A_1089], %swap3A_1092 {strides = array<i32>} : memref<64x768xf32, #tpu.memory_space<vmem>>, vector<1x16xf32>,
        %get3A_1093 = arith.index_cast %scan3A_1053 : i32 to index
        %get3A_1094 = arith.constant 64 : index
        %get3A_1095 = tpu.vector_load %arg10[%get3A_1093, %get3A_1094] {strides = array<i32>} : memref<64x768xf32, #tpu.memory_space<vmem>>, vector<1x16xf32>,
        %get3A_1096 = vector.shape_cast %get3A_1095 : vector<1x16xf32> to vector<16xf32>
        %add3A_1097 = arith.addf %get3A_1096, %get3A_610 : vector<16xf32>
        %swap3A_1098 = arith.index_cast %scan3A_1053 : i32 to index
        %swap3A_1099 = arith.constant 64 : index
        %swap3A_1100 = tpu.vector_load %arg10[%swap3A_1098, %swap3A_1099] {strides = array<i32>} : memref<64x768xf32, #tpu.memory_space<vmem>>, vector<1x16xf32>,
        %swap3A_1101 = vector.shape_cast %swap3A_1100 : vector<1x16xf32> to vector<16xf32>
        %swap3A_1102 = vector.shape_cast %add3A_1097 : vector<16xf32> to vector<1x16xf32>
        tpu.vector_store %arg10[%swap3A_1098, %swap3A_1099], %swap3A_1102 {strides = array<i32>} : memref<64x768xf32, #tpu.memory_space<vmem>>, vector<1x16xf32>,
        %get3A_1103 = arith.index_cast %scan3A_1053 : i32 to index
        %get3A_1104 = arith.constant 80 : index
        %get3A_1105 = tpu.vector_load %arg10[%get3A_1103, %get3A_1104] {strides = array<i32>} : memref<64x768xf32, #tpu.memory_space<vmem>>, vector<1x16xf32>,
        %get3A_1106 = vector.shape_cast %get3A_1105 : vector<1x16xf32> to vector<16xf32>
        %add3A_1107 = arith.addf %get3A_1106, %get3A_614 : vector<16xf32>
        %swap3A_1108 = arith.index_cast %scan3A_1053 : i32 to index
        %swap3A_1109 = arith.constant 80 : index
        %swap3A_1110 = tpu.vector_load %arg10[%swap3A_1108, %swap3A_1109] {strides = array<i32>} : memref<64x768xf32, #tpu.memory_space<vmem>>, vector<1x16xf32>,
        %swap3A_1111 = vector.shape_cast %swap3A_1110 : vector<1x16xf32> to vector<16xf32>
        %swap3A_1112 = vector.shape_cast %add3A_1107 : vector<16xf32> to vector<1x16xf32>
        tpu.vector_store %arg10[%swap3A_1108, %swap3A_1109], %swap3A_1112 {strides = array<i32>} : memref<64x768xf32, #tpu.memory_space<vmem>>, vector<1x16xf32>,
        %get3A_1113 = arith.index_cast %scan3A_1053 : i32 to index
        %get3A_1114 = arith.constant 96 : index
        %get3A_1115 = tpu.vector_load %arg10[%get3A_1113, %get3A_1114] {strides = array<i32>} : memref<64x768xf32, #tpu.memory_space<vmem>>, vector<1x16xf32>,
        %get3A_1116 = vector.shape_cast %get3A_1115 : vector<1x16xf32> to vector<16xf32>
        %add3A_1117 = arith.addf %get3A_1116, %get3A_618 : vector<16xf32>
        %swap3A_1118 = arith.index_cast %scan3A_1053 : i32 to index
        %swap3A_1119 = arith.constant 96 : index
        %swap3A_1120 = tpu.vector_load %arg10[%swap3A_1118, %swap3A_1119] {strides = array<i32>} : memref<64x768xf32, #tpu.memory_space<vmem>>, vector<1x16xf32>,
        %swap3A_1121 = vector.shape_cast %swap3A_1120 : vector<1x16xf32> to vector<16xf32>
        %swap3A_1122 = vector.shape_cast %add3A_1117 : vector<16xf32> to vector<1x16xf32>
        tpu.vector_store %arg10[%swap3A_1118, %swap3A_1119], %swap3A_1122 {strides = array<i32>} : memref<64x768xf32, #tpu.memory_space<vmem>>, vector<1x16xf32>,
        %get3A_1123 = arith.index_cast %scan3A_1053 : i32 to index
        %get3A_1124 = arith.constant 112 : index
        %get3A_1125 = tpu.vector_load %arg10[%get3A_1123, %get3A_1124] {strides = array<i32>} : memref<64x768xf32, #tpu.memory_space<vmem>>, vector<1x16xf32>,
        %get3A_1126 = vector.shape_cast %get3A_1125 : vector<1x16xf32> to vector<16xf32>
        %add3A_1127 = arith.addf %get3A_1126, %get3A_622 : vector<16xf32>
        %swap3A_1128 = arith.index_cast %scan3A_1053 : i32 to index
        %swap3A_1129 = arith.constant 112 : index
        %swap3A_1130 = tpu.vector_load %arg10[%swap3A_1128, %swap3A_1129] {strides = array<i32>} : memref<64x768xf32, #tpu.memory_space<vmem>>, vector<1x16xf32>,
        %swap3A_1131 = vector.shape_cast %swap3A_1130 : vector<1x16xf32> to vector<16xf32>
        %swap3A_1132 = vector.shape_cast %add3A_1127 : vector<16xf32> to vector<1x16xf32>
        tpu.vector_store %arg10[%swap3A_1128, %swap3A_1129], %swap3A_1132 {strides = array<i32>} : memref<64x768xf32, #tpu.memory_space<vmem>>, vector<1x16xf32>,
        %get3A_1133 = arith.index_cast %scan3A_1053 : i32 to index
        %get3A_1134 = arith.constant 128 : index
        %get3A_1135 = tpu.vector_load %arg10[%get3A_1133, %get3A_1134] {strides = array<i32>} : memref<64x768xf32, #tpu.memory_space<vmem>>, vector<1x16xf32>,
        %get3A_1136 = vector.shape_cast %get3A_1135 : vector<1x16xf32> to vector<16xf32>
        %add3A_1137 = arith.addf %get3A_1136, %get3A_626 : vector<16xf32>
        %swap3A_1138 = arith.index_cast %scan3A_1053 : i32 to index
        %swap3A_1139 = arith.constant 128 : index
        %swap3A_1140 = tpu.vector_load %arg10[%swap3A_1138, %swap3A_1139] {strides = array<i32>} : memref<64x768xf32, #tpu.memory_space<vmem>>, vector<1x16xf32>,
        %swap3A_1141 = vector.shape_cast %swap3A_1140 : vector<1x16xf32> to vector<16xf32>
        %swap3A_1142 = vector.shape_cast %add3A_1137 : vector<16xf32> to vector<1x16xf32>
        tpu.vector_store %arg10[%swap3A_1138, %swap3A_1139], %swap3A_1142 {strides = array<i32>} : memref<64x768xf32, #tpu.memory_space<vmem>>, vector<1x16xf32>,
        %get3A_1143 = arith.index_cast %scan3A_1053 : i32 to index
        %get3A_1144 = arith.constant 144 : index
        %get3A_1145 = tpu.vector_load %arg10[%get3A_1143, %get3A_1144] {strides = array<i32>} : memref<64x768xf32, #tpu.memory_space<vmem>>, vector<1x16xf32>,
        %get3A_1146 = vector.shape_cast %get3A_1145 : vector<1x16xf32> to vector<16xf32>
        %add3A_1147 = arith.addf %get3A_1146, %get3A_630 : vector<16xf32>
        %swap3A_1148 = arith.index_cast %scan3A_1053 : i32 to index
        %swap3A_1149 = arith.constant 144 : index
        %swap3A_1150 = tpu.vector_load %arg10[%swap3A_1148, %swap3A_1149] {strides = array<i32>} : memref<64x768xf32, #tpu.memory_space<vmem>>, vector<1x16xf32>,
        %swap3A_1151 = vector.shape_cast %swap3A_1150 : vector<1x16xf32> to vector<16xf32>
        %swap3A_1152 = vector.shape_cast %add3A_1147 : vector<16xf32> to vector<1x16xf32>
        tpu.vector_store %arg10[%swap3A_1148, %swap3A_1149], %swap3A_1152 {strides = array<i32>} : memref<64x768xf32, #tpu.memory_space<vmem>>, vector<1x16xf32>,
        %get3A_1153 = arith.index_cast %scan3A_1053 : i32 to index
        %get3A_1154 = arith.constant 160 : index
        %get3A_1155 = tpu.vector_load %arg10[%get3A_1153, %get3A_1154] {strides = array<i32>} : memref<64x768xf32, #tpu.memory_space<vmem>>, vector<1x16xf32>,
        %get3A_1156 = vector.shape_cast %get3A_1155 : vector<1x16xf32> to vector<16xf32>
        %add3A_1157 = arith.addf %get3A_1156, %get3A_634 : vector<16xf32>
        %swap3A_1158 = arith.index_cast %scan3A_1053 : i32 to index
        %swap3A_1159 = arith.constant 160 : index
        %swap3A_1160 = tpu.vector_load %arg10[%swap3A_1158, %swap3A_1159] {strides = array<i32>} : memref<64x768xf32, #tpu.memory_space<vmem>>, vector<1x16xf32>,
        %swap3A_1161 = vector.shape_cast %swap3A_1160 : vector<1x16xf32> to vector<16xf32>
        %swap3A_1162 = vector.shape_cast %add3A_1157 : vector<16xf32> to vector<1x16xf32>
        tpu.vector_store %arg10[%swap3A_1158, %swap3A_1159], %swap3A_1162 {strides = array<i32>} : memref<64x768xf32, #tpu.memory_space<vmem>>, vector<1x16xf32>,
        %get3A_1163 = arith.index_cast %scan3A_1053 : i32 to index
        %get3A_1164 = arith.constant 176 : index
        %get3A_1165 = tpu.vector_load %arg10[%get3A_1163, %get3A_1164] {strides = array<i32>} : memref<64x768xf32, #tpu.memory_space<vmem>>, vector<1x16xf32>,
        %get3A_1166 = vector.shape_cast %get3A_1165 : vector<1x16xf32> to vector<16xf32>
        %add3A_1167 = arith.addf %get3A_1166, %get3A_638 : vector<16xf32>
        %swap3A_1168 = arith.index_cast %scan3A_1053 : i32 to index
        %swap3A_1169 = arith.constant 176 : index
        %swap3A_1170 = tpu.vector_load %arg10[%swap3A_1168, %swap3A_1169] {strides = array<i32>} : memref<64x768xf32, #tpu.memory_space<vmem>>, vector<1x16xf32>,
        %swap3A_1171 = vector.shape_cast %swap3A_1170 : vector<1x16xf32> to vector<16xf32>
        %swap3A_1172 = vector.shape_cast %add3A_1167 : vector<16xf32> to vector<1x16xf32>
        tpu.vector_store %arg10[%swap3A_1168, %swap3A_1169], %swap3A_1172 {strides = array<i32>} : memref<64x768xf32, #tpu.memory_space<vmem>>, vector<1x16xf32>,
        %get3A_1173 = arith.index_cast %scan3A_1053 : i32 to index
        %get3A_1174 = arith.constant 192 : index
        %get3A_1175 = tpu.vector_load %arg10[%get3A_1173, %get3A_1174] {strides = array<i32>} : memref<64x768xf32, #tpu.memory_space<vmem>>, vector<1x16xf32>,
        %get3A_1176 = vector.shape_cast %get3A_1175 : vector<1x16xf32> to vector<16xf32>
        %add3A_1177 = arith.addf %get3A_1176, %get3A_642 : vector<16xf32>
        %swap3A_1178 = arith.index_cast %scan3A_1053 : i32 to index
        %swap3A_1179 = arith.constant 192 : index
        %swap3A_1180 = tpu.vector_load %arg10[%swap3A_1178, %swap3A_1179] {strides = array<i32>} : memref<64x768xf32, #tpu.memory_space<vmem>>, vector<1x16xf32>,
        %swap3A_1181 = vector.shape_cast %swap3A_1180 : vector<1x16xf32> to vector<16xf32>
        %swap3A_1182 = vector.shape_cast %add3A_1177 : vector<16xf32> to vector<1x16xf32>
        tpu.vector_store %arg10[%swap3A_1178, %swap3A_1179], %swap3A_1182 {strides = array<i32>} : memref<64x768xf32, #tpu.memory_space<vmem>>, vector<1x16xf32>,
        %get3A_1183 = arith.index_cast %scan3A_1053 : i32 to index
        %get3A_1184 = arith.constant 208 : index
        %get3A_1185 = tpu.vector_load %arg10[%get3A_1183, %get3A_1184] {strides = array<i32>} : memref<64x768xf32, #tpu.memory_space<vmem>>, vector<1x16xf32>,
        %get3A_1186 = vector.shape_cast %get3A_1185 : vector<1x16xf32> to vector<16xf32>
        %add3A_1187 = arith.addf %get3A_1186, %get3A_646 : vector<16xf32>
        %swap3A_1188 = arith.index_cast %scan3A_1053 : i32 to index
        %swap3A_1189 = arith.constant 208 : index
        %swap3A_1190 = tpu.vector_load %arg10[%swap3A_1188, %swap3A_1189] {strides = array<i32>} : memref<64x768xf32, #tpu.memory_space<vmem>>, vector<1x16xf32>,
        %swap3A_1191 = vector.shape_cast %swap3A_1190 : vector<1x16xf32> to vector<16xf32>
        %swap3A_1192 = vector.shape_cast %add3A_1187 : vector<16xf32> to vector<1x16xf32>
        tpu.vector_store %arg10[%swap3A_1188, %swap3A_1189], %swap3A_1192 {strides = array<i32>} : memref<64x768xf32, #tpu.memory_space<vmem>>, vector<1x16xf32>,
        %get3A_1193 = arith.index_cast %scan3A_1053 : i32 to index
        %get3A_1194 = arith.constant 224 : index
        %get3A_1195 = tpu.vector_load %arg10[%get3A_1193, %get3A_1194] {strides = array<i32>} : memref<64x768xf32, #tpu.memory_space<vmem>>, vector<1x16xf32>,
        %get3A_1196 = vector.shape_cast %get3A_1195 : vector<1x16xf32> to vector<16xf32>
        %add3A_1197 = arith.addf %get3A_1196, %get3A_650 : vector<16xf32>
        %swap3A_1198 = arith.index_cast %scan3A_1053 : i32 to index
        %swap3A_1199 = arith.constant 224 : index
        %swap3A_1200 = tpu.vector_load %arg10[%swap3A_1198, %swap3A_1199] {strides = array<i32>} : memref<64x768xf32, #tpu.memory_space<vmem>>, vector<1x16xf32>,
        %swap3A_1201 = vector.shape_cast %swap3A_1200 : vector<1x16xf32> to vector<16xf32>
        %swap3A_1202 = vector.shape_cast %add3A_1197 : vector<16xf32> to vector<1x16xf32>
        tpu.vector_store %arg10[%swap3A_1198, %swap3A_1199], %swap3A_1202 {strides = array<i32>} : memref<64x768xf32, #tpu.memory_space<vmem>>, vector<1x16xf32>,
        %get3A_1203 = arith.index_cast %scan3A_1053 : i32 to index
        %get3A_1204 = arith.constant 240 : index
        %get3A_1205 = tpu.vector_load %arg10[%get3A_1203, %get3A_1204] {strides = array<i32>} : memref<64x768xf32, #tpu.memory_space<vmem>>, vector<1x16xf32>,
        %get3A_1206 = vector.shape_cast %get3A_1205 : vector<1x16xf32> to vector<16xf32>
        %add3A_1207 = arith.addf %get3A_1206, %get3A_654 : vector<16xf32>
        %swap3A_1208 = arith.index_cast %scan3A_1053 : i32 to index
        %swap3A_1209 = arith.constant 240 : index
        %swap3A_1210 = tpu.vector_load %arg10[%swap3A_1208, %swap3A_1209] {strides = array<i32>} : memref<64x768xf32, #tpu.memory_space<vmem>>, vector<1x16xf32>,
        %swap3A_1211 = vector.shape_cast %swap3A_1210 : vector<1x16xf32> to vector<16xf32>
        %swap3A_1212 = vector.shape_cast %add3A_1207 : vector<16xf32> to vector<1x16xf32>
        tpu.vector_store %arg10[%swap3A_1208, %swap3A_1209], %swap3A_1212 {strides = array<i32>} : memref<64x768xf32, #tpu.memory_space<vmem>>, vector<1x16xf32>,
        %get3A_1213 = arith.index_cast %scan3A_1053 : i32 to index
        %get3A_1214 = arith.constant 256 : index
        %get3A_1215 = tpu.vector_load %arg10[%get3A_1213, %get3A_1214] {strides = array<i32>} : memref<64x768xf32, #tpu.memory_space<vmem>>, vector<1x16xf32>,
        %get3A_1216 = vector.shape_cast %get3A_1215 : vector<1x16xf32> to vector<16xf32>
        %add3A_1217 = arith.addf %get3A_1216, %get3A_658 : vector<16xf32>
        %swap3A_1218 = arith.index_cast %scan3A_1053 : i32 to index
        %swap3A_1219 = arith.constant 256 : index
        %swap3A_1220 = tpu.vector_load %arg10[%swap3A_1218, %swap3A_1219] {strides = array<i32>} : memref<64x768xf32, #tpu.memory_space<vmem>>, vector<1x16xf32>,
        %swap3A_1221 = vector.shape_cast %swap3A_1220 : vector<1x16xf32> to vector<16xf32>
        %swap3A_1222 = vector.shape_cast %add3A_1217 : vector<16xf32> to vector<1x16xf32>
        tpu.vector_store %arg10[%swap3A_1218, %swap3A_1219], %swap3A_1222 {strides = array<i32>} : memref<64x768xf32, #tpu.memory_space<vmem>>, vector<1x16xf32>,
        %get3A_1223 = arith.index_cast %scan3A_1053 : i32 to index
        %get3A_1224 = arith.constant 272 : index
        %get3A_1225 = tpu.vector_load %arg10[%get3A_1223, %get3A_1224] {strides = array<i32>} : memref<64x768xf32, #tpu.memory_space<vmem>>, vector<1x16xf32>,
        %get3A_1226 = vector.shape_cast %get3A_1225 : vector<1x16xf32> to vector<16xf32>
        %add3A_1227 = arith.addf %get3A_1226, %get3A_662 : vector<16xf32>
        %swap3A_1228 = arith.index_cast %scan3A_1053 : i32 to index
        %swap3A_1229 = arith.constant 272 : index
        %swap3A_1230 = tpu.vector_load %arg10[%swap3A_1228, %swap3A_1229] {strides = array<i32>} : memref<64x768xf32, #tpu.memory_space<vmem>>, vector<1x16xf32>,
        %swap3A_1231 = vector.shape_cast %swap3A_1230 : vector<1x16xf32> to vector<16xf32>
        %swap3A_1232 = vector.shape_cast %add3A_1227 : vector<16xf32> to vector<1x16xf32>
        tpu.vector_store %arg10[%swap3A_1228, %swap3A_1229], %swap3A_1232 {strides = array<i32>} : memref<64x768xf32, #tpu.memory_space<vmem>>, vector<1x16xf32>,
        %get3A_1233 = arith.index_cast %scan3A_1053 : i32 to index
        %get3A_1234 = arith.constant 288 : index
        %get3A_1235 = tpu.vector_load %arg10[%get3A_1233, %get3A_1234] {strides = array<i32>} : memref<64x768xf32, #tpu.memory_space<vmem>>, vector<1x16xf32>,
        %get3A_1236 = vector.shape_cast %get3A_1235 : vector<1x16xf32> to vector<16xf32>
        %add3A_1237 = arith.addf %get3A_1236, %get3A_666 : vector<16xf32>
        %swap3A_1238 = arith.index_cast %scan3A_1053 : i32 to index
        %swap3A_1239 = arith.constant 288 : index
        %swap3A_1240 = tpu.vector_load %arg10[%swap3A_1238, %swap3A_1239] {strides = array<i32>} : memref<64x768xf32, #tpu.memory_space<vmem>>, vector<1x16xf32>,
        %swap3A_1241 = vector.shape_cast %swap3A_1240 : vector<1x16xf32> to vector<16xf32>
        %swap3A_1242 = vector.shape_cast %add3A_1237 : vector<16xf32> to vector<1x16xf32>
        tpu.vector_store %arg10[%swap3A_1238, %swap3A_1239], %swap3A_1242 {strides = array<i32>} : memref<64x768xf32, #tpu.memory_space<vmem>>, vector<1x16xf32>,
        %get3A_1243 = arith.index_cast %scan3A_1053 : i32 to index
        %get3A_1244 = arith.constant 304 : index
        %get3A_1245 = tpu.vector_load %arg10[%get3A_1243, %get3A_1244] {strides = array<i32>} : memref<64x768xf32, #tpu.memory_space<vmem>>, vector<1x16xf32>,
        %get3A_1246 = vector.shape_cast %get3A_1245 : vector<1x16xf32> to vector<16xf32>
        %add3A_1247 = arith.addf %get3A_1246, %get3A_670 : vector<16xf32>
        %swap3A_1248 = arith.index_cast %scan3A_1053 : i32 to index
        %swap3A_1249 = arith.constant 304 : index
        %swap3A_1250 = tpu.vector_load %arg10[%swap3A_1248, %swap3A_1249] {strides = array<i32>} : memref<64x768xf32, #tpu.memory_space<vmem>>, vector<1x16xf32>,
        %swap3A_1251 = vector.shape_cast %swap3A_1250 : vector<1x16xf32> to vector<16xf32>
        %swap3A_1252 = vector.shape_cast %add3A_1247 : vector<16xf32> to vector<1x16xf32>
        tpu.vector_store %arg10[%swap3A_1248, %swap3A_1249], %swap3A_1252 {strides = array<i32>} : memref<64x768xf32, #tpu.memory_space<vmem>>, vector<1x16xf32>,
        %get3A_1253 = arith.index_cast %scan3A_1053 : i32 to index
        %get3A_1254 = arith.constant 320 : index
        %get3A_1255 = tpu.vector_load %arg10[%get3A_1253, %get3A_1254] {strides = array<i32>} : memref<64x768xf32, #tpu.memory_space<vmem>>, vector<1x16xf32>,
        %get3A_1256 = vector.shape_cast %get3A_1255 : vector<1x16xf32> to vector<16xf32>
        %add3A_1257 = arith.addf %get3A_1256, %get3A_674 : vector<16xf32>
        %swap3A_1258 = arith.index_cast %scan3A_1053 : i32 to index
        %swap3A_1259 = arith.constant 320 : index
        %swap3A_1260 = tpu.vector_load %arg10[%swap3A_1258, %swap3A_1259] {strides = array<i32>} : memref<64x768xf32, #tpu.memory_space<vmem>>, vector<1x16xf32>,
        %swap3A_1261 = vector.shape_cast %swap3A_1260 : vector<1x16xf32> to vector<16xf32>
        %swap3A_1262 = vector.shape_cast %add3A_1257 : vector<16xf32> to vector<1x16xf32>
        tpu.vector_store %arg10[%swap3A_1258, %swap3A_1259], %swap3A_1262 {strides = array<i32>} : memref<64x768xf32, #tpu.memory_space<vmem>>, vector<1x16xf32>,
        %get3A_1263 = arith.index_cast %scan3A_1053 : i32 to index
        %get3A_1264 = arith.constant 336 : index
        %get3A_1265 = tpu.vector_load %arg10[%get3A_1263, %get3A_1264] {strides = array<i32>} : memref<64x768xf32, #tpu.memory_space<vmem>>, vector<1x16xf32>,
        %get3A_1266 = vector.shape_cast %get3A_1265 : vector<1x16xf32> to vector<16xf32>
        %add3A_1267 = arith.addf %get3A_1266, %get3A_678 : vector<16xf32>
        %swap3A_1268 = arith.index_cast %scan3A_1053 : i32 to index
        %swap3A_1269 = arith.constant 336 : index
        %swap3A_1270 = tpu.vector_load %arg10[%swap3A_1268, %swap3A_1269] {strides = array<i32>} : memref<64x768xf32, #tpu.memory_space<vmem>>, vector<1x16xf32>,
        %swap3A_1271 = vector.shape_cast %swap3A_1270 : vector<1x16xf32> to vector<16xf32>
        %swap3A_1272 = vector.shape_cast %add3A_1267 : vector<16xf32> to vector<1x16xf32>
        tpu.vector_store %arg10[%swap3A_1268, %swap3A_1269], %swap3A_1272 {strides = array<i32>} : memref<64x768xf32, #tpu.memory_space<vmem>>, vector<1x16xf32>,
        %get3A_1273 = arith.index_cast %scan3A_1053 : i32 to index
        %get3A_1274 = arith.constant 352 : index
        %get3A_1275 = tpu.vector_load %arg10[%get3A_1273, %get3A_1274] {strides = array<i32>} : memref<64x768xf32, #tpu.memory_space<vmem>>, vector<1x16xf32>,
        %get3A_1276 = vector.shape_cast %get3A_1275 : vector<1x16xf32> to vector<16xf32>
        %add3A_1277 = arith.addf %get3A_1276, %get3A_682 : vector<16xf32>
        %swap3A_1278 = arith.index_cast %scan3A_1053 : i32 to index
        %swap3A_1279 = arith.constant 352 : index
        %swap3A_1280 = tpu.vector_load %arg10[%swap3A_1278, %swap3A_1279] {strides = array<i32>} : memref<64x768xf32, #tpu.memory_space<vmem>>, vector<1x16xf32>,
        %swap3A_1281 = vector.shape_cast %swap3A_1280 : vector<1x16xf32> to vector<16xf32>
        %swap3A_1282 = vector.shape_cast %add3A_1277 : vector<16xf32> to vector<1x16xf32>
        tpu.vector_store %arg10[%swap3A_1278, %swap3A_1279], %swap3A_1282 {strides = array<i32>} : memref<64x768xf32, #tpu.memory_space<vmem>>, vector<1x16xf32>,
        %get3A_1283 = arith.index_cast %scan3A_1053 : i32 to index
        %get3A_1284 = arith.constant 368 : index
        %get3A_1285 = tpu.vector_load %arg10[%get3A_1283, %get3A_1284] {strides = array<i32>} : memref<64x768xf32, #tpu.memory_space<vmem>>, vector<1x16xf32>,
        %get3A_1286 = vector.shape_cast %get3A_1285 : vector<1x16xf32> to vector<16xf32>
        %add3A_1287 = arith.addf %get3A_1286, %get3A_686 : vector<16xf32>
        %swap3A_1288 = arith.index_cast %scan3A_1053 : i32 to index
        %swap3A_1289 = arith.constant 368 : index
        %swap3A_1290 = tpu.vector_load %arg10[%swap3A_1288, %swap3A_1289] {strides = array<i32>} : memref<64x768xf32, #tpu.memory_space<vmem>>, vector<1x16xf32>,
        %swap3A_1291 = vector.shape_cast %swap3A_1290 : vector<1x16xf32> to vector<16xf32>
        %swap3A_1292 = vector.shape_cast %add3A_1287 : vector<16xf32> to vector<1x16xf32>
        tpu.vector_store %arg10[%swap3A_1288, %swap3A_1289], %swap3A_1292 {strides = array<i32>} : memref<64x768xf32, #tpu.memory_space<vmem>>, vector<1x16xf32>,
        %get3A_1293 = arith.index_cast %scan3A_1053 : i32 to index
        %get3A_1294 = arith.constant 384 : index
        %get3A_1295 = tpu.vector_load %arg10[%get3A_1293, %get3A_1294] {strides = array<i32>} : memref<64x768xf32, #tpu.memory_space<vmem>>, vector<1x16xf32>,
        %get3A_1296 = vector.shape_cast %get3A_1295 : vector<1x16xf32> to vector<16xf32>
        %add3A_1297 = arith.addf %get3A_1296, %get3A_690 : vector<16xf32>
        %swap3A_1298 = arith.index_cast %scan3A_1053 : i32 to index
        %swap3A_1299 = arith.constant 384 : index
        %swap3A_1300 = tpu.vector_load %arg10[%swap3A_1298, %swap3A_1299] {strides = array<i32>} : memref<64x768xf32, #tpu.memory_space<vmem>>, vector<1x16xf32>,
        %swap3A_1301 = vector.shape_cast %swap3A_1300 : vector<1x16xf32> to vector<16xf32>
        %swap3A_1302 = vector.shape_cast %add3A_1297 : vector<16xf32> to vector<1x16xf32>
        tpu.vector_store %arg10[%swap3A_1298, %swap3A_1299], %swap3A_1302 {strides = array<i32>} : memref<64x768xf32, #tpu.memory_space<vmem>>, vector<1x16xf32>,
        %get3A_1303 = arith.index_cast %scan3A_1053 : i32 to index
        %get3A_1304 = arith.constant 400 : index
        %get3A_1305 = tpu.vector_load %arg10[%get3A_1303, %get3A_1304] {strides = array<i32>} : memref<64x768xf32, #tpu.memory_space<vmem>>, vector<1x16xf32>,
        %get3A_1306 = vector.shape_cast %get3A_1305 : vector<1x16xf32> to vector<16xf32>
        %add3A_1307 = arith.addf %get3A_1306, %get3A_694 : vector<16xf32>
        %swap3A_1308 = arith.index_cast %scan3A_1053 : i32 to index
        %swap3A_1309 = arith.constant 400 : index
        %swap3A_1310 = tpu.vector_load %arg10[%swap3A_1308, %swap3A_1309] {strides = array<i32>} : memref<64x768xf32, #tpu.memory_space<vmem>>, vector<1x16xf32>,
        %swap3A_1311 = vector.shape_cast %swap3A_1310 : vector<1x16xf32> to vector<16xf32>
        %swap3A_1312 = vector.shape_cast %add3A_1307 : vector<16xf32> to vector<1x16xf32>
        tpu.vector_store %arg10[%swap3A_1308, %swap3A_1309], %swap3A_1312 {strides = array<i32>} : memref<64x768xf32, #tpu.memory_space<vmem>>, vector<1x16xf32>,
        %get3A_1313 = arith.index_cast %scan3A_1053 : i32 to index
        %get3A_1314 = arith.constant 416 : index
        %get3A_1315 = tpu.vector_load %arg10[%get3A_1313, %get3A_1314] {strides = array<i32>} : memref<64x768xf32, #tpu.memory_space<vmem>>, vector<1x16xf32>,
        %get3A_1316 = vector.shape_cast %get3A_1315 : vector<1x16xf32> to vector<16xf32>
        %add3A_1317 = arith.addf %get3A_1316, %get3A_698 : vector<16xf32>
        %swap3A_1318 = arith.index_cast %scan3A_1053 : i32 to index
        %swap3A_1319 = arith.constant 416 : index
        %swap3A_1320 = tpu.vector_load %arg10[%swap3A_1318, %swap3A_1319] {strides = array<i32>} : memref<64x768xf32, #tpu.memory_space<vmem>>, vector<1x16xf32>,
        %swap3A_1321 = vector.shape_cast %swap3A_1320 : vector<1x16xf32> to vector<16xf32>
        %swap3A_1322 = vector.shape_cast %add3A_1317 : vector<16xf32> to vector<1x16xf32>
        tpu.vector_store %arg10[%swap3A_1318, %swap3A_1319], %swap3A_1322 {strides = array<i32>} : memref<64x768xf32, #tpu.memory_space<vmem>>, vector<1x16xf32>,
        %get3A_1323 = arith.index_cast %scan3A_1053 : i32 to index
        %get3A_1324 = arith.constant 432 : index
        %get3A_1325 = tpu.vector_load %arg10[%get3A_1323, %get3A_1324] {strides = array<i32>} : memref<64x768xf32, #tpu.memory_space<vmem>>, vector<1x16xf32>,
        %get3A_1326 = vector.shape_cast %get3A_1325 : vector<1x16xf32> to vector<16xf32>
        %add3A_1327 = arith.addf %get3A_1326, %get3A_702 : vector<16xf32>
        %swap3A_1328 = arith.index_cast %scan3A_1053 : i32 to index
        %swap3A_1329 = arith.constant 432 : index
        %swap3A_1330 = tpu.vector_load %arg10[%swap3A_1328, %swap3A_1329] {strides = array<i32>} : memref<64x768xf32, #tpu.memory_space<vmem>>, vector<1x16xf32>,
        %swap3A_1331 = vector.shape_cast %swap3A_1330 : vector<1x16xf32> to vector<16xf32>
        %swap3A_1332 = vector.shape_cast %add3A_1327 : vector<16xf32> to vector<1x16xf32>
        tpu.vector_store %arg10[%swap3A_1328, %swap3A_1329], %swap3A_1332 {strides = array<i32>} : memref<64x768xf32, #tpu.memory_space<vmem>>, vector<1x16xf32>,
        %get3A_1333 = arith.index_cast %scan3A_1053 : i32 to index
        %get3A_1334 = arith.constant 448 : index
        %get3A_1335 = tpu.vector_load %arg10[%get3A_1333, %get3A_1334] {strides = array<i32>} : memref<64x768xf32, #tpu.memory_space<vmem>>, vector<1x16xf32>,
        %get3A_1336 = vector.shape_cast %get3A_1335 : vector<1x16xf32> to vector<16xf32>
        %add3A_1337 = arith.addf %get3A_1336, %get3A_706 : vector<16xf32>
        %swap3A_1338 = arith.index_cast %scan3A_1053 : i32 to index
        %swap3A_1339 = arith.constant 448 : index
        %swap3A_1340 = tpu.vector_load %arg10[%swap3A_1338, %swap3A_1339] {strides = array<i32>} : memref<64x768xf32, #tpu.memory_space<vmem>>, vector<1x16xf32>,
        %swap3A_1341 = vector.shape_cast %swap3A_1340 : vector<1x16xf32> to vector<16xf32>
        %swap3A_1342 = vector.shape_cast %add3A_1337 : vector<16xf32> to vector<1x16xf32>
        tpu.vector_store %arg10[%swap3A_1338, %swap3A_1339], %swap3A_1342 {strides = array<i32>} : memref<64x768xf32, #tpu.memory_space<vmem>>, vector<1x16xf32>,
        %get3A_1343 = arith.index_cast %scan3A_1053 : i32 to index
        %get3A_1344 = arith.constant 464 : index
        %get3A_1345 = tpu.vector_load %arg10[%get3A_1343, %get3A_1344] {strides = array<i32>} : memref<64x768xf32, #tpu.memory_space<vmem>>, vector<1x16xf32>,
        %get3A_1346 = vector.shape_cast %get3A_1345 : vector<1x16xf32> to vector<16xf32>
        %add3A_1347 = arith.addf %get3A_1346, %get3A_710 : vector<16xf32>
        %swap3A_1348 = arith.index_cast %scan3A_1053 : i32 to index
        %swap3A_1349 = arith.constant 464 : index
        %swap3A_1350 = tpu.vector_load %arg10[%swap3A_1348, %swap3A_1349] {strides = array<i32>} : memref<64x768xf32, #tpu.memory_space<vmem>>, vector<1x16xf32>,
        %swap3A_1351 = vector.shape_cast %swap3A_1350 : vector<1x16xf32> to vector<16xf32>
        %swap3A_1352 = vector.shape_cast %add3A_1347 : vector<16xf32> to vector<1x16xf32>
        tpu.vector_store %arg10[%swap3A_1348, %swap3A_1349], %swap3A_1352 {strides = array<i32>} : memref<64x768xf32, #tpu.memory_space<vmem>>, vector<1x16xf32>,
        %get3A_1353 = arith.index_cast %scan3A_1053 : i32 to index
        %get3A_1354 = arith.constant 480 : index
        %get3A_1355 = tpu.vector_load %arg10[%get3A_1353, %get3A_1354] {strides = array<i32>} : memref<64x768xf32, #tpu.memory_space<vmem>>, vector<1x16xf32>,
        %get3A_1356 = vector.shape_cast %get3A_1355 : vector<1x16xf32> to vector<16xf32>
        %add3A_1357 = arith.addf %get3A_1356, %get3A_714 : vector<16xf32>
        %swap3A_1358 = arith.index_cast %scan3A_1053 : i32 to index
        %swap3A_1359 = arith.constant 480 : index
        %swap3A_1360 = tpu.vector_load %arg10[%swap3A_1358, %swap3A_1359] {strides = array<i32>} : memref<64x768xf32, #tpu.memory_space<vmem>>, vector<1x16xf32>,
        %swap3A_1361 = vector.shape_cast %swap3A_1360 : vector<1x16xf32> to vector<16xf32>
        %swap3A_1362 = vector.shape_cast %add3A_1357 : vector<16xf32> to vector<1x16xf32>
        tpu.vector_store %arg10[%swap3A_1358, %swap3A_1359], %swap3A_1362 {strides = array<i32>} : memref<64x768xf32, #tpu.memory_space<vmem>>, vector<1x16xf32>,
        %get3A_1363 = arith.index_cast %scan3A_1053 : i32 to index
        %get3A_1364 = arith.constant 496 : index
        %get3A_1365 = tpu.vector_load %arg10[%get3A_1363, %get3A_1364] {strides = array<i32>} : memref<64x768xf32, #tpu.memory_space<vmem>>, vector<1x16xf32>,
        %get3A_1366 = vector.shape_cast %get3A_1365 : vector<1x16xf32> to vector<16xf32>
        %add3A_1367 = arith.addf %get3A_1366, %get3A_718 : vector<16xf32>
        %swap3A_1368 = arith.index_cast %scan3A_1053 : i32 to index
        %swap3A_1369 = arith.constant 496 : index
        %swap3A_1370 = tpu.vector_load %arg10[%swap3A_1368, %swap3A_1369] {strides = array<i32>} : memref<64x768xf32, #tpu.memory_space<vmem>>, vector<1x16xf32>,
        %swap3A_1371 = vector.shape_cast %swap3A_1370 : vector<1x16xf32> to vector<16xf32>
        %swap3A_1372 = vector.shape_cast %add3A_1367 : vector<16xf32> to vector<1x16xf32>
        tpu.vector_store %arg10[%swap3A_1368, %swap3A_1369], %swap3A_1372 {strides = array<i32>} : memref<64x768xf32, #tpu.memory_space<vmem>>, vector<1x16xf32>,
        %get3A_1373 = arith.index_cast %scan3A_1053 : i32 to index
        %get3A_1374 = arith.constant 512 : index
        %get3A_1375 = tpu.vector_load %arg10[%get3A_1373, %get3A_1374] {strides = array<i32>} : memref<64x768xf32, #tpu.memory_space<vmem>>, vector<1x16xf32>,
        %get3A_1376 = vector.shape_cast %get3A_1375 : vector<1x16xf32> to vector<16xf32>
        %add3A_1377 = arith.addf %get3A_1376, %get3A_722 : vector<16xf32>
        %swap3A_1378 = arith.index_cast %scan3A_1053 : i32 to index
        %swap3A_1379 = arith.constant 512 : index
        %swap3A_1380 = tpu.vector_load %arg10[%swap3A_1378, %swap3A_1379] {strides = array<i32>} : memref<64x768xf32, #tpu.memory_space<vmem>>, vector<1x16xf32>,
        %swap3A_1381 = vector.shape_cast %swap3A_1380 : vector<1x16xf32> to vector<16xf32>
        %swap3A_1382 = vector.shape_cast %add3A_1377 : vector<16xf32> to vector<1x16xf32>
        tpu.vector_store %arg10[%swap3A_1378, %swap3A_1379], %swap3A_1382 {strides = array<i32>} : memref<64x768xf32, #tpu.memory_space<vmem>>, vector<1x16xf32>,
        %get3A_1383 = arith.index_cast %scan3A_1053 : i32 to index
        %get3A_1384 = arith.constant 528 : index
        %get3A_1385 = tpu.vector_load %arg10[%get3A_1383, %get3A_1384] {strides = array<i32>} : memref<64x768xf32, #tpu.memory_space<vmem>>, vector<1x16xf32>,
        %get3A_1386 = vector.shape_cast %get3A_1385 : vector<1x16xf32> to vector<16xf32>
        %add3A_1387 = arith.addf %get3A_1386, %get3A_726 : vector<16xf32>
        %swap3A_1388 = arith.index_cast %scan3A_1053 : i32 to index
        %swap3A_1389 = arith.constant 528 : index
        %swap3A_1390 = tpu.vector_load %arg10[%swap3A_1388, %swap3A_1389] {strides = array<i32>} : memref<64x768xf32, #tpu.memory_space<vmem>>, vector<1x16xf32>,
        %swap3A_1391 = vector.shape_cast %swap3A_1390 : vector<1x16xf32> to vector<16xf32>
        %swap3A_1392 = vector.shape_cast %add3A_1387 : vector<16xf32> to vector<1x16xf32>
        tpu.vector_store %arg10[%swap3A_1388, %swap3A_1389], %swap3A_1392 {strides = array<i32>} : memref<64x768xf32, #tpu.memory_space<vmem>>, vector<1x16xf32>,
        %get3A_1393 = arith.index_cast %scan3A_1053 : i32 to index
        %get3A_1394 = arith.constant 544 : index
        %get3A_1395 = tpu.vector_load %arg10[%get3A_1393, %get3A_1394] {strides = array<i32>} : memref<64x768xf32, #tpu.memory_space<vmem>>, vector<1x16xf32>,
        %get3A_1396 = vector.shape_cast %get3A_1395 : vector<1x16xf32> to vector<16xf32>
        %add3A_1397 = arith.addf %get3A_1396, %get3A_730 : vector<16xf32>
        %swap3A_1398 = arith.index_cast %scan3A_1053 : i32 to index
        %swap3A_1399 = arith.constant 544 : index
        %swap3A_1400 = tpu.vector_load %arg10[%swap3A_1398, %swap3A_1399] {strides = array<i32>} : memref<64x768xf32, #tpu.memory_space<vmem>>, vector<1x16xf32>,
        %swap3A_1401 = vector.shape_cast %swap3A_1400 : vector<1x16xf32> to vector<16xf32>
        %swap3A_1402 = vector.shape_cast %add3A_1397 : vector<16xf32> to vector<1x16xf32>
        tpu.vector_store %arg10[%swap3A_1398, %swap3A_1399], %swap3A_1402 {strides = array<i32>} : memref<64x768xf32, #tpu.memory_space<vmem>>, vector<1x16xf32>,
        %get3A_1403 = arith.index_cast %scan3A_1053 : i32 to index
        %get3A_1404 = arith.constant 560 : index
        %get3A_1405 = tpu.vector_load %arg10[%get3A_1403, %get3A_1404] {strides = array<i32>} : memref<64x768xf32, #tpu.memory_space<vmem>>, vector<1x16xf32>,
        %get3A_1406 = vector.shape_cast %get3A_1405 : vector<1x16xf32> to vector<16xf32>
        %add3A_1407 = arith.addf %get3A_1406, %get3A_734 : vector<16xf32>
        %swap3A_1408 = arith.index_cast %scan3A_1053 : i32 to index
        %swap3A_1409 = arith.constant 560 : index
        %swap3A_1410 = tpu.vector_load %arg10[%swap3A_1408, %swap3A_1409] {strides = array<i32>} : memref<64x768xf32, #tpu.memory_space<vmem>>, vector<1x16xf32>,
        %swap3A_1411 = vector.shape_cast %swap3A_1410 : vector<1x16xf32> to vector<16xf32>
        %swap3A_1412 = vector.shape_cast %add3A_1407 : vector<16xf32> to vector<1x16xf32>
        tpu.vector_store %arg10[%swap3A_1408, %swap3A_1409], %swap3A_1412 {strides = array<i32>} : memref<64x768xf32, #tpu.memory_space<vmem>>, vector<1x16xf32>,
        %get3A_1413 = arith.index_cast %scan3A_1053 : i32 to index
        %get3A_1414 = arith.constant 576 : index
        %get3A_1415 = tpu.vector_load %arg10[%get3A_1413, %get3A_1414] {strides = array<i32>} : memref<64x768xf32, #tpu.memory_space<vmem>>, vector<1x16xf32>,
        %get3A_1416 = vector.shape_cast %get3A_1415 : vector<1x16xf32> to vector<16xf32>
        %add3A_1417 = arith.addf %get3A_1416, %get3A_738 : vector<16xf32>
        %swap3A_1418 = arith.index_cast %scan3A_1053 : i32 to index
        %swap3A_1419 = arith.constant 576 : index
        %swap3A_1420 = tpu.vector_load %arg10[%swap3A_1418, %swap3A_1419] {strides = array<i32>} : memref<64x768xf32, #tpu.memory_space<vmem>>, vector<1x16xf32>,
        %swap3A_1421 = vector.shape_cast %swap3A_1420 : vector<1x16xf32> to vector<16xf32>
        %swap3A_1422 = vector.shape_cast %add3A_1417 : vector<16xf32> to vector<1x16xf32>
        tpu.vector_store %arg10[%swap3A_1418, %swap3A_1419], %swap3A_1422 {strides = array<i32>} : memref<64x768xf32, #tpu.memory_space<vmem>>, vector<1x16xf32>,
        %get3A_1423 = arith.index_cast %scan3A_1053 : i32 to index
        %get3A_1424 = arith.constant 592 : index
        %get3A_1425 = tpu.vector_load %arg10[%get3A_1423, %get3A_1424] {strides = array<i32>} : memref<64x768xf32, #tpu.memory_space<vmem>>, vector<1x16xf32>,
        %get3A_1426 = vector.shape_cast %get3A_1425 : vector<1x16xf32> to vector<16xf32>
        %add3A_1427 = arith.addf %get3A_1426, %get3A_742 : vector<16xf32>
        %swap3A_1428 = arith.index_cast %scan3A_1053 : i32 to index
        %swap3A_1429 = arith.constant 592 : index
        %swap3A_1430 = tpu.vector_load %arg10[%swap3A_1428, %swap3A_1429] {strides = array<i32>} : memref<64x768xf32, #tpu.memory_space<vmem>>, vector<1x16xf32>,
        %swap3A_1431 = vector.shape_cast %swap3A_1430 : vector<1x16xf32> to vector<16xf32>
        %swap3A_1432 = vector.shape_cast %add3A_1427 : vector<16xf32> to vector<1x16xf32>
        tpu.vector_store %arg10[%swap3A_1428, %swap3A_1429], %swap3A_1432 {strides = array<i32>} : memref<64x768xf32, #tpu.memory_space<vmem>>, vector<1x16xf32>,
        %get3A_1433 = arith.index_cast %scan3A_1053 : i32 to index
        %get3A_1434 = arith.constant 608 : index
        %get3A_1435 = tpu.vector_load %arg10[%get3A_1433, %get3A_1434] {strides = array<i32>} : memref<64x768xf32, #tpu.memory_space<vmem>>, vector<1x16xf32>,
        %get3A_1436 = vector.shape_cast %get3A_1435 : vector<1x16xf32> to vector<16xf32>
        %add3A_1437 = arith.addf %get3A_1436, %get3A_746 : vector<16xf32>
        %swap3A_1438 = arith.index_cast %scan3A_1053 : i32 to index
        %swap3A_1439 = arith.constant 608 : index
        %swap3A_1440 = tpu.vector_load %arg10[%swap3A_1438, %swap3A_1439] {strides = array<i32>} : memref<64x768xf32, #tpu.memory_space<vmem>>, vector<1x16xf32>,
        %swap3A_1441 = vector.shape_cast %swap3A_1440 : vector<1x16xf32> to vector<16xf32>
        %swap3A_1442 = vector.shape_cast %add3A_1437 : vector<16xf32> to vector<1x16xf32>
        tpu.vector_store %arg10[%swap3A_1438, %swap3A_1439], %swap3A_1442 {strides = array<i32>} : memref<64x768xf32, #tpu.memory_space<vmem>>, vector<1x16xf32>,
        %get3A_1443 = arith.index_cast %scan3A_1053 : i32 to index
        %get3A_1444 = arith.constant 624 : index
        %get3A_1445 = tpu.vector_load %arg10[%get3A_1443, %get3A_1444] {strides = array<i32>} : memref<64x768xf32, #tpu.memory_space<vmem>>, vector<1x16xf32>,
        %get3A_1446 = vector.shape_cast %get3A_1445 : vector<1x16xf32> to vector<16xf32>
        %add3A_1447 = arith.addf %get3A_1446, %get3A_750 : vector<16xf32>
        %swap3A_1448 = arith.index_cast %scan3A_1053 : i32 to index
        %swap3A_1449 = arith.constant 624 : index
        %swap3A_1450 = tpu.vector_load %arg10[%swap3A_1448, %swap3A_1449] {strides = array<i32>} : memref<64x768xf32, #tpu.memory_space<vmem>>, vector<1x16xf32>,
        %swap3A_1451 = vector.shape_cast %swap3A_1450 : vector<1x16xf32> to vector<16xf32>
        %swap3A_1452 = vector.shape_cast %add3A_1447 : vector<16xf32> to vector<1x16xf32>
        tpu.vector_store %arg10[%swap3A_1448, %swap3A_1449], %swap3A_1452 {strides = array<i32>} : memref<64x768xf32, #tpu.memory_space<vmem>>, vector<1x16xf32>,
        %get3A_1453 = arith.index_cast %scan3A_1053 : i32 to index
        %get3A_1454 = arith.constant 640 : index
        %get3A_1455 = tpu.vector_load %arg10[%get3A_1453, %get3A_1454] {strides = array<i32>} : memref<64x768xf32, #tpu.memory_space<vmem>>, vector<1x16xf32>,
        %get3A_1456 = vector.shape_cast %get3A_1455 : vector<1x16xf32> to vector<16xf32>
        %add3A_1457 = arith.addf %get3A_1456, %get3A_754 : vector<16xf32>
        %swap3A_1458 = arith.index_cast %scan3A_1053 : i32 to index
        %swap3A_1459 = arith.constant 640 : index
        %swap3A_1460 = tpu.vector_load %arg10[%swap3A_1458, %swap3A_1459] {strides = array<i32>} : memref<64x768xf32, #tpu.memory_space<vmem>>, vector<1x16xf32>,
        %swap3A_1461 = vector.shape_cast %swap3A_1460 : vector<1x16xf32> to vector<16xf32>
        %swap3A_1462 = vector.shape_cast %add3A_1457 : vector<16xf32> to vector<1x16xf32>
        tpu.vector_store %arg10[%swap3A_1458, %swap3A_1459], %swap3A_1462 {strides = array<i32>} : memref<64x768xf32, #tpu.memory_space<vmem>>, vector<1x16xf32>,
        %get3A_1463 = arith.index_cast %scan3A_1053 : i32 to index
        %get3A_1464 = arith.constant 656 : index
        %get3A_1465 = tpu.vector_load %arg10[%get3A_1463, %get3A_1464] {strides = array<i32>} : memref<64x768xf32, #tpu.memory_space<vmem>>, vector<1x16xf32>,
        %get3A_1466 = vector.shape_cast %get3A_1465 : vector<1x16xf32> to vector<16xf32>
        %add3A_1467 = arith.addf %get3A_1466, %get3A_758 : vector<16xf32>
        %swap3A_1468 = arith.index_cast %scan3A_1053 : i32 to index
        %swap3A_1469 = arith.constant 656 : index
        %swap3A_1470 = tpu.vector_load %arg10[%swap3A_1468, %swap3A_1469] {strides = array<i32>} : memref<64x768xf32, #tpu.memory_space<vmem>>, vector<1x16xf32>,
        %swap3A_1471 = vector.shape_cast %swap3A_1470 : vector<1x16xf32> to vector<16xf32>
        %swap3A_1472 = vector.shape_cast %add3A_1467 : vector<16xf32> to vector<1x16xf32>
        tpu.vector_store %arg10[%swap3A_1468, %swap3A_1469], %swap3A_1472 {strides = array<i32>} : memref<64x768xf32, #tpu.memory_space<vmem>>, vector<1x16xf32>,
        %get3A_1473 = arith.index_cast %scan3A_1053 : i32 to index
        %get3A_1474 = arith.constant 672 : index
        %get3A_1475 = tpu.vector_load %arg10[%get3A_1473, %get3A_1474] {strides = array<i32>} : memref<64x768xf32, #tpu.memory_space<vmem>>, vector<1x16xf32>,
        %get3A_1476 = vector.shape_cast %get3A_1475 : vector<1x16xf32> to vector<16xf32>
        %add3A_1477 = arith.addf %get3A_1476, %get3A_762 : vector<16xf32>
        %swap3A_1478 = arith.index_cast %scan3A_1053 : i32 to index
        %swap3A_1479 = arith.constant 672 : index
        %swap3A_1480 = tpu.vector_load %arg10[%swap3A_1478, %swap3A_1479] {strides = array<i32>} : memref<64x768xf32, #tpu.memory_space<vmem>>, vector<1x16xf32>,
        %swap3A_1481 = vector.shape_cast %swap3A_1480 : vector<1x16xf32> to vector<16xf32>
        %swap3A_1482 = vector.shape_cast %add3A_1477 : vector<16xf32> to vector<1x16xf32>
        tpu.vector_store %arg10[%swap3A_1478, %swap3A_1479], %swap3A_1482 {strides = array<i32>} : memref<64x768xf32, #tpu.memory_space<vmem>>, vector<1x16xf32>,
        %get3A_1483 = arith.index_cast %scan3A_1053 : i32 to index
        %get3A_1484 = arith.constant 688 : index
        %get3A_1485 = tpu.vector_load %arg10[%get3A_1483, %get3A_1484] {strides = array<i32>} : memref<64x768xf32, #tpu.memory_space<vmem>>, vector<1x16xf32>,
        %get3A_1486 = vector.shape_cast %get3A_1485 : vector<1x16xf32> to vector<16xf32>
        %add3A_1487 = arith.addf %get3A_1486, %get3A_766 : vector<16xf32>
        %swap3A_1488 = arith.index_cast %scan3A_1053 : i32 to index
        %swap3A_1489 = arith.constant 688 : index
        %swap3A_1490 = tpu.vector_load %arg10[%swap3A_1488, %swap3A_1489] {strides = array<i32>} : memref<64x768xf32, #tpu.memory_space<vmem>>, vector<1x16xf32>,
        %swap3A_1491 = vector.shape_cast %swap3A_1490 : vector<1x16xf32> to vector<16xf32>
        %swap3A_1492 = vector.shape_cast %add3A_1487 : vector<16xf32> to vector<1x16xf32>
        tpu.vector_store %arg10[%swap3A_1488, %swap3A_1489], %swap3A_1492 {strides = array<i32>} : memref<64x768xf32, #tpu.memory_space<vmem>>, vector<1x16xf32>,
        %get3A_1493 = arith.index_cast %scan3A_1053 : i32 to index
        %get3A_1494 = arith.constant 704 : index
        %get3A_1495 = tpu.vector_load %arg10[%get3A_1493, %get3A_1494] {strides = array<i32>} : memref<64x768xf32, #tpu.memory_space<vmem>>, vector<1x16xf32>,
        %get3A_1496 = vector.shape_cast %get3A_1495 : vector<1x16xf32> to vector<16xf32>
        %add3A_1497 = arith.addf %get3A_1496, %get3A_770 : vector<16xf32>
        %swap3A_1498 = arith.index_cast %scan3A_1053 : i32 to index
        %swap3A_1499 = arith.constant 704 : index
        %swap3A_1500 = tpu.vector_load %arg10[%swap3A_1498, %swap3A_1499] {strides = array<i32>} : memref<64x768xf32, #tpu.memory_space<vmem>>, vector<1x16xf32>,
        %swap3A_1501 = vector.shape_cast %swap3A_1500 : vector<1x16xf32> to vector<16xf32>
        %swap3A_1502 = vector.shape_cast %add3A_1497 : vector<16xf32> to vector<1x16xf32>
        tpu.vector_store %arg10[%swap3A_1498, %swap3A_1499], %swap3A_1502 {strides = array<i32>} : memref<64x768xf32, #tpu.memory_space<vmem>>, vector<1x16xf32>,
        %get3A_1503 = arith.index_cast %scan3A_1053 : i32 to index
        %get3A_1504 = arith.constant 720 : index
        %get3A_1505 = tpu.vector_load %arg10[%get3A_1503, %get3A_1504] {strides = array<i32>} : memref<64x768xf32, #tpu.memory_space<vmem>>, vector<1x16xf32>,
        %get3A_1506 = vector.shape_cast %get3A_1505 : vector<1x16xf32> to vector<16xf32>
        %add3A_1507 = arith.addf %get3A_1506, %get3A_774 : vector<16xf32>
        %swap3A_1508 = arith.index_cast %scan3A_1053 : i32 to index
        %swap3A_1509 = arith.constant 720 : index
        %swap3A_1510 = tpu.vector_load %arg10[%swap3A_1508, %swap3A_1509] {strides = array<i32>} : memref<64x768xf32, #tpu.memory_space<vmem>>, vector<1x16xf32>,
        %swap3A_1511 = vector.shape_cast %swap3A_1510 : vector<1x16xf32> to vector<16xf32>
        %swap3A_1512 = vector.shape_cast %add3A_1507 : vector<16xf32> to vector<1x16xf32>
        tpu.vector_store %arg10[%swap3A_1508, %swap3A_1509], %swap3A_1512 {strides = array<i32>} : memref<64x768xf32, #tpu.memory_space<vmem>>, vector<1x16xf32>,
        %get3A_1513 = arith.index_cast %scan3A_1053 : i32 to index
        %get3A_1514 = arith.constant 736 : index
        %get3A_1515 = tpu.vector_load %arg10[%get3A_1513, %get3A_1514] {strides = array<i32>} : memref<64x768xf32, #tpu.memory_space<vmem>>, vector<1x16xf32>,
        %get3A_1516 = vector.shape_cast %get3A_1515 : vector<1x16xf32> to vector<16xf32>
        %add3A_1517 = arith.addf %get3A_1516, %get3A_778 : vector<16xf32>
        %swap3A_1518 = arith.index_cast %scan3A_1053 : i32 to index
        %swap3A_1519 = arith.constant 736 : index
        %swap3A_1520 = tpu.vector_load %arg10[%swap3A_1518, %swap3A_1519] {strides = array<i32>} : memref<64x768xf32, #tpu.memory_space<vmem>>, vector<1x16xf32>,
        %swap3A_1521 = vector.shape_cast %swap3A_1520 : vector<1x16xf32> to vector<16xf32>
        %swap3A_1522 = vector.shape_cast %add3A_1517 : vector<16xf32> to vector<1x16xf32>
        tpu.vector_store %arg10[%swap3A_1518, %swap3A_1519], %swap3A_1522 {strides = array<i32>} : memref<64x768xf32, #tpu.memory_space<vmem>>, vector<1x16xf32>,
        %get3A_1523 = arith.index_cast %scan3A_1053 : i32 to index
        %get3A_1524 = arith.constant 752 : index
        %get3A_1525 = tpu.vector_load %arg10[%get3A_1523, %get3A_1524] {strides = array<i32>} : memref<64x768xf32, #tpu.memory_space<vmem>>, vector<1x16xf32>,
        %get3A_1526 = vector.shape_cast %get3A_1525 : vector<1x16xf32> to vector<16xf32>
        %add3A_1527 = arith.addf %get3A_1526, %get3A_782 : vector<16xf32>
        %swap3A_1528 = arith.index_cast %scan3A_1053 : i32 to index
        %swap3A_1529 = arith.constant 752 : index
        %swap3A_1530 = tpu.vector_load %arg10[%swap3A_1528, %swap3A_1529] {strides = array<i32>} : memref<64x768xf32, #tpu.memory_space<vmem>>, vector<1x16xf32>,
        %swap3A_1531 = vector.shape_cast %swap3A_1530 : vector<1x16xf32> to vector<16xf32>
        %swap3A_1532 = vector.shape_cast %add3A_1527 : vector<16xf32> to vector<1x16xf32>
        tpu.vector_store %arg10[%swap3A_1528, %swap3A_1529], %swap3A_1532 {strides = array<i32>} : memref<64x768xf32, #tpu.memory_space<vmem>>, vector<1x16xf32>,
      }
      %scan3A_792 = arith.constant 64 : i32
      %dma_start3A_793 = arith.constant 0 : i32
      %dma_start3A_794 = tpu.memref_slice %arg7[%add3A_558, %dma_start3A_793] : memref<32x64xi32, #tpu.memory_space<vmem>> -> memref<1x64xi32, #tpu.memory_space<vmem>>
      %dma_start3A_795 = tpu.memref_squeeze %dma_start3A_794 : memref<1x64xi32, #tpu.memory_space<vmem>> -> memref<64xi32, #tpu.memory_space<vmem>>
      %dma_start3A_796 = arith.constant 0 : i32
      %dma_start3A_797 = arith.constant 0 : i32
      %dma_start3A_798 = tpu.memref_slice %arg5[%dma_start3A_796, %dma_start3A_797] : memref<65536x768xf32, #tpu.memory_space<hbm>> -> memref<65536x768xf32, #tpu.memory_space<hbm>>
      tpu.enqueue_indirect_dma source(%arg10 : memref<64x768xf32, #tpu.memory_space<vmem>>) target(%dma_start3A_798 : memref<65536x768xf32, #tpu.memory_space<hbm>>) offsets(%dma_start3A_795 : memref<64xi32, #tpu.memory_space<vmem>>) semaphore(%arg14 : memref<!tpu.dma_semaphore, #tpu.memory_space<semaphore_mem>>)
      %mul3A_799 = arith.constant 2 : i32
      %mul3A_800 = arith.muli %mul3A_799, %scan3A_552 : i32
      %add3A_801 = arith.constant 1 : i32
      %add3A_802 = arith.addi %mul3A_800, %add3A_801 : i32
      %add3A_803 = arith.constant 1 : i32
      %add3A_804 = arith.addi %add3A_802, %add3A_803 : i32
      %dma_wait3A_805 = arith.constant 0 : i32
      %dma_wait3A_806 = arith.constant 0 : i32
      %dma_wait3A_807 = tpu.memref_slice %arg7[%dma_wait3A_805, %dma_wait3A_806] : memref<32x64xi32, #tpu.memory_space<vmem>> -> memref<1x64xi32, #tpu.memory_space<vmem>>
      %dma_wait3A_808 = tpu.memref_squeeze %dma_wait3A_807 : memref<1x64xi32, #tpu.memory_space<vmem>> -> memref<64xi32, #tpu.memory_space<vmem>>
      %dma_wait3A_809 = arith.constant 0 : i32
      %dma_wait3A_810 = arith.constant 0 : i32
      %dma_wait3A_811 = tpu.memref_slice %arg5[%dma_wait3A_809, %dma_wait3A_810] : memref<65536x768xf32, #tpu.memory_space<hbm>> -> memref<65536x768xf32, #tpu.memory_space<hbm>>
      tpu.wait_indirect_dma semaphore(%arg14 : memref<!tpu.dma_semaphore, #tpu.memory_space<semaphore_mem>>) src(%arg10 : memref<64x768xf32, #tpu.memory_space<vmem>>) dst(%dma_wait3A_811 : memref<65536x768xf32, #tpu.memory_space<hbm>>)
      %add3A_812 = arith.constant 1 : i32
      %add3A_813 = arith.addi %add3A_804, %add3A_812 : i32
      %mul3A_814 = arith.constant 64 : i32
      %mul3A_815 = arith.muli %add3A_813, %mul3A_814 : i32
      %multiple_of3A_816 = tpu.assume_multiple %mul3A_815, 64 : i32
      %dma_start3A_817 = tpu.memref_slice %arg6[%multiple_of3A_816] : memref<2048xi32, #tpu.memory_space<vmem>> -> memref<64xi32, #tpu.memory_space<vmem>>
      %dma_start3A_818 = arith.constant 0 : i32
      %dma_start3A_819 = arith.constant 0 : i32
      %dma_start3A_820 = tpu.memref_slice %arg3[%dma_start3A_818, %dma_start3A_819] : memref<32000x768xf32, #tpu.memory_space<hbm>> -> memref<32000x768xf32, #tpu.memory_space<hbm>>
      tpu.enqueue_indirect_dma source(%dma_start3A_820 : memref<32000x768xf32, #tpu.memory_space<hbm>>) target(%arg10 : memref<64x768xf32, #tpu.memory_space<vmem>>) offsets(%dma_start3A_817 : memref<64xi32, #tpu.memory_space<vmem>>) semaphore(%arg12 : memref<!tpu.dma_semaphore, #tpu.memory_space<semaphore_mem>>)
      %jit3A_821 = arith.constant 16 : i32
      %div3A_822 = arith.divsi %add3A_804, %jit3A_821 : i32
      %sign3A_823 = arith.constant 0 : i32
      %sign3A_824 = arith.cmpi sgt, %add3A_804, %sign3A_823 : i32
      %sign3A_825 = arith.extui %sign3A_824 : i1 to i32
      %sign3A_826 = arith.constant 0 : i32
      %sign3A_827 = arith.cmpi slt, %add3A_804, %sign3A_826 : i32
      %sign3A_828 = arith.extui %sign3A_827 : i1 to i32
      %sign3A_829 = arith.subi %sign3A_825, %sign3A_828 : i32
      %sign3A_830 = arith.constant 0 : i32
      %sign3A_831 = arith.cmpi sgt, %jit3A_821, %sign3A_830 : i32
      %sign3A_832 = arith.extui %sign3A_831 : i1 to i32
      %sign3A_833 = arith.constant 0 : i32
      %sign3A_834 = arith.cmpi slt, %jit3A_821, %sign3A_833 : i32
      %sign3A_835 = arith.extui %sign3A_834 : i1 to i32
      %sign3A_836 = arith.subi %sign3A_832, %sign3A_835 : i32
      %ne3A_837 = arith.cmpi ne, %sign3A_829, %sign3A_836 : i32
      %rem3A_838 = arith.remsi %add3A_804, %jit3A_821 : i32
      %ne3A_839 = arith.constant 0 : i32
      %ne3A_840 = arith.cmpi ne, %rem3A_838, %ne3A_839 : i32
      %and3A_841 = arith.andi %ne3A_837, %ne3A_840 : i1
      %sub3A_842 = arith.constant 1 : i32
      %sub3A_843 = arith.subi %div3A_822, %sub3A_842 : i32
      %select_n3A_844 = arith.select %and3A_841, %sub3A_843, %div3A_822 : i32
      %get3A_845 = arith.index_cast %select_n3A_844 : i32 to index
      %get3A_846 = arith.constant 0 : index
      %get3A_847 = tpu.vector_load %arg8[%get3A_845, %get3A_846] {strides = array<i32>} : memref<2x768xf32, #tpu.memory_space<vmem>>, vector<1x16xf32>,
      %get3A_848 = vector.shape_cast %get3A_847 : vector<1x16xf32> to vector<16xf32>
      %get3A_849 = arith.index_cast %select_n3A_844 : i32 to index
      %get3A_850 = arith.constant 16 : index
      %get3A_851 = tpu.vector_load %arg8[%get3A_849, %get3A_850] {strides = array<i32>} : memref<2x768xf32, #tpu.memory_space<vmem>>, vector<1x16xf32>,
      %get3A_852 = vector.shape_cast %get3A_851 : vector<1x16xf32> to vector<16xf32>
      %get3A_853 = arith.index_cast %select_n3A_844 : i32 to index
      %get3A_854 = arith.constant 32 : index
      %get3A_855 = tpu.vector_load %arg8[%get3A_853, %get3A_854] {strides = array<i32>} : memref<2x768xf32, #tpu.memory_space<vmem>>, vector<1x16xf32>,
      %get3A_856 = vector.shape_cast %get3A_855 : vector<1x16xf32> to vector<16xf32>
      %get3A_857 = arith.index_cast %select_n3A_844 : i32 to index
      %get3A_858 = arith.constant 48 : index
      %get3A_859 = tpu.vector_load %arg8[%get3A_857, %get3A_858] {strides = array<i32>} : memref<2x768xf32, #tpu.memory_space<vmem>>, vector<1x16xf32>,
      %get3A_860 = vector.shape_cast %get3A_859 : vector<1x16xf32> to vector<16xf32>
      %get3A_861 = arith.index_cast %select_n3A_844 : i32 to index
      %get3A_862 = arith.constant 64 : index
      %get3A_863 = tpu.vector_load %arg8[%get3A_861, %get3A_862] {strides = array<i32>} : memref<2x768xf32, #tpu.memory_space<vmem>>, vector<1x16xf32>,
      %get3A_864 = vector.shape_cast %get3A_863 : vector<1x16xf32> to vector<16xf32>
      %get3A_865 = arith.index_cast %select_n3A_844 : i32 to index
      %get3A_866 = arith.constant 80 : index
      %get3A_867 = tpu.vector_load %arg8[%get3A_865, %get3A_866] {strides = array<i32>} : memref<2x768xf32, #tpu.memory_space<vmem>>, vector<1x16xf32>,
      %get3A_868 = vector.shape_cast %get3A_867 : vector<1x16xf32> to vector<16xf32>
      %get3A_869 = arith.index_cast %select_n3A_844 : i32 to index
      %get3A_870 = arith.constant 96 : index
      %get3A_871 = tpu.vector_load %arg8[%get3A_869, %get3A_870] {strides = array<i32>} : memref<2x768xf32, #tpu.memory_space<vmem>>, vector<1x16xf32>,
      %get3A_872 = vector.shape_cast %get3A_871 : vector<1x16xf32> to vector<16xf32>
      %get3A_873 = arith.index_cast %select_n3A_844 : i32 to index
      %get3A_874 = arith.constant 112 : index
      %get3A_875 = tpu.vector_load %arg8[%get3A_873, %get3A_874] {strides = array<i32>} : memref<2x768xf32, #tpu.memory_space<vmem>>, vector<1x16xf32>,
      %get3A_876 = vector.shape_cast %get3A_875 : vector<1x16xf32> to vector<16xf32>
      %get3A_877 = arith.index_cast %select_n3A_844 : i32 to index
      %get3A_878 = arith.constant 128 : index
      %get3A_879 = tpu.vector_load %arg8[%get3A_877, %get3A_878] {strides = array<i32>} : memref<2x768xf32, #tpu.memory_space<vmem>>, vector<1x16xf32>,
      %get3A_880 = vector.shape_cast %get3A_879 : vector<1x16xf32> to vector<16xf32>
      %get3A_881 = arith.index_cast %select_n3A_844 : i32 to index
      %get3A_882 = arith.constant 144 : index
      %get3A_883 = tpu.vector_load %arg8[%get3A_881, %get3A_882] {strides = array<i32>} : memref<2x768xf32, #tpu.memory_space<vmem>>, vector<1x16xf32>,
      %get3A_884 = vector.shape_cast %get3A_883 : vector<1x16xf32> to vector<16xf32>
      %get3A_885 = arith.index_cast %select_n3A_844 : i32 to index
      %get3A_886 = arith.constant 160 : index
      %get3A_887 = tpu.vector_load %arg8[%get3A_885, %get3A_886] {strides = array<i32>} : memref<2x768xf32, #tpu.memory_space<vmem>>, vector<1x16xf32>,
      %get3A_888 = vector.shape_cast %get3A_887 : vector<1x16xf32> to vector<16xf32>
      %get3A_889 = arith.index_cast %select_n3A_844 : i32 to index
      %get3A_890 = arith.constant 176 : index
      %get3A_891 = tpu.vector_load %arg8[%get3A_889, %get3A_890] {strides = array<i32>} : memref<2x768xf32, #tpu.memory_space<vmem>>, vector<1x16xf32>,
      %get3A_892 = vector.shape_cast %get3A_891 : vector<1x16xf32> to vector<16xf32>
      %get3A_893 = arith.index_cast %select_n3A_844 : i32 to index
      %get3A_894 = arith.constant 192 : index
      %get3A_895 = tpu.vector_load %arg8[%get3A_893, %get3A_894] {strides = array<i32>} : memref<2x768xf32, #tpu.memory_space<vmem>>, vector<1x16xf32>,
      %get3A_896 = vector.shape_cast %get3A_895 : vector<1x16xf32> to vector<16xf32>
      %get3A_897 = arith.index_cast %select_n3A_844 : i32 to index
      %get3A_898 = arith.constant 208 : index
      %get3A_899 = tpu.vector_load %arg8[%get3A_897, %get3A_898] {strides = array<i32>} : memref<2x768xf32, #tpu.memory_space<vmem>>, vector<1x16xf32>,
      %get3A_900 = vector.shape_cast %get3A_899 : vector<1x16xf32> to vector<16xf32>
      %get3A_901 = arith.index_cast %select_n3A_844 : i32 to index
      %get3A_902 = arith.constant 224 : index
      %get3A_903 = tpu.vector_load %arg8[%get3A_901, %get3A_902] {strides = array<i32>} : memref<2x768xf32, #tpu.memory_space<vmem>>, vector<1x16xf32>,
      %get3A_904 = vector.shape_cast %get3A_903 : vector<1x16xf32> to vector<16xf32>
      %get3A_905 = arith.index_cast %select_n3A_844 : i32 to index
      %get3A_906 = arith.constant 240 : index
      %get3A_907 = tpu.vector_load %arg8[%get3A_905, %get3A_906] {strides = array<i32>} : memref<2x768xf32, #tpu.memory_space<vmem>>, vector<1x16xf32>,
      %get3A_908 = vector.shape_cast %get3A_907 : vector<1x16xf32> to vector<16xf32>
      %get3A_909 = arith.index_cast %select_n3A_844 : i32 to index
      %get3A_910 = arith.constant 256 : index
      %get3A_911 = tpu.vector_load %arg8[%get3A_909, %get3A_910] {strides = array<i32>} : memref<2x768xf32, #tpu.memory_space<vmem>>, vector<1x16xf32>,
      %get3A_912 = vector.shape_cast %get3A_911 : vector<1x16xf32> to vector<16xf32>
      %get3A_913 = arith.index_cast %select_n3A_844 : i32 to index
      %get3A_914 = arith.constant 272 : index
      %get3A_915 = tpu.vector_load %arg8[%get3A_913, %get3A_914] {strides = array<i32>} : memref<2x768xf32, #tpu.memory_space<vmem>>, vector<1x16xf32>,
      %get3A_916 = vector.shape_cast %get3A_915 : vector<1x16xf32> to vector<16xf32>
      %get3A_917 = arith.index_cast %select_n3A_844 : i32 to index
      %get3A_918 = arith.constant 288 : index
      %get3A_919 = tpu.vector_load %arg8[%get3A_917, %get3A_918] {strides = array<i32>} : memref<2x768xf32, #tpu.memory_space<vmem>>, vector<1x16xf32>,
      %get3A_920 = vector.shape_cast %get3A_919 : vector<1x16xf32> to vector<16xf32>
      %get3A_921 = arith.index_cast %select_n3A_844 : i32 to index
      %get3A_922 = arith.constant 304 : index
      %get3A_923 = tpu.vector_load %arg8[%get3A_921, %get3A_922] {strides = array<i32>} : memref<2x768xf32, #tpu.memory_space<vmem>>, vector<1x16xf32>,
      %get3A_924 = vector.shape_cast %get3A_923 : vector<1x16xf32> to vector<16xf32>
      %get3A_925 = arith.index_cast %select_n3A_844 : i32 to index
      %get3A_926 = arith.constant 320 : index
      %get3A_927 = tpu.vector_load %arg8[%get3A_925, %get3A_926] {strides = array<i32>} : memref<2x768xf32, #tpu.memory_space<vmem>>, vector<1x16xf32>,
      %get3A_928 = vector.shape_cast %get3A_927 : vector<1x16xf32> to vector<16xf32>
      %get3A_929 = arith.index_cast %select_n3A_844 : i32 to index
      %get3A_930 = arith.constant 336 : index
      %get3A_931 = tpu.vector_load %arg8[%get3A_929, %get3A_930] {strides = array<i32>} : memref<2x768xf32, #tpu.memory_space<vmem>>, vector<1x16xf32>,
      %get3A_932 = vector.shape_cast %get3A_931 : vector<1x16xf32> to vector<16xf32>
      %get3A_933 = arith.index_cast %select_n3A_844 : i32 to index
      %get3A_934 = arith.constant 352 : index
      %get3A_935 = tpu.vector_load %arg8[%get3A_933, %get3A_934] {strides = array<i32>} : memref<2x768xf32, #tpu.memory_space<vmem>>, vector<1x16xf32>,
      %get3A_936 = vector.shape_cast %get3A_935 : vector<1x16xf32> to vector<16xf32>
      %get3A_937 = arith.index_cast %select_n3A_844 : i32 to index
      %get3A_938 = arith.constant 368 : index
      %get3A_939 = tpu.vector_load %arg8[%get3A_937, %get3A_938] {strides = array<i32>} : memref<2x768xf32, #tpu.memory_space<vmem>>, vector<1x16xf32>,
      %get3A_940 = vector.shape_cast %get3A_939 : vector<1x16xf32> to vector<16xf32>
      %get3A_941 = arith.index_cast %select_n3A_844 : i32 to index
      %get3A_942 = arith.constant 384 : index
      %get3A_943 = tpu.vector_load %arg8[%get3A_941, %get3A_942] {strides = array<i32>} : memref<2x768xf32, #tpu.memory_space<vmem>>, vector<1x16xf32>,
      %get3A_944 = vector.shape_cast %get3A_943 : vector<1x16xf32> to vector<16xf32>
      %get3A_945 = arith.index_cast %select_n3A_844 : i32 to index
      %get3A_946 = arith.constant 400 : index
      %get3A_947 = tpu.vector_load %arg8[%get3A_945, %get3A_946] {strides = array<i32>} : memref<2x768xf32, #tpu.memory_space<vmem>>, vector<1x16xf32>,
      %get3A_948 = vector.shape_cast %get3A_947 : vector<1x16xf32> to vector<16xf32>
      %get3A_949 = arith.index_cast %select_n3A_844 : i32 to index
      %get3A_950 = arith.constant 416 : index
      %get3A_951 = tpu.vector_load %arg8[%get3A_949, %get3A_950] {strides = array<i32>} : memref<2x768xf32, #tpu.memory_space<vmem>>, vector<1x16xf32>,
      %get3A_952 = vector.shape_cast %get3A_951 : vector<1x16xf32> to vector<16xf32>
      %get3A_953 = arith.index_cast %select_n3A_844 : i32 to index
      %get3A_954 = arith.constant 432 : index
      %get3A_955 = tpu.vector_load %arg8[%get3A_953, %get3A_954] {strides = array<i32>} : memref<2x768xf32, #tpu.memory_space<vmem>>, vector<1x16xf32>,
      %get3A_956 = vector.shape_cast %get3A_955 : vector<1x16xf32> to vector<16xf32>
      %get3A_957 = arith.index_cast %select_n3A_844 : i32 to index
      %get3A_958 = arith.constant 448 : index
      %get3A_959 = tpu.vector_load %arg8[%get3A_957, %get3A_958] {strides = array<i32>} : memref<2x768xf32, #tpu.memory_space<vmem>>, vector<1x16xf32>,
      %get3A_960 = vector.shape_cast %get3A_959 : vector<1x16xf32> to vector<16xf32>
      %get3A_961 = arith.index_cast %select_n3A_844 : i32 to index
      %get3A_962 = arith.constant 464 : index
      %get3A_963 = tpu.vector_load %arg8[%get3A_961, %get3A_962] {strides = array<i32>} : memref<2x768xf32, #tpu.memory_space<vmem>>, vector<1x16xf32>,
      %get3A_964 = vector.shape_cast %get3A_963 : vector<1x16xf32> to vector<16xf32>
      %get3A_965 = arith.index_cast %select_n3A_844 : i32 to index
      %get3A_966 = arith.constant 480 : index
      %get3A_967 = tpu.vector_load %arg8[%get3A_965, %get3A_966] {strides = array<i32>} : memref<2x768xf32, #tpu.memory_space<vmem>>, vector<1x16xf32>,
      %get3A_968 = vector.shape_cast %get3A_967 : vector<1x16xf32> to vector<16xf32>
      %get3A_969 = arith.index_cast %select_n3A_844 : i32 to index
      %get3A_970 = arith.constant 496 : index
      %get3A_971 = tpu.vector_load %arg8[%get3A_969, %get3A_970] {strides = array<i32>} : memref<2x768xf32, #tpu.memory_space<vmem>>, vector<1x16xf32>,
      %get3A_972 = vector.shape_cast %get3A_971 : vector<1x16xf32> to vector<16xf32>
      %get3A_973 = arith.index_cast %select_n3A_844 : i32 to index
      %get3A_974 = arith.constant 512 : index
      %get3A_975 = tpu.vector_load %arg8[%get3A_973, %get3A_974] {strides = array<i32>} : memref<2x768xf32, #tpu.memory_space<vmem>>, vector<1x16xf32>,
      %get3A_976 = vector.shape_cast %get3A_975 : vector<1x16xf32> to vector<16xf32>
      %get3A_977 = arith.index_cast %select_n3A_844 : i32 to index
      %get3A_978 = arith.constant 528 : index
      %get3A_979 = tpu.vector_load %arg8[%get3A_977, %get3A_978] {strides = array<i32>} : memref<2x768xf32, #tpu.memory_space<vmem>>, vector<1x16xf32>,
      %get3A_980 = vector.shape_cast %get3A_979 : vector<1x16xf32> to vector<16xf32>
      %get3A_981 = arith.index_cast %select_n3A_844 : i32 to index
      %get3A_982 = arith.constant 544 : index
      %get3A_983 = tpu.vector_load %arg8[%get3A_981, %get3A_982] {strides = array<i32>} : memref<2x768xf32, #tpu.memory_space<vmem>>, vector<1x16xf32>,
      %get3A_984 = vector.shape_cast %get3A_983 : vector<1x16xf32> to vector<16xf32>
      %get3A_985 = arith.index_cast %select_n3A_844 : i32 to index
      %get3A_986 = arith.constant 560 : index
      %get3A_987 = tpu.vector_load %arg8[%get3A_985, %get3A_986] {strides = array<i32>} : memref<2x768xf32, #tpu.memory_space<vmem>>, vector<1x16xf32>,
      %get3A_988 = vector.shape_cast %get3A_987 : vector<1x16xf32> to vector<16xf32>
      %get3A_989 = arith.index_cast %select_n3A_844 : i32 to index
      %get3A_990 = arith.constant 576 : index
      %get3A_991 = tpu.vector_load %arg8[%get3A_989, %get3A_990] {strides = array<i32>} : memref<2x768xf32, #tpu.memory_space<vmem>>, vector<1x16xf32>,
      %get3A_992 = vector.shape_cast %get3A_991 : vector<1x16xf32> to vector<16xf32>
      %get3A_993 = arith.index_cast %select_n3A_844 : i32 to index
      %get3A_994 = arith.constant 592 : index
      %get3A_995 = tpu.vector_load %arg8[%get3A_993, %get3A_994] {strides = array<i32>} : memref<2x768xf32, #tpu.memory_space<vmem>>, vector<1x16xf32>,
      %get3A_996 = vector.shape_cast %get3A_995 : vector<1x16xf32> to vector<16xf32>
      %get3A_997 = arith.index_cast %select_n3A_844 : i32 to index
      %get3A_998 = arith.constant 608 : index
      %get3A_999 = tpu.vector_load %arg8[%get3A_997, %get3A_998] {strides = array<i32>} : memref<2x768xf32, #tpu.memory_space<vmem>>, vector<1x16xf32>,
      %get3A_1000 = vector.shape_cast %get3A_999 : vector<1x16xf32> to vector<16xf32>
      %get3A_1001 = arith.index_cast %select_n3A_844 : i32 to index
      %get3A_1002 = arith.constant 624 : index
      %get3A_1003 = tpu.vector_load %arg8[%get3A_1001, %get3A_1002] {strides = array<i32>} : memref<2x768xf32, #tpu.memory_space<vmem>>, vector<1x16xf32>,
      %get3A_1004 = vector.shape_cast %get3A_1003 : vector<1x16xf32> to vector<16xf32>
      %get3A_1005 = arith.index_cast %select_n3A_844 : i32 to index
      %get3A_1006 = arith.constant 640 : index
      %get3A_1007 = tpu.vector_load %arg8[%get3A_1005, %get3A_1006] {strides = array<i32>} : memref<2x768xf32, #tpu.memory_space<vmem>>, vector<1x16xf32>,
      %get3A_1008 = vector.shape_cast %get3A_1007 : vector<1x16xf32> to vector<16xf32>
      %get3A_1009 = arith.index_cast %select_n3A_844 : i32 to index
      %get3A_1010 = arith.constant 656 : index
      %get3A_1011 = tpu.vector_load %arg8[%get3A_1009, %get3A_1010] {strides = array<i32>} : memref<2x768xf32, #tpu.memory_space<vmem>>, vector<1x16xf32>,
      %get3A_1012 = vector.shape_cast %get3A_1011 : vector<1x16xf32> to vector<16xf32>
      %get3A_1013 = arith.index_cast %select_n3A_844 : i32 to index
      %get3A_1014 = arith.constant 672 : index
      %get3A_1015 = tpu.vector_load %arg8[%get3A_1013, %get3A_1014] {strides = array<i32>} : memref<2x768xf32, #tpu.memory_space<vmem>>, vector<1x16xf32>,
      %get3A_1016 = vector.shape_cast %get3A_1015 : vector<1x16xf32> to vector<16xf32>
      %get3A_1017 = arith.index_cast %select_n3A_844 : i32 to index
      %get3A_1018 = arith.constant 688 : index
      %get3A_1019 = tpu.vector_load %arg8[%get3A_1017, %get3A_1018] {strides = array<i32>} : memref<2x768xf32, #tpu.memory_space<vmem>>, vector<1x16xf32>,
      %get3A_1020 = vector.shape_cast %get3A_1019 : vector<1x16xf32> to vector<16xf32>
      %get3A_1021 = arith.index_cast %select_n3A_844 : i32 to index
      %get3A_1022 = arith.constant 704 : index
      %get3A_1023 = tpu.vector_load %arg8[%get3A_1021, %get3A_1022] {strides = array<i32>} : memref<2x768xf32, #tpu.memory_space<vmem>>, vector<1x16xf32>,
      %get3A_1024 = vector.shape_cast %get3A_1023 : vector<1x16xf32> to vector<16xf32>
      %get3A_1025 = arith.index_cast %select_n3A_844 : i32 to index
      %get3A_1026 = arith.constant 720 : index
      %get3A_1027 = tpu.vector_load %arg8[%get3A_1025, %get3A_1026] {strides = array<i32>} : memref<2x768xf32, #tpu.memory_space<vmem>>, vector<1x16xf32>,
      %get3A_1028 = vector.shape_cast %get3A_1027 : vector<1x16xf32> to vector<16xf32>
      %get3A_1029 = arith.index_cast %select_n3A_844 : i32 to index
      %get3A_1030 = arith.constant 736 : index
      %get3A_1031 = tpu.vector_load %arg8[%get3A_1029, %get3A_1030] {strides = array<i32>} : memref<2x768xf32, #tpu.memory_space<vmem>>, vector<1x16xf32>,
      %get3A_1032 = vector.shape_cast %get3A_1031 : vector<1x16xf32> to vector<16xf32>
      %get3A_1033 = arith.index_cast %select_n3A_844 : i32 to index
      %get3A_1034 = arith.constant 752 : index
      %get3A_1035 = tpu.vector_load %arg8[%get3A_1033, %get3A_1034] {strides = array<i32>} : memref<2x768xf32, #tpu.memory_space<vmem>>, vector<1x16xf32>,
      %get3A_1036 = vector.shape_cast %get3A_1035 : vector<1x16xf32> to vector<16xf32>
      %dma_wait3A_1037 = arith.constant 0 : i32
      %dma_wait3A_1038 = tpu.memref_slice %arg6[%dma_wait3A_1037] : memref<2048xi32, #tpu.memory_space<vmem>> -> memref<64xi32, #tpu.memory_space<vmem>>
      %dma_wait3A_1039 = arith.constant 0 : i32
      %dma_wait3A_1040 = arith.constant 0 : i32
      %dma_wait3A_1041 = tpu.memref_slice %arg3[%dma_wait3A_1039, %dma_wait3A_1040] : memref<32000x768xf32, #tpu.memory_space<hbm>> -> memref<32000x768xf32, #tpu.memory_space<hbm>>
      tpu.wait_indirect_dma semaphore(%arg11 : memref<!tpu.dma_semaphore, #tpu.memory_space<semaphore_mem>>) src(%dma_wait3A_1041 : memref<32000x768xf32, #tpu.memory_space<hbm>>) dst(%arg9 : memref<64x768xf32, #tpu.memory_space<vmem>>)
      %scan3A_1042 = arith.constant 0 : i32
      %scan3A_1043 = arith.constant 64 : i32
      %scan3A_1044 = arith.addi %scan3A_1042, %scan3A_1043 : i32
      %scan3A_1045 = arith.constant 1 : i32
      scf.for %scan3A_1053 = %scan3A_1042 to %scan3A_1044 step %scan3A_1045  : i32 {
        %get3A_1054 = arith.index_cast %scan3A_1053 : i32 to index
        %get3A_1055 = arith.constant 0 : index
        %get3A_1056 = tpu.vector_load %arg9[%get3A_1054, %get3A_1055] {strides = array<i32>} : memref<64x768xf32, #tpu.memory_space<vmem>>, vector<1x16xf32>,
        %get3A_1057 = vector.shape_cast %get3A_1056 : vector<1x16xf32> to vector<16xf32>
        %add3A_1058 = arith.addf %get3A_1057, %get3A_848 : vector<16xf32>
        %swap3A = arith.index_cast %scan3A_1053 : i32 to index
        %swap3A_1059 = arith.constant 0 : index
        %swap3A_1060 = tpu.vector_load %arg9[%swap3A, %swap3A_1059] {strides = array<i32>} : memref<64x768xf32, #tpu.memory_space<vmem>>, vector<1x16xf32>,
        %swap3A_1061 = vector.shape_cast %swap3A_1060 : vector<1x16xf32> to vector<16xf32>
        %swap3A_1062 = vector.shape_cast %add3A_1058 : vector<16xf32> to vector<1x16xf32>
        tpu.vector_store %arg9[%swap3A, %swap3A_1059], %swap3A_1062 {strides = array<i32>} : memref<64x768xf32, #tpu.memory_space<vmem>>, vector<1x16xf32>,
        %get3A_1063 = arith.index_cast %scan3A_1053 : i32 to index
        %get3A_1064 = arith.constant 16 : index
        %get3A_1065 = tpu.vector_load %arg9[%get3A_1063, %get3A_1064] {strides = array<i32>} : memref<64x768xf32, #tpu.memory_space<vmem>>, vector<1x16xf32>,
        %get3A_1066 = vector.shape_cast %get3A_1065 : vector<1x16xf32> to vector<16xf32>
        %add3A_1067 = arith.addf %get3A_1066, %get3A_852 : vector<16xf32>
        %swap3A_1068 = arith.index_cast %scan3A_1053 : i32 to index
        %swap3A_1069 = arith.constant 16 : index
        %swap3A_1070 = tpu.vector_load %arg9[%swap3A_1068, %swap3A_1069] {strides = array<i32>} : memref<64x768xf32, #tpu.memory_space<vmem>>, vector<1x16xf32>,
        %swap3A_1071 = vector.shape_cast %swap3A_1070 : vector<1x16xf32> to vector<16xf32>
        %swap3A_1072 = vector.shape_cast %add3A_1067 : vector<16xf32> to vector<1x16xf32>
        tpu.vector_store %arg9[%swap3A_1068, %swap3A_1069], %swap3A_1072 {strides = array<i32>} : memref<64x768xf32, #tpu.memory_space<vmem>>, vector<1x16xf32>,
        %get3A_1073 = arith.index_cast %scan3A_1053 : i32 to index
        %get3A_1074 = arith.constant 32 : index
        %get3A_1075 = tpu.vector_load %arg9[%get3A_1073, %get3A_1074] {strides = array<i32>} : memref<64x768xf32, #tpu.memory_space<vmem>>, vector<1x16xf32>,
        %get3A_1076 = vector.shape_cast %get3A_1075 : vector<1x16xf32> to vector<16xf32>
        %add3A_1077 = arith.addf %get3A_1076, %get3A_856 : vector<16xf32>
        %swap3A_1078 = arith.index_cast %scan3A_1053 : i32 to index
        %swap3A_1079 = arith.constant 32 : index
        %swap3A_1080 = tpu.vector_load %arg9[%swap3A_1078, %swap3A_1079] {strides = array<i32>} : memref<64x768xf32, #tpu.memory_space<vmem>>, vector<1x16xf32>,
        %swap3A_1081 = vector.shape_cast %swap3A_1080 : vector<1x16xf32> to vector<16xf32>
        %swap3A_1082 = vector.shape_cast %add3A_1077 : vector<16xf32> to vector<1x16xf32>
        tpu.vector_store %arg9[%swap3A_1078, %swap3A_1079], %swap3A_1082 {strides = array<i32>} : memref<64x768xf32, #tpu.memory_space<vmem>>, vector<1x16xf32>,
        %get3A_1083 = arith.index_cast %scan3A_1053 : i32 to index
        %get3A_1084 = arith.constant 48 : index
        %get3A_1085 = tpu.vector_load %arg9[%get3A_1083, %get3A_1084] {strides = array<i32>} : memref<64x768xf32, #tpu.memory_space<vmem>>, vector<1x16xf32>,
        %get3A_1086 = vector.shape_cast %get3A_1085 : vector<1x16xf32> to vector<16xf32>
        %add3A_1087 = arith.addf %get3A_1086, %get3A_860 : vector<16xf32>
        %swap3A_1088 = arith.index_cast %scan3A_1053 : i32 to index
        %swap3A_1089 = arith.constant 48 : index
        %swap3A_1090 = tpu.vector_load %arg9[%swap3A_1088, %swap3A_1089] {strides = array<i32>} : memref<64x768xf32, #tpu.memory_space<vmem>>, vector<1x16xf32>,
        %swap3A_1091 = vector.shape_cast %swap3A_1090 : vector<1x16xf32> to vector<16xf32>
        %swap3A_1092 = vector.shape_cast %add3A_1087 : vector<16xf32> to vector<1x16xf32>
        tpu.vector_store %arg9[%swap3A_1088, %swap3A_1089], %swap3A_1092 {strides = array<i32>} : memref<64x768xf32, #tpu.memory_space<vmem>>, vector<1x16xf32>,
        %get3A_1093 = arith.index_cast %scan3A_1053 : i32 to index
        %get3A_1094 = arith.constant 64 : index
        %get3A_1095 = tpu.vector_load %arg9[%get3A_1093, %get3A_1094] {strides = array<i32>} : memref<64x768xf32, #tpu.memory_space<vmem>>, vector<1x16xf32>,
        %get3A_1096 = vector.shape_cast %get3A_1095 : vector<1x16xf32> to vector<16xf32>
        %add3A_1097 = arith.addf %get3A_1096, %get3A_864 : vector<16xf32>
        %swap3A_1098 = arith.index_cast %scan3A_1053 : i32 to index
        %swap3A_1099 = arith.constant 64 : index
        %swap3A_1100 = tpu.vector_load %arg9[%swap3A_1098, %swap3A_1099] {strides = array<i32>} : memref<64x768xf32, #tpu.memory_space<vmem>>, vector<1x16xf32>,
        %swap3A_1101 = vector.shape_cast %swap3A_1100 : vector<1x16xf32> to vector<16xf32>
        %swap3A_1102 = vector.shape_cast %add3A_1097 : vector<16xf32> to vector<1x16xf32>
        tpu.vector_store %arg9[%swap3A_1098, %swap3A_1099], %swap3A_1102 {strides = array<i32>} : memref<64x768xf32, #tpu.memory_space<vmem>>, vector<1x16xf32>,
        %get3A_1103 = arith.index_cast %scan3A_1053 : i32 to index
        %get3A_1104 = arith.constant 80 : index
        %get3A_1105 = tpu.vector_load %arg9[%get3A_1103, %get3A_1104] {strides = array<i32>} : memref<64x768xf32, #tpu.memory_space<vmem>>, vector<1x16xf32>,
        %get3A_1106 = vector.shape_cast %get3A_1105 : vector<1x16xf32> to vector<16xf32>
        %add3A_1107 = arith.addf %get3A_1106, %get3A_868 : vector<16xf32>
        %swap3A_1108 = arith.index_cast %scan3A_1053 : i32 to index
        %swap3A_1109 = arith.constant 80 : index
        %swap3A_1110 = tpu.vector_load %arg9[%swap3A_1108, %swap3A_1109] {strides = array<i32>} : memref<64x768xf32, #tpu.memory_space<vmem>>, vector<1x16xf32>,
        %swap3A_1111 = vector.shape_cast %swap3A_1110 : vector<1x16xf32> to vector<16xf32>
        %swap3A_1112 = vector.shape_cast %add3A_1107 : vector<16xf32> to vector<1x16xf32>
        tpu.vector_store %arg9[%swap3A_1108, %swap3A_1109], %swap3A_1112 {strides = array<i32>} : memref<64x768xf32, #tpu.memory_space<vmem>>, vector<1x16xf32>,
        %get3A_1113 = arith.index_cast %scan3A_1053 : i32 to index
        %get3A_1114 = arith.constant 96 : index
        %get3A_1115 = tpu.vector_load %arg9[%get3A_1113, %get3A_1114] {strides = array<i32>} : memref<64x768xf32, #tpu.memory_space<vmem>>, vector<1x16xf32>,
        %get3A_1116 = vector.shape_cast %get3A_1115 : vector<1x16xf32> to vector<16xf32>
        %add3A_1117 = arith.addf %get3A_1116, %get3A_872 : vector<16xf32>
        %swap3A_1118 = arith.index_cast %scan3A_1053 : i32 to index
        %swap3A_1119 = arith.constant 96 : index
        %swap3A_1120 = tpu.vector_load %arg9[%swap3A_1118, %swap3A_1119] {strides = array<i32>} : memref<64x768xf32, #tpu.memory_space<vmem>>, vector<1x16xf32>,
        %swap3A_1121 = vector.shape_cast %swap3A_1120 : vector<1x16xf32> to vector<16xf32>
        %swap3A_1122 = vector.shape_cast %add3A_1117 : vector<16xf32> to vector<1x16xf32>
        tpu.vector_store %arg9[%swap3A_1118, %swap3A_1119], %swap3A_1122 {strides = array<i32>} : memref<64x768xf32, #tpu.memory_space<vmem>>, vector<1x16xf32>,
        %get3A_1123 = arith.index_cast %scan3A_1053 : i32 to index
        %get3A_1124 = arith.constant 112 : index
        %get3A_1125 = tpu.vector_load %arg9[%get3A_1123, %get3A_1124] {strides = array<i32>} : memref<64x768xf32, #tpu.memory_space<vmem>>, vector<1x16xf32>,
        %get3A_1126 = vector.shape_cast %get3A_1125 : vector<1x16xf32> to vector<16xf32>
        %add3A_1127 = arith.addf %get3A_1126, %get3A_876 : vector<16xf32>
        %swap3A_1128 = arith.index_cast %scan3A_1053 : i32 to index
        %swap3A_1129 = arith.constant 112 : index
        %swap3A_1130 = tpu.vector_load %arg9[%swap3A_1128, %swap3A_1129] {strides = array<i32>} : memref<64x768xf32, #tpu.memory_space<vmem>>, vector<1x16xf32>,
        %swap3A_1131 = vector.shape_cast %swap3A_1130 : vector<1x16xf32> to vector<16xf32>
        %swap3A_1132 = vector.shape_cast %add3A_1127 : vector<16xf32> to vector<1x16xf32>
        tpu.vector_store %arg9[%swap3A_1128, %swap3A_1129], %swap3A_1132 {strides = array<i32>} : memref<64x768xf32, #tpu.memory_space<vmem>>, vector<1x16xf32>,
        %get3A_1133 = arith.index_cast %scan3A_1053 : i32 to index
        %get3A_1134 = arith.constant 128 : index
        %get3A_1135 = tpu.vector_load %arg9[%get3A_1133, %get3A_1134] {strides = array<i32>} : memref<64x768xf32, #tpu.memory_space<vmem>>, vector<1x16xf32>,
        %get3A_1136 = vector.shape_cast %get3A_1135 : vector<1x16xf32> to vector<16xf32>
        %add3A_1137 = arith.addf %get3A_1136, %get3A_880 : vector<16xf32>
        %swap3A_1138 = arith.index_cast %scan3A_1053 : i32 to index
        %swap3A_1139 = arith.constant 128 : index
        %swap3A_1140 = tpu.vector_load %arg9[%swap3A_1138, %swap3A_1139] {strides = array<i32>} : memref<64x768xf32, #tpu.memory_space<vmem>>, vector<1x16xf32>,
        %swap3A_1141 = vector.shape_cast %swap3A_1140 : vector<1x16xf32> to vector<16xf32>
        %swap3A_1142 = vector.shape_cast %add3A_1137 : vector<16xf32> to vector<1x16xf32>
        tpu.vector_store %arg9[%swap3A_1138, %swap3A_1139], %swap3A_1142 {strides = array<i32>} : memref<64x768xf32, #tpu.memory_space<vmem>>, vector<1x16xf32>,
        %get3A_1143 = arith.index_cast %scan3A_1053 : i32 to index
        %get3A_1144 = arith.constant 144 : index
        %get3A_1145 = tpu.vector_load %arg9[%get3A_1143, %get3A_1144] {strides = array<i32>} : memref<64x768xf32, #tpu.memory_space<vmem>>, vector<1x16xf32>,
        %get3A_1146 = vector.shape_cast %get3A_1145 : vector<1x16xf32> to vector<16xf32>
        %add3A_1147 = arith.addf %get3A_1146, %get3A_884 : vector<16xf32>
        %swap3A_1148 = arith.index_cast %scan3A_1053 : i32 to index
        %swap3A_1149 = arith.constant 144 : index
        %swap3A_1150 = tpu.vector_load %arg9[%swap3A_1148, %swap3A_1149] {strides = array<i32>} : memref<64x768xf32, #tpu.memory_space<vmem>>, vector<1x16xf32>,
        %swap3A_1151 = vector.shape_cast %swap3A_1150 : vector<1x16xf32> to vector<16xf32>
        %swap3A_1152 = vector.shape_cast %add3A_1147 : vector<16xf32> to vector<1x16xf32>
        tpu.vector_store %arg9[%swap3A_1148, %swap3A_1149], %swap3A_1152 {strides = array<i32>} : memref<64x768xf32, #tpu.memory_space<vmem>>, vector<1x16xf32>,
        %get3A_1153 = arith.index_cast %scan3A_1053 : i32 to index
        %get3A_1154 = arith.constant 160 : index
        %get3A_1155 = tpu.vector_load %arg9[%get3A_1153, %get3A_1154] {strides = array<i32>} : memref<64x768xf32, #tpu.memory_space<vmem>>, vector<1x16xf32>,
        %get3A_1156 = vector.shape_cast %get3A_1155 : vector<1x16xf32> to vector<16xf32>
        %add3A_1157 = arith.addf %get3A_1156, %get3A_888 : vector<16xf32>
        %swap3A_1158 = arith.index_cast %scan3A_1053 : i32 to index
        %swap3A_1159 = arith.constant 160 : index
        %swap3A_1160 = tpu.vector_load %arg9[%swap3A_1158, %swap3A_1159] {strides = array<i32>} : memref<64x768xf32, #tpu.memory_space<vmem>>, vector<1x16xf32>,
        %swap3A_1161 = vector.shape_cast %swap3A_1160 : vector<1x16xf32> to vector<16xf32>
        %swap3A_1162 = vector.shape_cast %add3A_1157 : vector<16xf32> to vector<1x16xf32>
        tpu.vector_store %arg9[%swap3A_1158, %swap3A_1159], %swap3A_1162 {strides = array<i32>} : memref<64x768xf32, #tpu.memory_space<vmem>>, vector<1x16xf32>,
        %get3A_1163 = arith.index_cast %scan3A_1053 : i32 to index
        %get3A_1164 = arith.constant 176 : index
        %get3A_1165 = tpu.vector_load %arg9[%get3A_1163, %get3A_1164] {strides = array<i32>} : memref<64x768xf32, #tpu.memory_space<vmem>>, vector<1x16xf32>,
        %get3A_1166 = vector.shape_cast %get3A_1165 : vector<1x16xf32> to vector<16xf32>
        %add3A_1167 = arith.addf %get3A_1166, %get3A_892 : vector<16xf32>
        %swap3A_1168 = arith.index_cast %scan3A_1053 : i32 to index
        %swap3A_1169 = arith.constant 176 : index
        %swap3A_1170 = tpu.vector_load %arg9[%swap3A_1168, %swap3A_1169] {strides = array<i32>} : memref<64x768xf32, #tpu.memory_space<vmem>>, vector<1x16xf32>,
        %swap3A_1171 = vector.shape_cast %swap3A_1170 : vector<1x16xf32> to vector<16xf32>
        %swap3A_1172 = vector.shape_cast %add3A_1167 : vector<16xf32> to vector<1x16xf32>
        tpu.vector_store %arg9[%swap3A_1168, %swap3A_1169], %swap3A_1172 {strides = array<i32>} : memref<64x768xf32, #tpu.memory_space<vmem>>, vector<1x16xf32>,
        %get3A_1173 = arith.index_cast %scan3A_1053 : i32 to index
        %get3A_1174 = arith.constant 192 : index
        %get3A_1175 = tpu.vector_load %arg9[%get3A_1173, %get3A_1174] {strides = array<i32>} : memref<64x768xf32, #tpu.memory_space<vmem>>, vector<1x16xf32>,
        %get3A_1176 = vector.shape_cast %get3A_1175 : vector<1x16xf32> to vector<16xf32>
        %add3A_1177 = arith.addf %get3A_1176, %get3A_896 : vector<16xf32>
        %swap3A_1178 = arith.index_cast %scan3A_1053 : i32 to index
        %swap3A_1179 = arith.constant 192 : index
        %swap3A_1180 = tpu.vector_load %arg9[%swap3A_1178, %swap3A_1179] {strides = array<i32>} : memref<64x768xf32, #tpu.memory_space<vmem>>, vector<1x16xf32>,
        %swap3A_1181 = vector.shape_cast %swap3A_1180 : vector<1x16xf32> to vector<16xf32>
        %swap3A_1182 = vector.shape_cast %add3A_1177 : vector<16xf32> to vector<1x16xf32>
        tpu.vector_store %arg9[%swap3A_1178, %swap3A_1179], %swap3A_1182 {strides = array<i32>} : memref<64x768xf32, #tpu.memory_space<vmem>>, vector<1x16xf32>,
        %get3A_1183 = arith.index_cast %scan3A_1053 : i32 to index
        %get3A_1184 = arith.constant 208 : index
        %get3A_1185 = tpu.vector_load %arg9[%get3A_1183, %get3A_1184] {strides = array<i32>} : memref<64x768xf32, #tpu.memory_space<vmem>>, vector<1x16xf32>,
        %get3A_1186 = vector.shape_cast %get3A_1185 : vector<1x16xf32> to vector<16xf32>
        %add3A_1187 = arith.addf %get3A_1186, %get3A_900 : vector<16xf32>
        %swap3A_1188 = arith.index_cast %scan3A_1053 : i32 to index
        %swap3A_1189 = arith.constant 208 : index
        %swap3A_1190 = tpu.vector_load %arg9[%swap3A_1188, %swap3A_1189] {strides = array<i32>} : memref<64x768xf32, #tpu.memory_space<vmem>>, vector<1x16xf32>,
        %swap3A_1191 = vector.shape_cast %swap3A_1190 : vector<1x16xf32> to vector<16xf32>
        %swap3A_1192 = vector.shape_cast %add3A_1187 : vector<16xf32> to vector<1x16xf32>
        tpu.vector_store %arg9[%swap3A_1188, %swap3A_1189], %swap3A_1192 {strides = array<i32>} : memref<64x768xf32, #tpu.memory_space<vmem>>, vector<1x16xf32>,
        %get3A_1193 = arith.index_cast %scan3A_1053 : i32 to index
        %get3A_1194 = arith.constant 224 : index
        %get3A_1195 = tpu.vector_load %arg9[%get3A_1193, %get3A_1194] {strides = array<i32>} : memref<64x768xf32, #tpu.memory_space<vmem>>, vector<1x16xf32>,
        %get3A_1196 = vector.shape_cast %get3A_1195 : vector<1x16xf32> to vector<16xf32>
        %add3A_1197 = arith.addf %get3A_1196, %get3A_904 : vector<16xf32>
        %swap3A_1198 = arith.index_cast %scan3A_1053 : i32 to index
        %swap3A_1199 = arith.constant 224 : index
        %swap3A_1200 = tpu.vector_load %arg9[%swap3A_1198, %swap3A_1199] {strides = array<i32>} : memref<64x768xf32, #tpu.memory_space<vmem>>, vector<1x16xf32>,
        %swap3A_1201 = vector.shape_cast %swap3A_1200 : vector<1x16xf32> to vector<16xf32>
        %swap3A_1202 = vector.shape_cast %add3A_1197 : vector<16xf32> to vector<1x16xf32>
        tpu.vector_store %arg9[%swap3A_1198, %swap3A_1199], %swap3A_1202 {strides = array<i32>} : memref<64x768xf32, #tpu.memory_space<vmem>>, vector<1x16xf32>,
        %get3A_1203 = arith.index_cast %scan3A_1053 : i32 to index
        %get3A_1204 = arith.constant 240 : index
        %get3A_1205 = tpu.vector_load %arg9[%get3A_1203, %get3A_1204] {strides = array<i32>} : memref<64x768xf32, #tpu.memory_space<vmem>>, vector<1x16xf32>,
        %get3A_1206 = vector.shape_cast %get3A_1205 : vector<1x16xf32> to vector<16xf32>
        %add3A_1207 = arith.addf %get3A_1206, %get3A_908 : vector<16xf32>
        %swap3A_1208 = arith.index_cast %scan3A_1053 : i32 to index
        %swap3A_1209 = arith.constant 240 : index
        %swap3A_1210 = tpu.vector_load %arg9[%swap3A_1208, %swap3A_1209] {strides = array<i32>} : memref<64x768xf32, #tpu.memory_space<vmem>>, vector<1x16xf32>,
        %swap3A_1211 = vector.shape_cast %swap3A_1210 : vector<1x16xf32> to vector<16xf32>
        %swap3A_1212 = vector.shape_cast %add3A_1207 : vector<16xf32> to vector<1x16xf32>
        tpu.vector_store %arg9[%swap3A_1208, %swap3A_1209], %swap3A_1212 {strides = array<i32>} : memref<64x768xf32, #tpu.memory_space<vmem>>, vector<1x16xf32>,
        %get3A_1213 = arith.index_cast %scan3A_1053 : i32 to index
        %get3A_1214 = arith.constant 256 : index
        %get3A_1215 = tpu.vector_load %arg9[%get3A_1213, %get3A_1214] {strides = array<i32>} : memref<64x768xf32, #tpu.memory_space<vmem>>, vector<1x16xf32>,
        %get3A_1216 = vector.shape_cast %get3A_1215 : vector<1x16xf32> to vector<16xf32>
        %add3A_1217 = arith.addf %get3A_1216, %get3A_912 : vector<16xf32>
        %swap3A_1218 = arith.index_cast %scan3A_1053 : i32 to index
        %swap3A_1219 = arith.constant 256 : index
        %swap3A_1220 = tpu.vector_load %arg9[%swap3A_1218, %swap3A_1219] {strides = array<i32>} : memref<64x768xf32, #tpu.memory_space<vmem>>, vector<1x16xf32>,
        %swap3A_1221 = vector.shape_cast %swap3A_1220 : vector<1x16xf32> to vector<16xf32>
        %swap3A_1222 = vector.shape_cast %add3A_1217 : vector<16xf32> to vector<1x16xf32>
        tpu.vector_store %arg9[%swap3A_1218, %swap3A_1219], %swap3A_1222 {strides = array<i32>} : memref<64x768xf32, #tpu.memory_space<vmem>>, vector<1x16xf32>,
        %get3A_1223 = arith.index_cast %scan3A_1053 : i32 to index
        %get3A_1224 = arith.constant 272 : index
        %get3A_1225 = tpu.vector_load %arg9[%get3A_1223, %get3A_1224] {strides = array<i32>} : memref<64x768xf32, #tpu.memory_space<vmem>>, vector<1x16xf32>,
        %get3A_1226 = vector.shape_cast %get3A_1225 : vector<1x16xf32> to vector<16xf32>
        %add3A_1227 = arith.addf %get3A_1226, %get3A_916 : vector<16xf32>
        %swap3A_1228 = arith.index_cast %scan3A_1053 : i32 to index
        %swap3A_1229 = arith.constant 272 : index
        %swap3A_1230 = tpu.vector_load %arg9[%swap3A_1228, %swap3A_1229] {strides = array<i32>} : memref<64x768xf32, #tpu.memory_space<vmem>>, vector<1x16xf32>,
        %swap3A_1231 = vector.shape_cast %swap3A_1230 : vector<1x16xf32> to vector<16xf32>
        %swap3A_1232 = vector.shape_cast %add3A_1227 : vector<16xf32> to vector<1x16xf32>
        tpu.vector_store %arg9[%swap3A_1228, %swap3A_1229], %swap3A_1232 {strides = array<i32>} : memref<64x768xf32, #tpu.memory_space<vmem>>, vector<1x16xf32>,
        %get3A_1233 = arith.index_cast %scan3A_1053 : i32 to index
        %get3A_1234 = arith.constant 288 : index
        %get3A_1235 = tpu.vector_load %arg9[%get3A_1233, %get3A_1234] {strides = array<i32>} : memref<64x768xf32, #tpu.memory_space<vmem>>, vector<1x16xf32>,
        %get3A_1236 = vector.shape_cast %get3A_1235 : vector<1x16xf32> to vector<16xf32>
        %add3A_1237 = arith.addf %get3A_1236, %get3A_920 : vector<16xf32>
        %swap3A_1238 = arith.index_cast %scan3A_1053 : i32 to index
        %swap3A_1239 = arith.constant 288 : index
        %swap3A_1240 = tpu.vector_load %arg9[%swap3A_1238, %swap3A_1239] {strides = array<i32>} : memref<64x768xf32, #tpu.memory_space<vmem>>, vector<1x16xf32>,
        %swap3A_1241 = vector.shape_cast %swap3A_1240 : vector<1x16xf32> to vector<16xf32>
        %swap3A_1242 = vector.shape_cast %add3A_1237 : vector<16xf32> to vector<1x16xf32>
        tpu.vector_store %arg9[%swap3A_1238, %swap3A_1239], %swap3A_1242 {strides = array<i32>} : memref<64x768xf32, #tpu.memory_space<vmem>>, vector<1x16xf32>,
        %get3A_1243 = arith.index_cast %scan3A_1053 : i32 to index
        %get3A_1244 = arith.constant 304 : index
        %get3A_1245 = tpu.vector_load %arg9[%get3A_1243, %get3A_1244] {strides = array<i32>} : memref<64x768xf32, #tpu.memory_space<vmem>>, vector<1x16xf32>,
        %get3A_1246 = vector.shape_cast %get3A_1245 : vector<1x16xf32> to vector<16xf32>
        %add3A_1247 = arith.addf %get3A_1246, %get3A_924 : vector<16xf32>
        %swap3A_1248 = arith.index_cast %scan3A_1053 : i32 to index
        %swap3A_1249 = arith.constant 304 : index
        %swap3A_1250 = tpu.vector_load %arg9[%swap3A_1248, %swap3A_1249] {strides = array<i32>} : memref<64x768xf32, #tpu.memory_space<vmem>>, vector<1x16xf32>,
        %swap3A_1251 = vector.shape_cast %swap3A_1250 : vector<1x16xf32> to vector<16xf32>
        %swap3A_1252 = vector.shape_cast %add3A_1247 : vector<16xf32> to vector<1x16xf32>
        tpu.vector_store %arg9[%swap3A_1248, %swap3A_1249], %swap3A_1252 {strides = array<i32>} : memref<64x768xf32, #tpu.memory_space<vmem>>, vector<1x16xf32>,
        %get3A_1253 = arith.index_cast %scan3A_1053 : i32 to index
        %get3A_1254 = arith.constant 320 : index
        %get3A_1255 = tpu.vector_load %arg9[%get3A_1253, %get3A_1254] {strides = array<i32>} : memref<64x768xf32, #tpu.memory_space<vmem>>, vector<1x16xf32>,
        %get3A_1256 = vector.shape_cast %get3A_1255 : vector<1x16xf32> to vector<16xf32>
        %add3A_1257 = arith.addf %get3A_1256, %get3A_928 : vector<16xf32>
        %swap3A_1258 = arith.index_cast %scan3A_1053 : i32 to index
        %swap3A_1259 = arith.constant 320 : index
        %swap3A_1260 = tpu.vector_load %arg9[%swap3A_1258, %swap3A_1259] {strides = array<i32>} : memref<64x768xf32, #tpu.memory_space<vmem>>, vector<1x16xf32>,
        %swap3A_1261 = vector.shape_cast %swap3A_1260 : vector<1x16xf32> to vector<16xf32>
        %swap3A_1262 = vector.shape_cast %add3A_1257 : vector<16xf32> to vector<1x16xf32>
        tpu.vector_store %arg9[%swap3A_1258, %swap3A_1259], %swap3A_1262 {strides = array<i32>} : memref<64x768xf32, #tpu.memory_space<vmem>>, vector<1x16xf32>,
        %get3A_1263 = arith.index_cast %scan3A_1053 : i32 to index
        %get3A_1264 = arith.constant 336 : index
        %get3A_1265 = tpu.vector_load %arg9[%get3A_1263, %get3A_1264] {strides = array<i32>} : memref<64x768xf32, #tpu.memory_space<vmem>>, vector<1x16xf32>,
        %get3A_1266 = vector.shape_cast %get3A_1265 : vector<1x16xf32> to vector<16xf32>
        %add3A_1267 = arith.addf %get3A_1266, %get3A_932 : vector<16xf32>
        %swap3A_1268 = arith.index_cast %scan3A_1053 : i32 to index
        %swap3A_1269 = arith.constant 336 : index
        %swap3A_1270 = tpu.vector_load %arg9[%swap3A_1268, %swap3A_1269] {strides = array<i32>} : memref<64x768xf32, #tpu.memory_space<vmem>>, vector<1x16xf32>,
        %swap3A_1271 = vector.shape_cast %swap3A_1270 : vector<1x16xf32> to vector<16xf32>
        %swap3A_1272 = vector.shape_cast %add3A_1267 : vector<16xf32> to vector<1x16xf32>
        tpu.vector_store %arg9[%swap3A_1268, %swap3A_1269], %swap3A_1272 {strides = array<i32>} : memref<64x768xf32, #tpu.memory_space<vmem>>, vector<1x16xf32>,
        %get3A_1273 = arith.index_cast %scan3A_1053 : i32 to index
        %get3A_1274 = arith.constant 352 : index
        %get3A_1275 = tpu.vector_load %arg9[%get3A_1273, %get3A_1274] {strides = array<i32>} : memref<64x768xf32, #tpu.memory_space<vmem>>, vector<1x16xf32>,
        %get3A_1276 = vector.shape_cast %get3A_1275 : vector<1x16xf32> to vector<16xf32>
        %add3A_1277 = arith.addf %get3A_1276, %get3A_936 : vector<16xf32>
        %swap3A_1278 = arith.index_cast %scan3A_1053 : i32 to index
        %swap3A_1279 = arith.constant 352 : index
        %swap3A_1280 = tpu.vector_load %arg9[%swap3A_1278, %swap3A_1279] {strides = array<i32>} : memref<64x768xf32, #tpu.memory_space<vmem>>, vector<1x16xf32>,
        %swap3A_1281 = vector.shape_cast %swap3A_1280 : vector<1x16xf32> to vector<16xf32>
        %swap3A_1282 = vector.shape_cast %add3A_1277 : vector<16xf32> to vector<1x16xf32>
        tpu.vector_store %arg9[%swap3A_1278, %swap3A_1279], %swap3A_1282 {strides = array<i32>} : memref<64x768xf32, #tpu.memory_space<vmem>>, vector<1x16xf32>,
        %get3A_1283 = arith.index_cast %scan3A_1053 : i32 to index
        %get3A_1284 = arith.constant 368 : index
        %get3A_1285 = tpu.vector_load %arg9[%get3A_1283, %get3A_1284] {strides = array<i32>} : memref<64x768xf32, #tpu.memory_space<vmem>>, vector<1x16xf32>,
        %get3A_1286 = vector.shape_cast %get3A_1285 : vector<1x16xf32> to vector<16xf32>
        %add3A_1287 = arith.addf %get3A_1286, %get3A_940 : vector<16xf32>
        %swap3A_1288 = arith.index_cast %scan3A_1053 : i32 to index
        %swap3A_1289 = arith.constant 368 : index
        %swap3A_1290 = tpu.vector_load %arg9[%swap3A_1288, %swap3A_1289] {strides = array<i32>} : memref<64x768xf32, #tpu.memory_space<vmem>>, vector<1x16xf32>,
        %swap3A_1291 = vector.shape_cast %swap3A_1290 : vector<1x16xf32> to vector<16xf32>
        %swap3A_1292 = vector.shape_cast %add3A_1287 : vector<16xf32> to vector<1x16xf32>
        tpu.vector_store %arg9[%swap3A_1288, %swap3A_1289], %swap3A_1292 {strides = array<i32>} : memref<64x768xf32, #tpu.memory_space<vmem>>, vector<1x16xf32>,
        %get3A_1293 = arith.index_cast %scan3A_1053 : i32 to index
        %get3A_1294 = arith.constant 384 : index
        %get3A_1295 = tpu.vector_load %arg9[%get3A_1293, %get3A_1294] {strides = array<i32>} : memref<64x768xf32, #tpu.memory_space<vmem>>, vector<1x16xf32>,
        %get3A_1296 = vector.shape_cast %get3A_1295 : vector<1x16xf32> to vector<16xf32>
        %add3A_1297 = arith.addf %get3A_1296, %get3A_944 : vector<16xf32>
        %swap3A_1298 = arith.index_cast %scan3A_1053 : i32 to index
        %swap3A_1299 = arith.constant 384 : index
        %swap3A_1300 = tpu.vector_load %arg9[%swap3A_1298, %swap3A_1299] {strides = array<i32>} : memref<64x768xf32, #tpu.memory_space<vmem>>, vector<1x16xf32>,
        %swap3A_1301 = vector.shape_cast %swap3A_1300 : vector<1x16xf32> to vector<16xf32>
        %swap3A_1302 = vector.shape_cast %add3A_1297 : vector<16xf32> to vector<1x16xf32>
        tpu.vector_store %arg9[%swap3A_1298, %swap3A_1299], %swap3A_1302 {strides = array<i32>} : memref<64x768xf32, #tpu.memory_space<vmem>>, vector<1x16xf32>,
        %get3A_1303 = arith.index_cast %scan3A_1053 : i32 to index
        %get3A_1304 = arith.constant 400 : index
        %get3A_1305 = tpu.vector_load %arg9[%get3A_1303, %get3A_1304] {strides = array<i32>} : memref<64x768xf32, #tpu.memory_space<vmem>>, vector<1x16xf32>,
        %get3A_1306 = vector.shape_cast %get3A_1305 : vector<1x16xf32> to vector<16xf32>
        %add3A_1307 = arith.addf %get3A_1306, %get3A_948 : vector<16xf32>
        %swap3A_1308 = arith.index_cast %scan3A_1053 : i32 to index
        %swap3A_1309 = arith.constant 400 : index
        %swap3A_1310 = tpu.vector_load %arg9[%swap3A_1308, %swap3A_1309] {strides = array<i32>} : memref<64x768xf32, #tpu.memory_space<vmem>>, vector<1x16xf32>,
        %swap3A_1311 = vector.shape_cast %swap3A_1310 : vector<1x16xf32> to vector<16xf32>
        %swap3A_1312 = vector.shape_cast %add3A_1307 : vector<16xf32> to vector<1x16xf32>
        tpu.vector_store %arg9[%swap3A_1308, %swap3A_1309], %swap3A_1312 {strides = array<i32>} : memref<64x768xf32, #tpu.memory_space<vmem>>, vector<1x16xf32>,
        %get3A_1313 = arith.index_cast %scan3A_1053 : i32 to index
        %get3A_1314 = arith.constant 416 : index
        %get3A_1315 = tpu.vector_load %arg9[%get3A_1313, %get3A_1314] {strides = array<i32>} : memref<64x768xf32, #tpu.memory_space<vmem>>, vector<1x16xf32>,
        %get3A_1316 = vector.shape_cast %get3A_1315 : vector<1x16xf32> to vector<16xf32>
        %add3A_1317 = arith.addf %get3A_1316, %get3A_952 : vector<16xf32>
        %swap3A_1318 = arith.index_cast %scan3A_1053 : i32 to index
        %swap3A_1319 = arith.constant 416 : index
        %swap3A_1320 = tpu.vector_load %arg9[%swap3A_1318, %swap3A_1319] {strides = array<i32>} : memref<64x768xf32, #tpu.memory_space<vmem>>, vector<1x16xf32>,
        %swap3A_1321 = vector.shape_cast %swap3A_1320 : vector<1x16xf32> to vector<16xf32>
        %swap3A_1322 = vector.shape_cast %add3A_1317 : vector<16xf32> to vector<1x16xf32>
        tpu.vector_store %arg9[%swap3A_1318, %swap3A_1319], %swap3A_1322 {strides = array<i32>} : memref<64x768xf32, #tpu.memory_space<vmem>>, vector<1x16xf32>,
        %get3A_1323 = arith.index_cast %scan3A_1053 : i32 to index
        %get3A_1324 = arith.constant 432 : index
        %get3A_1325 = tpu.vector_load %arg9[%get3A_1323, %get3A_1324] {strides = array<i32>} : memref<64x768xf32, #tpu.memory_space<vmem>>, vector<1x16xf32>,
        %get3A_1326 = vector.shape_cast %get3A_1325 : vector<1x16xf32> to vector<16xf32>
        %add3A_1327 = arith.addf %get3A_1326, %get3A_956 : vector<16xf32>
        %swap3A_1328 = arith.index_cast %scan3A_1053 : i32 to index
        %swap3A_1329 = arith.constant 432 : index
        %swap3A_1330 = tpu.vector_load %arg9[%swap3A_1328, %swap3A_1329] {strides = array<i32>} : memref<64x768xf32, #tpu.memory_space<vmem>>, vector<1x16xf32>,
        %swap3A_1331 = vector.shape_cast %swap3A_1330 : vector<1x16xf32> to vector<16xf32>
        %swap3A_1332 = vector.shape_cast %add3A_1327 : vector<16xf32> to vector<1x16xf32>
        tpu.vector_store %arg9[%swap3A_1328, %swap3A_1329], %swap3A_1332 {strides = array<i32>} : memref<64x768xf32, #tpu.memory_space<vmem>>, vector<1x16xf32>,
        %get3A_1333 = arith.index_cast %scan3A_1053 : i32 to index
        %get3A_1334 = arith.constant 448 : index
        %get3A_1335 = tpu.vector_load %arg9[%get3A_1333, %get3A_1334] {strides = array<i32>} : memref<64x768xf32, #tpu.memory_space<vmem>>, vector<1x16xf32>,
        %get3A_1336 = vector.shape_cast %get3A_1335 : vector<1x16xf32> to vector<16xf32>
        %add3A_1337 = arith.addf %get3A_1336, %get3A_960 : vector<16xf32>
        %swap3A_1338 = arith.index_cast %scan3A_1053 : i32 to index
        %swap3A_1339 = arith.constant 448 : index
        %swap3A_1340 = tpu.vector_load %arg9[%swap3A_1338, %swap3A_1339] {strides = array<i32>} : memref<64x768xf32, #tpu.memory_space<vmem>>, vector<1x16xf32>,
        %swap3A_1341 = vector.shape_cast %swap3A_1340 : vector<1x16xf32> to vector<16xf32>
        %swap3A_1342 = vector.shape_cast %add3A_1337 : vector<16xf32> to vector<1x16xf32>
        tpu.vector_store %arg9[%swap3A_1338, %swap3A_1339], %swap3A_1342 {strides = array<i32>} : memref<64x768xf32, #tpu.memory_space<vmem>>, vector<1x16xf32>,
        %get3A_1343 = arith.index_cast %scan3A_1053 : i32 to index
        %get3A_1344 = arith.constant 464 : index
        %get3A_1345 = tpu.vector_load %arg9[%get3A_1343, %get3A_1344] {strides = array<i32>} : memref<64x768xf32, #tpu.memory_space<vmem>>, vector<1x16xf32>,
        %get3A_1346 = vector.shape_cast %get3A_1345 : vector<1x16xf32> to vector<16xf32>
        %add3A_1347 = arith.addf %get3A_1346, %get3A_964 : vector<16xf32>
        %swap3A_1348 = arith.index_cast %scan3A_1053 : i32 to index
        %swap3A_1349 = arith.constant 464 : index
        %swap3A_1350 = tpu.vector_load %arg9[%swap3A_1348, %swap3A_1349] {strides = array<i32>} : memref<64x768xf32, #tpu.memory_space<vmem>>, vector<1x16xf32>,
        %swap3A_1351 = vector.shape_cast %swap3A_1350 : vector<1x16xf32> to vector<16xf32>
        %swap3A_1352 = vector.shape_cast %add3A_1347 : vector<16xf32> to vector<1x16xf32>
        tpu.vector_store %arg9[%swap3A_1348, %swap3A_1349], %swap3A_1352 {strides = array<i32>} : memref<64x768xf32, #tpu.memory_space<vmem>>, vector<1x16xf32>,
        %get3A_1353 = arith.index_cast %scan3A_1053 : i32 to index
        %get3A_1354 = arith.constant 480 : index
        %get3A_1355 = tpu.vector_load %arg9[%get3A_1353, %get3A_1354] {strides = array<i32>} : memref<64x768xf32, #tpu.memory_space<vmem>>, vector<1x16xf32>,
        %get3A_1356 = vector.shape_cast %get3A_1355 : vector<1x16xf32> to vector<16xf32>
        %add3A_1357 = arith.addf %get3A_1356, %get3A_968 : vector<16xf32>
        %swap3A_1358 = arith.index_cast %scan3A_1053 : i32 to index
        %swap3A_1359 = arith.constant 480 : index
        %swap3A_1360 = tpu.vector_load %arg9[%swap3A_1358, %swap3A_1359] {strides = array<i32>} : memref<64x768xf32, #tpu.memory_space<vmem>>, vector<1x16xf32>,
        %swap3A_1361 = vector.shape_cast %swap3A_1360 : vector<1x16xf32> to vector<16xf32>
        %swap3A_1362 = vector.shape_cast %add3A_1357 : vector<16xf32> to vector<1x16xf32>
        tpu.vector_store %arg9[%swap3A_1358, %swap3A_1359], %swap3A_1362 {strides = array<i32>} : memref<64x768xf32, #tpu.memory_space<vmem>>, vector<1x16xf32>,
        %get3A_1363 = arith.index_cast %scan3A_1053 : i32 to index
        %get3A_1364 = arith.constant 496 : index
        %get3A_1365 = tpu.vector_load %arg9[%get3A_1363, %get3A_1364] {strides = array<i32>} : memref<64x768xf32, #tpu.memory_space<vmem>>, vector<1x16xf32>,
        %get3A_1366 = vector.shape_cast %get3A_1365 : vector<1x16xf32> to vector<16xf32>
        %add3A_1367 = arith.addf %get3A_1366, %get3A_972 : vector<16xf32>
        %swap3A_1368 = arith.index_cast %scan3A_1053 : i32 to index
        %swap3A_1369 = arith.constant 496 : index
        %swap3A_1370 = tpu.vector_load %arg9[%swap3A_1368, %swap3A_1369] {strides = array<i32>} : memref<64x768xf32, #tpu.memory_space<vmem>>, vector<1x16xf32>,
        %swap3A_1371 = vector.shape_cast %swap3A_1370 : vector<1x16xf32> to vector<16xf32>
        %swap3A_1372 = vector.shape_cast %add3A_1367 : vector<16xf32> to vector<1x16xf32>
        tpu.vector_store %arg9[%swap3A_1368, %swap3A_1369], %swap3A_1372 {strides = array<i32>} : memref<64x768xf32, #tpu.memory_space<vmem>>, vector<1x16xf32>,
        %get3A_1373 = arith.index_cast %scan3A_1053 : i32 to index
        %get3A_1374 = arith.constant 512 : index
        %get3A_1375 = tpu.vector_load %arg9[%get3A_1373, %get3A_1374] {strides = array<i32>} : memref<64x768xf32, #tpu.memory_space<vmem>>, vector<1x16xf32>,
        %get3A_1376 = vector.shape_cast %get3A_1375 : vector<1x16xf32> to vector<16xf32>
        %add3A_1377 = arith.addf %get3A_1376, %get3A_976 : vector<16xf32>
        %swap3A_1378 = arith.index_cast %scan3A_1053 : i32 to index
        %swap3A_1379 = arith.constant 512 : index
        %swap3A_1380 = tpu.vector_load %arg9[%swap3A_1378, %swap3A_1379] {strides = array<i32>} : memref<64x768xf32, #tpu.memory_space<vmem>>, vector<1x16xf32>,
        %swap3A_1381 = vector.shape_cast %swap3A_1380 : vector<1x16xf32> to vector<16xf32>
        %swap3A_1382 = vector.shape_cast %add3A_1377 : vector<16xf32> to vector<1x16xf32>
        tpu.vector_store %arg9[%swap3A_1378, %swap3A_1379], %swap3A_1382 {strides = array<i32>} : memref<64x768xf32, #tpu.memory_space<vmem>>, vector<1x16xf32>,
        %get3A_1383 = arith.index_cast %scan3A_1053 : i32 to index
        %get3A_1384 = arith.constant 528 : index
        %get3A_1385 = tpu.vector_load %arg9[%get3A_1383, %get3A_1384] {strides = array<i32>} : memref<64x768xf32, #tpu.memory_space<vmem>>, vector<1x16xf32>,
        %get3A_1386 = vector.shape_cast %get3A_1385 : vector<1x16xf32> to vector<16xf32>
        %add3A_1387 = arith.addf %get3A_1386, %get3A_980 : vector<16xf32>
        %swap3A_1388 = arith.index_cast %scan3A_1053 : i32 to index
        %swap3A_1389 = arith.constant 528 : index
        %swap3A_1390 = tpu.vector_load %arg9[%swap3A_1388, %swap3A_1389] {strides = array<i32>} : memref<64x768xf32, #tpu.memory_space<vmem>>, vector<1x16xf32>,
        %swap3A_1391 = vector.shape_cast %swap3A_1390 : vector<1x16xf32> to vector<16xf32>
        %swap3A_1392 = vector.shape_cast %add3A_1387 : vector<16xf32> to vector<1x16xf32>
        tpu.vector_store %arg9[%swap3A_1388, %swap3A_1389], %swap3A_1392 {strides = array<i32>} : memref<64x768xf32, #tpu.memory_space<vmem>>, vector<1x16xf32>,
        %get3A_1393 = arith.index_cast %scan3A_1053 : i32 to index
        %get3A_1394 = arith.constant 544 : index
        %get3A_1395 = tpu.vector_load %arg9[%get3A_1393, %get3A_1394] {strides = array<i32>} : memref<64x768xf32, #tpu.memory_space<vmem>>, vector<1x16xf32>,
        %get3A_1396 = vector.shape_cast %get3A_1395 : vector<1x16xf32> to vector<16xf32>
        %add3A_1397 = arith.addf %get3A_1396, %get3A_984 : vector<16xf32>
        %swap3A_1398 = arith.index_cast %scan3A_1053 : i32 to index
        %swap3A_1399 = arith.constant 544 : index
        %swap3A_1400 = tpu.vector_load %arg9[%swap3A_1398, %swap3A_1399] {strides = array<i32>} : memref<64x768xf32, #tpu.memory_space<vmem>>, vector<1x16xf32>,
        %swap3A_1401 = vector.shape_cast %swap3A_1400 : vector<1x16xf32> to vector<16xf32>
        %swap3A_1402 = vector.shape_cast %add3A_1397 : vector<16xf32> to vector<1x16xf32>
        tpu.vector_store %arg9[%swap3A_1398, %swap3A_1399], %swap3A_1402 {strides = array<i32>} : memref<64x768xf32, #tpu.memory_space<vmem>>, vector<1x16xf32>,
        %get3A_1403 = arith.index_cast %scan3A_1053 : i32 to index
        %get3A_1404 = arith.constant 560 : index
        %get3A_1405 = tpu.vector_load %arg9[%get3A_1403, %get3A_1404] {strides = array<i32>} : memref<64x768xf32, #tpu.memory_space<vmem>>, vector<1x16xf32>,
        %get3A_1406 = vector.shape_cast %get3A_1405 : vector<1x16xf32> to vector<16xf32>
        %add3A_1407 = arith.addf %get3A_1406, %get3A_988 : vector<16xf32>
        %swap3A_1408 = arith.index_cast %scan3A_1053 : i32 to index
        %swap3A_1409 = arith.constant 560 : index
        %swap3A_1410 = tpu.vector_load %arg9[%swap3A_1408, %swap3A_1409] {strides = array<i32>} : memref<64x768xf32, #tpu.memory_space<vmem>>, vector<1x16xf32>,
        %swap3A_1411 = vector.shape_cast %swap3A_1410 : vector<1x16xf32> to vector<16xf32>
        %swap3A_1412 = vector.shape_cast %add3A_1407 : vector<16xf32> to vector<1x16xf32>
        tpu.vector_store %arg9[%swap3A_1408, %swap3A_1409], %swap3A_1412 {strides = array<i32>} : memref<64x768xf32, #tpu.memory_space<vmem>>, vector<1x16xf32>,
        %get3A_1413 = arith.index_cast %scan3A_1053 : i32 to index
        %get3A_1414 = arith.constant 576 : index
        %get3A_1415 = tpu.vector_load %arg9[%get3A_1413, %get3A_1414] {strides = array<i32>} : memref<64x768xf32, #tpu.memory_space<vmem>>, vector<1x16xf32>,
        %get3A_1416 = vector.shape_cast %get3A_1415 : vector<1x16xf32> to vector<16xf32>
        %add3A_1417 = arith.addf %get3A_1416, %get3A_992 : vector<16xf32>
        %swap3A_1418 = arith.index_cast %scan3A_1053 : i32 to index
        %swap3A_1419 = arith.constant 576 : index
        %swap3A_1420 = tpu.vector_load %arg9[%swap3A_1418, %swap3A_1419] {strides = array<i32>} : memref<64x768xf32, #tpu.memory_space<vmem>>, vector<1x16xf32>,
        %swap3A_1421 = vector.shape_cast %swap3A_1420 : vector<1x16xf32> to vector<16xf32>
        %swap3A_1422 = vector.shape_cast %add3A_1417 : vector<16xf32> to vector<1x16xf32>
        tpu.vector_store %arg9[%swap3A_1418, %swap3A_1419], %swap3A_1422 {strides = array<i32>} : memref<64x768xf32, #tpu.memory_space<vmem>>, vector<1x16xf32>,
        %get3A_1423 = arith.index_cast %scan3A_1053 : i32 to index
        %get3A_1424 = arith.constant 592 : index
        %get3A_1425 = tpu.vector_load %arg9[%get3A_1423, %get3A_1424] {strides = array<i32>} : memref<64x768xf32, #tpu.memory_space<vmem>>, vector<1x16xf32>,
        %get3A_1426 = vector.shape_cast %get3A_1425 : vector<1x16xf32> to vector<16xf32>
        %add3A_1427 = arith.addf %get3A_1426, %get3A_996 : vector<16xf32>
        %swap3A_1428 = arith.index_cast %scan3A_1053 : i32 to index
        %swap3A_1429 = arith.constant 592 : index
        %swap3A_1430 = tpu.vector_load %arg9[%swap3A_1428, %swap3A_1429] {strides = array<i32>} : memref<64x768xf32, #tpu.memory_space<vmem>>, vector<1x16xf32>,
        %swap3A_1431 = vector.shape_cast %swap3A_1430 : vector<1x16xf32> to vector<16xf32>
        %swap3A_1432 = vector.shape_cast %add3A_1427 : vector<16xf32> to vector<1x16xf32>
        tpu.vector_store %arg9[%swap3A_1428, %swap3A_1429], %swap3A_1432 {strides = array<i32>} : memref<64x768xf32, #tpu.memory_space<vmem>>, vector<1x16xf32>,
        %get3A_1433 = arith.index_cast %scan3A_1053 : i32 to index
        %get3A_1434 = arith.constant 608 : index
        %get3A_1435 = tpu.vector_load %arg9[%get3A_1433, %get3A_1434] {strides = array<i32>} : memref<64x768xf32, #tpu.memory_space<vmem>>, vector<1x16xf32>,
        %get3A_1436 = vector.shape_cast %get3A_1435 : vector<1x16xf32> to vector<16xf32>
        %add3A_1437 = arith.addf %get3A_1436, %get3A_1000 : vector<16xf32>
        %swap3A_1438 = arith.index_cast %scan3A_1053 : i32 to index
        %swap3A_1439 = arith.constant 608 : index
        %swap3A_1440 = tpu.vector_load %arg9[%swap3A_1438, %swap3A_1439] {strides = array<i32>} : memref<64x768xf32, #tpu.memory_space<vmem>>, vector<1x16xf32>,
        %swap3A_1441 = vector.shape_cast %swap3A_1440 : vector<1x16xf32> to vector<16xf32>
        %swap3A_1442 = vector.shape_cast %add3A_1437 : vector<16xf32> to vector<1x16xf32>
        tpu.vector_store %arg9[%swap3A_1438, %swap3A_1439], %swap3A_1442 {strides = array<i32>} : memref<64x768xf32, #tpu.memory_space<vmem>>, vector<1x16xf32>,
        %get3A_1443 = arith.index_cast %scan3A_1053 : i32 to index
        %get3A_1444 = arith.constant 624 : index
        %get3A_1445 = tpu.vector_load %arg9[%get3A_1443, %get3A_1444] {strides = array<i32>} : memref<64x768xf32, #tpu.memory_space<vmem>>, vector<1x16xf32>,
        %get3A_1446 = vector.shape_cast %get3A_1445 : vector<1x16xf32> to vector<16xf32>
        %add3A_1447 = arith.addf %get3A_1446, %get3A_1004 : vector<16xf32>
        %swap3A_1448 = arith.index_cast %scan3A_1053 : i32 to index
        %swap3A_1449 = arith.constant 624 : index
        %swap3A_1450 = tpu.vector_load %arg9[%swap3A_1448, %swap3A_1449] {strides = array<i32>} : memref<64x768xf32, #tpu.memory_space<vmem>>, vector<1x16xf32>,
        %swap3A_1451 = vector.shape_cast %swap3A_1450 : vector<1x16xf32> to vector<16xf32>
        %swap3A_1452 = vector.shape_cast %add3A_1447 : vector<16xf32> to vector<1x16xf32>
        tpu.vector_store %arg9[%swap3A_1448, %swap3A_1449], %swap3A_1452 {strides = array<i32>} : memref<64x768xf32, #tpu.memory_space<vmem>>, vector<1x16xf32>,
        %get3A_1453 = arith.index_cast %scan3A_1053 : i32 to index
        %get3A_1454 = arith.constant 640 : index
        %get3A_1455 = tpu.vector_load %arg9[%get3A_1453, %get3A_1454] {strides = array<i32>} : memref<64x768xf32, #tpu.memory_space<vmem>>, vector<1x16xf32>,
        %get3A_1456 = vector.shape_cast %get3A_1455 : vector<1x16xf32> to vector<16xf32>
        %add3A_1457 = arith.addf %get3A_1456, %get3A_1008 : vector<16xf32>
        %swap3A_1458 = arith.index_cast %scan3A_1053 : i32 to index
        %swap3A_1459 = arith.constant 640 : index
        %swap3A_1460 = tpu.vector_load %arg9[%swap3A_1458, %swap3A_1459] {strides = array<i32>} : memref<64x768xf32, #tpu.memory_space<vmem>>, vector<1x16xf32>,
        %swap3A_1461 = vector.shape_cast %swap3A_1460 : vector<1x16xf32> to vector<16xf32>
        %swap3A_1462 = vector.shape_cast %add3A_1457 : vector<16xf32> to vector<1x16xf32>
        tpu.vector_store %arg9[%swap3A_1458, %swap3A_1459], %swap3A_1462 {strides = array<i32>} : memref<64x768xf32, #tpu.memory_space<vmem>>, vector<1x16xf32>,
        %get3A_1463 = arith.index_cast %scan3A_1053 : i32 to index
        %get3A_1464 = arith.constant 656 : index
        %get3A_1465 = tpu.vector_load %arg9[%get3A_1463, %get3A_1464] {strides = array<i32>} : memref<64x768xf32, #tpu.memory_space<vmem>>, vector<1x16xf32>,
        %get3A_1466 = vector.shape_cast %get3A_1465 : vector<1x16xf32> to vector<16xf32>
        %add3A_1467 = arith.addf %get3A_1466, %get3A_1012 : vector<16xf32>
        %swap3A_1468 = arith.index_cast %scan3A_1053 : i32 to index
        %swap3A_1469 = arith.constant 656 : index
        %swap3A_1470 = tpu.vector_load %arg9[%swap3A_1468, %swap3A_1469] {strides = array<i32>} : memref<64x768xf32, #tpu.memory_space<vmem>>, vector<1x16xf32>,
        %swap3A_1471 = vector.shape_cast %swap3A_1470 : vector<1x16xf32> to vector<16xf32>
        %swap3A_1472 = vector.shape_cast %add3A_1467 : vector<16xf32> to vector<1x16xf32>
        tpu.vector_store %arg9[%swap3A_1468, %swap3A_1469], %swap3A_1472 {strides = array<i32>} : memref<64x768xf32, #tpu.memory_space<vmem>>, vector<1x16xf32>,
        %get3A_1473 = arith.index_cast %scan3A_1053 : i32 to index
        %get3A_1474 = arith.constant 672 : index
        %get3A_1475 = tpu.vector_load %arg9[%get3A_1473, %get3A_1474] {strides = array<i32>} : memref<64x768xf32, #tpu.memory_space<vmem>>, vector<1x16xf32>,
        %get3A_1476 = vector.shape_cast %get3A_1475 : vector<1x16xf32> to vector<16xf32>
        %add3A_1477 = arith.addf %get3A_1476, %get3A_1016 : vector<16xf32>
        %swap3A_1478 = arith.index_cast %scan3A_1053 : i32 to index
        %swap3A_1479 = arith.constant 672 : index
        %swap3A_1480 = tpu.vector_load %arg9[%swap3A_1478, %swap3A_1479] {strides = array<i32>} : memref<64x768xf32, #tpu.memory_space<vmem>>, vector<1x16xf32>,
        %swap3A_1481 = vector.shape_cast %swap3A_1480 : vector<1x16xf32> to vector<16xf32>
        %swap3A_1482 = vector.shape_cast %add3A_1477 : vector<16xf32> to vector<1x16xf32>
        tpu.vector_store %arg9[%swap3A_1478, %swap3A_1479], %swap3A_1482 {strides = array<i32>} : memref<64x768xf32, #tpu.memory_space<vmem>>, vector<1x16xf32>,
        %get3A_1483 = arith.index_cast %scan3A_1053 : i32 to index
        %get3A_1484 = arith.constant 688 : index
        %get3A_1485 = tpu.vector_load %arg9[%get3A_1483, %get3A_1484] {strides = array<i32>} : memref<64x768xf32, #tpu.memory_space<vmem>>, vector<1x16xf32>,
        %get3A_1486 = vector.shape_cast %get3A_1485 : vector<1x16xf32> to vector<16xf32>
        %add3A_1487 = arith.addf %get3A_1486, %get3A_1020 : vector<16xf32>
        %swap3A_1488 = arith.index_cast %scan3A_1053 : i32 to index
        %swap3A_1489 = arith.constant 688 : index
        %swap3A_1490 = tpu.vector_load %arg9[%swap3A_1488, %swap3A_1489] {strides = array<i32>} : memref<64x768xf32, #tpu.memory_space<vmem>>, vector<1x16xf32>,
        %swap3A_1491 = vector.shape_cast %swap3A_1490 : vector<1x16xf32> to vector<16xf32>
        %swap3A_1492 = vector.shape_cast %add3A_1487 : vector<16xf32> to vector<1x16xf32>
        tpu.vector_store %arg9[%swap3A_1488, %swap3A_1489], %swap3A_1492 {strides = array<i32>} : memref<64x768xf32, #tpu.memory_space<vmem>>, vector<1x16xf32>,
        %get3A_1493 = arith.index_cast %scan3A_1053 : i32 to index
        %get3A_1494 = arith.constant 704 : index
        %get3A_1495 = tpu.vector_load %arg9[%get3A_1493, %get3A_1494] {strides = array<i32>} : memref<64x768xf32, #tpu.memory_space<vmem>>, vector<1x16xf32>,
        %get3A_1496 = vector.shape_cast %get3A_1495 : vector<1x16xf32> to vector<16xf32>
        %add3A_1497 = arith.addf %get3A_1496, %get3A_1024 : vector<16xf32>
        %swap3A_1498 = arith.index_cast %scan3A_1053 : i32 to index
        %swap3A_1499 = arith.constant 704 : index
        %swap3A_1500 = tpu.vector_load %arg9[%swap3A_1498, %swap3A_1499] {strides = array<i32>} : memref<64x768xf32, #tpu.memory_space<vmem>>, vector<1x16xf32>,
        %swap3A_1501 = vector.shape_cast %swap3A_1500 : vector<1x16xf32> to vector<16xf32>
        %swap3A_1502 = vector.shape_cast %add3A_1497 : vector<16xf32> to vector<1x16xf32>
        tpu.vector_store %arg9[%swap3A_1498, %swap3A_1499], %swap3A_1502 {strides = array<i32>} : memref<64x768xf32, #tpu.memory_space<vmem>>, vector<1x16xf32>,
        %get3A_1503 = arith.index_cast %scan3A_1053 : i32 to index
        %get3A_1504 = arith.constant 720 : index
        %get3A_1505 = tpu.vector_load %arg9[%get3A_1503, %get3A_1504] {strides = array<i32>} : memref<64x768xf32, #tpu.memory_space<vmem>>, vector<1x16xf32>,
        %get3A_1506 = vector.shape_cast %get3A_1505 : vector<1x16xf32> to vector<16xf32>
        %add3A_1507 = arith.addf %get3A_1506, %get3A_1028 : vector<16xf32>
        %swap3A_1508 = arith.index_cast %scan3A_1053 : i32 to index
        %swap3A_1509 = arith.constant 720 : index
        %swap3A_1510 = tpu.vector_load %arg9[%swap3A_1508, %swap3A_1509] {strides = array<i32>} : memref<64x768xf32, #tpu.memory_space<vmem>>, vector<1x16xf32>,
        %swap3A_1511 = vector.shape_cast %swap3A_1510 : vector<1x16xf32> to vector<16xf32>
        %swap3A_1512 = vector.shape_cast %add3A_1507 : vector<16xf32> to vector<1x16xf32>
        tpu.vector_store %arg9[%swap3A_1508, %swap3A_1509], %swap3A_1512 {strides = array<i32>} : memref<64x768xf32, #tpu.memory_space<vmem>>, vector<1x16xf32>,
        %get3A_1513 = arith.index_cast %scan3A_1053 : i32 to index
        %get3A_1514 = arith.constant 736 : index
        %get3A_1515 = tpu.vector_load %arg9[%get3A_1513, %get3A_1514] {strides = array<i32>} : memref<64x768xf32, #tpu.memory_space<vmem>>, vector<1x16xf32>,
        %get3A_1516 = vector.shape_cast %get3A_1515 : vector<1x16xf32> to vector<16xf32>
        %add3A_1517 = arith.addf %get3A_1516, %get3A_1032 : vector<16xf32>
        %swap3A_1518 = arith.index_cast %scan3A_1053 : i32 to index
        %swap3A_1519 = arith.constant 736 : index
        %swap3A_1520 = tpu.vector_load %arg9[%swap3A_1518, %swap3A_1519] {strides = array<i32>} : memref<64x768xf32, #tpu.memory_space<vmem>>, vector<1x16xf32>,
        %swap3A_1521 = vector.shape_cast %swap3A_1520 : vector<1x16xf32> to vector<16xf32>
        %swap3A_1522 = vector.shape_cast %add3A_1517 : vector<16xf32> to vector<1x16xf32>
        tpu.vector_store %arg9[%swap3A_1518, %swap3A_1519], %swap3A_1522 {strides = array<i32>} : memref<64x768xf32, #tpu.memory_space<vmem>>, vector<1x16xf32>,
        %get3A_1523 = arith.index_cast %scan3A_1053 : i32 to index
        %get3A_1524 = arith.constant 752 : index
        %get3A_1525 = tpu.vector_load %arg9[%get3A_1523, %get3A_1524] {strides = array<i32>} : memref<64x768xf32, #tpu.memory_space<vmem>>, vector<1x16xf32>,
        %get3A_1526 = vector.shape_cast %get3A_1525 : vector<1x16xf32> to vector<16xf32>
        %add3A_1527 = arith.addf %get3A_1526, %get3A_1036 : vector<16xf32>
        %swap3A_1528 = arith.index_cast %scan3A_1053 : i32 to index
        %swap3A_1529 = arith.constant 752 : index
        %swap3A_1530 = tpu.vector_load %arg9[%swap3A_1528, %swap3A_1529] {strides = array<i32>} : memref<64x768xf32, #tpu.memory_space<vmem>>, vector<1x16xf32>,
        %swap3A_1531 = vector.shape_cast %swap3A_1530 : vector<1x16xf32> to vector<16xf32>
        %swap3A_1532 = vector.shape_cast %add3A_1527 : vector<16xf32> to vector<1x16xf32>
        tpu.vector_store %arg9[%swap3A_1528, %swap3A_1529], %swap3A_1532 {strides = array<i32>} : memref<64x768xf32, #tpu.memory_space<vmem>>, vector<1x16xf32>,
      }
      %scan3A_1046 = arith.constant 64 : i32
      %dma_start3A_1047 = arith.constant 0 : i32
      %dma_start3A_1048 = tpu.memref_slice %arg7[%add3A_804, %dma_start3A_1047] : memref<32x64xi32, #tpu.memory_space<vmem>> -> memref<1x64xi32, #tpu.memory_space<vmem>>
      %dma_start3A_1049 = tpu.memref_squeeze %dma_start3A_1048 : memref<1x64xi32, #tpu.memory_space<vmem>> -> memref<64xi32, #tpu.memory_space<vmem>>
      %dma_start3A_1050 = arith.constant 0 : i32
      %dma_start3A_1051 = arith.constant 0 : i32
      %dma_start3A_1052 = tpu.memref_slice %arg5[%dma_start3A_1050, %dma_start3A_1051] : memref<65536x768xf32, #tpu.memory_space<hbm>> -> memref<65536x768xf32, #tpu.memory_space<hbm>>
      tpu.enqueue_indirect_dma source(%arg9 : memref<64x768xf32, #tpu.memory_space<vmem>>) target(%dma_start3A_1052 : memref<65536x768xf32, #tpu.memory_space<hbm>>) offsets(%dma_start3A_1049 : memref<64xi32, #tpu.memory_space<vmem>>) semaphore(%arg13 : memref<!tpu.dma_semaphore, #tpu.memory_space<semaphore_mem>>)
    }
    %scan3A_280 = arith.constant 15 : i32
    %dma_wait3A_281 = arith.constant 0 : i32
    %dma_wait3A_282 = arith.constant 0 : i32
    %dma_wait3A_283 = tpu.memref_slice %arg7[%dma_wait3A_281, %dma_wait3A_282] : memref<32x64xi32, #tpu.memory_space<vmem>> -> memref<1x64xi32, #tpu.memory_space<vmem>>
    %dma_wait3A_284 = tpu.memref_squeeze %dma_wait3A_283 : memref<1x64xi32, #tpu.memory_space<vmem>> -> memref<64xi32, #tpu.memory_space<vmem>>
    %dma_wait3A_285 = arith.constant 0 : i32
    %dma_wait3A_286 = arith.constant 0 : i32
    %dma_wait3A_287 = tpu.memref_slice %arg5[%dma_wait3A_285, %dma_wait3A_286] : memref<65536x768xf32, #tpu.memory_space<hbm>> -> memref<65536x768xf32, #tpu.memory_space<hbm>>
    tpu.wait_indirect_dma semaphore(%arg13 : memref<!tpu.dma_semaphore, #tpu.memory_space<semaphore_mem>>) src(%arg9 : memref<64x768xf32, #tpu.memory_space<vmem>>) dst(%dma_wait3A_287 : memref<65536x768xf32, #tpu.memory_space<hbm>>)
    %get3A_288 = arith.constant 1 : i32
    %get3A_289 = arith.index_cast %get3A_288 : i32 to index
    %get3A_290 = arith.constant 0 : index
    %get3A_291 = tpu.vector_load %arg8[%get3A_289, %get3A_290] {strides = array<i32>} : memref<2x768xf32, #tpu.memory_space<vmem>>, vector<1x16xf32>,
    %get3A_292 = vector.shape_cast %get3A_291 : vector<1x16xf32> to vector<16xf32>
    %get3A_293 = arith.constant 1 : i32
    %get3A_294 = arith.index_cast %get3A_293 : i32 to index
    %get3A_295 = arith.constant 16 : index
    %get3A_296 = tpu.vector_load %arg8[%get3A_294, %get3A_295] {strides = array<i32>} : memref<2x768xf32, #tpu.memory_space<vmem>>, vector<1x16xf32>,
    %get3A_297 = vector.shape_cast %get3A_296 : vector<1x16xf32> to vector<16xf32>
    %get3A_298 = arith.constant 1 : i32
    %get3A_299 = arith.index_cast %get3A_298 : i32 to index
    %get3A_300 = arith.constant 32 : index
    %get3A_301 = tpu.vector_load %arg8[%get3A_299, %get3A_300] {strides = array<i32>} : memref<2x768xf32, #tpu.memory_space<vmem>>, vector<1x16xf32>,
    %get3A_302 = vector.shape_cast %get3A_301 : vector<1x16xf32> to vector<16xf32>
    %get3A_303 = arith.constant 1 : i32
    %get3A_304 = arith.index_cast %get3A_303 : i32 to index
    %get3A_305 = arith.constant 48 : index
    %get3A_306 = tpu.vector_load %arg8[%get3A_304, %get3A_305] {strides = array<i32>} : memref<2x768xf32, #tpu.memory_space<vmem>>, vector<1x16xf32>,
    %get3A_307 = vector.shape_cast %get3A_306 : vector<1x16xf32> to vector<16xf32>
    %get3A_308 = arith.constant 1 : i32
    %get3A_309 = arith.index_cast %get3A_308 : i32 to index
    %get3A_310 = arith.constant 64 : index
    %get3A_311 = tpu.vector_load %arg8[%get3A_309, %get3A_310] {strides = array<i32>} : memref<2x768xf32, #tpu.memory_space<vmem>>, vector<1x16xf32>,
    %get3A_312 = vector.shape_cast %get3A_311 : vector<1x16xf32> to vector<16xf32>
    %get3A_313 = arith.constant 1 : i32
    %get3A_314 = arith.index_cast %get3A_313 : i32 to index
    %get3A_315 = arith.constant 80 : index
    %get3A_316 = tpu.vector_load %arg8[%get3A_314, %get3A_315] {strides = array<i32>} : memref<2x768xf32, #tpu.memory_space<vmem>>, vector<1x16xf32>,
    %get3A_317 = vector.shape_cast %get3A_316 : vector<1x16xf32> to vector<16xf32>
    %get3A_318 = arith.constant 1 : i32
    %get3A_319 = arith.index_cast %get3A_318 : i32 to index
    %get3A_320 = arith.constant 96 : index
    %get3A_321 = tpu.vector_load %arg8[%get3A_319, %get3A_320] {strides = array<i32>} : memref<2x768xf32, #tpu.memory_space<vmem>>, vector<1x16xf32>,
    %get3A_322 = vector.shape_cast %get3A_321 : vector<1x16xf32> to vector<16xf32>
    %get3A_323 = arith.constant 1 : i32
    %get3A_324 = arith.index_cast %get3A_323 : i32 to index
    %get3A_325 = arith.constant 112 : index
    %get3A_326 = tpu.vector_load %arg8[%get3A_324, %get3A_325] {strides = array<i32>} : memref<2x768xf32, #tpu.memory_space<vmem>>, vector<1x16xf32>,
    %get3A_327 = vector.shape_cast %get3A_326 : vector<1x16xf32> to vector<16xf32>
    %get3A_328 = arith.constant 1 : i32
    %get3A_329 = arith.index_cast %get3A_328 : i32 to index
    %get3A_330 = arith.constant 128 : index
    %get3A_331 = tpu.vector_load %arg8[%get3A_329, %get3A_330] {strides = array<i32>} : memref<2x768xf32, #tpu.memory_space<vmem>>, vector<1x16xf32>,
    %get3A_332 = vector.shape_cast %get3A_331 : vector<1x16xf32> to vector<16xf32>
    %get3A_333 = arith.constant 1 : i32
    %get3A_334 = arith.index_cast %get3A_333 : i32 to index
    %get3A_335 = arith.constant 144 : index
    %get3A_336 = tpu.vector_load %arg8[%get3A_334, %get3A_335] {strides = array<i32>} : memref<2x768xf32, #tpu.memory_space<vmem>>, vector<1x16xf32>,
    %get3A_337 = vector.shape_cast %get3A_336 : vector<1x16xf32> to vector<16xf32>
    %get3A_338 = arith.constant 1 : i32
    %get3A_339 = arith.index_cast %get3A_338 : i32 to index
    %get3A_340 = arith.constant 160 : index
    %get3A_341 = tpu.vector_load %arg8[%get3A_339, %get3A_340] {strides = array<i32>} : memref<2x768xf32, #tpu.memory_space<vmem>>, vector<1x16xf32>,
    %get3A_342 = vector.shape_cast %get3A_341 : vector<1x16xf32> to vector<16xf32>
    %get3A_343 = arith.constant 1 : i32
    %get3A_344 = arith.index_cast %get3A_343 : i32 to index
    %get3A_345 = arith.constant 176 : index
    %get3A_346 = tpu.vector_load %arg8[%get3A_344, %get3A_345] {strides = array<i32>} : memref<2x768xf32, #tpu.memory_space<vmem>>, vector<1x16xf32>,
    %get3A_347 = vector.shape_cast %get3A_346 : vector<1x16xf32> to vector<16xf32>
    %get3A_348 = arith.constant 1 : i32
    %get3A_349 = arith.index_cast %get3A_348 : i32 to index
    %get3A_350 = arith.constant 192 : index
    %get3A_351 = tpu.vector_load %arg8[%get3A_349, %get3A_350] {strides = array<i32>} : memref<2x768xf32, #tpu.memory_space<vmem>>, vector<1x16xf32>,
    %get3A_352 = vector.shape_cast %get3A_351 : vector<1x16xf32> to vector<16xf32>
    %get3A_353 = arith.constant 1 : i32
    %get3A_354 = arith.index_cast %get3A_353 : i32 to index
    %get3A_355 = arith.constant 208 : index
    %get3A_356 = tpu.vector_load %arg8[%get3A_354, %get3A_355] {strides = array<i32>} : memref<2x768xf32, #tpu.memory_space<vmem>>, vector<1x16xf32>,
    %get3A_357 = vector.shape_cast %get3A_356 : vector<1x16xf32> to vector<16xf32>
    %get3A_358 = arith.constant 1 : i32
    %get3A_359 = arith.index_cast %get3A_358 : i32 to index
    %get3A_360 = arith.constant 224 : index
    %get3A_361 = tpu.vector_load %arg8[%get3A_359, %get3A_360] {strides = array<i32>} : memref<2x768xf32, #tpu.memory_space<vmem>>, vector<1x16xf32>,
    %get3A_362 = vector.shape_cast %get3A_361 : vector<1x16xf32> to vector<16xf32>
    %get3A_363 = arith.constant 1 : i32
    %get3A_364 = arith.index_cast %get3A_363 : i32 to index
    %get3A_365 = arith.constant 240 : index
    %get3A_366 = tpu.vector_load %arg8[%get3A_364, %get3A_365] {strides = array<i32>} : memref<2x768xf32, #tpu.memory_space<vmem>>, vector<1x16xf32>,
    %get3A_367 = vector.shape_cast %get3A_366 : vector<1x16xf32> to vector<16xf32>
    %get3A_368 = arith.constant 1 : i32
    %get3A_369 = arith.index_cast %get3A_368 : i32 to index
    %get3A_370 = arith.constant 256 : index
    %get3A_371 = tpu.vector_load %arg8[%get3A_369, %get3A_370] {strides = array<i32>} : memref<2x768xf32, #tpu.memory_space<vmem>>, vector<1x16xf32>,
    %get3A_372 = vector.shape_cast %get3A_371 : vector<1x16xf32> to vector<16xf32>
    %get3A_373 = arith.constant 1 : i32
    %get3A_374 = arith.index_cast %get3A_373 : i32 to index
    %get3A_375 = arith.constant 272 : index
    %get3A_376 = tpu.vector_load %arg8[%get3A_374, %get3A_375] {strides = array<i32>} : memref<2x768xf32, #tpu.memory_space<vmem>>, vector<1x16xf32>,
    %get3A_377 = vector.shape_cast %get3A_376 : vector<1x16xf32> to vector<16xf32>
    %get3A_378 = arith.constant 1 : i32
    %get3A_379 = arith.index_cast %get3A_378 : i32 to index
    %get3A_380 = arith.constant 288 : index
    %get3A_381 = tpu.vector_load %arg8[%get3A_379, %get3A_380] {strides = array<i32>} : memref<2x768xf32, #tpu.memory_space<vmem>>, vector<1x16xf32>,
    %get3A_382 = vector.shape_cast %get3A_381 : vector<1x16xf32> to vector<16xf32>
    %get3A_383 = arith.constant 1 : i32
    %get3A_384 = arith.index_cast %get3A_383 : i32 to index
    %get3A_385 = arith.constant 304 : index
    %get3A_386 = tpu.vector_load %arg8[%get3A_384, %get3A_385] {strides = array<i32>} : memref<2x768xf32, #tpu.memory_space<vmem>>, vector<1x16xf32>,
    %get3A_387 = vector.shape_cast %get3A_386 : vector<1x16xf32> to vector<16xf32>
    %get3A_388 = arith.constant 1 : i32
    %get3A_389 = arith.index_cast %get3A_388 : i32 to index
    %get3A_390 = arith.constant 320 : index
    %get3A_391 = tpu.vector_load %arg8[%get3A_389, %get3A_390] {strides = array<i32>} : memref<2x768xf32, #tpu.memory_space<vmem>>, vector<1x16xf32>,
    %get3A_392 = vector.shape_cast %get3A_391 : vector<1x16xf32> to vector<16xf32>
    %get3A_393 = arith.constant 1 : i32
    %get3A_394 = arith.index_cast %get3A_393 : i32 to index
    %get3A_395 = arith.constant 336 : index
    %get3A_396 = tpu.vector_load %arg8[%get3A_394, %get3A_395] {strides = array<i32>} : memref<2x768xf32, #tpu.memory_space<vmem>>, vector<1x16xf32>,
    %get3A_397 = vector.shape_cast %get3A_396 : vector<1x16xf32> to vector<16xf32>
    %get3A_398 = arith.constant 1 : i32
    %get3A_399 = arith.index_cast %get3A_398 : i32 to index
    %get3A_400 = arith.constant 352 : index
    %get3A_401 = tpu.vector_load %arg8[%get3A_399, %get3A_400] {strides = array<i32>} : memref<2x768xf32, #tpu.memory_space<vmem>>, vector<1x16xf32>,
    %get3A_402 = vector.shape_cast %get3A_401 : vector<1x16xf32> to vector<16xf32>
    %get3A_403 = arith.constant 1 : i32
    %get3A_404 = arith.index_cast %get3A_403 : i32 to index
    %get3A_405 = arith.constant 368 : index
    %get3A_406 = tpu.vector_load %arg8[%get3A_404, %get3A_405] {strides = array<i32>} : memref<2x768xf32, #tpu.memory_space<vmem>>, vector<1x16xf32>,
    %get3A_407 = vector.shape_cast %get3A_406 : vector<1x16xf32> to vector<16xf32>
    %get3A_408 = arith.constant 1 : i32
    %get3A_409 = arith.index_cast %get3A_408 : i32 to index
    %get3A_410 = arith.constant 384 : index
    %get3A_411 = tpu.vector_load %arg8[%get3A_409, %get3A_410] {strides = array<i32>} : memref<2x768xf32, #tpu.memory_space<vmem>>, vector<1x16xf32>,
    %get3A_412 = vector.shape_cast %get3A_411 : vector<1x16xf32> to vector<16xf32>
    %get3A_413 = arith.constant 1 : i32
    %get3A_414 = arith.index_cast %get3A_413 : i32 to index
    %get3A_415 = arith.constant 400 : index
    %get3A_416 = tpu.vector_load %arg8[%get3A_414, %get3A_415] {strides = array<i32>} : memref<2x768xf32, #tpu.memory_space<vmem>>, vector<1x16xf32>,
    %get3A_417 = vector.shape_cast %get3A_416 : vector<1x16xf32> to vector<16xf32>
    %get3A_418 = arith.constant 1 : i32
    %get3A_419 = arith.index_cast %get3A_418 : i32 to index
    %get3A_420 = arith.constant 416 : index
    %get3A_421 = tpu.vector_load %arg8[%get3A_419, %get3A_420] {strides = array<i32>} : memref<2x768xf32, #tpu.memory_space<vmem>>, vector<1x16xf32>,
    %get3A_422 = vector.shape_cast %get3A_421 : vector<1x16xf32> to vector<16xf32>
    %get3A_423 = arith.constant 1 : i32
    %get3A_424 = arith.index_cast %get3A_423 : i32 to index
    %get3A_425 = arith.constant 432 : index
    %get3A_426 = tpu.vector_load %arg8[%get3A_424, %get3A_425] {strides = array<i32>} : memref<2x768xf32, #tpu.memory_space<vmem>>, vector<1x16xf32>,
    %get3A_427 = vector.shape_cast %get3A_426 : vector<1x16xf32> to vector<16xf32>
    %get3A_428 = arith.constant 1 : i32
    %get3A_429 = arith.index_cast %get3A_428 : i32 to index
    %get3A_430 = arith.constant 448 : index
    %get3A_431 = tpu.vector_load %arg8[%get3A_429, %get3A_430] {strides = array<i32>} : memref<2x768xf32, #tpu.memory_space<vmem>>, vector<1x16xf32>,
    %get3A_432 = vector.shape_cast %get3A_431 : vector<1x16xf32> to vector<16xf32>
    %get3A_433 = arith.constant 1 : i32
    %get3A_434 = arith.index_cast %get3A_433 : i32 to index
    %get3A_435 = arith.constant 464 : index
    %get3A_436 = tpu.vector_load %arg8[%get3A_434, %get3A_435] {strides = array<i32>} : memref<2x768xf32, #tpu.memory_space<vmem>>, vector<1x16xf32>,
    %get3A_437 = vector.shape_cast %get3A_436 : vector<1x16xf32> to vector<16xf32>
    %get3A_438 = arith.constant 1 : i32
    %get3A_439 = arith.index_cast %get3A_438 : i32 to index
    %get3A_440 = arith.constant 480 : index
    %get3A_441 = tpu.vector_load %arg8[%get3A_439, %get3A_440] {strides = array<i32>} : memref<2x768xf32, #tpu.memory_space<vmem>>, vector<1x16xf32>,
    %get3A_442 = vector.shape_cast %get3A_441 : vector<1x16xf32> to vector<16xf32>
    %get3A_443 = arith.constant 1 : i32
    %get3A_444 = arith.index_cast %get3A_443 : i32 to index
    %get3A_445 = arith.constant 496 : index
    %get3A_446 = tpu.vector_load %arg8[%get3A_444, %get3A_445] {strides = array<i32>} : memref<2x768xf32, #tpu.memory_space<vmem>>, vector<1x16xf32>,
    %get3A_447 = vector.shape_cast %get3A_446 : vector<1x16xf32> to vector<16xf32>
    %get3A_448 = arith.constant 1 : i32
    %get3A_449 = arith.index_cast %get3A_448 : i32 to index
    %get3A_450 = arith.constant 512 : index
    %get3A_451 = tpu.vector_load %arg8[%get3A_449, %get3A_450] {strides = array<i32>} : memref<2x768xf32, #tpu.memory_space<vmem>>, vector<1x16xf32>,
    %get3A_452 = vector.shape_cast %get3A_451 : vector<1x16xf32> to vector<16xf32>
    %get3A_453 = arith.constant 1 : i32
    %get3A_454 = arith.index_cast %get3A_453 : i32 to index
    %get3A_455 = arith.constant 528 : index
    %get3A_456 = tpu.vector_load %arg8[%get3A_454, %get3A_455] {strides = array<i32>} : memref<2x768xf32, #tpu.memory_space<vmem>>, vector<1x16xf32>,
    %get3A_457 = vector.shape_cast %get3A_456 : vector<1x16xf32> to vector<16xf32>
    %get3A_458 = arith.constant 1 : i32
    %get3A_459 = arith.index_cast %get3A_458 : i32 to index
    %get3A_460 = arith.constant 544 : index
    %get3A_461 = tpu.vector_load %arg8[%get3A_459, %get3A_460] {strides = array<i32>} : memref<2x768xf32, #tpu.memory_space<vmem>>, vector<1x16xf32>,
    %get3A_462 = vector.shape_cast %get3A_461 : vector<1x16xf32> to vector<16xf32>
    %get3A_463 = arith.constant 1 : i32
    %get3A_464 = arith.index_cast %get3A_463 : i32 to index
    %get3A_465 = arith.constant 560 : index
    %get3A_466 = tpu.vector_load %arg8[%get3A_464, %get3A_465] {strides = array<i32>} : memref<2x768xf32, #tpu.memory_space<vmem>>, vector<1x16xf32>,
    %get3A_467 = vector.shape_cast %get3A_466 : vector<1x16xf32> to vector<16xf32>
    %get3A_468 = arith.constant 1 : i32
    %get3A_469 = arith.index_cast %get3A_468 : i32 to index
    %get3A_470 = arith.constant 576 : index
    %get3A_471 = tpu.vector_load %arg8[%get3A_469, %get3A_470] {strides = array<i32>} : memref<2x768xf32, #tpu.memory_space<vmem>>, vector<1x16xf32>,
    %get3A_472 = vector.shape_cast %get3A_471 : vector<1x16xf32> to vector<16xf32>
    %get3A_473 = arith.constant 1 : i32
    %get3A_474 = arith.index_cast %get3A_473 : i32 to index
    %get3A_475 = arith.constant 592 : index
    %get3A_476 = tpu.vector_load %arg8[%get3A_474, %get3A_475] {strides = array<i32>} : memref<2x768xf32, #tpu.memory_space<vmem>>, vector<1x16xf32>,
    %get3A_477 = vector.shape_cast %get3A_476 : vector<1x16xf32> to vector<16xf32>
    %get3A_478 = arith.constant 1 : i32
    %get3A_479 = arith.index_cast %get3A_478 : i32 to index
    %get3A_480 = arith.constant 608 : index
    %get3A_481 = tpu.vector_load %arg8[%get3A_479, %get3A_480] {strides = array<i32>} : memref<2x768xf32, #tpu.memory_space<vmem>>, vector<1x16xf32>,
    %get3A_482 = vector.shape_cast %get3A_481 : vector<1x16xf32> to vector<16xf32>
    %get3A_483 = arith.constant 1 : i32
    %get3A_484 = arith.index_cast %get3A_483 : i32 to index
    %get3A_485 = arith.constant 624 : index
    %get3A_486 = tpu.vector_load %arg8[%get3A_484, %get3A_485] {strides = array<i32>} : memref<2x768xf32, #tpu.memory_space<vmem>>, vector<1x16xf32>,
    %get3A_487 = vector.shape_cast %get3A_486 : vector<1x16xf32> to vector<16xf32>
    %get3A_488 = arith.constant 1 : i32
    %get3A_489 = arith.index_cast %get3A_488 : i32 to index
    %get3A_490 = arith.constant 640 : index
    %get3A_491 = tpu.vector_load %arg8[%get3A_489, %get3A_490] {strides = array<i32>} : memref<2x768xf32, #tpu.memory_space<vmem>>, vector<1x16xf32>,
    %get3A_492 = vector.shape_cast %get3A_491 : vector<1x16xf32> to vector<16xf32>
    %get3A_493 = arith.constant 1 : i32
    %get3A_494 = arith.index_cast %get3A_493 : i32 to index
    %get3A_495 = arith.constant 656 : index
    %get3A_496 = tpu.vector_load %arg8[%get3A_494, %get3A_495] {strides = array<i32>} : memref<2x768xf32, #tpu.memory_space<vmem>>, vector<1x16xf32>,
    %get3A_497 = vector.shape_cast %get3A_496 : vector<1x16xf32> to vector<16xf32>
    %get3A_498 = arith.constant 1 : i32
    %get3A_499 = arith.index_cast %get3A_498 : i32 to index
    %get3A_500 = arith.constant 672 : index
    %get3A_501 = tpu.vector_load %arg8[%get3A_499, %get3A_500] {strides = array<i32>} : memref<2x768xf32, #tpu.memory_space<vmem>>, vector<1x16xf32>,
    %get3A_502 = vector.shape_cast %get3A_501 : vector<1x16xf32> to vector<16xf32>
    %get3A_503 = arith.constant 1 : i32
    %get3A_504 = arith.index_cast %get3A_503 : i32 to index
    %get3A_505 = arith.constant 688 : index
    %get3A_506 = tpu.vector_load %arg8[%get3A_504, %get3A_505] {strides = array<i32>} : memref<2x768xf32, #tpu.memory_space<vmem>>, vector<1x16xf32>,
    %get3A_507 = vector.shape_cast %get3A_506 : vector<1x16xf32> to vector<16xf32>
    %get3A_508 = arith.constant 1 : i32
    %get3A_509 = arith.index_cast %get3A_508 : i32 to index
    %get3A_510 = arith.constant 704 : index
    %get3A_511 = tpu.vector_load %arg8[%get3A_509, %get3A_510] {strides = array<i32>} : memref<2x768xf32, #tpu.memory_space<vmem>>, vector<1x16xf32>,
    %get3A_512 = vector.shape_cast %get3A_511 : vector<1x16xf32> to vector<16xf32>
    %get3A_513 = arith.constant 1 : i32
    %get3A_514 = arith.index_cast %get3A_513 : i32 to index
    %get3A_515 = arith.constant 720 : index
    %get3A_516 = tpu.vector_load %arg8[%get3A_514, %get3A_515] {strides = array<i32>} : memref<2x768xf32, #tpu.memory_space<vmem>>, vector<1x16xf32>,
    %get3A_517 = vector.shape_cast %get3A_516 : vector<1x16xf32> to vector<16xf32>
    %get3A_518 = arith.constant 1 : i32
    %get3A_519 = arith.index_cast %get3A_518 : i32 to index
    %get3A_520 = arith.constant 736 : index
    %get3A_521 = tpu.vector_load %arg8[%get3A_519, %get3A_520] {strides = array<i32>} : memref<2x768xf32, #tpu.memory_space<vmem>>, vector<1x16xf32>,
    %get3A_522 = vector.shape_cast %get3A_521 : vector<1x16xf32> to vector<16xf32>
    %get3A_523 = arith.constant 1 : i32
    %get3A_524 = arith.index_cast %get3A_523 : i32 to index
    %get3A_525 = arith.constant 752 : index
    %get3A_526 = tpu.vector_load %arg8[%get3A_524, %get3A_525] {strides = array<i32>} : memref<2x768xf32, #tpu.memory_space<vmem>>, vector<1x16xf32>,
    %get3A_527 = vector.shape_cast %get3A_526 : vector<1x16xf32> to vector<16xf32>
    %dma_wait3A_528 = arith.constant 0 : i32
    %dma_wait3A_529 = tpu.memref_slice %arg6[%dma_wait3A_528] : memref<2048xi32, #tpu.memory_space<vmem>> -> memref<64xi32, #tpu.memory_space<vmem>>
    %dma_wait3A_530 = arith.constant 0 : i32
    %dma_wait3A_531 = arith.constant 0 : i32
    %dma_wait3A_532 = tpu.memref_slice %arg3[%dma_wait3A_530, %dma_wait3A_531] : memref<32000x768xf32, #tpu.memory_space<hbm>> -> memref<32000x768xf32, #tpu.memory_space<hbm>>
    tpu.wait_indirect_dma semaphore(%arg12 : memref<!tpu.dma_semaphore, #tpu.memory_space<semaphore_mem>>) src(%dma_wait3A_532 : memref<32000x768xf32, #tpu.memory_space<hbm>>) dst(%arg10 : memref<64x768xf32, #tpu.memory_space<vmem>>)
    %scan3A_533 = arith.constant 0 : i32
    %scan3A_534 = arith.constant 64 : i32
    %scan3A_535 = arith.addi %scan3A_533, %scan3A_534 : i32
    %scan3A_536 = arith.constant 1 : i32
    scf.for %scan3A_552 = %scan3A_533 to %scan3A_535 step %scan3A_536  : i32 {
      %get3A_553 = arith.index_cast %scan3A_552 : i32 to index
      %get3A_554 = arith.constant 0 : index
      %get3A_555 = tpu.vector_load %arg10[%get3A_553, %get3A_554] {strides = array<i32>} : memref<64x768xf32, #tpu.memory_space<vmem>>, vector<1x16xf32>,
      %get3A_556 = vector.shape_cast %get3A_555 : vector<1x16xf32> to vector<16xf32>
      %add3A_557 = arith.addf %get3A_556, %get3A_292 : vector<16xf32>
      %swap3A = arith.index_cast %scan3A_552 : i32 to index
      %swap3A_558 = arith.constant 0 : index
      %swap3A_559 = tpu.vector_load %arg10[%swap3A, %swap3A_558] {strides = array<i32>} : memref<64x768xf32, #tpu.memory_space<vmem>>, vector<1x16xf32>,
      %swap3A_560 = vector.shape_cast %swap3A_559 : vector<1x16xf32> to vector<16xf32>
      %swap3A_561 = vector.shape_cast %add3A_557 : vector<16xf32> to vector<1x16xf32>
      tpu.vector_store %arg10[%swap3A, %swap3A_558], %swap3A_561 {strides = array<i32>} : memref<64x768xf32, #tpu.memory_space<vmem>>, vector<1x16xf32>,
      %get3A_562 = arith.index_cast %scan3A_552 : i32 to index
      %get3A_563 = arith.constant 16 : index
      %get3A_564 = tpu.vector_load %arg10[%get3A_562, %get3A_563] {strides = array<i32>} : memref<64x768xf32, #tpu.memory_space<vmem>>, vector<1x16xf32>,
      %get3A_565 = vector.shape_cast %get3A_564 : vector<1x16xf32> to vector<16xf32>
      %add3A_566 = arith.addf %get3A_565, %get3A_297 : vector<16xf32>
      %swap3A_567 = arith.index_cast %scan3A_552 : i32 to index
      %swap3A_568 = arith.constant 16 : index
      %swap3A_569 = tpu.vector_load %arg10[%swap3A_567, %swap3A_568] {strides = array<i32>} : memref<64x768xf32, #tpu.memory_space<vmem>>, vector<1x16xf32>,
      %swap3A_570 = vector.shape_cast %swap3A_569 : vector<1x16xf32> to vector<16xf32>
      %swap3A_571 = vector.shape_cast %add3A_566 : vector<16xf32> to vector<1x16xf32>
      tpu.vector_store %arg10[%swap3A_567, %swap3A_568], %swap3A_571 {strides = array<i32>} : memref<64x768xf32, #tpu.memory_space<vmem>>, vector<1x16xf32>,
      %get3A_572 = arith.index_cast %scan3A_552 : i32 to index
      %get3A_573 = arith.constant 32 : index
      %get3A_574 = tpu.vector_load %arg10[%get3A_572, %get3A_573] {strides = array<i32>} : memref<64x768xf32, #tpu.memory_space<vmem>>, vector<1x16xf32>,
      %get3A_575 = vector.shape_cast %get3A_574 : vector<1x16xf32> to vector<16xf32>
      %add3A_576 = arith.addf %get3A_575, %get3A_302 : vector<16xf32>
      %swap3A_577 = arith.index_cast %scan3A_552 : i32 to index
      %swap3A_578 = arith.constant 32 : index
      %swap3A_579 = tpu.vector_load %arg10[%swap3A_577, %swap3A_578] {strides = array<i32>} : memref<64x768xf32, #tpu.memory_space<vmem>>, vector<1x16xf32>,
      %swap3A_580 = vector.shape_cast %swap3A_579 : vector<1x16xf32> to vector<16xf32>
      %swap3A_581 = vector.shape_cast %add3A_576 : vector<16xf32> to vector<1x16xf32>
      tpu.vector_store %arg10[%swap3A_577, %swap3A_578], %swap3A_581 {strides = array<i32>} : memref<64x768xf32, #tpu.memory_space<vmem>>, vector<1x16xf32>,
      %get3A_582 = arith.index_cast %scan3A_552 : i32 to index
      %get3A_583 = arith.constant 48 : index
      %get3A_584 = tpu.vector_load %arg10[%get3A_582, %get3A_583] {strides = array<i32>} : memref<64x768xf32, #tpu.memory_space<vmem>>, vector<1x16xf32>,
      %get3A_585 = vector.shape_cast %get3A_584 : vector<1x16xf32> to vector<16xf32>
      %add3A_586 = arith.addf %get3A_585, %get3A_307 : vector<16xf32>
      %swap3A_587 = arith.index_cast %scan3A_552 : i32 to index
      %swap3A_588 = arith.constant 48 : index
      %swap3A_589 = tpu.vector_load %arg10[%swap3A_587, %swap3A_588] {strides = array<i32>} : memref<64x768xf32, #tpu.memory_space<vmem>>, vector<1x16xf32>,
      %swap3A_590 = vector.shape_cast %swap3A_589 : vector<1x16xf32> to vector<16xf32>
      %swap3A_591 = vector.shape_cast %add3A_586 : vector<16xf32> to vector<1x16xf32>
      tpu.vector_store %arg10[%swap3A_587, %swap3A_588], %swap3A_591 {strides = array<i32>} : memref<64x768xf32, #tpu.memory_space<vmem>>, vector<1x16xf32>,
      %get3A_592 = arith.index_cast %scan3A_552 : i32 to index
      %get3A_593 = arith.constant 64 : index
      %get3A_594 = tpu.vector_load %arg10[%get3A_592, %get3A_593] {strides = array<i32>} : memref<64x768xf32, #tpu.memory_space<vmem>>, vector<1x16xf32>,
      %get3A_595 = vector.shape_cast %get3A_594 : vector<1x16xf32> to vector<16xf32>
      %add3A_596 = arith.addf %get3A_595, %get3A_312 : vector<16xf32>
      %swap3A_597 = arith.index_cast %scan3A_552 : i32 to index
      %swap3A_598 = arith.constant 64 : index
      %swap3A_599 = tpu.vector_load %arg10[%swap3A_597, %swap3A_598] {strides = array<i32>} : memref<64x768xf32, #tpu.memory_space<vmem>>, vector<1x16xf32>,
      %swap3A_600 = vector.shape_cast %swap3A_599 : vector<1x16xf32> to vector<16xf32>
      %swap3A_601 = vector.shape_cast %add3A_596 : vector<16xf32> to vector<1x16xf32>
      tpu.vector_store %arg10[%swap3A_597, %swap3A_598], %swap3A_601 {strides = array<i32>} : memref<64x768xf32, #tpu.memory_space<vmem>>, vector<1x16xf32>,
      %get3A_602 = arith.index_cast %scan3A_552 : i32 to index
      %get3A_603 = arith.constant 80 : index
      %get3A_604 = tpu.vector_load %arg10[%get3A_602, %get3A_603] {strides = array<i32>} : memref<64x768xf32, #tpu.memory_space<vmem>>, vector<1x16xf32>,
      %get3A_605 = vector.shape_cast %get3A_604 : vector<1x16xf32> to vector<16xf32>
      %add3A_606 = arith.addf %get3A_605, %get3A_317 : vector<16xf32>
      %swap3A_607 = arith.index_cast %scan3A_552 : i32 to index
      %swap3A_608 = arith.constant 80 : index
      %swap3A_609 = tpu.vector_load %arg10[%swap3A_607, %swap3A_608] {strides = array<i32>} : memref<64x768xf32, #tpu.memory_space<vmem>>, vector<1x16xf32>,
      %swap3A_610 = vector.shape_cast %swap3A_609 : vector<1x16xf32> to vector<16xf32>
      %swap3A_611 = vector.shape_cast %add3A_606 : vector<16xf32> to vector<1x16xf32>
      tpu.vector_store %arg10[%swap3A_607, %swap3A_608], %swap3A_611 {strides = array<i32>} : memref<64x768xf32, #tpu.memory_space<vmem>>, vector<1x16xf32>,
      %get3A_612 = arith.index_cast %scan3A_552 : i32 to index
      %get3A_613 = arith.constant 96 : index
      %get3A_614 = tpu.vector_load %arg10[%get3A_612, %get3A_613] {strides = array<i32>} : memref<64x768xf32, #tpu.memory_space<vmem>>, vector<1x16xf32>,
      %get3A_615 = vector.shape_cast %get3A_614 : vector<1x16xf32> to vector<16xf32>
      %add3A_616 = arith.addf %get3A_615, %get3A_322 : vector<16xf32>
      %swap3A_617 = arith.index_cast %scan3A_552 : i32 to index
      %swap3A_618 = arith.constant 96 : index
      %swap3A_619 = tpu.vector_load %arg10[%swap3A_617, %swap3A_618] {strides = array<i32>} : memref<64x768xf32, #tpu.memory_space<vmem>>, vector<1x16xf32>,
      %swap3A_620 = vector.shape_cast %swap3A_619 : vector<1x16xf32> to vector<16xf32>
      %swap3A_621 = vector.shape_cast %add3A_616 : vector<16xf32> to vector<1x16xf32>
      tpu.vector_store %arg10[%swap3A_617, %swap3A_618], %swap3A_621 {strides = array<i32>} : memref<64x768xf32, #tpu.memory_space<vmem>>, vector<1x16xf32>,
      %get3A_622 = arith.index_cast %scan3A_552 : i32 to index
      %get3A_623 = arith.constant 112 : index
      %get3A_624 = tpu.vector_load %arg10[%get3A_622, %get3A_623] {strides = array<i32>} : memref<64x768xf32, #tpu.memory_space<vmem>>, vector<1x16xf32>,
      %get3A_625 = vector.shape_cast %get3A_624 : vector<1x16xf32> to vector<16xf32>
      %add3A_626 = arith.addf %get3A_625, %get3A_327 : vector<16xf32>
      %swap3A_627 = arith.index_cast %scan3A_552 : i32 to index
      %swap3A_628 = arith.constant 112 : index
      %swap3A_629 = tpu.vector_load %arg10[%swap3A_627, %swap3A_628] {strides = array<i32>} : memref<64x768xf32, #tpu.memory_space<vmem>>, vector<1x16xf32>,
      %swap3A_630 = vector.shape_cast %swap3A_629 : vector<1x16xf32> to vector<16xf32>
      %swap3A_631 = vector.shape_cast %add3A_626 : vector<16xf32> to vector<1x16xf32>
      tpu.vector_store %arg10[%swap3A_627, %swap3A_628], %swap3A_631 {strides = array<i32>} : memref<64x768xf32, #tpu.memory_space<vmem>>, vector<1x16xf32>,
      %get3A_632 = arith.index_cast %scan3A_552 : i32 to index
      %get3A_633 = arith.constant 128 : index
      %get3A_634 = tpu.vector_load %arg10[%get3A_632, %get3A_633] {strides = array<i32>} : memref<64x768xf32, #tpu.memory_space<vmem>>, vector<1x16xf32>,
      %get3A_635 = vector.shape_cast %get3A_634 : vector<1x16xf32> to vector<16xf32>
      %add3A_636 = arith.addf %get3A_635, %get3A_332 : vector<16xf32>
      %swap3A_637 = arith.index_cast %scan3A_552 : i32 to index
      %swap3A_638 = arith.constant 128 : index
      %swap3A_639 = tpu.vector_load %arg10[%swap3A_637, %swap3A_638] {strides = array<i32>} : memref<64x768xf32, #tpu.memory_space<vmem>>, vector<1x16xf32>,
      %swap3A_640 = vector.shape_cast %swap3A_639 : vector<1x16xf32> to vector<16xf32>
      %swap3A_641 = vector.shape_cast %add3A_636 : vector<16xf32> to vector<1x16xf32>
      tpu.vector_store %arg10[%swap3A_637, %swap3A_638], %swap3A_641 {strides = array<i32>} : memref<64x768xf32, #tpu.memory_space<vmem>>, vector<1x16xf32>,
      %get3A_642 = arith.index_cast %scan3A_552 : i32 to index
      %get3A_643 = arith.constant 144 : index
      %get3A_644 = tpu.vector_load %arg10[%get3A_642, %get3A_643] {strides = array<i32>} : memref<64x768xf32, #tpu.memory_space<vmem>>, vector<1x16xf32>,
      %get3A_645 = vector.shape_cast %get3A_644 : vector<1x16xf32> to vector<16xf32>
      %add3A_646 = arith.addf %get3A_645, %get3A_337 : vector<16xf32>
      %swap3A_647 = arith.index_cast %scan3A_552 : i32 to index
      %swap3A_648 = arith.constant 144 : index
      %swap3A_649 = tpu.vector_load %arg10[%swap3A_647, %swap3A_648] {strides = array<i32>} : memref<64x768xf32, #tpu.memory_space<vmem>>, vector<1x16xf32>,
      %swap3A_650 = vector.shape_cast %swap3A_649 : vector<1x16xf32> to vector<16xf32>
      %swap3A_651 = vector.shape_cast %add3A_646 : vector<16xf32> to vector<1x16xf32>
      tpu.vector_store %arg10[%swap3A_647, %swap3A_648], %swap3A_651 {strides = array<i32>} : memref<64x768xf32, #tpu.memory_space<vmem>>, vector<1x16xf32>,
      %get3A_652 = arith.index_cast %scan3A_552 : i32 to index
      %get3A_653 = arith.constant 160 : index
      %get3A_654 = tpu.vector_load %arg10[%get3A_652, %get3A_653] {strides = array<i32>} : memref<64x768xf32, #tpu.memory_space<vmem>>, vector<1x16xf32>,
      %get3A_655 = vector.shape_cast %get3A_654 : vector<1x16xf32> to vector<16xf32>
      %add3A_656 = arith.addf %get3A_655, %get3A_342 : vector<16xf32>
      %swap3A_657 = arith.index_cast %scan3A_552 : i32 to index
      %swap3A_658 = arith.constant 160 : index
      %swap3A_659 = tpu.vector_load %arg10[%swap3A_657, %swap3A_658] {strides = array<i32>} : memref<64x768xf32, #tpu.memory_space<vmem>>, vector<1x16xf32>,
      %swap3A_660 = vector.shape_cast %swap3A_659 : vector<1x16xf32> to vector<16xf32>
      %swap3A_661 = vector.shape_cast %add3A_656 : vector<16xf32> to vector<1x16xf32>
      tpu.vector_store %arg10[%swap3A_657, %swap3A_658], %swap3A_661 {strides = array<i32>} : memref<64x768xf32, #tpu.memory_space<vmem>>, vector<1x16xf32>,
      %get3A_662 = arith.index_cast %scan3A_552 : i32 to index
      %get3A_663 = arith.constant 176 : index
      %get3A_664 = tpu.vector_load %arg10[%get3A_662, %get3A_663] {strides = array<i32>} : memref<64x768xf32, #tpu.memory_space<vmem>>, vector<1x16xf32>,
      %get3A_665 = vector.shape_cast %get3A_664 : vector<1x16xf32> to vector<16xf32>
      %add3A_666 = arith.addf %get3A_665, %get3A_347 : vector<16xf32>
      %swap3A_667 = arith.index_cast %scan3A_552 : i32 to index
      %swap3A_668 = arith.constant 176 : index
      %swap3A_669 = tpu.vector_load %arg10[%swap3A_667, %swap3A_668] {strides = array<i32>} : memref<64x768xf32, #tpu.memory_space<vmem>>, vector<1x16xf32>,
      %swap3A_670 = vector.shape_cast %swap3A_669 : vector<1x16xf32> to vector<16xf32>
      %swap3A_671 = vector.shape_cast %add3A_666 : vector<16xf32> to vector<1x16xf32>
      tpu.vector_store %arg10[%swap3A_667, %swap3A_668], %swap3A_671 {strides = array<i32>} : memref<64x768xf32, #tpu.memory_space<vmem>>, vector<1x16xf32>,
      %get3A_672 = arith.index_cast %scan3A_552 : i32 to index
      %get3A_673 = arith.constant 192 : index
      %get3A_674 = tpu.vector_load %arg10[%get3A_672, %get3A_673] {strides = array<i32>} : memref<64x768xf32, #tpu.memory_space<vmem>>, vector<1x16xf32>,
      %get3A_675 = vector.shape_cast %get3A_674 : vector<1x16xf32> to vector<16xf32>
      %add3A_676 = arith.addf %get3A_675, %get3A_352 : vector<16xf32>
      %swap3A_677 = arith.index_cast %scan3A_552 : i32 to index
      %swap3A_678 = arith.constant 192 : index
      %swap3A_679 = tpu.vector_load %arg10[%swap3A_677, %swap3A_678] {strides = array<i32>} : memref<64x768xf32, #tpu.memory_space<vmem>>, vector<1x16xf32>,
      %swap3A_680 = vector.shape_cast %swap3A_679 : vector<1x16xf32> to vector<16xf32>
      %swap3A_681 = vector.shape_cast %add3A_676 : vector<16xf32> to vector<1x16xf32>
      tpu.vector_store %arg10[%swap3A_677, %swap3A_678], %swap3A_681 {strides = array<i32>} : memref<64x768xf32, #tpu.memory_space<vmem>>, vector<1x16xf32>,
      %get3A_682 = arith.index_cast %scan3A_552 : i32 to index
      %get3A_683 = arith.constant 208 : index
      %get3A_684 = tpu.vector_load %arg10[%get3A_682, %get3A_683] {strides = array<i32>} : memref<64x768xf32, #tpu.memory_space<vmem>>, vector<1x16xf32>,
      %get3A_685 = vector.shape_cast %get3A_684 : vector<1x16xf32> to vector<16xf32>
      %add3A_686 = arith.addf %get3A_685, %get3A_357 : vector<16xf32>
      %swap3A_687 = arith.index_cast %scan3A_552 : i32 to index
      %swap3A_688 = arith.constant 208 : index
      %swap3A_689 = tpu.vector_load %arg10[%swap3A_687, %swap3A_688] {strides = array<i32>} : memref<64x768xf32, #tpu.memory_space<vmem>>, vector<1x16xf32>,
      %swap3A_690 = vector.shape_cast %swap3A_689 : vector<1x16xf32> to vector<16xf32>
      %swap3A_691 = vector.shape_cast %add3A_686 : vector<16xf32> to vector<1x16xf32>
      tpu.vector_store %arg10[%swap3A_687, %swap3A_688], %swap3A_691 {strides = array<i32>} : memref<64x768xf32, #tpu.memory_space<vmem>>, vector<1x16xf32>,
      %get3A_692 = arith.index_cast %scan3A_552 : i32 to index
      %get3A_693 = arith.constant 224 : index
      %get3A_694 = tpu.vector_load %arg10[%get3A_692, %get3A_693] {strides = array<i32>} : memref<64x768xf32, #tpu.memory_space<vmem>>, vector<1x16xf32>,
      %get3A_695 = vector.shape_cast %get3A_694 : vector<1x16xf32> to vector<16xf32>
      %add3A_696 = arith.addf %get3A_695, %get3A_362 : vector<16xf32>
      %swap3A_697 = arith.index_cast %scan3A_552 : i32 to index
      %swap3A_698 = arith.constant 224 : index
      %swap3A_699 = tpu.vector_load %arg10[%swap3A_697, %swap3A_698] {strides = array<i32>} : memref<64x768xf32, #tpu.memory_space<vmem>>, vector<1x16xf32>,
      %swap3A_700 = vector.shape_cast %swap3A_699 : vector<1x16xf32> to vector<16xf32>
      %swap3A_701 = vector.shape_cast %add3A_696 : vector<16xf32> to vector<1x16xf32>
      tpu.vector_store %arg10[%swap3A_697, %swap3A_698], %swap3A_701 {strides = array<i32>} : memref<64x768xf32, #tpu.memory_space<vmem>>, vector<1x16xf32>,
      %get3A_702 = arith.index_cast %scan3A_552 : i32 to index
      %get3A_703 = arith.constant 240 : index
      %get3A_704 = tpu.vector_load %arg10[%get3A_702, %get3A_703] {strides = array<i32>} : memref<64x768xf32, #tpu.memory_space<vmem>>, vector<1x16xf32>,
      %get3A_705 = vector.shape_cast %get3A_704 : vector<1x16xf32> to vector<16xf32>
      %add3A_706 = arith.addf %get3A_705, %get3A_367 : vector<16xf32>
      %swap3A_707 = arith.index_cast %scan3A_552 : i32 to index
      %swap3A_708 = arith.constant 240 : index
      %swap3A_709 = tpu.vector_load %arg10[%swap3A_707, %swap3A_708] {strides = array<i32>} : memref<64x768xf32, #tpu.memory_space<vmem>>, vector<1x16xf32>,
      %swap3A_710 = vector.shape_cast %swap3A_709 : vector<1x16xf32> to vector<16xf32>
      %swap3A_711 = vector.shape_cast %add3A_706 : vector<16xf32> to vector<1x16xf32>
      tpu.vector_store %arg10[%swap3A_707, %swap3A_708], %swap3A_711 {strides = array<i32>} : memref<64x768xf32, #tpu.memory_space<vmem>>, vector<1x16xf32>,
      %get3A_712 = arith.index_cast %scan3A_552 : i32 to index
      %get3A_713 = arith.constant 256 : index
      %get3A_714 = tpu.vector_load %arg10[%get3A_712, %get3A_713] {strides = array<i32>} : memref<64x768xf32, #tpu.memory_space<vmem>>, vector<1x16xf32>,
      %get3A_715 = vector.shape_cast %get3A_714 : vector<1x16xf32> to vector<16xf32>
      %add3A_716 = arith.addf %get3A_715, %get3A_372 : vector<16xf32>
      %swap3A_717 = arith.index_cast %scan3A_552 : i32 to index
      %swap3A_718 = arith.constant 256 : index
      %swap3A_719 = tpu.vector_load %arg10[%swap3A_717, %swap3A_718] {strides = array<i32>} : memref<64x768xf32, #tpu.memory_space<vmem>>, vector<1x16xf32>,
      %swap3A_720 = vector.shape_cast %swap3A_719 : vector<1x16xf32> to vector<16xf32>
      %swap3A_721 = vector.shape_cast %add3A_716 : vector<16xf32> to vector<1x16xf32>
      tpu.vector_store %arg10[%swap3A_717, %swap3A_718], %swap3A_721 {strides = array<i32>} : memref<64x768xf32, #tpu.memory_space<vmem>>, vector<1x16xf32>,
      %get3A_722 = arith.index_cast %scan3A_552 : i32 to index
      %get3A_723 = arith.constant 272 : index
      %get3A_724 = tpu.vector_load %arg10[%get3A_722, %get3A_723] {strides = array<i32>} : memref<64x768xf32, #tpu.memory_space<vmem>>, vector<1x16xf32>,
      %get3A_725 = vector.shape_cast %get3A_724 : vector<1x16xf32> to vector<16xf32>
      %add3A_726 = arith.addf %get3A_725, %get3A_377 : vector<16xf32>
      %swap3A_727 = arith.index_cast %scan3A_552 : i32 to index
      %swap3A_728 = arith.constant 272 : index
      %swap3A_729 = tpu.vector_load %arg10[%swap3A_727, %swap3A_728] {strides = array<i32>} : memref<64x768xf32, #tpu.memory_space<vmem>>, vector<1x16xf32>,
      %swap3A_730 = vector.shape_cast %swap3A_729 : vector<1x16xf32> to vector<16xf32>
      %swap3A_731 = vector.shape_cast %add3A_726 : vector<16xf32> to vector<1x16xf32>
      tpu.vector_store %arg10[%swap3A_727, %swap3A_728], %swap3A_731 {strides = array<i32>} : memref<64x768xf32, #tpu.memory_space<vmem>>, vector<1x16xf32>,
      %get3A_732 = arith.index_cast %scan3A_552 : i32 to index
      %get3A_733 = arith.constant 288 : index
      %get3A_734 = tpu.vector_load %arg10[%get3A_732, %get3A_733] {strides = array<i32>} : memref<64x768xf32, #tpu.memory_space<vmem>>, vector<1x16xf32>,
      %get3A_735 = vector.shape_cast %get3A_734 : vector<1x16xf32> to vector<16xf32>
      %add3A_736 = arith.addf %get3A_735, %get3A_382 : vector<16xf32>
      %swap3A_737 = arith.index_cast %scan3A_552 : i32 to index
      %swap3A_738 = arith.constant 288 : index
      %swap3A_739 = tpu.vector_load %arg10[%swap3A_737, %swap3A_738] {strides = array<i32>} : memref<64x768xf32, #tpu.memory_space<vmem>>, vector<1x16xf32>,
      %swap3A_740 = vector.shape_cast %swap3A_739 : vector<1x16xf32> to vector<16xf32>
      %swap3A_741 = vector.shape_cast %add3A_736 : vector<16xf32> to vector<1x16xf32>
      tpu.vector_store %arg10[%swap3A_737, %swap3A_738], %swap3A_741 {strides = array<i32>} : memref<64x768xf32, #tpu.memory_space<vmem>>, vector<1x16xf32>,
      %get3A_742 = arith.index_cast %scan3A_552 : i32 to index
      %get3A_743 = arith.constant 304 : index
      %get3A_744 = tpu.vector_load %arg10[%get3A_742, %get3A_743] {strides = array<i32>} : memref<64x768xf32, #tpu.memory_space<vmem>>, vector<1x16xf32>,
      %get3A_745 = vector.shape_cast %get3A_744 : vector<1x16xf32> to vector<16xf32>
      %add3A_746 = arith.addf %get3A_745, %get3A_387 : vector<16xf32>
      %swap3A_747 = arith.index_cast %scan3A_552 : i32 to index
      %swap3A_748 = arith.constant 304 : index
      %swap3A_749 = tpu.vector_load %arg10[%swap3A_747, %swap3A_748] {strides = array<i32>} : memref<64x768xf32, #tpu.memory_space<vmem>>, vector<1x16xf32>,
      %swap3A_750 = vector.shape_cast %swap3A_749 : vector<1x16xf32> to vector<16xf32>
      %swap3A_751 = vector.shape_cast %add3A_746 : vector<16xf32> to vector<1x16xf32>
      tpu.vector_store %arg10[%swap3A_747, %swap3A_748], %swap3A_751 {strides = array<i32>} : memref<64x768xf32, #tpu.memory_space<vmem>>, vector<1x16xf32>,
      %get3A_752 = arith.index_cast %scan3A_552 : i32 to index
      %get3A_753 = arith.constant 320 : index
      %get3A_754 = tpu.vector_load %arg10[%get3A_752, %get3A_753] {strides = array<i32>} : memref<64x768xf32, #tpu.memory_space<vmem>>, vector<1x16xf32>,
      %get3A_755 = vector.shape_cast %get3A_754 : vector<1x16xf32> to vector<16xf32>
      %add3A_756 = arith.addf %get3A_755, %get3A_392 : vector<16xf32>
      %swap3A_757 = arith.index_cast %scan3A_552 : i32 to index
      %swap3A_758 = arith.constant 320 : index
      %swap3A_759 = tpu.vector_load %arg10[%swap3A_757, %swap3A_758] {strides = array<i32>} : memref<64x768xf32, #tpu.memory_space<vmem>>, vector<1x16xf32>,
      %swap3A_760 = vector.shape_cast %swap3A_759 : vector<1x16xf32> to vector<16xf32>
      %swap3A_761 = vector.shape_cast %add3A_756 : vector<16xf32> to vector<1x16xf32>
      tpu.vector_store %arg10[%swap3A_757, %swap3A_758], %swap3A_761 {strides = array<i32>} : memref<64x768xf32, #tpu.memory_space<vmem>>, vector<1x16xf32>,
      %get3A_762 = arith.index_cast %scan3A_552 : i32 to index
      %get3A_763 = arith.constant 336 : index
      %get3A_764 = tpu.vector_load %arg10[%get3A_762, %get3A_763] {strides = array<i32>} : memref<64x768xf32, #tpu.memory_space<vmem>>, vector<1x16xf32>,
      %get3A_765 = vector.shape_cast %get3A_764 : vector<1x16xf32> to vector<16xf32>
      %add3A_766 = arith.addf %get3A_765, %get3A_397 : vector<16xf32>
      %swap3A_767 = arith.index_cast %scan3A_552 : i32 to index
      %swap3A_768 = arith.constant 336 : index
      %swap3A_769 = tpu.vector_load %arg10[%swap3A_767, %swap3A_768] {strides = array<i32>} : memref<64x768xf32, #tpu.memory_space<vmem>>, vector<1x16xf32>,
      %swap3A_770 = vector.shape_cast %swap3A_769 : vector<1x16xf32> to vector<16xf32>
      %swap3A_771 = vector.shape_cast %add3A_766 : vector<16xf32> to vector<1x16xf32>
      tpu.vector_store %arg10[%swap3A_767, %swap3A_768], %swap3A_771 {strides = array<i32>} : memref<64x768xf32, #tpu.memory_space<vmem>>, vector<1x16xf32>,
      %get3A_772 = arith.index_cast %scan3A_552 : i32 to index
      %get3A_773 = arith.constant 352 : index
      %get3A_774 = tpu.vector_load %arg10[%get3A_772, %get3A_773] {strides = array<i32>} : memref<64x768xf32, #tpu.memory_space<vmem>>, vector<1x16xf32>,
      %get3A_775 = vector.shape_cast %get3A_774 : vector<1x16xf32> to vector<16xf32>
      %add3A_776 = arith.addf %get3A_775, %get3A_402 : vector<16xf32>
      %swap3A_777 = arith.index_cast %scan3A_552 : i32 to index
      %swap3A_778 = arith.constant 352 : index
      %swap3A_779 = tpu.vector_load %arg10[%swap3A_777, %swap3A_778] {strides = array<i32>} : memref<64x768xf32, #tpu.memory_space<vmem>>, vector<1x16xf32>,
      %swap3A_780 = vector.shape_cast %swap3A_779 : vector<1x16xf32> to vector<16xf32>
      %swap3A_781 = vector.shape_cast %add3A_776 : vector<16xf32> to vector<1x16xf32>
      tpu.vector_store %arg10[%swap3A_777, %swap3A_778], %swap3A_781 {strides = array<i32>} : memref<64x768xf32, #tpu.memory_space<vmem>>, vector<1x16xf32>,
      %get3A_782 = arith.index_cast %scan3A_552 : i32 to index
      %get3A_783 = arith.constant 368 : index
      %get3A_784 = tpu.vector_load %arg10[%get3A_782, %get3A_783] {strides = array<i32>} : memref<64x768xf32, #tpu.memory_space<vmem>>, vector<1x16xf32>,
      %get3A_785 = vector.shape_cast %get3A_784 : vector<1x16xf32> to vector<16xf32>
      %add3A_786 = arith.addf %get3A_785, %get3A_407 : vector<16xf32>
      %swap3A_787 = arith.index_cast %scan3A_552 : i32 to index
      %swap3A_788 = arith.constant 368 : index
      %swap3A_789 = tpu.vector_load %arg10[%swap3A_787, %swap3A_788] {strides = array<i32>} : memref<64x768xf32, #tpu.memory_space<vmem>>, vector<1x16xf32>,
      %swap3A_790 = vector.shape_cast %swap3A_789 : vector<1x16xf32> to vector<16xf32>
      %swap3A_791 = vector.shape_cast %add3A_786 : vector<16xf32> to vector<1x16xf32>
      tpu.vector_store %arg10[%swap3A_787, %swap3A_788], %swap3A_791 {strides = array<i32>} : memref<64x768xf32, #tpu.memory_space<vmem>>, vector<1x16xf32>,
      %get3A_792 = arith.index_cast %scan3A_552 : i32 to index
      %get3A_793 = arith.constant 384 : index
      %get3A_794 = tpu.vector_load %arg10[%get3A_792, %get3A_793] {strides = array<i32>} : memref<64x768xf32, #tpu.memory_space<vmem>>, vector<1x16xf32>,
      %get3A_795 = vector.shape_cast %get3A_794 : vector<1x16xf32> to vector<16xf32>
      %add3A_796 = arith.addf %get3A_795, %get3A_412 : vector<16xf32>
      %swap3A_797 = arith.index_cast %scan3A_552 : i32 to index
      %swap3A_798 = arith.constant 384 : index
      %swap3A_799 = tpu.vector_load %arg10[%swap3A_797, %swap3A_798] {strides = array<i32>} : memref<64x768xf32, #tpu.memory_space<vmem>>, vector<1x16xf32>,
      %swap3A_800 = vector.shape_cast %swap3A_799 : vector<1x16xf32> to vector<16xf32>
      %swap3A_801 = vector.shape_cast %add3A_796 : vector<16xf32> to vector<1x16xf32>
      tpu.vector_store %arg10[%swap3A_797, %swap3A_798], %swap3A_801 {strides = array<i32>} : memref<64x768xf32, #tpu.memory_space<vmem>>, vector<1x16xf32>,
      %get3A_802 = arith.index_cast %scan3A_552 : i32 to index
      %get3A_803 = arith.constant 400 : index
      %get3A_804 = tpu.vector_load %arg10[%get3A_802, %get3A_803] {strides = array<i32>} : memref<64x768xf32, #tpu.memory_space<vmem>>, vector<1x16xf32>,
      %get3A_805 = vector.shape_cast %get3A_804 : vector<1x16xf32> to vector<16xf32>
      %add3A_806 = arith.addf %get3A_805, %get3A_417 : vector<16xf32>
      %swap3A_807 = arith.index_cast %scan3A_552 : i32 to index
      %swap3A_808 = arith.constant 400 : index
      %swap3A_809 = tpu.vector_load %arg10[%swap3A_807, %swap3A_808] {strides = array<i32>} : memref<64x768xf32, #tpu.memory_space<vmem>>, vector<1x16xf32>,
      %swap3A_810 = vector.shape_cast %swap3A_809 : vector<1x16xf32> to vector<16xf32>
      %swap3A_811 = vector.shape_cast %add3A_806 : vector<16xf32> to vector<1x16xf32>
      tpu.vector_store %arg10[%swap3A_807, %swap3A_808], %swap3A_811 {strides = array<i32>} : memref<64x768xf32, #tpu.memory_space<vmem>>, vector<1x16xf32>,
      %get3A_812 = arith.index_cast %scan3A_552 : i32 to index
      %get3A_813 = arith.constant 416 : index
      %get3A_814 = tpu.vector_load %arg10[%get3A_812, %get3A_813] {strides = array<i32>} : memref<64x768xf32, #tpu.memory_space<vmem>>, vector<1x16xf32>,
      %get3A_815 = vector.shape_cast %get3A_814 : vector<1x16xf32> to vector<16xf32>
      %add3A_816 = arith.addf %get3A_815, %get3A_422 : vector<16xf32>
      %swap3A_817 = arith.index_cast %scan3A_552 : i32 to index
      %swap3A_818 = arith.constant 416 : index
      %swap3A_819 = tpu.vector_load %arg10[%swap3A_817, %swap3A_818] {strides = array<i32>} : memref<64x768xf32, #tpu.memory_space<vmem>>, vector<1x16xf32>,
      %swap3A_820 = vector.shape_cast %swap3A_819 : vector<1x16xf32> to vector<16xf32>
      %swap3A_821 = vector.shape_cast %add3A_816 : vector<16xf32> to vector<1x16xf32>
      tpu.vector_store %arg10[%swap3A_817, %swap3A_818], %swap3A_821 {strides = array<i32>} : memref<64x768xf32, #tpu.memory_space<vmem>>, vector<1x16xf32>,
      %get3A_822 = arith.index_cast %scan3A_552 : i32 to index
      %get3A_823 = arith.constant 432 : index
      %get3A_824 = tpu.vector_load %arg10[%get3A_822, %get3A_823] {strides = array<i32>} : memref<64x768xf32, #tpu.memory_space<vmem>>, vector<1x16xf32>,
      %get3A_825 = vector.shape_cast %get3A_824 : vector<1x16xf32> to vector<16xf32>
      %add3A_826 = arith.addf %get3A_825, %get3A_427 : vector<16xf32>
      %swap3A_827 = arith.index_cast %scan3A_552 : i32 to index
      %swap3A_828 = arith.constant 432 : index
      %swap3A_829 = tpu.vector_load %arg10[%swap3A_827, %swap3A_828] {strides = array<i32>} : memref<64x768xf32, #tpu.memory_space<vmem>>, vector<1x16xf32>,
      %swap3A_830 = vector.shape_cast %swap3A_829 : vector<1x16xf32> to vector<16xf32>
      %swap3A_831 = vector.shape_cast %add3A_826 : vector<16xf32> to vector<1x16xf32>
      tpu.vector_store %arg10[%swap3A_827, %swap3A_828], %swap3A_831 {strides = array<i32>} : memref<64x768xf32, #tpu.memory_space<vmem>>, vector<1x16xf32>,
      %get3A_832 = arith.index_cast %scan3A_552 : i32 to index
      %get3A_833 = arith.constant 448 : index
      %get3A_834 = tpu.vector_load %arg10[%get3A_832, %get3A_833] {strides = array<i32>} : memref<64x768xf32, #tpu.memory_space<vmem>>, vector<1x16xf32>,
      %get3A_835 = vector.shape_cast %get3A_834 : vector<1x16xf32> to vector<16xf32>
      %add3A_836 = arith.addf %get3A_835, %get3A_432 : vector<16xf32>
      %swap3A_837 = arith.index_cast %scan3A_552 : i32 to index
      %swap3A_838 = arith.constant 448 : index
      %swap3A_839 = tpu.vector_load %arg10[%swap3A_837, %swap3A_838] {strides = array<i32>} : memref<64x768xf32, #tpu.memory_space<vmem>>, vector<1x16xf32>,
      %swap3A_840 = vector.shape_cast %swap3A_839 : vector<1x16xf32> to vector<16xf32>
      %swap3A_841 = vector.shape_cast %add3A_836 : vector<16xf32> to vector<1x16xf32>
      tpu.vector_store %arg10[%swap3A_837, %swap3A_838], %swap3A_841 {strides = array<i32>} : memref<64x768xf32, #tpu.memory_space<vmem>>, vector<1x16xf32>,
      %get3A_842 = arith.index_cast %scan3A_552 : i32 to index
      %get3A_843 = arith.constant 464 : index
      %get3A_844 = tpu.vector_load %arg10[%get3A_842, %get3A_843] {strides = array<i32>} : memref<64x768xf32, #tpu.memory_space<vmem>>, vector<1x16xf32>,
      %get3A_845 = vector.shape_cast %get3A_844 : vector<1x16xf32> to vector<16xf32>
      %add3A_846 = arith.addf %get3A_845, %get3A_437 : vector<16xf32>
      %swap3A_847 = arith.index_cast %scan3A_552 : i32 to index
      %swap3A_848 = arith.constant 464 : index
      %swap3A_849 = tpu.vector_load %arg10[%swap3A_847, %swap3A_848] {strides = array<i32>} : memref<64x768xf32, #tpu.memory_space<vmem>>, vector<1x16xf32>,
      %swap3A_850 = vector.shape_cast %swap3A_849 : vector<1x16xf32> to vector<16xf32>
      %swap3A_851 = vector.shape_cast %add3A_846 : vector<16xf32> to vector<1x16xf32>
      tpu.vector_store %arg10[%swap3A_847, %swap3A_848], %swap3A_851 {strides = array<i32>} : memref<64x768xf32, #tpu.memory_space<vmem>>, vector<1x16xf32>,
      %get3A_852 = arith.index_cast %scan3A_552 : i32 to index
      %get3A_853 = arith.constant 480 : index
      %get3A_854 = tpu.vector_load %arg10[%get3A_852, %get3A_853] {strides = array<i32>} : memref<64x768xf32, #tpu.memory_space<vmem>>, vector<1x16xf32>,
      %get3A_855 = vector.shape_cast %get3A_854 : vector<1x16xf32> to vector<16xf32>
      %add3A_856 = arith.addf %get3A_855, %get3A_442 : vector<16xf32>
      %swap3A_857 = arith.index_cast %scan3A_552 : i32 to index
      %swap3A_858 = arith.constant 480 : index
      %swap3A_859 = tpu.vector_load %arg10[%swap3A_857, %swap3A_858] {strides = array<i32>} : memref<64x768xf32, #tpu.memory_space<vmem>>, vector<1x16xf32>,
      %swap3A_860 = vector.shape_cast %swap3A_859 : vector<1x16xf32> to vector<16xf32>
      %swap3A_861 = vector.shape_cast %add3A_856 : vector<16xf32> to vector<1x16xf32>
      tpu.vector_store %arg10[%swap3A_857, %swap3A_858], %swap3A_861 {strides = array<i32>} : memref<64x768xf32, #tpu.memory_space<vmem>>, vector<1x16xf32>,
      %get3A_862 = arith.index_cast %scan3A_552 : i32 to index
      %get3A_863 = arith.constant 496 : index
      %get3A_864 = tpu.vector_load %arg10[%get3A_862, %get3A_863] {strides = array<i32>} : memref<64x768xf32, #tpu.memory_space<vmem>>, vector<1x16xf32>,
      %get3A_865 = vector.shape_cast %get3A_864 : vector<1x16xf32> to vector<16xf32>
      %add3A_866 = arith.addf %get3A_865, %get3A_447 : vector<16xf32>
      %swap3A_867 = arith.index_cast %scan3A_552 : i32 to index
      %swap3A_868 = arith.constant 496 : index
      %swap3A_869 = tpu.vector_load %arg10[%swap3A_867, %swap3A_868] {strides = array<i32>} : memref<64x768xf32, #tpu.memory_space<vmem>>, vector<1x16xf32>,
      %swap3A_870 = vector.shape_cast %swap3A_869 : vector<1x16xf32> to vector<16xf32>
      %swap3A_871 = vector.shape_cast %add3A_866 : vector<16xf32> to vector<1x16xf32>
      tpu.vector_store %arg10[%swap3A_867, %swap3A_868], %swap3A_871 {strides = array<i32>} : memref<64x768xf32, #tpu.memory_space<vmem>>, vector<1x16xf32>,
      %get3A_872 = arith.index_cast %scan3A_552 : i32 to index
      %get3A_873 = arith.constant 512 : index
      %get3A_874 = tpu.vector_load %arg10[%get3A_872, %get3A_873] {strides = array<i32>} : memref<64x768xf32, #tpu.memory_space<vmem>>, vector<1x16xf32>,
      %get3A_875 = vector.shape_cast %get3A_874 : vector<1x16xf32> to vector<16xf32>
      %add3A_876 = arith.addf %get3A_875, %get3A_452 : vector<16xf32>
      %swap3A_877 = arith.index_cast %scan3A_552 : i32 to index
      %swap3A_878 = arith.constant 512 : index
      %swap3A_879 = tpu.vector_load %arg10[%swap3A_877, %swap3A_878] {strides = array<i32>} : memref<64x768xf32, #tpu.memory_space<vmem>>, vector<1x16xf32>,
      %swap3A_880 = vector.shape_cast %swap3A_879 : vector<1x16xf32> to vector<16xf32>
      %swap3A_881 = vector.shape_cast %add3A_876 : vector<16xf32> to vector<1x16xf32>
      tpu.vector_store %arg10[%swap3A_877, %swap3A_878], %swap3A_881 {strides = array<i32>} : memref<64x768xf32, #tpu.memory_space<vmem>>, vector<1x16xf32>,
      %get3A_882 = arith.index_cast %scan3A_552 : i32 to index
      %get3A_883 = arith.constant 528 : index
      %get3A_884 = tpu.vector_load %arg10[%get3A_882, %get3A_883] {strides = array<i32>} : memref<64x768xf32, #tpu.memory_space<vmem>>, vector<1x16xf32>,
      %get3A_885 = vector.shape_cast %get3A_884 : vector<1x16xf32> to vector<16xf32>
      %add3A_886 = arith.addf %get3A_885, %get3A_457 : vector<16xf32>
      %swap3A_887 = arith.index_cast %scan3A_552 : i32 to index
      %swap3A_888 = arith.constant 528 : index
      %swap3A_889 = tpu.vector_load %arg10[%swap3A_887, %swap3A_888] {strides = array<i32>} : memref<64x768xf32, #tpu.memory_space<vmem>>, vector<1x16xf32>,
      %swap3A_890 = vector.shape_cast %swap3A_889 : vector<1x16xf32> to vector<16xf32>
      %swap3A_891 = vector.shape_cast %add3A_886 : vector<16xf32> to vector<1x16xf32>
      tpu.vector_store %arg10[%swap3A_887, %swap3A_888], %swap3A_891 {strides = array<i32>} : memref<64x768xf32, #tpu.memory_space<vmem>>, vector<1x16xf32>,
      %get3A_892 = arith.index_cast %scan3A_552 : i32 to index
      %get3A_893 = arith.constant 544 : index
      %get3A_894 = tpu.vector_load %arg10[%get3A_892, %get3A_893] {strides = array<i32>} : memref<64x768xf32, #tpu.memory_space<vmem>>, vector<1x16xf32>,
      %get3A_895 = vector.shape_cast %get3A_894 : vector<1x16xf32> to vector<16xf32>
      %add3A_896 = arith.addf %get3A_895, %get3A_462 : vector<16xf32>
      %swap3A_897 = arith.index_cast %scan3A_552 : i32 to index
      %swap3A_898 = arith.constant 544 : index
      %swap3A_899 = tpu.vector_load %arg10[%swap3A_897, %swap3A_898] {strides = array<i32>} : memref<64x768xf32, #tpu.memory_space<vmem>>, vector<1x16xf32>,
      %swap3A_900 = vector.shape_cast %swap3A_899 : vector<1x16xf32> to vector<16xf32>
      %swap3A_901 = vector.shape_cast %add3A_896 : vector<16xf32> to vector<1x16xf32>
      tpu.vector_store %arg10[%swap3A_897, %swap3A_898], %swap3A_901 {strides = array<i32>} : memref<64x768xf32, #tpu.memory_space<vmem>>, vector<1x16xf32>,
      %get3A_902 = arith.index_cast %scan3A_552 : i32 to index
      %get3A_903 = arith.constant 560 : index
      %get3A_904 = tpu.vector_load %arg10[%get3A_902, %get3A_903] {strides = array<i32>} : memref<64x768xf32, #tpu.memory_space<vmem>>, vector<1x16xf32>,
      %get3A_905 = vector.shape_cast %get3A_904 : vector<1x16xf32> to vector<16xf32>
      %add3A_906 = arith.addf %get3A_905, %get3A_467 : vector<16xf32>
      %swap3A_907 = arith.index_cast %scan3A_552 : i32 to index
      %swap3A_908 = arith.constant 560 : index
      %swap3A_909 = tpu.vector_load %arg10[%swap3A_907, %swap3A_908] {strides = array<i32>} : memref<64x768xf32, #tpu.memory_space<vmem>>, vector<1x16xf32>,
      %swap3A_910 = vector.shape_cast %swap3A_909 : vector<1x16xf32> to vector<16xf32>
      %swap3A_911 = vector.shape_cast %add3A_906 : vector<16xf32> to vector<1x16xf32>
      tpu.vector_store %arg10[%swap3A_907, %swap3A_908], %swap3A_911 {strides = array<i32>} : memref<64x768xf32, #tpu.memory_space<vmem>>, vector<1x16xf32>,
      %get3A_912 = arith.index_cast %scan3A_552 : i32 to index
      %get3A_913 = arith.constant 576 : index
      %get3A_914 = tpu.vector_load %arg10[%get3A_912, %get3A_913] {strides = array<i32>} : memref<64x768xf32, #tpu.memory_space<vmem>>, vector<1x16xf32>,
      %get3A_915 = vector.shape_cast %get3A_914 : vector<1x16xf32> to vector<16xf32>
      %add3A_916 = arith.addf %get3A_915, %get3A_472 : vector<16xf32>
      %swap3A_917 = arith.index_cast %scan3A_552 : i32 to index
      %swap3A_918 = arith.constant 576 : index
      %swap3A_919 = tpu.vector_load %arg10[%swap3A_917, %swap3A_918] {strides = array<i32>} : memref<64x768xf32, #tpu.memory_space<vmem>>, vector<1x16xf32>,
      %swap3A_920 = vector.shape_cast %swap3A_919 : vector<1x16xf32> to vector<16xf32>
      %swap3A_921 = vector.shape_cast %add3A_916 : vector<16xf32> to vector<1x16xf32>
      tpu.vector_store %arg10[%swap3A_917, %swap3A_918], %swap3A_921 {strides = array<i32>} : memref<64x768xf32, #tpu.memory_space<vmem>>, vector<1x16xf32>,
      %get3A_922 = arith.index_cast %scan3A_552 : i32 to index
      %get3A_923 = arith.constant 592 : index
      %get3A_924 = tpu.vector_load %arg10[%get3A_922, %get3A_923] {strides = array<i32>} : memref<64x768xf32, #tpu.memory_space<vmem>>, vector<1x16xf32>,
      %get3A_925 = vector.shape_cast %get3A_924 : vector<1x16xf32> to vector<16xf32>
      %add3A_926 = arith.addf %get3A_925, %get3A_477 : vector<16xf32>
      %swap3A_927 = arith.index_cast %scan3A_552 : i32 to index
      %swap3A_928 = arith.constant 592 : index
      %swap3A_929 = tpu.vector_load %arg10[%swap3A_927, %swap3A_928] {strides = array<i32>} : memref<64x768xf32, #tpu.memory_space<vmem>>, vector<1x16xf32>,
      %swap3A_930 = vector.shape_cast %swap3A_929 : vector<1x16xf32> to vector<16xf32>
      %swap3A_931 = vector.shape_cast %add3A_926 : vector<16xf32> to vector<1x16xf32>
      tpu.vector_store %arg10[%swap3A_927, %swap3A_928], %swap3A_931 {strides = array<i32>} : memref<64x768xf32, #tpu.memory_space<vmem>>, vector<1x16xf32>,
      %get3A_932 = arith.index_cast %scan3A_552 : i32 to index
      %get3A_933 = arith.constant 608 : index
      %get3A_934 = tpu.vector_load %arg10[%get3A_932, %get3A_933] {strides = array<i32>} : memref<64x768xf32, #tpu.memory_space<vmem>>, vector<1x16xf32>,
      %get3A_935 = vector.shape_cast %get3A_934 : vector<1x16xf32> to vector<16xf32>
      %add3A_936 = arith.addf %get3A_935, %get3A_482 : vector<16xf32>
      %swap3A_937 = arith.index_cast %scan3A_552 : i32 to index
      %swap3A_938 = arith.constant 608 : index
      %swap3A_939 = tpu.vector_load %arg10[%swap3A_937, %swap3A_938] {strides = array<i32>} : memref<64x768xf32, #tpu.memory_space<vmem>>, vector<1x16xf32>,
      %swap3A_940 = vector.shape_cast %swap3A_939 : vector<1x16xf32> to vector<16xf32>
      %swap3A_941 = vector.shape_cast %add3A_936 : vector<16xf32> to vector<1x16xf32>
      tpu.vector_store %arg10[%swap3A_937, %swap3A_938], %swap3A_941 {strides = array<i32>} : memref<64x768xf32, #tpu.memory_space<vmem>>, vector<1x16xf32>,
      %get3A_942 = arith.index_cast %scan3A_552 : i32 to index
      %get3A_943 = arith.constant 624 : index
      %get3A_944 = tpu.vector_load %arg10[%get3A_942, %get3A_943] {strides = array<i32>} : memref<64x768xf32, #tpu.memory_space<vmem>>, vector<1x16xf32>,
      %get3A_945 = vector.shape_cast %get3A_944 : vector<1x16xf32> to vector<16xf32>
      %add3A_946 = arith.addf %get3A_945, %get3A_487 : vector<16xf32>
      %swap3A_947 = arith.index_cast %scan3A_552 : i32 to index
      %swap3A_948 = arith.constant 624 : index
      %swap3A_949 = tpu.vector_load %arg10[%swap3A_947, %swap3A_948] {strides = array<i32>} : memref<64x768xf32, #tpu.memory_space<vmem>>, vector<1x16xf32>,
      %swap3A_950 = vector.shape_cast %swap3A_949 : vector<1x16xf32> to vector<16xf32>
      %swap3A_951 = vector.shape_cast %add3A_946 : vector<16xf32> to vector<1x16xf32>
      tpu.vector_store %arg10[%swap3A_947, %swap3A_948], %swap3A_951 {strides = array<i32>} : memref<64x768xf32, #tpu.memory_space<vmem>>, vector<1x16xf32>,
      %get3A_952 = arith.index_cast %scan3A_552 : i32 to index
      %get3A_953 = arith.constant 640 : index
      %get3A_954 = tpu.vector_load %arg10[%get3A_952, %get3A_953] {strides = array<i32>} : memref<64x768xf32, #tpu.memory_space<vmem>>, vector<1x16xf32>,
      %get3A_955 = vector.shape_cast %get3A_954 : vector<1x16xf32> to vector<16xf32>
      %add3A_956 = arith.addf %get3A_955, %get3A_492 : vector<16xf32>
      %swap3A_957 = arith.index_cast %scan3A_552 : i32 to index
      %swap3A_958 = arith.constant 640 : index
      %swap3A_959 = tpu.vector_load %arg10[%swap3A_957, %swap3A_958] {strides = array<i32>} : memref<64x768xf32, #tpu.memory_space<vmem>>, vector<1x16xf32>,
      %swap3A_960 = vector.shape_cast %swap3A_959 : vector<1x16xf32> to vector<16xf32>
      %swap3A_961 = vector.shape_cast %add3A_956 : vector<16xf32> to vector<1x16xf32>
      tpu.vector_store %arg10[%swap3A_957, %swap3A_958], %swap3A_961 {strides = array<i32>} : memref<64x768xf32, #tpu.memory_space<vmem>>, vector<1x16xf32>,
      %get3A_962 = arith.index_cast %scan3A_552 : i32 to index
      %get3A_963 = arith.constant 656 : index
      %get3A_964 = tpu.vector_load %arg10[%get3A_962, %get3A_963] {strides = array<i32>} : memref<64x768xf32, #tpu.memory_space<vmem>>, vector<1x16xf32>,
      %get3A_965 = vector.shape_cast %get3A_964 : vector<1x16xf32> to vector<16xf32>
      %add3A_966 = arith.addf %get3A_965, %get3A_497 : vector<16xf32>
      %swap3A_967 = arith.index_cast %scan3A_552 : i32 to index
      %swap3A_968 = arith.constant 656 : index
      %swap3A_969 = tpu.vector_load %arg10[%swap3A_967, %swap3A_968] {strides = array<i32>} : memref<64x768xf32, #tpu.memory_space<vmem>>, vector<1x16xf32>,
      %swap3A_970 = vector.shape_cast %swap3A_969 : vector<1x16xf32> to vector<16xf32>
      %swap3A_971 = vector.shape_cast %add3A_966 : vector<16xf32> to vector<1x16xf32>
      tpu.vector_store %arg10[%swap3A_967, %swap3A_968], %swap3A_971 {strides = array<i32>} : memref<64x768xf32, #tpu.memory_space<vmem>>, vector<1x16xf32>,
      %get3A_972 = arith.index_cast %scan3A_552 : i32 to index
      %get3A_973 = arith.constant 672 : index
      %get3A_974 = tpu.vector_load %arg10[%get3A_972, %get3A_973] {strides = array<i32>} : memref<64x768xf32, #tpu.memory_space<vmem>>, vector<1x16xf32>,
      %get3A_975 = vector.shape_cast %get3A_974 : vector<1x16xf32> to vector<16xf32>
      %add3A_976 = arith.addf %get3A_975, %get3A_502 : vector<16xf32>
      %swap3A_977 = arith.index_cast %scan3A_552 : i32 to index
      %swap3A_978 = arith.constant 672 : index
      %swap3A_979 = tpu.vector_load %arg10[%swap3A_977, %swap3A_978] {strides = array<i32>} : memref<64x768xf32, #tpu.memory_space<vmem>>, vector<1x16xf32>,
      %swap3A_980 = vector.shape_cast %swap3A_979 : vector<1x16xf32> to vector<16xf32>
      %swap3A_981 = vector.shape_cast %add3A_976 : vector<16xf32> to vector<1x16xf32>
      tpu.vector_store %arg10[%swap3A_977, %swap3A_978], %swap3A_981 {strides = array<i32>} : memref<64x768xf32, #tpu.memory_space<vmem>>, vector<1x16xf32>,
      %get3A_982 = arith.index_cast %scan3A_552 : i32 to index
      %get3A_983 = arith.constant 688 : index
      %get3A_984 = tpu.vector_load %arg10[%get3A_982, %get3A_983] {strides = array<i32>} : memref<64x768xf32, #tpu.memory_space<vmem>>, vector<1x16xf32>,
      %get3A_985 = vector.shape_cast %get3A_984 : vector<1x16xf32> to vector<16xf32>
      %add3A_986 = arith.addf %get3A_985, %get3A_507 : vector<16xf32>
      %swap3A_987 = arith.index_cast %scan3A_552 : i32 to index
      %swap3A_988 = arith.constant 688 : index
      %swap3A_989 = tpu.vector_load %arg10[%swap3A_987, %swap3A_988] {strides = array<i32>} : memref<64x768xf32, #tpu.memory_space<vmem>>, vector<1x16xf32>,
      %swap3A_990 = vector.shape_cast %swap3A_989 : vector<1x16xf32> to vector<16xf32>
      %swap3A_991 = vector.shape_cast %add3A_986 : vector<16xf32> to vector<1x16xf32>
      tpu.vector_store %arg10[%swap3A_987, %swap3A_988], %swap3A_991 {strides = array<i32>} : memref<64x768xf32, #tpu.memory_space<vmem>>, vector<1x16xf32>,
      %get3A_992 = arith.index_cast %scan3A_552 : i32 to index
      %get3A_993 = arith.constant 704 : index
      %get3A_994 = tpu.vector_load %arg10[%get3A_992, %get3A_993] {strides = array<i32>} : memref<64x768xf32, #tpu.memory_space<vmem>>, vector<1x16xf32>,
      %get3A_995 = vector.shape_cast %get3A_994 : vector<1x16xf32> to vector<16xf32>
      %add3A_996 = arith.addf %get3A_995, %get3A_512 : vector<16xf32>
      %swap3A_997 = arith.index_cast %scan3A_552 : i32 to index
      %swap3A_998 = arith.constant 704 : index
      %swap3A_999 = tpu.vector_load %arg10[%swap3A_997, %swap3A_998] {strides = array<i32>} : memref<64x768xf32, #tpu.memory_space<vmem>>, vector<1x16xf32>,
      %swap3A_1000 = vector.shape_cast %swap3A_999 : vector<1x16xf32> to vector<16xf32>
      %swap3A_1001 = vector.shape_cast %add3A_996 : vector<16xf32> to vector<1x16xf32>
      tpu.vector_store %arg10[%swap3A_997, %swap3A_998], %swap3A_1001 {strides = array<i32>} : memref<64x768xf32, #tpu.memory_space<vmem>>, vector<1x16xf32>,
      %get3A_1002 = arith.index_cast %scan3A_552 : i32 to index
      %get3A_1003 = arith.constant 720 : index
      %get3A_1004 = tpu.vector_load %arg10[%get3A_1002, %get3A_1003] {strides = array<i32>} : memref<64x768xf32, #tpu.memory_space<vmem>>, vector<1x16xf32>,
      %get3A_1005 = vector.shape_cast %get3A_1004 : vector<1x16xf32> to vector<16xf32>
      %add3A_1006 = arith.addf %get3A_1005, %get3A_517 : vector<16xf32>
      %swap3A_1007 = arith.index_cast %scan3A_552 : i32 to index
      %swap3A_1008 = arith.constant 720 : index
      %swap3A_1009 = tpu.vector_load %arg10[%swap3A_1007, %swap3A_1008] {strides = array<i32>} : memref<64x768xf32, #tpu.memory_space<vmem>>, vector<1x16xf32>,
      %swap3A_1010 = vector.shape_cast %swap3A_1009 : vector<1x16xf32> to vector<16xf32>
      %swap3A_1011 = vector.shape_cast %add3A_1006 : vector<16xf32> to vector<1x16xf32>
      tpu.vector_store %arg10[%swap3A_1007, %swap3A_1008], %swap3A_1011 {strides = array<i32>} : memref<64x768xf32, #tpu.memory_space<vmem>>, vector<1x16xf32>,
      %get3A_1012 = arith.index_cast %scan3A_552 : i32 to index
      %get3A_1013 = arith.constant 736 : index
      %get3A_1014 = tpu.vector_load %arg10[%get3A_1012, %get3A_1013] {strides = array<i32>} : memref<64x768xf32, #tpu.memory_space<vmem>>, vector<1x16xf32>,
      %get3A_1015 = vector.shape_cast %get3A_1014 : vector<1x16xf32> to vector<16xf32>
      %add3A_1016 = arith.addf %get3A_1015, %get3A_522 : vector<16xf32>
      %swap3A_1017 = arith.index_cast %scan3A_552 : i32 to index
      %swap3A_1018 = arith.constant 736 : index
      %swap3A_1019 = tpu.vector_load %arg10[%swap3A_1017, %swap3A_1018] {strides = array<i32>} : memref<64x768xf32, #tpu.memory_space<vmem>>, vector<1x16xf32>,
      %swap3A_1020 = vector.shape_cast %swap3A_1019 : vector<1x16xf32> to vector<16xf32>
      %swap3A_1021 = vector.shape_cast %add3A_1016 : vector<16xf32> to vector<1x16xf32>
      tpu.vector_store %arg10[%swap3A_1017, %swap3A_1018], %swap3A_1021 {strides = array<i32>} : memref<64x768xf32, #tpu.memory_space<vmem>>, vector<1x16xf32>,
      %get3A_1022 = arith.index_cast %scan3A_552 : i32 to index
      %get3A_1023 = arith.constant 752 : index
      %get3A_1024 = tpu.vector_load %arg10[%get3A_1022, %get3A_1023] {strides = array<i32>} : memref<64x768xf32, #tpu.memory_space<vmem>>, vector<1x16xf32>,
      %get3A_1025 = vector.shape_cast %get3A_1024 : vector<1x16xf32> to vector<16xf32>
      %add3A_1026 = arith.addf %get3A_1025, %get3A_527 : vector<16xf32>
      %swap3A_1027 = arith.index_cast %scan3A_552 : i32 to index
      %swap3A_1028 = arith.constant 752 : index
      %swap3A_1029 = tpu.vector_load %arg10[%swap3A_1027, %swap3A_1028] {strides = array<i32>} : memref<64x768xf32, #tpu.memory_space<vmem>>, vector<1x16xf32>,
      %swap3A_1030 = vector.shape_cast %swap3A_1029 : vector<1x16xf32> to vector<16xf32>
      %swap3A_1031 = vector.shape_cast %add3A_1026 : vector<16xf32> to vector<1x16xf32>
      tpu.vector_store %arg10[%swap3A_1027, %swap3A_1028], %swap3A_1031 {strides = array<i32>} : memref<64x768xf32, #tpu.memory_space<vmem>>, vector<1x16xf32>,
    }
    %scan3A_537 = arith.constant 64 : i32
    %dma_start3A_538 = arith.constant 31 : i32
    %dma_start3A_539 = arith.constant 0 : i32
    %dma_start3A_540 = tpu.memref_slice %arg7[%dma_start3A_538, %dma_start3A_539] : memref<32x64xi32, #tpu.memory_space<vmem>> -> memref<1x64xi32, #tpu.memory_space<vmem>>
    %dma_start3A_541 = tpu.memref_squeeze %dma_start3A_540 : memref<1x64xi32, #tpu.memory_space<vmem>> -> memref<64xi32, #tpu.memory_space<vmem>>
    %dma_start3A_542 = arith.constant 0 : i32
    %dma_start3A_543 = arith.constant 0 : i32
    %dma_start3A_544 = tpu.memref_slice %arg5[%dma_start3A_542, %dma_start3A_543] : memref<65536x768xf32, #tpu.memory_space<hbm>> -> memref<65536x768xf32, #tpu.memory_space<hbm>>
    tpu.enqueue_indirect_dma source(%arg10 : memref<64x768xf32, #tpu.memory_space<vmem>>) target(%dma_start3A_544 : memref<65536x768xf32, #tpu.memory_space<hbm>>) offsets(%dma_start3A_541 : memref<64xi32, #tpu.memory_space<vmem>>) semaphore(%arg14 : memref<!tpu.dma_semaphore, #tpu.memory_space<semaphore_mem>>)
    %dma_wait3A_545 = arith.constant 0 : i32
    %dma_wait3A_546 = arith.constant 0 : i32
    %dma_wait3A_547 = tpu.memref_slice %arg7[%dma_wait3A_545, %dma_wait3A_546] : memref<32x64xi32, #tpu.memory_space<vmem>> -> memref<1x64xi32, #tpu.memory_space<vmem>>
    %dma_wait3A_548 = tpu.memref_squeeze %dma_wait3A_547 : memref<1x64xi32, #tpu.memory_space<vmem>> -> memref<64xi32, #tpu.memory_space<vmem>>
    %dma_wait3A_549 = arith.constant 0 : i32
    %dma_wait3A_550 = arith.constant 0 : i32
    %dma_wait3A_551 = tpu.memref_slice %arg5[%dma_wait3A_549, %dma_wait3A_550] : memref<65536x768xf32, #tpu.memory_space<hbm>> -> memref<65536x768xf32, #tpu.memory_space<hbm>>
    tpu.wait_indirect_dma semaphore(%arg14 : memref<!tpu.dma_semaphore, #tpu.memory_space<semaphore_mem>>) src(%arg10 : memref<64x768xf32, #tpu.memory_space<vmem>>) dst(%dma_wait3A_551 : memref<65536x768xf32, #tpu.memory_space<hbm>>)
    return
  }
}

</mosaic_0001>

<sc_bundles>
// kernel: kernel.3.cloned.1.call-start
scs
__scs_entry_jumppad:
0x0: {  	(pc) =	sbr.rel $0x88, $3  }
0x1: {  	(tag) =	ssettag $0x0;
	lr =	simm.s32 $0x1  }
0x2: {  	[smem:$0x3F9E] =	sst lr;
	_ =	strace $0xD0000000  }
0x3: {  	_ = 	snop  }
0x4: {  	_ = 	snop  }
0x5: {  	_ = 	snop  }
0x6: {  	_ = 	snop  }
0x7: {  	_ = 	snop  }
__scs_overlays_trampoline_lowered:
0x8: {  	[smem:$0x3FAD] =	sst s0  }
0x9: {  	[smem:$0x3FAE] =	sst s1  }
0xa: {  	[smem:$0x3FAF] =	sst s2  }
0xb: {  	[smem:$0x3FB0] =	sst s3  }
0xc: {  	[smem:$0x3FB1] =	sst s4  }
0xd: {  	[smem:$0x3FB2] =	sst s5  }
0xe: {  	[smem:$0x3FB3] =	sst s6  }
0xf: {  	[smem:$0x3FB4] =	sst s7  }
0x10: {  	[smem:$0x3FB5] =	sst s8  }
0x11: {  	[smem:$0x3FB6] =	sst s9;
	s0 =	simm.s32 @!p0 $0x0  }
0x12: {  	s1 =	sld [smem:$0x3F9C];
	s0 =	simm.s32 @p0 $0x1  }
0x13: {  	[smem:$0x3FB7] =	sst s0;
	s0 =	simm.s32 @!p1 $0x0  }
0x14: {  	s2 =	sld [smem:$0x3F9B];
	s0 =	simm.s32 @p1 $0x1  }
0x15: {  	[smem:$0x3FB8] =	sst s0;
	s0 =	simm.s32 @!p2 $0x0  }
0x16: {  	s3 =	sld [smem:$0x3FDB];
	s0 =	simm.s32 @p2 $0x1  }
0x17: {  	s4 =	simm.s32 $0x1BF5;
	[smem:$0x3FBA] =	sst s0  }
0x18: {  	s0 =	sld [smem:$0x3F9D];
	_ =	swait.ge [sflag:s4], $0x0  }
0x19: {  	s7 =	sld [smem:$0x3F9E]  }
0x1a: {  	s8 =	sadd.s32 $0xFFFFE003, lr  }
0x1b: {  	s9 =	sadd.s32 $0xFFFFFEF7, lr;
	s5 =	simm.s32 $0xFFFFFFFF;
	p2 =	slt.u32 s8, $0xFFFFF086  }
0x1c: {  	p1 =	slt.u32 s9, $0xF7A;
	s5 =	simm.s32 @!p2 $0x0  }
0x1d: {  	s5 =	simm.s32 @p1 $0x1;
	p0 =	seq.s32 s7, s2  }
0x1e: {  	s7 =	smul.u32 @!p0 $0xF7A, s2;
	p2 =	seq.s32 @!p0 s5, $0x0  }
0x1f: {  	s9 =	smul.u32 $0xF7A, s1;
	s8 =	simm.s32 @!p0 $0x1BF5;
	p2 =	por !p2, p0  }
0x20: {  	[sflag:s8] =	ssyncset.s32 @!p0 $0xFFFFF086;
	s6 =	sadd.s32 @!p0 s3, s7;
	s7 =	simm.s32 @!p0 $0x108  }
0x21: {  	s3 =	sadd.s32 s3, s9;
	s6 =	sadd.s32 @!p0 $0x88, s6;
	s7 =	simm.s32 @p2 $0x1082  }
0x22: {  	[simem:s7], [sflag:s8] =	dma.local @!p0 [hbm:s6], $0xF7A  }
0x23: {  	s9 =	sor.u32 $0xD0000000, s2;
	s6 =	simm.s32 $0x108;
	_ =	swait.ge @!p0 [sflag:s8], $0x0  }
0x24: {  	s3 =	sadd.s32 $0x88, s3;
	s6 =	simm.s32 @!p1 $0x1082;
	[sflag:s4] =	ssyncset.s32 $0xFFFFF086  }
0x25: {  	[simem:s6], [sflag:s4] =	dma.local [hbm:s3], $0xF7A  }
0x26: {  	[smem:$0x3F9E] =	sst s1;
	(tag) =	ssettag s2;
	_ =	strace s9  }
0x27: {  	s1 =	sld [smem:$0x3FAE]  }
0x28: {  	s2 =	sld [smem:$0x3FAF]  }
0x29: {  	s4 =	sld [smem:$0x3FB1]  }
0x2a: {  	p0 =	seq.s32 s5, $0x0;
	s5 =	sld [smem:$0x3FB2]  }
0x2b: {  	s6 =	sld [smem:$0x3FB3]  }
0x2c: {  	s7 =	sld [smem:$0x3FB4]  }
0x2d: {  	s3 =	simm.s32 $0x108;
	s8 =	sld [smem:$0x3FB5]  }
0x2e: {  	s3 =	simm.s32 @!p0 $0x1082;
	s9 =	sld [smem:$0x3FB6]  }
0x2f: {  	lr =	sadd.s32 s0, s3;
	s0 =	sld [smem:$0x3FAD]  }
0x30: {  	s3 =	sld [smem:$0x3FB0]  }
0x31: {  	[smem:$0x3FB9] =	sst s10  }
0x32: {  	s10 =	sld [smem:$0x3FB7];
	_ =	sdelay $0x3  }
0x33: {  	p0 =	seq.s32 s10, $0x1;
	s10 =	sld [smem:$0x3FB9];
	_ =	sdelay $0x3  }
0x34: {  	[smem:$0x3FB9] =	sst s10  }
0x35: {  	s10 =	sld [smem:$0x3FB8];
	_ =	sdelay $0x3  }
0x36: {  	p1 =	seq.s32 s10, $0x1;
	s10 =	sld [smem:$0x3FB9];
	_ =	sdelay $0x3  }
0x37: {  	[smem:$0x3FB9] =	sst s10  }
0x38: {  	s10 =	sld [smem:$0x3FBA]  }
0x39: {  	_ = 	snop;
	(pc) =	sbr.ind lr, $3  }
0x3a: {  	_ = 	snop  }
0x3b: {  	_ = 	snop  }
0x3c: {  	p2 =	seq.s32 s10, $0x1;
	s10 =	sld [smem:$0x3FB9]  }
0x3d: {  	_ =	shalt  }
0x3e: {  	_ =	shalt  }
0x3f: {  	_ =	shalt  }
0x40: {  	_ =	shalt  }
0x41: {  	_ =	shalt  }
0x42: {  	_ =	shalt  }
0x43: {  	_ =	shalt  }
0x44: {  	_ =	shalt  }
0x45: {  	_ =	shalt  }
0x46: {  	_ =	shalt  }
0x47: {  	_ =	shalt  }
0x48: {  	_ =	shalt  }
0x49: {  	_ =	shalt  }
0x4a: {  	_ =	shalt  }
0x4b: {  	_ =	shalt  }
0x4c: {  	_ =	shalt  }
0x4d: {  	_ =	shalt  }
0x4e: {  	_ =	shalt  }
0x4f: {  	_ =	shalt  }
0x50: {  	_ =	shalt  }
0x51: {  	_ =	shalt  }
0x52: {  	_ =	shalt  }
0x53: {  	_ =	shalt  }
0x54: {  	_ =	shalt  }
0x55: {  	_ =	shalt  }
0x56: {  	_ =	shalt  }
0x57: {  	_ =	shalt  }
0x58: {  	_ =	shalt  }
0x59: {  	_ =	shalt  }
0x5a: {  	_ =	shalt  }
0x5b: {  	_ =	shalt  }
0x5c: {  	_ =	shalt  }
0x5d: {  	_ =	shalt  }
0x5e: {  	_ =	shalt  }
0x5f: {  	_ =	shalt  }
0x60: {  	_ =	shalt  }
0x61: {  	_ =	shalt  }
0x62: {  	_ =	shalt  }
0x63: {  	_ =	shalt  }
0x64: {  	_ =	shalt  }
0x65: {  	_ =	shalt  }
0x66: {  	_ =	shalt  }
0x67: {  	_ =	shalt  }
0x68: {  	_ =	shalt  }
0x69: {  	_ =	shalt  }
0x6a: {  	_ =	shalt  }
0x6b: {  	_ =	shalt  }
0x6c: {  	_ =	shalt  }
0x6d: {  	_ =	shalt  }
0x6e: {  	_ =	shalt  }
0x6f: {  	_ =	shalt  }
0x70: {  	_ =	shalt  }
0x71: {  	_ =	shalt  }
0x72: {  	_ =	shalt  }
0x73: {  	_ =	shalt  }
0x74: {  	_ =	shalt  }
0x75: {  	_ =	shalt  }
0x76: {  	_ =	shalt  }
0x77: {  	_ =	shalt  }
0x78: {  	_ =	shalt  }
0x79: {  	_ =	shalt  }
0x7a: {  	_ =	shalt  }
0x7b: {  	_ =	shalt  }
0x7c: {  	_ =	shalt  }
0x7d: {  	_ =	shalt  }
0x7e: {  	_ =	shalt  }
0x7f: {  	_ =	shalt  }
0x80: {  	_ =	shalt  }
0x81: {  	_ =	shalt  }
0x82: {  	_ =	shalt  }
0x83: {  	_ =	shalt  }
0x84: {  	_ =	shalt  }
0x85: {  	_ =	shalt  }
0x86: {  	_ =	shalt  }
0x87: {  	_ =	shalt  }
.Lfunc_end0:
.L_simem_size_0:
called_computation_lowered:
.L_overlay_start_0:
0x88: {  	s2 =	sld [smem:$0x3FD9]  }
0x89: {  	s3 =	sld [smem:$0x3FFE];
	_ =	sdelay $0x1  }
0x8a: {  	s1 =	srdreg.scid  }
0x8b: {  	s0 =	sand.u32 $0x1, s1  }
0x8c: {  	s17 =	sshll.u32 s0, $0xA;
	s2 =	sadd.s32 s3, s2  }
0x8d: {  	s2 =	sadd.s32 s2, s17  }
0x8e: {  	[smem:$0x3FC5] =	sst s2  }
0x8f: {  	_ = 	snop  }
0x90: {  	s2 =	sld [smem:$0x3FC8]  }
0x91: {  	s18 =	sld [smem:$0x3FC7]  }
0x92: {  	s4 =	sld [smem:$0x3FD0];
	(tm) =	ssettm $0x1  }
0x93: {  	s5 =	sld [smem:$0x3FFB];
	_ =	sdelay $0x3  }
0x94: {  	_ =	strace s5  }
0x95: {  	s5 =	sld [smem:$0x3FFC];
	_ =	sdelay $0x3  }
0x96: {  	_ =	strace s5  }
0x97: {  	s5 =	sld [smem:$0x3FFD];
	_ =	sdelay $0x3  }
0x98: {  	_ =	strace s5  }
0x99: {  	_ =	strace $0x8FFFFFFF  }
0x9a: {  	s19 =	sld [smem:$0x3FDB];
	_ =	sdelay $0x1  }
0x9b: {  	s6 =	simm.s32 $_scs_section_size  }
0x9c: {  	s7 =	simm.s32 $_size__tile_overlayer_lowered;
	s8 =	simm.s32 $_tile_overlayer_lowered  }
0x9d: {  	s22 =	simm.s32 $0x1BFF;
	s21 =	sshll.u32 s8, $0x1;
	s5 =	sadd.s32 s6, s19  }
0x9e: {  	s9 =	simm.s32 $0x0;
	s20 =	sshll.u32 s7, $0x1;
	s7 =	sadd.s32 s21, s5  }
0x9f: {  	[timem:s9], [sflag:s22] =	dma.local [hbm:s7], s20  }
0xa0: {  	_ =	swait.ge [sflag:s22], s20  }
0xa1: {  	s6 =	ssub.s32 $0x0, s20;
	[sflag:s22] =	ssyncset.done $0x0  }
0xa2: {  	[sflag:s22] =	ssyncadd.s32 s6;
	_ =	sdelay $0x1  }
0xa3: {  	s23 =	simm.s32 $0x1B8B  }
0xa4: {  	_ =	swait.ge [sflag:s23], $0x1  }
0xa5: {  	[sflag:s23] =	ssyncset.done $0x0  }
0xa6: {  	s25 =	simm.s32 $0x1B8E;
	s24 =	sld [smem:$0x3FFE];
	[sflag:s23] =	ssyncadd.s32 $0xFFFFFFFF  }
0xa7: {  	s26 =	simm.s32 $execute0_lowered;
	[smem:$0x3FD2] =	sst s25  }
0xa8: {  	s7 =	sshll.u32 s26, $0x1;
	_ =	strace $0x80000046;
	[dreg:$0x1] =	wrdreg $0xFFFFFFFF  }
0xa9: {  	s28 =	simm.s32 $_size_execute0_lowered;
	s5 =	sadd.s32 s5, s7;
	[dreg:$0x0] =	wrdreg $0x0  }
0xaa: {  	s7 =	sshll.u32 s28, $0x1;
	[dreg:$0x2] =	wrdreg s5  }
0xab: {  	[dreg:$0x3] =	wrdreg s7  }
0xac: {  	[dreg:$0x4] =	wrdreg $0xC0  }
0xad: {  	_ =	task [dreg:s9], $0x5FFFF  }
0xae: {  	[dreg:$0x1] =	wrdreg $0xFFFFFFFF  }
0xaf: {  	[dreg:$0x0] =	wrdreg $0x60  }
0xb0: {  	[dreg:$0x2] =	wrdreg s24  }
0xb1: {  	[dreg:$0x3] =	wrdreg s2  }
0xb2: {  	[dreg:$0x4] =	wrdreg s18  }
0xb3: {  	[dreg:$0x5] =	wrdreg s4  }
0xb4: {  	[dreg:$0x6] =	wrdreg $0x9  }
0xb5: {  	_ =	task.clear_ibuf [dreg:s9], $0x7FFFF;
	_ =	strace $0x90000046  }
0xb6: {  	s29 =	simm.s32 $0x9;
	_ =	strace $0x80000048  }
0xb7: {  	_ =	swait.ge [sflag:s29], $0x1  }
0xb8: {  	[sflag:s29] =	ssyncadd.s32 $0xFFFFFFFF  }
0xb9: {  	_ =	strace $0x90000048  }
0xba: {  	_ =	sfence  }
0xbb: {  	s30 =	sld [smem:$0x0];
	_ =	sdelay $0x2  }
0xbc: {  	s31 =	sshll.u32 s1, $0xD;
	s1 =	sshrl.u32 s1, $0x2  }
0xbd: {  	s3 =	sand.u32 $0x4000, s31;
	s1 =	sadd.s32 s1, s30  }
0xbe: {  	s0 =	sor.u32 s3, s0;
	s1 =	sshll.u32 s1, $0x11  }
0xbf: {  	s0 =	sor.u32 s1, s0  }
0xc0: {  	s0 =	sadd.s32 $0x8F2B, s0  }
0xc1: {  	[sflag:s0] =	ssyncadd.remote.s32 $0x1  }
0xc2: {  	_ =	sfence.sel $0xFFFF  }
0xc3: {  	[dreg:$0x0] =	wrdreg $0xFFFFFFFF;
	(pc) =	sbr.abs _section_cstart, $3  }
0xc4: {  	[dreg:$0x1] =	wrdreg $0xFFFFFFFF  }
0xc5: {  	_ =	task.clear_ibuf [dreg:s9], $0x2FFFF;
	_ =	strace $0x9FFFFFFF  }
0xc6: {  	(tm) =	ssettm $0x7FFFFFFF  }
0xc7: {  	_ =	shalt  }
tec
execute0_lowered:
.L_overlay_start_1:
0x0: {  	(tag) =	ssettag $0x1  }
0x1: {  	s0 =	rddreg [dreg:$0x0]  }
0x2: {  	s1 =	rddreg [dreg:$0x1]  }
0x3: {  	s2 =	rddreg [dreg:$0x2]  }
0x4: {  	s3 =	rddreg [dreg:$0x3];
	s5 =	srdreg.scid  }
0x5: {  	s7 =	stileid.u32;
	s4 =	simm.s32 $0x0;
	s22 =	simm.s32 $0x2600  }
0x6: {  	s23 =	simm.s32 $0x2E00;
	s18 =	simm.s32 $0x3E00;
	s19 =	simm.s32 $0x4600  }
0x7: {  	s21 =	simm.s32 $0x4E00;
	s28 =	simm.s32 $0x5E00;
	s29 =	simm.s32 $0x6600  }
0x8: {  	s30 =	simm.s32 $0x7E00;
	s11 =	simm.s32 $0x9600;
	s31 =	simm.s32 $0x9E00  }
0x9: {  	s13 =	simm.s32 $0xA600;
	s14 =	simm.s32 $0xAE00;
	s15 =	simm.s32 $0xB600  }
0xa: {  	s16 =	simm.s32 $0xBE00;
	s5 =	sand.u32 $0x1, s5;
	s6 =	sshll.u32 s7, $0x1  }
0xb: {  	[smem:$0x7FF] =	sst s4;
	s7 =	sshrl.u32 s7, $0x1;
	s25 =	sadd.s32 $0x100, s1  }
0xc: {  	s1 =	sadd.s32 $0x200, s1;
	s6 =	sor.u32 s5, s6;
	s5 =	ssub.s32 $0x2, s5  }
0xd: {  	s7 =	smul.u32 $0x1800, s7;
	_ =	strace $0x80000047;
	[dreg:$0x8] =	wrdreg s25  }
0xe: {  	[dreg:$0x9] =	wrdreg s1;
	s25 =	simm.s32 $0xC600;
	s1 =	simm.s32 $0x0  }
0xf: {  	s8 =	sshll.u32 s6, $0x8;
	s9 =	sshrl.u32 s5, $0x1;
	s12 =	sshll.u32 s6, $0x1  }
0x10: {  	s10 =	sand.u32 $0x300, s8;
	s0 =	sadd.s32 s8, s0;
	s5 =	ssub.s32 s5, s9  }
0x11: {  	s9 =	sadd.s32 $0x100, s3;
	s8 =	simm.s32 $0x8E00;
	s7 =	sor.u32 s7, s10  }
0x12: {  	s0 =	sadd.s32 $0x400, s0;
	s10 =	sadd.s32 $0x200, s3;
	[dreg:$0xa] =	wrdreg s9  }
0x13: {  	s26 =	smax.u32 s5, $0x1;
	s5 =	simm.s32 $0x8600;
	[dreg:$0x5] =	wrdreg s0  }
0x14: {  	v4 =	vlaneseq.u32;
	vm0 =	vmmov $0xffff;
	s24 =	sshrl.u32 s7, $0x3;
	[dreg:$0x7] =	wrdreg s26;
	s7 =	simm.s32 $0x1E00  }
0x15: {  	v2 =	vshrl.u32 v4, $0x3;
	v1 =	vand.u32 $0x7, v4;
	v3 =	vor.u32 $0x8, v4;
	s26 =	simm.s32 $0x5600;
	s0 =	sadd.s32 s2, s24;
	s24 =	simm.s32 $0x3600  }
0x16: {  	v4 =	vmul.u32 $0x40, v4;
	v2 =	vmul.u32 $0x8, v2;
	v0 =	vmov s12;
	s2 =	simm.s32 $0x7600;
	[dreg:$0x6] =	wrdreg s0;
	s0 =	simm.s32 $0x6E00  }
.LBB2_1:
0x17: {  	[dreg:$0xb] =	wrdreg s1  }
0x18: {  	s17 =	rddreg [dreg:$0x5];
	s20 =	simm.s32 $0x5  }
0x19: {  	[tilespmem:s4], [sflag:$0x5] =	stream.linear.gather [hbm4b:s17+s4], $0x800, $0x38;
	[tilespmem:$0x19E00] =	vst v63  }
0x1a: {  	_ =	swait.ge [sflag:s20], $0x800  }
0x1b: {  	[sflag:s20] =	ssyncset.done $0x0  }
0x1c: {  	[sflag:s20] =	ssyncadd.s32 $0xFFFFF800  }
0x1d: {  	v5 =	vld [tilespmem:$0x0];
	_ =	sdelay $0x4  }
0x1e: {  	v6 =	vshrl.u32 v5, $0x3  }
0x1f: {  	v6 =	vmul.u32 $0x30, v6  }
0x20: {  	v5 =	vand.u32 $0x7, v5  }
0x21: {  	v5 =	vor.u32 v5, v6  }
0x22: {  	v6 =	vperm.xlane v5, v1;
	_ =	sdelay $0x1  }
0x23: {  	v6 =	vadd.s32 v2, v6;
	_ =	sdelay $0x3  }
0x24: {  	s4 =	simm.s32 $0x0;
	s17 =	rddreg [dreg:$0x1];
	v5 =	vperm.xlane v5, v3  }
0x25: {  	[tilespmem:s7], [sflag:$0x1] =	stream.indirect_vreg.gather [hbm4b:s17+s4], $0x80, v6, vm0, $0xb8;
	[tilespmem:$0x19E00] =	vst v63  }
0x26: {  	s6 =	rddreg [dreg:$0x8];
	v5 =	vadd.s32 v2, v5  }
0x27: {  	[tilespmem:s22], [sflag:$0x1] =	stream.indirect_vreg.gather [hbm4b:s6+s4], $0x80, v6, vm0, $0xb8;
	[tilespmem:$0x19E00] =	vst v63  }
0x28: {  	s22 =	rddreg [dreg:$0x9]  }
0x29: {  	[tilespmem:s23], [sflag:$0x1] =	stream.indirect_vreg.gather [hbm4b:s22+s4], $0x80, v6, vm0, $0xb8;
	[tilespmem:$0x19E00] =	vst v63  }
0x2a: {  	_ = 	snop  }
0x2b: {  	[tilespmem:s24], [sflag:$0x1] =	stream.indirect_vreg.gather [hbm4b:s17+s4], $0x80, v5, vm0, $0xb8;
	[tilespmem:$0x19E00] =	vst v63  }
0x2c: {  	_ = 	snop  }
0x2d: {  	[tilespmem:s18], [sflag:$0x1] =	stream.indirect_vreg.gather [hbm4b:s6+s4], $0x80, v5, vm0, $0xb8;
	[tilespmem:$0x19E00] =	vst v63  }
0x2e: {  	_ = 	snop  }
0x2f: {  	[tilespmem:s19], [sflag:$0x1] =	stream.indirect_vreg.gather [hbm4b:s22+s4], $0x80, v5, vm0, $0xb8;
	[tilespmem:$0x19E00] =	vst v63  }
0x30: {  	v5 =	vld [tilespmem:$0x10];
	_ =	sdelay $0x4  }
0x31: {  	v6 =	vshrl.u32 v5, $0x3  }
0x32: {  	v6 =	vmul.u32 $0x30, v6  }
0x33: {  	v5 =	vand.u32 $0x7, v5  }
0x34: {  	v5 =	vor.u32 v5, v6  }
0x35: {  	v6 =	vperm.xlane v5, v1;
	_ =	sdelay $0x1  }
0x36: {  	v6 =	vadd.s32 v2, v6;
	_ =	sdelay $0x3  }
0x37: {  	v5 =	vperm.xlane v5, v3  }
0x38: {  	[tilespmem:s21], [sflag:$0x1] =	stream.indirect_vreg.gather [hbm4b:s17+s4], $0x80, v6, vm0, $0xb8;
	[tilespmem:$0x19E00] =	vst v63  }
0x39: {  	v5 =	vadd.s32 v2, v5  }
0x3a: {  	[tilespmem:s26], [sflag:$0x1] =	stream.indirect_vreg.gather [hbm4b:s6+s4], $0x80, v6, vm0, $0xb8;
	[tilespmem:$0x19E00] =	vst v63  }
0x3b: {  	_ = 	snop  }
0x3c: {  	[tilespmem:s28], [sflag:$0x1] =	stream.indirect_vreg.gather [hbm4b:s22+s4], $0x80, v6, vm0, $0xb8;
	[tilespmem:$0x19E00] =	vst v63  }
0x3d: {  	_ = 	snop  }
0x3e: {  	[tilespmem:s29], [sflag:$0x1] =	stream.indirect_vreg.gather [hbm4b:s17+s4], $0x80, v5, vm0, $0xb8;
	[tilespmem:$0x19E00] =	vst v63  }
0x3f: {  	_ = 	snop  }
0x40: {  	[tilespmem:s0], [sflag:$0x1] =	stream.indirect_vreg.gather [hbm4b:s6+s4], $0x80, v5, vm0, $0xb8;
	[tilespmem:$0x19E00] =	vst v63  }
0x41: {  	_ = 	snop  }
0x42: {  	[tilespmem:s2], [sflag:$0x1] =	stream.indirect_vreg.gather [hbm4b:s22+s4], $0x80, v5, vm0, $0xb8;
	[tilespmem:$0x19E00] =	vst v63  }
0x43: {  	v5 =	vld [tilespmem:$0x20];
	_ =	sdelay $0x4  }
0x44: {  	v6 =	vshrl.u32 v5, $0x3  }
0x45: {  	v6 =	vmul.u32 $0x30, v6  }
0x46: {  	v5 =	vand.u32 $0x7, v5  }
0x47: {  	v5 =	vor.u32 v5, v6  }
0x48: {  	v6 =	vperm.xlane v5, v1;
	_ =	sdelay $0x1  }
0x49: {  	v6 =	vadd.s32 v2, v6;
	_ =	sdelay $0x3  }
0x4a: {  	v5 =	vperm.xlane v5, v3  }
0x4b: {  	[tilespmem:s30], [sflag:$0x1] =	stream.indirect_vreg.gather [hbm4b:s17+s4], $0x80, v6, vm0, $0xb8;
	[tilespmem:$0x19E00] =	vst v63  }
0x4c: {  	v5 =	vadd.s32 v2, v5  }
0x4d: {  	[tilespmem:s5], [sflag:$0x1] =	stream.indirect_vreg.gather [hbm4b:s6+s4], $0x80, v6, vm0, $0xb8;
	[tilespmem:$0x19E00] =	vst v63  }
0x4e: {  	_ = 	snop  }
0x4f: {  	[tilespmem:s8], [sflag:$0x1] =	stream.indirect_vreg.gather [hbm4b:s22+s4], $0x80, v6, vm0, $0xb8;
	[tilespmem:$0x19E00] =	vst v63  }
0x50: {  	_ = 	snop  }
0x51: {  	[tilespmem:s11], [sflag:$0x1] =	stream.indirect_vreg.gather [hbm4b:s17+s4], $0x80, v5, vm0, $0xb8;
	[tilespmem:$0x19E00] =	vst v63  }
0x52: {  	_ = 	snop  }
0x53: {  	[tilespmem:s31], [sflag:$0x1] =	stream.indirect_vreg.gather [hbm4b:s6+s4], $0x80, v5, vm0, $0xb8;
	[tilespmem:$0x19E00] =	vst v63  }
0x54: {  	_ = 	snop  }
0x55: {  	[tilespmem:s13], [sflag:$0x1] =	stream.indirect_vreg.gather [hbm4b:s22+s4], $0x80, v5, vm0, $0xb8;
	[tilespmem:$0x19E00] =	vst v63  }
0x56: {  	v5 =	vld [tilespmem:$0x30];
	_ =	sdelay $0x4  }
0x57: {  	v6 =	vshrl.u32 v5, $0x3  }
0x58: {  	v6 =	vmul.u32 $0x30, v6  }
0x59: {  	v5 =	vand.u32 $0x7, v5  }
0x5a: {  	v5 =	vor.u32 v5, v6  }
0x5b: {  	v6 =	vperm.xlane v5, v1;
	_ =	sdelay $0x1  }
0x5c: {  	v6 =	vadd.s32 v2, v6;
	_ =	sdelay $0x3  }
0x5d: {  	v5 =	vperm.xlane v5, v3  }
0x5e: {  	[tilespmem:s14], [sflag:$0x1] =	stream.indirect_vreg.gather [hbm4b:s17+s4], $0x80, v6, vm0, $0xb8;
	[tilespmem:$0x19E00] =	vst v63  }
0x5f: {  	v5 =	vadd.s32 v2, v5  }
0x60: {  	[tilespmem:s15], [sflag:$0x1] =	stream.indirect_vreg.gather [hbm4b:s6+s4], $0x80, v6, vm0, $0xb8;
	[tilespmem:$0x19E00] =	vst v63  }
0x61: {  	_ = 	snop  }
0x62: {  	[tilespmem:s16], [sflag:$0x1] =	stream.indirect_vreg.gather [hbm4b:s22+s4], $0x80, v6, vm0, $0xb8;
	[tilespmem:$0x19E00] =	vst v63  }
0x63: {  	s12 =	simm.s32 $0xCE00;
	s23 =	simm.s32 $0x100;
	s21 =	simm.s32 $0x30  }
0x64: {  	[tilespmem:s25], [sflag:$0x1] =	stream.indirect_vreg.gather [hbm4b:s17+s4], $0x80, v5, vm0, $0xb8;
	[tilespmem:$0x19E00] =	vst v63  }
0x65: {  	s24 =	simm.s32 $0x400;
	v8 =	vmov s21;
	s26 =	simm.s32 $0x0;
	s28 =	simm.s32 $0x40  }
0x66: {  	v8 =	vshll.u32 v8, $0x6;
	[tilespmem:s12], [sflag:$0x1] =	stream.indirect_vreg.gather [hbm4b:s6+s4], $0x80, v5, vm0, $0xb8;
	[tilespmem:$0x19E00] =	vst v63  }
0x67: {  	v8 =	vor.u32 v4, v8;
	s13 =	simm.s32 $0xD600;
	s14 =	simm.s32 $0x0;
	s15 =	simm.s32 $0x10  }
0x68: {  	v8 =	vor.u32 v0, v8;
	[tilespmem:s13], [sflag:$0x1] =	stream.indirect_vreg.gather [hbm4b:s22+s4], $0x80, v5, vm0, $0xb8;
	[tilespmem:$0x19E00] =	vst v63  }
0x69: {  	v8 =	vadd.s32 s26, v8;
	v9 =	vmov s28;
	s16 =	simm.s32 $0x20;
	v6 =	vmov s15;
	s25 =	simm.s32 $0x1800;
	s22 =	rddreg [dreg:$0x6]  }
0x6a: {  	v7 =	vmov s16;
	v5 =	vmov s14;
	[tilespmem:s25], [sflag:$0x5] =	stream.strided.gather [hbm4b:s22+s23], $0x600, s24, s23, $0x38;
	[tilespmem:$0x19E00] =	vst v63  }
0x6b: {  	v6 =	vshll.u32 v6, $0x6;
	v7 =	vshll.u32 v7, $0x6;
	v5 =	vshll.u32 v5, $0x6;
	_ =	swait.ge [sflag:s20], $0x600  }
0x6c: {  	v6 =	vor.u32 v4, v6;
	v7 =	vor.u32 v4, v7;
	v5 =	vor.u32 v4, v5;
	[sflag:s20] =	ssyncset.done $0x0  }
0x6d: {  	s29 =	simm.s32 $0x50;
	s17 =	simm.s32 $0x820;
	v6 =	vor.u32 v0, v6;
	v7 =	vor.u32 v0, v7;
	v5 =	vor.u32 v0, v5;
	[sflag:s20] =	ssyncadd.s32 $0xFFFFFA00  }
0x6e: {  	s31 =	simm.s32 $0x70;
	v6 =	vadd.s32 s26, v6;
	v10 =	vadd.s32 s26, v5;
	v5 =	vmov s29;
	[tilespmem:s17+$0x10] =	vst v8  }
0x6f: {  	s30 =	simm.s32 $0x60;
	v11 =	vmov s31;
	v7 =	vadd.s32 s26, v7;
	v5 =	vshll.u32 v5, $0x6;
	[tilespmem:s17+$0xFFFFFFF0] =	vst v6  }
0x70: {  	v8 =	vmov s30;
	v6 =	vshll.u32 v11, $0x6;
	[tilespmem:s17+$0x0] =	vst v7;
	v7 =	vshll.u32 v9, $0x6  }
0x71: {  	s18 =	simm.s32 $0x0;
	s19 =	simm.s32 $0x0;
	v5 =	vor.u32 v4, v5;
	v8 =	vshll.u32 v8, $0x6;
	v9 =	vor.u32 v4, v6  }
0x72: {  	s21 =	simm.s32 $0x2;
	s22 =	simm.s32 $0xC0;
	s20 =	simm.s32 $0x80;
	[tilespmem:s17+$0xFFFFFFE0] =	vst v10;
	v6 =	vor.u32 v4, v7;
	v7 =	vor.u32 v4, v8;
	v8 =	vor.u32 v0, v9  }
.LBB2_2:
0x73: {  	s23 =	sshll.u32 s18, $0xA  }
0x74: {  	p0 =	sne.s32 s22, $0x7C0;
	v5 =	vor.u32 v0, v5;
	v7 =	vor.u32 v0, v7;
	v8 =	vadd.s32 s19, v8;
	s17 =	sadd.s32 $0x80, s17;
	s23 =	ssub.s32 s20, s23  }
0x75: {  	v6 =	vor.u32 v0, v6;
	v5 =	vadd.s32 s19, v5;
	v7 =	vadd.s32 s19, v7;
	[tilespmem:s17+$0x10] =	vst v8;
	s20 =	smov.u32 s22;
	s24 =	sadd.s32 $0x10, s23  }
.Ltmp0:
0x76: {  	v6 =	vadd.s32 s19, v6;
	v8 =	vmov s23;
	s25 =	sadd.s32 $0x20, s23;
	s23 =	sadd.s32 $0x30, s23;
	[tilespmem:s17+$0xFFFFFFF0] =	vst v5;
	(pc) =	sbr.rel @p0 .LBB2_2-.Ltmp0, $4  }
0x77: {  	s19 =	smov.u32 s18;
	v5 =	vmov s24;
	v9 =	vmov s25;
	v10 =	vmov s23;
	[tilespmem:s17+$0x0] =	vst v7  }
0x78: {  	v5 =	vshll.u32 v5, $0x6;
	v7 =	vshll.u32 v9, $0x6;
	v9 =	vshll.u32 v10, $0x6;
	[tilespmem:s17+$0xFFFFFFE0] =	vst v6  }
0x79: {  	s21 =	sadd.s32 $0x1, s21;
	v6 =	vshll.u32 v8, $0x6;
	v5 =	vor.u32 v4, v5;
	v8 =	vor.u32 v4, v9  }
0x7a: {  	s18 =	sshrl.u32 s21, $0x4;
	s22 =	sadd.s32 $0x40, s22;
	v6 =	vor.u32 v4, v6;
	v7 =	vor.u32 v4, v7;
	v8 =	vor.u32 v0, v8  }
0x7b: {  	s21 =	sshll.u32 s18, $0xA  }
0x7c: {  	v5 =	vor.u32 v0, v5;
	v7 =	vor.u32 v0, v7;
	v8 =	vadd.s32 s19, v8;
	s20 =	ssub.s32 s20, s21  }
0x7d: {  	v6 =	vor.u32 v0, v6;
	s17 =	sadd.s32 $0x80, s17;
	v5 =	vadd.s32 s19, v5;
	v7 =	vadd.s32 s19, v7;
	s21 =	sadd.s32 $0x30, s20  }
0x7e: {  	v6 =	vadd.s32 s19, v6;
	[tilespmem:s17+$0x10] =	vst v8;
	v9 =	vmov s20;
	s28 =	sadd.s32 $0x10, s20;
	s20 =	sadd.s32 $0x20, s20;
	v10 =	vmov s21  }
0x7f: {  	[tilespmem:s17+$0xFFFFFFF0] =	vst v5;
	v11 =	vmov s28;
	v8 =	vmov s20;
	v10 =	vshll.u32 v10, $0x6  }
0x80: {  	[tilespmem:s17+$0x0] =	vst v7;
	v7 =	vshll.u32 v9, $0x6;
	v5 =	vshll.u32 v11, $0x6;
	v10 =	vor.u32 v4, v10  }
0x81: {  	v8 =	vshll.u32 v8, $0x6;
	v5 =	vor.u32 v4, v5;
	v9 =	vor.u32 v0, v10  }
0x82: {  	[tilespmem:s17+$0xFFFFFFE0] =	vst v6;
	s17 =	sadd.s32 $0x80, s17;
	v6 =	vor.u32 v4, v8;
	v5 =	vor.u32 v0, v5;
	v8 =	vadd.s32 s18, v9  }
0x83: {  	v7 =	vor.u32 v4, v7;
	v6 =	vor.u32 v0, v6;
	v5 =	vadd.s32 s18, v5;
	[tilespmem:s17+$0x10] =	vst v8  }
0x84: {  	v7 =	vor.u32 v0, v7;
	v6 =	vadd.s32 s18, v6;
	[tilespmem:s17+$0xFFFFFFF0] =	vst v5  }
0x85: {  	v5 =	vadd.s32 s18, v7;
	[tilespmem:s17+$0x0] =	vst v6  }
0x86: {  	[tilespmem:s17+$0xFFFFFFE0] =	vst v5  }
0x87: {  	v5 =	vld [tilespmem:$0x40];
	_ =	sdelay $0x4  }
0x88: {  	v6 =	vshrl.u32 v5, $0x3  }
0x89: {  	v6 =	vmul.u32 $0x30, v6  }
0x8a: {  	v5 =	vand.u32 $0x7, v5  }
0x8b: {  	v5 =	vor.u32 v5, v6  }
0x8c: {  	v6 =	vperm.xlane v5, v1;
	_ =	sdelay $0x1  }
0x8d: {  	v6 =	vadd.s32 v2, v6;
	_ =	sdelay $0x3  }
0x8e: {  	s0 =	rddreg [dreg:$0x1];
	s1 =	simm.s32 $0xDE00;
	s17 =	simm.s32 $0x0;
	v5 =	vperm.xlane v5, v3  }
0x8f: {  	[tilespmem:s1], [sflag:$0x2] =	stream.indirect_vreg.gather [hbm4b:s0+s17], $0x80, v6, vm0, $0xb8;
	[tilespmem:$0x19E00] =	vst v63  }
0x90: {  	s29 =	rddreg [dreg:$0x8];
	s2 =	simm.s32 $0xE600;
	v5 =	vadd.s32 v2, v5  }
0x91: {  	[tilespmem:s2], [sflag:$0x2] =	stream.indirect_vreg.gather [hbm4b:s29+s17], $0x80, v6, vm0, $0xb8;
	[tilespmem:$0x19E00] =	vst v63  }
0x92: {  	s30 =	simm.s32 $0xEE00;
	s4 =	rddreg [dreg:$0x9]  }
0x93: {  	[tilespmem:s30], [sflag:$0x2] =	stream.indirect_vreg.gather [hbm4b:s4+s17], $0x80, v6, vm0, $0xb8;
	[tilespmem:$0x19E00] =	vst v63  }
0x94: {  	s31 =	simm.s32 $0xF600  }
0x95: {  	[tilespmem:s31], [sflag:$0x2] =	stream.indirect_vreg.gather [hbm4b:s0+s17], $0x80, v5, vm0, $0xb8;
	[tilespmem:$0x19E00] =	vst v63  }
0x96: {  	s5 =	simm.s32 $0xFE00  }
0x97: {  	[tilespmem:s5], [sflag:$0x2] =	stream.indirect_vreg.gather [hbm4b:s29+s17], $0x80, v5, vm0, $0xb8;
	[tilespmem:$0x19E00] =	vst v63  }
0x98: {  	s6 =	simm.s32 $0x10600  }
0x99: {  	[tilespmem:s6], [sflag:$0x2] =	stream.indirect_vreg.gather [hbm4b:s4+s17], $0x80, v5, vm0, $0xb8;
	[tilespmem:$0x19E00] =	vst v63  }
0x9a: {  	v5 =	vld [tilespmem:$0x50];
	_ =	sdelay $0x4  }
0x9b: {  	v6 =	vshrl.u32 v5, $0x3  }
0x9c: {  	v6 =	vmul.u32 $0x30, v6  }
0x9d: {  	v5 =	vand.u32 $0x7, v5  }
0x9e: {  	v5 =	vor.u32 v5, v6  }
0x9f: {  	v6 =	vperm.xlane v5, v1;
	_ =	sdelay $0x1  }
0xa0: {  	v6 =	vadd.s32 v2, v6;
	_ =	sdelay $0x3  }
0xa1: {  	s7 =	simm.s32 $0x10E00;
	v5 =	vperm.xlane v5, v3  }
0xa2: {  	[tilespmem:s7], [sflag:$0x2] =	stream.indirect_vreg.gather [hbm4b:s0+s17], $0x80, v6, vm0, $0xb8;
	[tilespmem:$0x19E00] =	vst v63  }
0xa3: {  	s8 =	simm.s32 $0x11600;
	v5 =	vadd.s32 v2, v5  }
0xa4: {  	[tilespmem:s8], [sflag:$0x2] =	stream.indirect_vreg.gather [hbm4b:s29+s17], $0x80, v6, vm0, $0xb8;
	[tilespmem:$0x19E00] =	vst v63  }
0xa5: {  	s11 =	simm.s32 $0x11E00  }
0xa6: {  	[tilespmem:s11], [sflag:$0x2] =	stream.indirect_vreg.gather [hbm4b:s4+s17], $0x80, v6, vm0, $0xb8;
	[tilespmem:$0x19E00] =	vst v63  }
0xa7: {  	s12 =	simm.s32 $0x12600  }
0xa8: {  	[tilespmem:s12], [sflag:$0x2] =	stream.indirect_vreg.gather [hbm4b:s0+s17], $0x80, v5, vm0, $0xb8;
	[tilespmem:$0x19E00] =	vst v63  }
0xa9: {  	s13 =	simm.s32 $0x12E00  }
0xaa: {  	[tilespmem:s13], [sflag:$0x2] =	stream.indirect_vreg.gather [hbm4b:s29+s17], $0x80, v5, vm0, $0xb8;
	[tilespmem:$0x19E00] =	vst v63  }
0xab: {  	s14 =	simm.s32 $0x13600  }
0xac: {  	[tilespmem:s14], [sflag:$0x2] =	stream.indirect_vreg.gather [hbm4b:s4+s17], $0x80, v5, vm0, $0xb8;
	[tilespmem:$0x19E00] =	vst v63  }
0xad: {  	v5 =	vld [tilespmem:$0x60];
	_ =	sdelay $0x4  }
0xae: {  	v6 =	vshrl.u32 v5, $0x3  }
0xaf: {  	v6 =	vmul.u32 $0x30, v6  }
0xb0: {  	v5 =	vand.u32 $0x7, v5  }
0xb1: {  	v5 =	vor.u32 v5, v6  }
0xb2: {  	v6 =	vperm.xlane v5, v1;
	_ =	sdelay $0x1  }
0xb3: {  	v6 =	vadd.s32 v2, v6;
	_ =	sdelay $0x3  }
0xb4: {  	s15 =	simm.s32 $0x13E00;
	v5 =	vperm.xlane v5, v3  }
0xb5: {  	[tilespmem:s15], [sflag:$0x2] =	stream.indirect_vreg.gather [hbm4b:s0+s17], $0x80, v6, vm0, $0xb8;
	[tilespmem:$0x19E00] =	vst v63  }
0xb6: {  	s16 =	simm.s32 $0x14600;
	v5 =	vadd.s32 v2, v5  }
0xb7: {  	[tilespmem:s16], [sflag:$0x2] =	stream.indirect_vreg.gather [hbm4b:s29+s17], $0x80, v6, vm0, $0xb8;
	[tilespmem:$0x19E00] =	vst v63  }
0xb8: {  	s18 =	simm.s32 $0x14E00  }
0xb9: {  	[tilespmem:s18], [sflag:$0x2] =	stream.indirect_vreg.gather [hbm4b:s4+s17], $0x80, v6, vm0, $0xb8;
	[tilespmem:$0x19E00] =	vst v63  }
0xba: {  	s19 =	simm.s32 $0x15600  }
0xbb: {  	[tilespmem:s19], [sflag:$0x2] =	stream.indirect_vreg.gather [hbm4b:s0+s17], $0x80, v5, vm0, $0xb8;
	[tilespmem:$0x19E00] =	vst v63  }
0xbc: {  	s20 =	simm.s32 $0x15E00  }
0xbd: {  	[tilespmem:s20], [sflag:$0x2] =	stream.indirect_vreg.gather [hbm4b:s29+s17], $0x80, v5, vm0, $0xb8;
	[tilespmem:$0x19E00] =	vst v63  }
0xbe: {  	s21 =	simm.s32 $0x16600  }
0xbf: {  	[tilespmem:s21], [sflag:$0x2] =	stream.indirect_vreg.gather [hbm4b:s4+s17], $0x80, v5, vm0, $0xb8;
	[tilespmem:$0x19E00] =	vst v63  }
0xc0: {  	v5 =	vld [tilespmem:$0x70];
	_ =	sdelay $0x4  }
0xc1: {  	v6 =	vshrl.u32 v5, $0x3  }
0xc2: {  	v6 =	vmul.u32 $0x30, v6  }
0xc3: {  	v5 =	vand.u32 $0x7, v5  }
0xc4: {  	v5 =	vor.u32 v5, v6  }
0xc5: {  	v6 =	vperm.xlane v5, v1;
	_ =	sdelay $0x1  }
0xc6: {  	v6 =	vadd.s32 v2, v6;
	_ =	sdelay $0x3  }
0xc7: {  	s22 =	simm.s32 $0x16E00;
	v5 =	vperm.xlane v5, v3  }
0xc8: {  	[tilespmem:s22], [sflag:$0x2] =	stream.indirect_vreg.gather [hbm4b:s0+s17], $0x80, v6, vm0, $0xb8;
	[tilespmem:$0x19E00] =	vst v63  }
0xc9: {  	s23 =	simm.s32 $0x17600;
	v5 =	vadd.s32 v2, v5  }
0xca: {  	[tilespmem:s23], [sflag:$0x2] =	stream.indirect_vreg.gather [hbm4b:s29+s17], $0x80, v6, vm0, $0xb8;
	[tilespmem:$0x19E00] =	vst v63  }
0xcb: {  	s24 =	simm.s32 $0x17E00  }
0xcc: {  	[tilespmem:s24], [sflag:$0x2] =	stream.indirect_vreg.gather [hbm4b:s4+s17], $0x80, v6, vm0, $0xb8;
	[tilespmem:$0x19E00] =	vst v63  }
0xcd: {  	s25 =	simm.s32 $0x18600  }
0xce: {  	[tilespmem:s25], [sflag:$0x2] =	stream.indirect_vreg.gather [hbm4b:s0+s17], $0x80, v5, vm0, $0xb8;
	[tilespmem:$0x19E00] =	vst v63  }
0xcf: {  	s26 =	simm.s32 $0x18E00  }
0xd0: {  	[tilespmem:s26], [sflag:$0x2] =	stream.indirect_vreg.gather [hbm4b:s29+s17], $0x80, v5, vm0, $0xb8;
	[tilespmem:$0x19E00] =	vst v63  }
0xd1: {  	s28 =	simm.s32 $0x19600  }
0xd2: {  	[tilespmem:s28], [sflag:$0x2] =	stream.indirect_vreg.gather [hbm4b:s4+s17], $0x80, v5, vm0, $0xb8;
	[tilespmem:$0x19E00] =	vst v63  }
0xd3: {  	v5 =	vld [tilespmem:$0x1800]  }
0xd4: {  	v6 =	vld [tilespmem:$0x1810]  }
0xd5: {  	v7 =	vld [tilespmem:$0x1820]  }
0xd6: {  	v8 =	vld [tilespmem:$0x1830]  }
0xd7: {  	v9 =	vld [tilespmem:$0x1840]  }
0xd8: {  	v10 =	vld [tilespmem:$0x1850]  }
0xd9: {  	v11 =	vld [tilespmem:$0x1860]  }
0xda: {  	v12 =	vld [tilespmem:$0x1870]  }
0xdb: {  	v13 =	vld [tilespmem:$0x1900]  }
0xdc: {  	v14 =	vld [tilespmem:$0x1910]  }
0xdd: {  	v15 =	vld [tilespmem:$0x1920]  }
0xde: {  	v16 =	vld [tilespmem:$0x1930]  }
0xdf: {  	v17 =	vld [tilespmem:$0x1940]  }
0xe0: {  	v18 =	vld [tilespmem:$0x1950]  }
0xe1: {  	v19 =	vld [tilespmem:$0x1960]  }
0xe2: {  	v20 =	vld [tilespmem:$0x1970]  }
0xe3: {  	v21 =	vld [tilespmem:$0x1A00]  }
0xe4: {  	v22 =	vld [tilespmem:$0x1A10]  }
0xe5: {  	v23 =	vld [tilespmem:$0x1A20]  }
0xe6: {  	v24 =	vld [tilespmem:$0x1A30]  }
0xe7: {  	v25 =	vld [tilespmem:$0x1A40]  }
0xe8: {  	v26 =	vld [tilespmem:$0x1A50]  }
0xe9: {  	v27 =	vld [tilespmem:$0x1A60]  }
0xea: {  	v30 =	vld [tilespmem:$0x1A70]  }
0xeb: {  	v32 =	vld [tilespmem:$0x1B00]  }
0xec: {  	v34 =	vld [tilespmem:$0x1B10]  }
0xed: {  	v36 =	vld [tilespmem:$0x1B20]  }
0xee: {  	v37 =	vld [tilespmem:$0x1B30]  }
0xef: {  	v39 =	vld [tilespmem:$0x1B40]  }
0xf0: {  	v40 =	vld [tilespmem:$0x1B50]  }
0xf1: {  	v42 =	vld [tilespmem:$0x1B60]  }
0xf2: {  	v44 =	vld [tilespmem:$0x1B70]  }
0xf3: {  	v45 =	vld [tilespmem:$0x1C00]  }
0xf4: {  	v47 =	vld [tilespmem:$0x1C10]  }
0xf5: {  	v48 =	vld [tilespmem:$0x1C20]  }
0xf6: {  	v50 =	vld [tilespmem:$0x1C30]  }
0xf7: {  	v51 =	vld [tilespmem:$0x1C40]  }
0xf8: {  	v52 =	vld [tilespmem:$0x1C50]  }
0xf9: {  	v49 =	vld [tilespmem:$0x1C60]  }
0xfa: {  	v46 =	vld [tilespmem:$0x1C70]  }
0xfb: {  	v43 =	vld [tilespmem:$0x1D00]  }
0xfc: {  	v41 =	vld [tilespmem:$0x1D10]  }
0xfd: {  	v38 =	vld [tilespmem:$0x1D20]  }
0xfe: {  	v35 =	vld [tilespmem:$0x1D30]  }
0xff: {  	v33 =	vld [tilespmem:$0x1D40]  }
0x100: {  	s29 =	simm.s32 $0x0;
	v31 =	vld [tilespmem:$0x1D50]  }
0x101: {  	s30 =	simm.s32 $0x1;
	s18 =	smul.u32 $0x6000, s29;
	v28 =	vld [tilespmem:$0x1D60]  }
0x102: {  	v29 =	vld [tilespmem:$0x1D70];
	_ =	swait.ge [sflag:s30], $0xC000  }
0x103: {  	s31 =	sand.u32 $0x380, s17;
	s18 =	sshra.s32 s18, $0x2;
	[sflag:s30] =	ssyncset.done $0x0  }
0x104: {  	s18 =	sor.u32 s31, s18;
	[sflag:s30] =	ssyncadd.s32 $0xFFFF4000  }
0x105: {  	v53 =	vld [tilespmem:s18+$0x1E00]  }
0x106: {  	v54 =	vld [tilespmem:s18+$0x1E10]  }
0x107: {  	v55 =	vld [tilespmem:s18+$0x1E20]  }
0x108: {  	v56 =	vld [tilespmem:s18+$0x1E30]  }
0x109: {  	v57 =	vld [tilespmem:s18+$0x1E40]  }
0x10a: {  	v58 =	vld [tilespmem:s18+$0x1E50]  }
0x10b: {  	v59 =	vld [tilespmem:s18+$0x1E60];
	v53 =	vadd.f32 v53, v5  }
0x10c: {  	v54 =	vadd.f32 v54, v6;
	v60 =	vadd.f32 v55, v7;
	v55 =	vld [tilespmem:s18+$0x1E70]  }
0x10d: {  	v61 =	vadd.f32 v56, v8;
	v56 =	vld [tilespmem:s18+$0x2200];
	[tilespmem:s18+$0x1E00] =	vst v53  }
0x10e: {  	v62 =	vadd.f32 v57, v9;
	v57 =	vld [tilespmem:s18+$0x2210];
	[tilespmem:s18+$0x1E10] =	vst v54  }
0x10f: {  	v63 =	vadd.f32 v58, v10;
	v58 =	vld [tilespmem:s18+$0x2220];
	[tilespmem:s18+$0x1E20] =	vst v60  }
0x110: {  	[tilespmem:s18+$0x1E30] =	vst v61;
	v60 =	vadd.f32 v59, v11;
	v53 =	vld [tilespmem:s18+$0x2250]  }
0x111: {  	[tilespmem:s18+$0x1E40] =	vst v62;
	v54 =	vld [tilespmem:s18+$0x2600]  }
0x112: {  	[tilespmem:s18+$0x1E60] =	vst v60;
	v60 =	vld [tilespmem:s18+$0x2240];
	v61 =	vadd.f32 v55, v12  }
0x113: {  	[tilespmem:s18+$0x1E50] =	vst v63;
	v55 =	vld [tilespmem:s18+$0x2230];
	v62 =	vadd.f32 v56, v13  }
0x114: {  	v63 =	vadd.f32 v57, v14;
	v57 =	vld [tilespmem:s18+$0x2610];
	[tilespmem:s18+$0x1E70] =	vst v61  }
0x115: {  	[tilespmem:s18+$0x2200] =	vst v62;
	v61 =	vadd.f32 v58, v15;
	v62 =	vld [tilespmem:s18+$0x2260]  }
0x116: {  	[tilespmem:s18+$0x2210] =	vst v63;
	v63 =	vld [tilespmem:s18+$0x2270];
	v53 =	vadd.f32 v53, v18  }
0x117: {  	v54 =	vadd.f32 v54, v21;
	[tilespmem:s18+$0x2220] =	vst v61;
	v56 =	vadd.f32 v60, v17;
	v60 =	vld [tilespmem:s18+$0x2620]  }
0x118: {  	v61 =	vld [tilespmem:s18+$0x2630];
	[tilespmem:s18+$0x2250] =	vst v53  }
0x119: {  	[tilespmem:s18+$0x2600] =	vst v54;
	v54 =	vld [tilespmem:s18+$0x2A10];
	v55 =	vadd.f32 v55, v16  }
0x11a: {  	[tilespmem:s18+$0x2240] =	vst v56;
	v58 =	vadd.f32 v62, v19;
	v62 =	vld [tilespmem:s18+$0x2640]  }
0x11b: {  	v57 =	vadd.f32 v57, v22;
	[tilespmem:s18+$0x2230] =	vst v55;
	v55 =	vld [tilespmem:s18+$0x2A00]  }
0x11c: {  	v59 =	vadd.f32 v63, v20;
	[tilespmem:s18+$0x2260] =	vst v58;
	v58 =	vld [tilespmem:s18+$0x2650]  }
0x11d: {  	[tilespmem:s18+$0x2610] =	vst v57;
	v63 =	vadd.f32 v60, v23;
	v60 =	vld [tilespmem:s18+$0x2660]  }
0x11e: {  	[tilespmem:s18+$0x2270] =	vst v59;
	v56 =	vadd.f32 v61, v24;
	v61 =	vld [tilespmem:s18+$0x2670]  }
0x11f: {  	[tilespmem:s18+$0x2620] =	vst v63;
	v63 =	vld [tilespmem:s18+$0x2A40];
	v53 =	vadd.f32 v62, v25  }
0x120: {  	v54 =	vadd.f32 v54, v34;
	[tilespmem:s18+$0x2630] =	vst v56;
	v62 =	vld [tilespmem:s18+$0x2A20]  }
0x121: {  	v55 =	vadd.f32 v55, v32;
	[tilespmem:s18+$0x2640] =	vst v53;
	v53 =	vld [tilespmem:s18+$0x2A30]  }
0x122: {  	[tilespmem:s18+$0x2A10] =	vst v54;
	v54 =	vld [tilespmem:s18+$0x2E00];
	v58 =	vadd.f32 v58, v26  }
0x123: {  	v57 =	vadd.f32 v60, v27;
	[tilespmem:s18+$0x2A00] =	vst v55  }
0x124: {  	v59 =	vadd.f32 v61, v30;
	v60 =	vld [tilespmem:s18+$0x2A50];
	[tilespmem:s18+$0x2650] =	vst v58  }
0x125: {  	[tilespmem:s18+$0x2660] =	vst v57;
	v58 =	vadd.f32 v63, v39;
	v61 =	vadd.f32 v62, v36;
	v62 =	vld [tilespmem:s18+$0x2A60]  }
0x126: {  	[tilespmem:s18+$0x2670] =	vst v59;
	v59 =	vld [tilespmem:s18+$0x2A70];
	v53 =	vadd.f32 v53, v37  }
0x127: {  	v55 =	vld [tilespmem:s18+$0x2E10];
	v54 =	vadd.f32 v54, v45;
	[tilespmem:s18+$0x2A40] =	vst v58  }
0x128: {  	[tilespmem:s18+$0x2A30] =	vst v53;
	v53 =	vld [tilespmem:s18+$0x2E20]  }
0x129: {  	v58 =	vld [tilespmem:s18+$0x2E30];
	[tilespmem:s18+$0x2E00] =	vst v54;
	v57 =	vadd.f32 v60, v40  }
0x12a: {  	[tilespmem:s18+$0x2A20] =	vst v61;
	v60 =	vld [tilespmem:s18+$0x2E40];
	v56 =	vadd.f32 v62, v42  }
0x12b: {  	v61 =	vld [tilespmem:s18+$0x2E50];
	[tilespmem:s18+$0x2A50] =	vst v57;
	v57 =	vadd.f32 v59, v44  }
0x12c: {  	v55 =	vadd.f32 v55, v47;
	[tilespmem:s18+$0x2A60] =	vst v56;
	v56 =	vld [tilespmem:s18+$0x2E60]  }
0x12d: {  	[tilespmem:s18+$0x2A70] =	vst v57;
	v57 =	vld [tilespmem:s18+$0x2E70];
	v53 =	vadd.f32 v53, v48  }
0x12e: {  	v54 =	vld [tilespmem:s18+$0x3200];
	[tilespmem:s18+$0x2E10] =	vst v55;
	v63 =	vadd.f32 v58, v50  }
0x12f: {  	v59 =	vadd.f32 v60, v51;
	[tilespmem:s18+$0x2E20] =	vst v53;
	v53 =	vld [tilespmem:s18+$0x3210]  }
0x130: {  	s19 =	simm.s32 $0x1;
	v55 =	vld [tilespmem:s18+$0x3220];
	v58 =	vadd.f32 v61, v52;
	[tilespmem:s18+$0x2E30] =	vst v63  }
.LBB2_4:
0x131: {  	s20 =	sshrl.u32 s19, $0x3;
	p0 =	sne.s32 s19, $0x3F;
	[tilespmem:s18+$0x2E40] =	vst v59;
	v56 =	vadd.f32 v56, v49;
	v59 =	vld [tilespmem:s18+$0x3230]  }
0x132: {  	s20 =	smul.u32 $0x6000, s20;
	[tilespmem:s18+$0x2E50] =	vst v58;
	v57 =	vadd.f32 v57, v46;
	v58 =	vld [tilespmem:s18+$0x3240]  }
0x133: {  	s17 =	sadd.s32 $0x80, s17;
	[tilespmem:s18+$0x2E60] =	vst v56;
	v54 =	vadd.f32 v54, v43;
	v56 =	vld [tilespmem:s18+$0x3250]  }
0x134: {  	s21 =	sand.u32 $0x380, s17;
	s20 =	sshra.s32 s20, $0x2;
	[tilespmem:s18+$0x2E70] =	vst v57;
	v53 =	vadd.f32 v53, v41;
	v57 =	vld [tilespmem:s18+$0x3260]  }
0x135: {  	s20 =	sor.u32 s21, s20;
	[tilespmem:s18+$0x3200] =	vst v54;
	v54 =	vadd.f32 v55, v38;
	v55 =	vld [tilespmem:s18+$0x3270]  }
0x136: {  	v60 =	vld [tilespmem:s20+$0x1E00];
	[tilespmem:s18+$0x3210] =	vst v53;
	v53 =	vadd.f32 v59, v35  }
0x137: {  	v59 =	vld [tilespmem:s20+$0x1E10];
	[tilespmem:s18+$0x3220] =	vst v54;
	v54 =	vadd.f32 v58, v33  }
0x138: {  	v58 =	vld [tilespmem:s20+$0x1E20];
	[tilespmem:s18+$0x3230] =	vst v53;
	v53 =	vadd.f32 v56, v31  }
0x139: {  	v56 =	vld [tilespmem:s20+$0x1E30];
	[tilespmem:s18+$0x3240] =	vst v54;
	v54 =	vadd.f32 v57, v28  }
0x13a: {  	v57 =	vld [tilespmem:s20+$0x1E40];
	[tilespmem:s18+$0x3250] =	vst v53;
	v53 =	vadd.f32 v55, v29  }
0x13b: {  	v55 =	vadd.f32 v60, v5;
	v60 =	vld [tilespmem:s20+$0x1E50];
	[tilespmem:s18+$0x3260] =	vst v54  }
0x13c: {  	v54 =	vadd.f32 v59, v6;
	v59 =	vld [tilespmem:s20+$0x1E60];
	[tilespmem:s18+$0x3270] =	vst v53;
	s18 =	smov.u32 s20  }
0x13d: {  	[tilespmem:s18+$0x1E00] =	vst v55;
	v53 =	vadd.f32 v58, v7;
	v55 =	vld [tilespmem:s18+$0x1E70]  }
0x13e: {  	[tilespmem:s18+$0x1E10] =	vst v54;
	v54 =	vadd.f32 v56, v8;
	v56 =	vld [tilespmem:s18+$0x2200]  }
0x13f: {  	[tilespmem:s18+$0x1E20] =	vst v53;
	v53 =	vadd.f32 v57, v9;
	v57 =	vld [tilespmem:s18+$0x2210]  }
0x140: {  	[tilespmem:s18+$0x1E30] =	vst v54;
	v54 =	vadd.f32 v60, v10;
	v58 =	vld [tilespmem:s18+$0x2220]  }
0x141: {  	[tilespmem:s18+$0x1E40] =	vst v53;
	v53 =	vadd.f32 v59, v11;
	v59 =	vld [tilespmem:s18+$0x2230]  }
0x142: {  	[tilespmem:s18+$0x1E50] =	vst v54;
	v54 =	vadd.f32 v55, v12;
	v55 =	vld [tilespmem:s18+$0x2240]  }
0x143: {  	[tilespmem:s18+$0x1E60] =	vst v53;
	v53 =	vadd.f32 v56, v13;
	v56 =	vld [tilespmem:s18+$0x2250]  }
0x144: {  	[tilespmem:s18+$0x1E70] =	vst v54;
	v54 =	vadd.f32 v57, v14;
	v57 =	vld [tilespmem:s18+$0x2260]  }
0x145: {  	[tilespmem:s18+$0x2200] =	vst v53;
	v53 =	vadd.f32 v58, v15;
	v58 =	vld [tilespmem:s18+$0x2270]  }
0x146: {  	[tilespmem:s18+$0x2210] =	vst v54;
	v54 =	vadd.f32 v59, v16;
	v59 =	vld [tilespmem:s18+$0x2600]  }
0x147: {  	[tilespmem:s18+$0x2220] =	vst v53;
	v53 =	vadd.f32 v55, v17;
	v55 =	vld [tilespmem:s18+$0x2610]  }
0x148: {  	[tilespmem:s18+$0x2230] =	vst v54;
	v54 =	vadd.f32 v56, v18;
	v56 =	vld [tilespmem:s18+$0x2620]  }
0x149: {  	[tilespmem:s18+$0x2240] =	vst v53;
	v53 =	vadd.f32 v57, v19;
	v57 =	vld [tilespmem:s18+$0x2630]  }
0x14a: {  	[tilespmem:s18+$0x2250] =	vst v54;
	v54 =	vadd.f32 v58, v20;
	v58 =	vld [tilespmem:s18+$0x2640]  }
0x14b: {  	[tilespmem:s18+$0x2260] =	vst v53;
	v53 =	vadd.f32 v59, v21;
	v59 =	vld [tilespmem:s18+$0x2650]  }
0x14c: {  	[tilespmem:s18+$0x2270] =	vst v54;
	v54 =	vadd.f32 v55, v22;
	v55 =	vld [tilespmem:s18+$0x2660]  }
0x14d: {  	[tilespmem:s18+$0x2600] =	vst v53;
	v53 =	vadd.f32 v56, v23;
	v56 =	vld [tilespmem:s18+$0x2670]  }
0x14e: {  	[tilespmem:s18+$0x2610] =	vst v54;
	v54 =	vadd.f32 v57, v24;
	v57 =	vld [tilespmem:s18+$0x2A00]  }
0x14f: {  	[tilespmem:s18+$0x2620] =	vst v53;
	v53 =	vadd.f32 v58, v25;
	v58 =	vld [tilespmem:s18+$0x2A10]  }
0x150: {  	[tilespmem:s18+$0x2630] =	vst v54;
	v54 =	vadd.f32 v59, v26;
	v59 =	vld [tilespmem:s18+$0x2A20]  }
0x151: {  	[tilespmem:s18+$0x2640] =	vst v53;
	v53 =	vadd.f32 v55, v27;
	v55 =	vld [tilespmem:s18+$0x2A30]  }
0x152: {  	[tilespmem:s18+$0x2650] =	vst v54;
	v54 =	vadd.f32 v56, v30;
	v56 =	vld [tilespmem:s18+$0x2A40]  }
0x153: {  	[tilespmem:s18+$0x2660] =	vst v53;
	v53 =	vadd.f32 v57, v32;
	v57 =	vld [tilespmem:s18+$0x2A50]  }
0x154: {  	[tilespmem:s18+$0x2670] =	vst v54;
	v54 =	vadd.f32 v58, v34;
	v58 =	vld [tilespmem:s18+$0x2A60]  }
0x155: {  	[tilespmem:s18+$0x2A00] =	vst v53;
	v53 =	vadd.f32 v59, v36;
	v59 =	vld [tilespmem:s18+$0x2A70]  }
0x156: {  	[tilespmem:s18+$0x2A10] =	vst v54;
	v54 =	vadd.f32 v55, v37;
	v55 =	vld [tilespmem:s18+$0x2E00]  }
0x157: {  	[tilespmem:s18+$0x2A20] =	vst v53;
	v53 =	vadd.f32 v56, v39;
	v56 =	vld [tilespmem:s18+$0x2E10]  }
0x158: {  	[tilespmem:s18+$0x2A30] =	vst v54;
	v54 =	vadd.f32 v57, v40;
	v57 =	vld [tilespmem:s18+$0x2E20]  }
0x159: {  	[tilespmem:s18+$0x2A40] =	vst v53;
	v53 =	vadd.f32 v58, v42;
	v58 =	vld [tilespmem:s18+$0x2E30]  }
0x15a: {  	[tilespmem:s18+$0x2A50] =	vst v54;
	v54 =	vadd.f32 v59, v44;
	v59 =	vld [tilespmem:s18+$0x2E40]  }
0x15b: {  	[tilespmem:s18+$0x2A60] =	vst v53;
	v53 =	vadd.f32 v55, v45;
	v55 =	vld [tilespmem:s18+$0x2E50]  }
.Ltmp1:
0x15c: {  	[tilespmem:s18+$0x2A70] =	vst v54;
	v54 =	vadd.f32 v56, v47;
	v56 =	vld [tilespmem:s18+$0x2E60];
	(pc) =	sbr.rel @p0 .LBB2_4-.Ltmp1, $4  }
0x15d: {  	[tilespmem:s18+$0x2E00] =	vst v53;
	v53 =	vadd.f32 v57, v48;
	v57 =	vld [tilespmem:s18+$0x2E70]  }
0x15e: {  	[tilespmem:s18+$0x2E10] =	vst v54;
	v58 =	vadd.f32 v58, v50;
	v54 =	vld [tilespmem:s18+$0x3200]  }
0x15f: {  	[tilespmem:s18+$0x2E20] =	vst v53;
	v59 =	vadd.f32 v59, v51;
	v53 =	vld [tilespmem:s18+$0x3210]  }
0x160: {  	s19 =	sadd.s32 $0x1, s19;
	[tilespmem:s18+$0x2E30] =	vst v58;
	v58 =	vadd.f32 v55, v52;
	v55 =	vld [tilespmem:s18+$0x3220]  }
0x161: {  	[tilespmem:s18+$0x2E40] =	vst v59;
	v5 =	vld [tilespmem:s18+$0x3230];
	v6 =	vadd.f32 v56, v49  }
0x162: {  	v7 =	vld [tilespmem:s18+$0x3240];
	[tilespmem:s18+$0x2E50] =	vst v58;
	v8 =	vadd.f32 v57, v46  }
0x163: {  	[tilespmem:s18+$0x2E60] =	vst v6;
	v6 =	vld [tilespmem:s18+$0x3250];
	v9 =	vadd.f32 v54, v43  }
0x164: {  	v10 =	vld [tilespmem:s18+$0x3260];
	[tilespmem:s18+$0x2E70] =	vst v8;
	v62 =	vadd.f32 v53, v41  }
0x165: {  	v11 =	vld [tilespmem:s18+$0x3270];
	[tilespmem:s18+$0x3200] =	vst v9;
	v63 =	vadd.f32 v55, v38  }
0x166: {  	[tilespmem:s18+$0x3210] =	vst v62;
	v5 =	vadd.f32 v5, v35  }
0x167: {  	v7 =	vadd.f32 v7, v33;
	[tilespmem:s18+$0x3220] =	vst v63  }
0x168: {  	[tilespmem:s18+$0x3230] =	vst v5;
	v5 =	vadd.f32 v6, v31  }
0x169: {  	[tilespmem:s18+$0x3240] =	vst v7;
	v6 =	vadd.f32 v10, v28  }
0x16a: {  	[tilespmem:s18+$0x3250] =	vst v5;
	v5 =	vadd.f32 v11, v29  }
0x16b: {  	[tilespmem:s18+$0x3260] =	vst v6  }
0x16c: {  	[tilespmem:s18+$0x3270] =	vst v5  }
0x16d: {  	v5 =	vld [tilespmem:$0x800];
	_ =	sdelay $0x4  }
0x16e: {  	v6 =	vshrl.u32 v5, $0x3  }
0x16f: {  	v6 =	vmul.u32 $0x30, v6  }
0x170: {  	v5 =	vand.u32 $0x7, v5  }
0x171: {  	v5 =	vor.u32 v5, v6  }
0x172: {  	v6 =	vperm.xlane v5, v1;
	_ =	sdelay $0x1  }
0x173: {  	v6 =	vadd.s32 v2, v6;
	_ =	sdelay $0x3  }
0x174: {  	s17 =	simm.s32 $0x0;
	s7 =	simm.s32 $0x1E00;
	v5 =	vperm.xlane v5, v3  }
0x175: {  	[hbm4b:s3+s17] =	stream.indirect_vreg.scatter [tilespmem:s7], [sflag:$0x3], $0x80, v6, vm0, $0xb8;
	[tilespmem:$0x19E00] =	vst v63  }
0x176: {  	s22 =	simm.s32 $0x2600;
	v5 =	vadd.s32 v2, v5  }
0x177: {  	[hbm4b:s9+s17] =	stream.indirect_vreg.scatter [tilespmem:s22], [sflag:$0x3], $0x80, v6, vm0, $0xb8;
	[tilespmem:$0x19E00] =	vst v63  }
0x178: {  	s23 =	simm.s32 $0x2E00  }
0x179: {  	[hbm4b:s10+s17] =	stream.indirect_vreg.scatter [tilespmem:s23], [sflag:$0x3], $0x80, v6, vm0, $0xb8;
	[tilespmem:$0x19E00] =	vst v63  }
0x17a: {  	s24 =	simm.s32 $0x3600  }
0x17b: {  	[hbm4b:s3+s17] =	stream.indirect_vreg.scatter [tilespmem:s24], [sflag:$0x3], $0x80, v5, vm0, $0xb8;
	[tilespmem:$0x19E00] =	vst v63  }
0x17c: {  	s21 =	simm.s32 $0x3E00  }
0x17d: {  	[hbm4b:s9+s17] =	stream.indirect_vreg.scatter [tilespmem:s21], [sflag:$0x3], $0x80, v5, vm0, $0xb8;
	[tilespmem:$0x19E00] =	vst v63  }
0x17e: {  	s26 =	simm.s32 $0x4600  }
0x17f: {  	[hbm4b:s10+s17] =	stream.indirect_vreg.scatter [tilespmem:s26], [sflag:$0x3], $0x80, v5, vm0, $0xb8;
	[tilespmem:$0x19E00] =	vst v63  }
0x180: {  	v5 =	vld [tilespmem:$0x810];
	_ =	sdelay $0x4  }
0x181: {  	v6 =	vshrl.u32 v5, $0x3  }
0x182: {  	v6 =	vmul.u32 $0x30, v6  }
0x183: {  	v5 =	vand.u32 $0x7, v5  }
0x184: {  	v5 =	vor.u32 v5, v6  }
0x185: {  	v6 =	vperm.xlane v5, v1;
	_ =	sdelay $0x1  }
0x186: {  	v6 =	vadd.s32 v2, v6;
	_ =	sdelay $0x3  }
0x187: {  	s28 =	simm.s32 $0x4E00;
	v5 =	vperm.xlane v5, v3  }
0x188: {  	[hbm4b:s3+s17] =	stream.indirect_vreg.scatter [tilespmem:s28], [sflag:$0x3], $0x80, v6, vm0, $0xb8;
	[tilespmem:$0x19E00] =	vst v63  }
0x189: {  	s29 =	simm.s32 $0x5600;
	v5 =	vadd.s32 v2, v5  }
0x18a: {  	[hbm4b:s9+s17] =	stream.indirect_vreg.scatter [tilespmem:s29], [sflag:$0x3], $0x80, v6, vm0, $0xb8;
	[tilespmem:$0x19E00] =	vst v63  }
0x18b: {  	s30 =	simm.s32 $0x5E00  }
0x18c: {  	[hbm4b:s10+s17] =	stream.indirect_vreg.scatter [tilespmem:s30], [sflag:$0x3], $0x80, v6, vm0, $0xb8;
	[tilespmem:$0x19E00] =	vst v63  }
0x18d: {  	s31 =	simm.s32 $0x6600  }
0x18e: {  	[hbm4b:s3+s17] =	stream.indirect_vreg.scatter [tilespmem:s31], [sflag:$0x3], $0x80, v5, vm0, $0xb8;
	[tilespmem:$0x19E00] =	vst v63  }
0x18f: {  	s0 =	simm.s32 $0x6E00  }
0x190: {  	[hbm4b:s9+s17] =	stream.indirect_vreg.scatter [tilespmem:s0], [sflag:$0x3], $0x80, v5, vm0, $0xb8;
	[tilespmem:$0x19E00] =	vst v63  }
0x191: {  	s2 =	simm.s32 $0x7600  }
0x192: {  	[hbm4b:s10+s17] =	stream.indirect_vreg.scatter [tilespmem:s2], [sflag:$0x3], $0x80, v5, vm0, $0xb8;
	[tilespmem:$0x19E00] =	vst v63  }
0x193: {  	v5 =	vld [tilespmem:$0x820];
	_ =	sdelay $0x4  }
0x194: {  	v6 =	vshrl.u32 v5, $0x3  }
0x195: {  	v6 =	vmul.u32 $0x30, v6  }
0x196: {  	v5 =	vand.u32 $0x7, v5  }
0x197: {  	v5 =	vor.u32 v5, v6  }
0x198: {  	v6 =	vperm.xlane v5, v1;
	_ =	sdelay $0x1  }
0x199: {  	v6 =	vadd.s32 v2, v6;
	_ =	sdelay $0x3  }
0x19a: {  	s5 =	simm.s32 $0x7E00;
	v5 =	vperm.xlane v5, v3  }
0x19b: {  	[hbm4b:s3+s17] =	stream.indirect_vreg.scatter [tilespmem:s5], [sflag:$0x3], $0x80, v6, vm0, $0xb8;
	[tilespmem:$0x19E00] =	vst v63  }
0x19c: {  	s8 =	simm.s32 $0x8600;
	v5 =	vadd.s32 v2, v5  }
0x19d: {  	[hbm4b:s9+s17] =	stream.indirect_vreg.scatter [tilespmem:s8], [sflag:$0x3], $0x80, v6, vm0, $0xb8;
	[tilespmem:$0x19E00] =	vst v63  }
0x19e: {  	s11 =	simm.s32 $0x8E00  }
0x19f: {  	[hbm4b:s10+s17] =	stream.indirect_vreg.scatter [tilespmem:s11], [sflag:$0x3], $0x80, v6, vm0, $0xb8;
	[tilespmem:$0x19E00] =	vst v63  }
0x1a0: {  	s12 =	simm.s32 $0x9600  }
0x1a1: {  	[hbm4b:s3+s17] =	stream.indirect_vreg.scatter [tilespmem:s12], [sflag:$0x3], $0x80, v5, vm0, $0xb8;
	[tilespmem:$0x19E00] =	vst v63  }
0x1a2: {  	s13 =	simm.s32 $0x9E00  }
0x1a3: {  	[hbm4b:s9+s17] =	stream.indirect_vreg.scatter [tilespmem:s13], [sflag:$0x3], $0x80, v5, vm0, $0xb8;
	[tilespmem:$0x19E00] =	vst v63  }
0x1a4: {  	s14 =	simm.s32 $0xA600  }
0x1a5: {  	[hbm4b:s10+s17] =	stream.indirect_vreg.scatter [tilespmem:s14], [sflag:$0x3], $0x80, v5, vm0, $0xb8;
	[tilespmem:$0x19E00] =	vst v63  }
0x1a6: {  	v5 =	vld [tilespmem:$0x830];
	_ =	sdelay $0x4  }
0x1a7: {  	v6 =	vshrl.u32 v5, $0x3  }
0x1a8: {  	v6 =	vmul.u32 $0x30, v6  }
0x1a9: {  	v5 =	vand.u32 $0x7, v5  }
0x1aa: {  	v5 =	vor.u32 v5, v6  }
0x1ab: {  	v6 =	vperm.xlane v5, v1;
	_ =	sdelay $0x1  }
0x1ac: {  	v6 =	vadd.s32 v2, v6;
	_ =	sdelay $0x3  }
0x1ad: {  	s15 =	simm.s32 $0xAE00;
	v5 =	vperm.xlane v5, v3  }
0x1ae: {  	[hbm4b:s3+s17] =	stream.indirect_vreg.scatter [tilespmem:s15], [sflag:$0x3], $0x80, v6, vm0, $0xb8;
	[tilespmem:$0x19E00] =	vst v63  }
0x1af: {  	s16 =	simm.s32 $0xB600;
	v5 =	vadd.s32 v2, v5  }
0x1b0: {  	[hbm4b:s9+s17] =	stream.indirect_vreg.scatter [tilespmem:s16], [sflag:$0x3], $0x80, v6, vm0, $0xb8;
	[tilespmem:$0x19E00] =	vst v63  }
0x1b1: {  	s25 =	simm.s32 $0xBE00  }
0x1b2: {  	[hbm4b:s10+s17] =	stream.indirect_vreg.scatter [tilespmem:s25], [sflag:$0x3], $0x80, v6, vm0, $0xb8;
	[tilespmem:$0x19E00] =	vst v63  }
0x1b3: {  	s1 =	simm.s32 $0xC600  }
0x1b4: {  	[hbm4b:s3+s17] =	stream.indirect_vreg.scatter [tilespmem:s1], [sflag:$0x3], $0x80, v5, vm0, $0xb8;
	[tilespmem:$0x19E00] =	vst v63  }
0x1b5: {  	s4 =	simm.s32 $0xCE00  }
0x1b6: {  	[hbm4b:s9+s17] =	stream.indirect_vreg.scatter [tilespmem:s4], [sflag:$0x3], $0x80, v5, vm0, $0xb8;
	[tilespmem:$0x19E00] =	vst v63  }
0x1b7: {  	s6 =	simm.s32 $0xD600;
	s18 =	simm.s32 $0x0  }
0x1b8: {  	[hbm4b:s10+s17] =	stream.indirect_vreg.scatter [tilespmem:s6], [sflag:$0x3], $0x80, v5, vm0, $0xb8;
	[tilespmem:$0x19E00] =	vst v63  }
.LBB2_6:
0x1b9: {  	s19 =	sshll.u32 s18, $0x1;
	s3 =	simm.s32 $0x3  }
0x1ba: {  	_ =	swait.ge [sflag:s3], $0xC000;
	s19 =	sadd.s32 $0x2, s19  }
0x1bb: {  	[sflag:s3] =	ssyncset.done $0x0;
	s20 =	sshll.u32 s19, $0x6  }
0x1bc: {  	[sflag:s3] =	ssyncadd.s32 $0xFFFF4000;
	s20 =	sand.u32 $0x3FFFFF80, s20  }
0x1bd: {  	v5 =	vld [tilespmem:s20+$0x0];
	_ =	sdelay $0x4  }
0x1be: {  	v6 =	vshrl.u32 v5, $0x3  }
0x1bf: {  	v6 =	vmul.u32 $0x30, v6  }
0x1c0: {  	v5 =	vand.u32 $0x7, v5  }
0x1c1: {  	v5 =	vor.u32 v5, v6  }
0x1c2: {  	v6 =	vperm.xlane v5, v1;
	_ =	sdelay $0x1  }
0x1c3: {  	v6 =	vadd.s32 v2, v6;
	_ =	sdelay $0x3  }
0x1c4: {  	s3 =	rddreg [dreg:$0x1];
	v5 =	vperm.xlane v5, v3  }
0x1c5: {  	[tilespmem:s7], [sflag:$0x1] =	stream.indirect_vreg.gather [hbm4b:s3+s17], $0x80, v6, vm0, $0xb8;
	[tilespmem:$0x19E00] =	vst v63  }
0x1c6: {  	v5 =	vadd.s32 v2, v5;
	s7 =	rddreg [dreg:$0x8]  }
0x1c7: {  	[tilespmem:s22], [sflag:$0x1] =	stream.indirect_vreg.gather [hbm4b:s7+s17], $0x80, v6, vm0, $0xb8;
	[tilespmem:$0x19E00] =	vst v63  }
0x1c8: {  	s22 =	rddreg [dreg:$0x9]  }
0x1c9: {  	[tilespmem:s23], [sflag:$0x1] =	stream.indirect_vreg.gather [hbm4b:s22+s17], $0x80, v6, vm0, $0xb8;
	[tilespmem:$0x19E00] =	vst v63  }
0x1ca: {  	_ = 	snop  }
0x1cb: {  	[tilespmem:s24], [sflag:$0x1] =	stream.indirect_vreg.gather [hbm4b:s3+s17], $0x80, v5, vm0, $0xb8;
	[tilespmem:$0x19E00] =	vst v63  }
0x1cc: {  	_ = 	snop  }
0x1cd: {  	[tilespmem:s21], [sflag:$0x1] =	stream.indirect_vreg.gather [hbm4b:s7+s17], $0x80, v5, vm0, $0xb8;
	[tilespmem:$0x19E00] =	vst v63  }
0x1ce: {  	_ = 	snop  }
0x1cf: {  	[tilespmem:s26], [sflag:$0x1] =	stream.indirect_vreg.gather [hbm4b:s22+s17], $0x80, v5, vm0, $0xb8;
	[tilespmem:$0x19E00] =	vst v63  }
0x1d0: {  	v5 =	vld [tilespmem:s20+$0x10];
	_ =	sdelay $0x4  }
0x1d1: {  	v6 =	vshrl.u32 v5, $0x3  }
0x1d2: {  	v6 =	vmul.u32 $0x30, v6  }
0x1d3: {  	v5 =	vand.u32 $0x7, v5  }
0x1d4: {  	v5 =	vor.u32 v5, v6  }
0x1d5: {  	v6 =	vperm.xlane v5, v1;
	_ =	sdelay $0x1  }
0x1d6: {  	v6 =	vadd.s32 v2, v6;
	_ =	sdelay $0x3  }
0x1d7: {  	v5 =	vperm.xlane v5, v3  }
0x1d8: {  	[tilespmem:s28], [sflag:$0x1] =	stream.indirect_vreg.gather [hbm4b:s3+s17], $0x80, v6, vm0, $0xb8;
	[tilespmem:$0x19E00] =	vst v63  }
0x1d9: {  	v5 =	vadd.s32 v2, v5  }
0x1da: {  	[tilespmem:s29], [sflag:$0x1] =	stream.indirect_vreg.gather [hbm4b:s7+s17], $0x80, v6, vm0, $0xb8;
	[tilespmem:$0x19E00] =	vst v63  }
0x1db: {  	_ = 	snop  }
0x1dc: {  	[tilespmem:s30], [sflag:$0x1] =	stream.indirect_vreg.gather [hbm4b:s22+s17], $0x80, v6, vm0, $0xb8;
	[tilespmem:$0x19E00] =	vst v63  }
0x1dd: {  	_ = 	snop  }
0x1de: {  	[tilespmem:s31], [sflag:$0x1] =	stream.indirect_vreg.gather [hbm4b:s3+s17], $0x80, v5, vm0, $0xb8;
	[tilespmem:$0x19E00] =	vst v63  }
0x1df: {  	_ = 	snop  }
0x1e0: {  	[tilespmem:s0], [sflag:$0x1] =	stream.indirect_vreg.gather [hbm4b:s7+s17], $0x80, v5, vm0, $0xb8;
	[tilespmem:$0x19E00] =	vst v63  }
0x1e1: {  	_ = 	snop  }
0x1e2: {  	[tilespmem:s2], [sflag:$0x1] =	stream.indirect_vreg.gather [hbm4b:s22+s17], $0x80, v5, vm0, $0xb8;
	[tilespmem:$0x19E00] =	vst v63  }
0x1e3: {  	v5 =	vld [tilespmem:s20+$0x20];
	_ =	sdelay $0x4  }
0x1e4: {  	v6 =	vshrl.u32 v5, $0x3  }
0x1e5: {  	v6 =	vmul.u32 $0x30, v6  }
0x1e6: {  	v5 =	vand.u32 $0x7, v5  }
0x1e7: {  	v5 =	vor.u32 v5, v6  }
0x1e8: {  	v6 =	vperm.xlane v5, v1;
	_ =	sdelay $0x1  }
0x1e9: {  	v6 =	vadd.s32 v2, v6;
	_ =	sdelay $0x3  }
0x1ea: {  	v5 =	vperm.xlane v5, v3  }
0x1eb: {  	[tilespmem:s5], [sflag:$0x1] =	stream.indirect_vreg.gather [hbm4b:s3+s17], $0x80, v6, vm0, $0xb8;
	[tilespmem:$0x19E00] =	vst v63  }
0x1ec: {  	v5 =	vadd.s32 v2, v5  }
0x1ed: {  	[tilespmem:s8], [sflag:$0x1] =	stream.indirect_vreg.gather [hbm4b:s7+s17], $0x80, v6, vm0, $0xb8;
	[tilespmem:$0x19E00] =	vst v63  }
0x1ee: {  	_ = 	snop  }
0x1ef: {  	[tilespmem:s11], [sflag:$0x1] =	stream.indirect_vreg.gather [hbm4b:s22+s17], $0x80, v6, vm0, $0xb8;
	[tilespmem:$0x19E00] =	vst v63  }
0x1f0: {  	_ = 	snop  }
0x1f1: {  	[tilespmem:s12], [sflag:$0x1] =	stream.indirect_vreg.gather [hbm4b:s3+s17], $0x80, v5, vm0, $0xb8;
	[tilespmem:$0x19E00] =	vst v63  }
0x1f2: {  	_ = 	snop  }
0x1f3: {  	[tilespmem:s13], [sflag:$0x1] =	stream.indirect_vreg.gather [hbm4b:s7+s17], $0x80, v5, vm0, $0xb8;
	[tilespmem:$0x19E00] =	vst v63  }
0x1f4: {  	_ = 	snop  }
0x1f5: {  	[tilespmem:s14], [sflag:$0x1] =	stream.indirect_vreg.gather [hbm4b:s22+s17], $0x80, v5, vm0, $0xb8;
	[tilespmem:$0x19E00] =	vst v63  }
0x1f6: {  	v5 =	vld [tilespmem:s20+$0x30];
	_ =	sdelay $0x4  }
0x1f7: {  	v6 =	vshrl.u32 v5, $0x3  }
0x1f8: {  	v6 =	vmul.u32 $0x30, v6  }
0x1f9: {  	v5 =	vand.u32 $0x7, v5  }
0x1fa: {  	v5 =	vor.u32 v5, v6  }
0x1fb: {  	v6 =	vperm.xlane v5, v1;
	_ =	sdelay $0x1  }
0x1fc: {  	v6 =	vadd.s32 v2, v6;
	_ =	sdelay $0x3  }
0x1fd: {  	v5 =	vperm.xlane v5, v3  }
0x1fe: {  	[tilespmem:s15], [sflag:$0x1] =	stream.indirect_vreg.gather [hbm4b:s3+s17], $0x80, v6, vm0, $0xb8;
	[tilespmem:$0x19E00] =	vst v63  }
0x1ff: {  	v5 =	vadd.s32 v2, v5  }
0x200: {  	[tilespmem:s16], [sflag:$0x1] =	stream.indirect_vreg.gather [hbm4b:s7+s17], $0x80, v6, vm0, $0xb8;
	[tilespmem:$0x19E00] =	vst v63  }
0x201: {  	_ = 	snop  }
0x202: {  	[tilespmem:s25], [sflag:$0x1] =	stream.indirect_vreg.gather [hbm4b:s22+s17], $0x80, v6, vm0, $0xb8;
	[tilespmem:$0x19E00] =	vst v63  }
0x203: {  	_ = 	snop  }
0x204: {  	[tilespmem:s1], [sflag:$0x1] =	stream.indirect_vreg.gather [hbm4b:s3+s17], $0x80, v5, vm0, $0xb8;
	[tilespmem:$0x19E00] =	vst v63  }
0x205: {  	s26 =	sshll.u32 s18, $0x4  }
0x206: {  	[tilespmem:s4], [sflag:$0x1] =	stream.indirect_vreg.gather [hbm4b:s7+s17], $0x80, v5, vm0, $0xb8;
	[tilespmem:$0x19E00] =	vst v63  }
0x207: {  	s20 =	sand.u32 $0x80, s26  }
0x208: {  	[tilespmem:s6], [sflag:$0x1] =	stream.indirect_vreg.gather [hbm4b:s22+s17], $0x80, v5, vm0, $0xb8;
	[tilespmem:$0x19E00] =	vst v63  }
0x209: {  	v5 =	vld [tilespmem:s20+$0x1800]  }
0x20a: {  	v6 =	vld [tilespmem:s20+$0x1810]  }
0x20b: {  	v7 =	vld [tilespmem:s20+$0x1820]  }
0x20c: {  	v8 =	vld [tilespmem:s20+$0x1830]  }
0x20d: {  	v9 =	vld [tilespmem:s20+$0x1840]  }
0x20e: {  	v10 =	vld [tilespmem:s20+$0x1850]  }
0x20f: {  	v11 =	vld [tilespmem:s20+$0x1860]  }
0x210: {  	v12 =	vld [tilespmem:s20+$0x1870]  }
0x211: {  	v13 =	vld [tilespmem:s20+$0x1900]  }
0x212: {  	v14 =	vld [tilespmem:s20+$0x1910]  }
0x213: {  	v15 =	vld [tilespmem:s20+$0x1920]  }
0x214: {  	v16 =	vld [tilespmem:s20+$0x1930]  }
0x215: {  	v17 =	vld [tilespmem:s20+$0x1940]  }
0x216: {  	v18 =	vld [tilespmem:s20+$0x1950]  }
0x217: {  	v19 =	vld [tilespmem:s20+$0x1960]  }
0x218: {  	v20 =	vld [tilespmem:s20+$0x1970]  }
0x219: {  	v21 =	vld [tilespmem:s20+$0x1A00]  }
0x21a: {  	v22 =	vld [tilespmem:s20+$0x1A10]  }
0x21b: {  	v23 =	vld [tilespmem:s20+$0x1A20]  }
0x21c: {  	v24 =	vld [tilespmem:s20+$0x1A30]  }
0x21d: {  	v25 =	vld [tilespmem:s20+$0x1A40]  }
0x21e: {  	v26 =	vld [tilespmem:s20+$0x1A50]  }
0x21f: {  	v27 =	vld [tilespmem:s20+$0x1A60]  }
0x220: {  	v30 =	vld [tilespmem:s20+$0x1A70]  }
0x221: {  	v32 =	vld [tilespmem:s20+$0x1B00]  }
0x222: {  	v34 =	vld [tilespmem:s20+$0x1B10]  }
0x223: {  	v36 =	vld [tilespmem:s20+$0x1B20]  }
0x224: {  	v37 =	vld [tilespmem:s20+$0x1B30]  }
0x225: {  	v39 =	vld [tilespmem:s20+$0x1B40]  }
0x226: {  	v40 =	vld [tilespmem:s20+$0x1B50]  }
0x227: {  	v42 =	vld [tilespmem:s20+$0x1B60]  }
0x228: {  	v44 =	vld [tilespmem:s20+$0x1B70]  }
0x229: {  	v45 =	vld [tilespmem:s20+$0x1C00]  }
0x22a: {  	v47 =	vld [tilespmem:s20+$0x1C10]  }
0x22b: {  	v48 =	vld [tilespmem:s20+$0x1C20]  }
0x22c: {  	v50 =	vld [tilespmem:s20+$0x1C30]  }
0x22d: {  	v51 =	vld [tilespmem:s20+$0x1C40]  }
0x22e: {  	v52 =	vld [tilespmem:s20+$0x1C50]  }
0x22f: {  	v49 =	vld [tilespmem:s20+$0x1C60]  }
0x230: {  	v46 =	vld [tilespmem:s20+$0x1C70]  }
0x231: {  	v43 =	vld [tilespmem:s20+$0x1D00]  }
0x232: {  	v41 =	vld [tilespmem:s20+$0x1D10]  }
0x233: {  	v38 =	vld [tilespmem:s20+$0x1D20]  }
0x234: {  	v35 =	vld [tilespmem:s20+$0x1D30]  }
0x235: {  	v33 =	vld [tilespmem:s20+$0x1D40]  }
0x236: {  	s28 =	simm.s32 $0x0;
	v31 =	vld [tilespmem:s20+$0x1D50]  }
0x237: {  	[dreg:$0xc] =	wrdreg s19;
	s29 =	smul.u32 $0x6000, s28;
	s30 =	simm.s32 $0x2;
	v28 =	vld [tilespmem:s20+$0x1D60]  }
0x238: {  	v29 =	vld [tilespmem:s20+$0x1D70];
	_ =	swait.ge [sflag:s30], $0xC000  }
0x239: {  	s31 =	sand.u32 $0x380, s17;
	s20 =	sshra.s32 s29, $0x2;
	[sflag:s30] =	ssyncset.done $0x0  }
0x23a: {  	s20 =	sor.u32 s31, s20;
	[sflag:s30] =	ssyncadd.s32 $0xFFFF4000  }
0x23b: {  	v53 =	vld [tilespmem:s20+$0xDE00]  }
0x23c: {  	v54 =	vld [tilespmem:s20+$0xDE10]  }
0x23d: {  	v55 =	vld [tilespmem:s20+$0xDE20]  }
0x23e: {  	v56 =	vld [tilespmem:s20+$0xDE30]  }
0x23f: {  	v57 =	vld [tilespmem:s20+$0xDE40]  }
0x240: {  	v58 =	vld [tilespmem:s20+$0xDE50]  }
0x241: {  	v59 =	vld [tilespmem:s20+$0xDE60];
	v53 =	vadd.f32 v53, v5  }
0x242: {  	v54 =	vadd.f32 v54, v6;
	v60 =	vadd.f32 v55, v7;
	v55 =	vld [tilespmem:s20+$0xDE70]  }
0x243: {  	v61 =	vadd.f32 v56, v8;
	v56 =	vld [tilespmem:s20+$0xE200];
	[tilespmem:s20+$0xDE00] =	vst v53  }
0x244: {  	v62 =	vadd.f32 v57, v9;
	v57 =	vld [tilespmem:s20+$0xE210];
	[tilespmem:s20+$0xDE10] =	vst v54  }
0x245: {  	v63 =	vadd.f32 v58, v10;
	v58 =	vld [tilespmem:s20+$0xE220];
	[tilespmem:s20+$0xDE20] =	vst v60  }
0x246: {  	[tilespmem:s20+$0xDE30] =	vst v61;
	v60 =	vadd.f32 v59, v11;
	v53 =	vld [tilespmem:s20+$0xE250]  }
0x247: {  	[tilespmem:s20+$0xDE40] =	vst v62;
	v54 =	vld [tilespmem:s20+$0xE600]  }
0x248: {  	[tilespmem:s20+$0xDE60] =	vst v60;
	v60 =	vld [tilespmem:s20+$0xE240];
	v61 =	vadd.f32 v55, v12  }
0x249: {  	[tilespmem:s20+$0xDE50] =	vst v63;
	v55 =	vld [tilespmem:s20+$0xE230];
	v62 =	vadd.f32 v56, v13  }
0x24a: {  	v63 =	vadd.f32 v57, v14;
	v57 =	vld [tilespmem:s20+$0xE610];
	[tilespmem:s20+$0xDE70] =	vst v61  }
0x24b: {  	[tilespmem:s20+$0xE200] =	vst v62;
	v61 =	vadd.f32 v58, v15;
	v62 =	vld [tilespmem:s20+$0xE260]  }
0x24c: {  	[tilespmem:s20+$0xE210] =	vst v63;
	v63 =	vld [tilespmem:s20+$0xE270];
	v53 =	vadd.f32 v53, v18  }
0x24d: {  	v54 =	vadd.f32 v54, v21;
	[tilespmem:s20+$0xE220] =	vst v61;
	v56 =	vadd.f32 v60, v17;
	v60 =	vld [tilespmem:s20+$0xE620]  }
0x24e: {  	v61 =	vld [tilespmem:s20+$0xE630];
	[tilespmem:s20+$0xE250] =	vst v53  }
0x24f: {  	[tilespmem:s20+$0xE600] =	vst v54;
	v54 =	vld [tilespmem:s20+$0xEA10];
	v55 =	vadd.f32 v55, v16  }
0x250: {  	[tilespmem:s20+$0xE240] =	vst v56;
	v58 =	vadd.f32 v62, v19;
	v62 =	vld [tilespmem:s20+$0xE640]  }
0x251: {  	v57 =	vadd.f32 v57, v22;
	[tilespmem:s20+$0xE230] =	vst v55;
	v55 =	vld [tilespmem:s20+$0xEA00]  }
0x252: {  	v59 =	vadd.f32 v63, v20;
	[tilespmem:s20+$0xE260] =	vst v58;
	v58 =	vld [tilespmem:s20+$0xE650]  }
0x253: {  	[tilespmem:s20+$0xE610] =	vst v57;
	v63 =	vadd.f32 v60, v23;
	v60 =	vld [tilespmem:s20+$0xE660]  }
0x254: {  	[tilespmem:s20+$0xE270] =	vst v59;
	v56 =	vadd.f32 v61, v24;
	v61 =	vld [tilespmem:s20+$0xE670]  }
0x255: {  	[tilespmem:s20+$0xE620] =	vst v63;
	v63 =	vld [tilespmem:s20+$0xEA40];
	v53 =	vadd.f32 v62, v25  }
0x256: {  	v54 =	vadd.f32 v54, v34;
	[tilespmem:s20+$0xE630] =	vst v56;
	v62 =	vld [tilespmem:s20+$0xEA20]  }
0x257: {  	v55 =	vadd.f32 v55, v32;
	[tilespmem:s20+$0xE640] =	vst v53;
	v53 =	vld [tilespmem:s20+$0xEA30]  }
0x258: {  	[tilespmem:s20+$0xEA10] =	vst v54;
	v54 =	vld [tilespmem:s20+$0xEE00];
	v58 =	vadd.f32 v58, v26  }
0x259: {  	v57 =	vadd.f32 v60, v27;
	[tilespmem:s20+$0xEA00] =	vst v55  }
0x25a: {  	v59 =	vadd.f32 v61, v30;
	v60 =	vld [tilespmem:s20+$0xEA50];
	[tilespmem:s20+$0xE650] =	vst v58  }
0x25b: {  	[tilespmem:s20+$0xE660] =	vst v57;
	v58 =	vadd.f32 v63, v39;
	v61 =	vadd.f32 v62, v36;
	v62 =	vld [tilespmem:s20+$0xEA60]  }
0x25c: {  	[tilespmem:s20+$0xE670] =	vst v59;
	v59 =	vld [tilespmem:s20+$0xEA70];
	v53 =	vadd.f32 v53, v37  }
0x25d: {  	v55 =	vld [tilespmem:s20+$0xEE10];
	v54 =	vadd.f32 v54, v45;
	[tilespmem:s20+$0xEA40] =	vst v58  }
0x25e: {  	[tilespmem:s20+$0xEA30] =	vst v53;
	v53 =	vld [tilespmem:s20+$0xEE20]  }
0x25f: {  	v58 =	vld [tilespmem:s20+$0xEE30];
	[tilespmem:s20+$0xEE00] =	vst v54;
	v57 =	vadd.f32 v60, v40  }
0x260: {  	[tilespmem:s20+$0xEA20] =	vst v61;
	v60 =	vld [tilespmem:s20+$0xEE40];
	v56 =	vadd.f32 v62, v42  }
0x261: {  	v61 =	vld [tilespmem:s20+$0xEE50];
	[tilespmem:s20+$0xEA50] =	vst v57;
	v57 =	vadd.f32 v59, v44  }
0x262: {  	v55 =	vadd.f32 v55, v47;
	[tilespmem:s20+$0xEA60] =	vst v56;
	v56 =	vld [tilespmem:s20+$0xEE60]  }
0x263: {  	[tilespmem:s20+$0xEA70] =	vst v57;
	v57 =	vld [tilespmem:s20+$0xEE70];
	v53 =	vadd.f32 v53, v48  }
0x264: {  	v54 =	vld [tilespmem:s20+$0xF200];
	[tilespmem:s20+$0xEE10] =	vst v55;
	v63 =	vadd.f32 v58, v50  }
0x265: {  	v59 =	vadd.f32 v60, v51;
	[tilespmem:s20+$0xEE20] =	vst v53;
	v53 =	vld [tilespmem:s20+$0xF210]  }
0x266: {  	s21 =	simm.s32 $0x1;
	s22 =	simm.s32 $0x0;
	v55 =	vld [tilespmem:s20+$0xF220];
	v58 =	vadd.f32 v61, v52;
	[tilespmem:s20+$0xEE30] =	vst v63  }
.LBB2_7:
0x267: {  	s23 =	sshrl.u32 s21, $0x3;
	p0 =	sne.s32 s21, $0x3F;
	[tilespmem:s20+$0xEE40] =	vst v59;
	v56 =	vadd.f32 v56, v49;
	v59 =	vld [tilespmem:s20+$0xF230]  }
0x268: {  	s23 =	smul.u32 $0x6000, s23;
	[tilespmem:s20+$0xEE50] =	vst v58;
	v57 =	vadd.f32 v57, v46;
	v58 =	vld [tilespmem:s20+$0xF240]  }
0x269: {  	s22 =	sadd.s32 $0x80, s22;
	[tilespmem:s20+$0xEE60] =	vst v56;
	v54 =	vadd.f32 v54, v43;
	v56 =	vld [tilespmem:s20+$0xF250]  }
0x26a: {  	s24 =	sand.u32 $0x380, s22;
	s23 =	sshra.s32 s23, $0x2;
	[tilespmem:s20+$0xEE70] =	vst v57;
	v53 =	vadd.f32 v53, v41;
	v57 =	vld [tilespmem:s20+$0xF260]  }
0x26b: {  	s23 =	sor.u32 s24, s23;
	[tilespmem:s20+$0xF200] =	vst v54;
	v54 =	vadd.f32 v55, v38;
	v55 =	vld [tilespmem:s20+$0xF270]  }
0x26c: {  	v60 =	vld [tilespmem:s23+$0xDE00];
	[tilespmem:s20+$0xF210] =	vst v53;
	v53 =	vadd.f32 v59, v35  }
0x26d: {  	v59 =	vld [tilespmem:s23+$0xDE10];
	[tilespmem:s20+$0xF220] =	vst v54;
	v54 =	vadd.f32 v58, v33  }
0x26e: {  	v58 =	vld [tilespmem:s23+$0xDE20];
	[tilespmem:s20+$0xF230] =	vst v53;
	v53 =	vadd.f32 v56, v31  }
0x26f: {  	v56 =	vld [tilespmem:s23+$0xDE30];
	[tilespmem:s20+$0xF240] =	vst v54;
	v54 =	vadd.f32 v57, v28  }
0x270: {  	v57 =	vld [tilespmem:s23+$0xDE40];
	[tilespmem:s20+$0xF250] =	vst v53;
	v53 =	vadd.f32 v55, v29  }
0x271: {  	v55 =	vadd.f32 v60, v5;
	v60 =	vld [tilespmem:s23+$0xDE50];
	[tilespmem:s20+$0xF260] =	vst v54  }
0x272: {  	v54 =	vadd.f32 v59, v6;
	v59 =	vld [tilespmem:s23+$0xDE60];
	[tilespmem:s20+$0xF270] =	vst v53;
	s20 =	smov.u32 s23  }
0x273: {  	[tilespmem:s20+$0xDE00] =	vst v55;
	v53 =	vadd.f32 v58, v7;
	v55 =	vld [tilespmem:s20+$0xDE70]  }
0x274: {  	[tilespmem:s20+$0xDE10] =	vst v54;
	v54 =	vadd.f32 v56, v8;
	v56 =	vld [tilespmem:s20+$0xE200]  }
0x275: {  	[tilespmem:s20+$0xDE20] =	vst v53;
	v53 =	vadd.f32 v57, v9;
	v57 =	vld [tilespmem:s20+$0xE210]  }
0x276: {  	[tilespmem:s20+$0xDE30] =	vst v54;
	v54 =	vadd.f32 v60, v10;
	v58 =	vld [tilespmem:s20+$0xE220]  }
0x277: {  	[tilespmem:s20+$0xDE40] =	vst v53;
	v53 =	vadd.f32 v59, v11;
	v59 =	vld [tilespmem:s20+$0xE230]  }
0x278: {  	[tilespmem:s20+$0xDE50] =	vst v54;
	v54 =	vadd.f32 v55, v12;
	v55 =	vld [tilespmem:s20+$0xE240]  }
0x279: {  	[tilespmem:s20+$0xDE60] =	vst v53;
	v53 =	vadd.f32 v56, v13;
	v56 =	vld [tilespmem:s20+$0xE250]  }
0x27a: {  	[tilespmem:s20+$0xDE70] =	vst v54;
	v54 =	vadd.f32 v57, v14;
	v57 =	vld [tilespmem:s20+$0xE260]  }
0x27b: {  	[tilespmem:s20+$0xE200] =	vst v53;
	v53 =	vadd.f32 v58, v15;
	v58 =	vld [tilespmem:s20+$0xE270]  }
0x27c: {  	[tilespmem:s20+$0xE210] =	vst v54;
	v54 =	vadd.f32 v59, v16;
	v59 =	vld [tilespmem:s20+$0xE600]  }
0x27d: {  	[tilespmem:s20+$0xE220] =	vst v53;
	v53 =	vadd.f32 v55, v17;
	v55 =	vld [tilespmem:s20+$0xE610]  }
0x27e: {  	[tilespmem:s20+$0xE230] =	vst v54;
	v54 =	vadd.f32 v56, v18;
	v56 =	vld [tilespmem:s20+$0xE620]  }
0x27f: {  	[tilespmem:s20+$0xE240] =	vst v53;
	v53 =	vadd.f32 v57, v19;
	v57 =	vld [tilespmem:s20+$0xE630]  }
0x280: {  	[tilespmem:s20+$0xE250] =	vst v54;
	v54 =	vadd.f32 v58, v20;
	v58 =	vld [tilespmem:s20+$0xE640]  }
0x281: {  	[tilespmem:s20+$0xE260] =	vst v53;
	v53 =	vadd.f32 v59, v21;
	v59 =	vld [tilespmem:s20+$0xE650]  }
0x282: {  	[tilespmem:s20+$0xE270] =	vst v54;
	v54 =	vadd.f32 v55, v22;
	v55 =	vld [tilespmem:s20+$0xE660]  }
0x283: {  	[tilespmem:s20+$0xE600] =	vst v53;
	v53 =	vadd.f32 v56, v23;
	v56 =	vld [tilespmem:s20+$0xE670]  }
0x284: {  	[tilespmem:s20+$0xE610] =	vst v54;
	v54 =	vadd.f32 v57, v24;
	v57 =	vld [tilespmem:s20+$0xEA00]  }
0x285: {  	[tilespmem:s20+$0xE620] =	vst v53;
	v53 =	vadd.f32 v58, v25;
	v58 =	vld [tilespmem:s20+$0xEA10]  }
0x286: {  	[tilespmem:s20+$0xE630] =	vst v54;
	v54 =	vadd.f32 v59, v26;
	v59 =	vld [tilespmem:s20+$0xEA20]  }
0x287: {  	[tilespmem:s20+$0xE640] =	vst v53;
	v53 =	vadd.f32 v55, v27;
	v55 =	vld [tilespmem:s20+$0xEA30]  }
0x288: {  	[tilespmem:s20+$0xE650] =	vst v54;
	v54 =	vadd.f32 v56, v30;
	v56 =	vld [tilespmem:s20+$0xEA40]  }
0x289: {  	[tilespmem:s20+$0xE660] =	vst v53;
	v53 =	vadd.f32 v57, v32;
	v57 =	vld [tilespmem:s20+$0xEA50]  }
0x28a: {  	[tilespmem:s20+$0xE670] =	vst v54;
	v54 =	vadd.f32 v58, v34;
	v58 =	vld [tilespmem:s20+$0xEA60]  }
0x28b: {  	[tilespmem:s20+$0xEA00] =	vst v53;
	v53 =	vadd.f32 v59, v36;
	v59 =	vld [tilespmem:s20+$0xEA70]  }
0x28c: {  	[tilespmem:s20+$0xEA10] =	vst v54;
	v54 =	vadd.f32 v55, v37;
	v55 =	vld [tilespmem:s20+$0xEE00]  }
0x28d: {  	[tilespmem:s20+$0xEA20] =	vst v53;
	v53 =	vadd.f32 v56, v39;
	v56 =	vld [tilespmem:s20+$0xEE10]  }
0x28e: {  	[tilespmem:s20+$0xEA30] =	vst v54;
	v54 =	vadd.f32 v57, v40;
	v57 =	vld [tilespmem:s20+$0xEE20]  }
0x28f: {  	[tilespmem:s20+$0xEA40] =	vst v53;
	v53 =	vadd.f32 v58, v42;
	v58 =	vld [tilespmem:s20+$0xEE30]  }
0x290: {  	[tilespmem:s20+$0xEA50] =	vst v54;
	v54 =	vadd.f32 v59, v44;
	v59 =	vld [tilespmem:s20+$0xEE40]  }
0x291: {  	[tilespmem:s20+$0xEA60] =	vst v53;
	v53 =	vadd.f32 v55, v45;
	v55 =	vld [tilespmem:s20+$0xEE50]  }
.Ltmp2:
0x292: {  	[tilespmem:s20+$0xEA70] =	vst v54;
	v54 =	vadd.f32 v56, v47;
	v56 =	vld [tilespmem:s20+$0xEE60];
	(pc) =	sbr.rel @p0 .LBB2_7-.Ltmp2, $4  }
0x293: {  	[tilespmem:s20+$0xEE00] =	vst v53;
	v53 =	vadd.f32 v57, v48;
	v57 =	vld [tilespmem:s20+$0xEE70]  }
0x294: {  	[tilespmem:s20+$0xEE10] =	vst v54;
	v58 =	vadd.f32 v58, v50;
	v54 =	vld [tilespmem:s20+$0xF200]  }
0x295: {  	[tilespmem:s20+$0xEE20] =	vst v53;
	v59 =	vadd.f32 v59, v51;
	v53 =	vld [tilespmem:s20+$0xF210]  }
0x296: {  	s21 =	sadd.s32 $0x1, s21;
	[tilespmem:s20+$0xEE30] =	vst v58;
	v58 =	vadd.f32 v55, v52;
	v55 =	vld [tilespmem:s20+$0xF220]  }
0x297: {  	[tilespmem:s20+$0xEE40] =	vst v59;
	v5 =	vld [tilespmem:s20+$0xF230];
	v6 =	vadd.f32 v56, v49  }
0x298: {  	v7 =	vld [tilespmem:s20+$0xF240];
	[tilespmem:s20+$0xEE50] =	vst v58;
	v8 =	vadd.f32 v57, v46  }
0x299: {  	[tilespmem:s20+$0xEE60] =	vst v6;
	v6 =	vld [tilespmem:s20+$0xF250];
	v9 =	vadd.f32 v54, v43  }
0x29a: {  	v10 =	vld [tilespmem:s20+$0xF260];
	[tilespmem:s20+$0xEE70] =	vst v8;
	v8 =	vadd.f32 v53, v41  }
0x29b: {  	v11 =	vld [tilespmem:s20+$0xF270];
	[tilespmem:s20+$0xF200] =	vst v9;
	v9 =	vadd.f32 v55, v38  }
0x29c: {  	[tilespmem:s20+$0xF210] =	vst v8;
	v5 =	vadd.f32 v5, v35  }
0x29d: {  	v7 =	vadd.f32 v7, v33;
	[tilespmem:s20+$0xF220] =	vst v9  }
0x29e: {  	[tilespmem:s20+$0xF230] =	vst v5;
	v5 =	vadd.f32 v6, v31  }
0x29f: {  	[tilespmem:s20+$0xF240] =	vst v7;
	v6 =	vadd.f32 v10, v28  }
0x2a0: {  	[tilespmem:s20+$0xF250] =	vst v5;
	v5 =	vadd.f32 v11, v29  }
0x2a1: {  	s21 =	sshll.u32 s18, $0x8;
	[tilespmem:s20+$0xF260] =	vst v6  }
0x2a2: {  	s21 =	sand.u32 $0x3FFFFF00, s21;
	[tilespmem:s20+$0xF270] =	vst v5  }
0x2a3: {  	v5 =	vld [tilespmem:s21+$0x880];
	_ =	sdelay $0x4  }
0x2a4: {  	v6 =	vshrl.u32 v5, $0x3  }
0x2a5: {  	v6 =	vmul.u32 $0x30, v6  }
0x2a6: {  	v5 =	vand.u32 $0x7, v5  }
0x2a7: {  	v5 =	vor.u32 v5, v6  }
0x2a8: {  	v6 =	vperm.xlane v5, v1;
	_ =	sdelay $0x1  }
0x2a9: {  	v6 =	vadd.s32 v2, v6;
	_ =	sdelay $0x3  }
0x2aa: {  	s3 =	rddreg [dreg:$0x3];
	s1 =	simm.s32 $0xDE00;
	s20 =	simm.s32 $0x0;
	v5 =	vperm.xlane v5, v3  }
0x2ab: {  	[hbm4b:s3+s20] =	stream.indirect_vreg.scatter [tilespmem:s1], [sflag:$0x4], $0x80, v6, vm0, $0xb8;
	[tilespmem:$0x19E00] =	vst v63  }
0x2ac: {  	s2 =	simm.s32 $0xE600;
	v5 =	vadd.s32 v2, v5  }
0x2ad: {  	[hbm4b:s9+s20] =	stream.indirect_vreg.scatter [tilespmem:s2], [sflag:$0x4], $0x80, v6, vm0, $0xb8;
	[tilespmem:$0x19E00] =	vst v63  }
0x2ae: {  	s4 =	simm.s32 $0xEE00  }
0x2af: {  	[hbm4b:s10+s20] =	stream.indirect_vreg.scatter [tilespmem:s4], [sflag:$0x4], $0x80, v6, vm0, $0xb8;
	[tilespmem:$0x19E00] =	vst v63  }
0x2b0: {  	s5 =	simm.s32 $0xF600  }
0x2b1: {  	[hbm4b:s3+s20] =	stream.indirect_vreg.scatter [tilespmem:s5], [sflag:$0x4], $0x80, v5, vm0, $0xb8;
	[tilespmem:$0x19E00] =	vst v63  }
0x2b2: {  	s6 =	simm.s32 $0xFE00  }
0x2b3: {  	[hbm4b:s9+s20] =	stream.indirect_vreg.scatter [tilespmem:s6], [sflag:$0x4], $0x80, v5, vm0, $0xb8;
	[tilespmem:$0x19E00] =	vst v63  }
0x2b4: {  	s8 =	simm.s32 $0x10600  }
0x2b5: {  	[hbm4b:s10+s20] =	stream.indirect_vreg.scatter [tilespmem:s8], [sflag:$0x4], $0x80, v5, vm0, $0xb8;
	[tilespmem:$0x19E00] =	vst v63  }
0x2b6: {  	v5 =	vld [tilespmem:s21+$0x890];
	_ =	sdelay $0x4  }
0x2b7: {  	v6 =	vshrl.u32 v5, $0x3  }
0x2b8: {  	v6 =	vmul.u32 $0x30, v6  }
0x2b9: {  	v5 =	vand.u32 $0x7, v5  }
0x2ba: {  	v5 =	vor.u32 v5, v6  }
0x2bb: {  	v6 =	vperm.xlane v5, v1;
	_ =	sdelay $0x1  }
0x2bc: {  	v6 =	vadd.s32 v2, v6;
	_ =	sdelay $0x3  }
0x2bd: {  	s11 =	simm.s32 $0x10E00;
	v5 =	vperm.xlane v5, v3  }
0x2be: {  	[hbm4b:s3+s20] =	stream.indirect_vreg.scatter [tilespmem:s11], [sflag:$0x4], $0x80, v6, vm0, $0xb8;
	[tilespmem:$0x19E00] =	vst v63  }
0x2bf: {  	s12 =	simm.s32 $0x11600;
	v5 =	vadd.s32 v2, v5  }
0x2c0: {  	[hbm4b:s9+s20] =	stream.indirect_vreg.scatter [tilespmem:s12], [sflag:$0x4], $0x80, v6, vm0, $0xb8;
	[tilespmem:$0x19E00] =	vst v63  }
0x2c1: {  	s13 =	simm.s32 $0x11E00  }
0x2c2: {  	[hbm4b:s10+s20] =	stream.indirect_vreg.scatter [tilespmem:s13], [sflag:$0x4], $0x80, v6, vm0, $0xb8;
	[tilespmem:$0x19E00] =	vst v63  }
0x2c3: {  	s14 =	simm.s32 $0x12600  }
0x2c4: {  	[hbm4b:s3+s20] =	stream.indirect_vreg.scatter [tilespmem:s14], [sflag:$0x4], $0x80, v5, vm0, $0xb8;
	[tilespmem:$0x19E00] =	vst v63  }
0x2c5: {  	s15 =	simm.s32 $0x12E00  }
0x2c6: {  	[hbm4b:s9+s20] =	stream.indirect_vreg.scatter [tilespmem:s15], [sflag:$0x4], $0x80, v5, vm0, $0xb8;
	[tilespmem:$0x19E00] =	vst v63  }
0x2c7: {  	s16 =	simm.s32 $0x13600  }
0x2c8: {  	[hbm4b:s10+s20] =	stream.indirect_vreg.scatter [tilespmem:s16], [sflag:$0x4], $0x80, v5, vm0, $0xb8;
	[tilespmem:$0x19E00] =	vst v63  }
0x2c9: {  	v5 =	vld [tilespmem:s21+$0x8A0];
	_ =	sdelay $0x4  }
0x2ca: {  	v6 =	vshrl.u32 v5, $0x3  }
0x2cb: {  	v6 =	vmul.u32 $0x30, v6  }
0x2cc: {  	v5 =	vand.u32 $0x7, v5  }
0x2cd: {  	v5 =	vor.u32 v5, v6  }
0x2ce: {  	v6 =	vperm.xlane v5, v1;
	_ =	sdelay $0x1  }
0x2cf: {  	v6 =	vadd.s32 v2, v6;
	_ =	sdelay $0x3  }
0x2d0: {  	s19 =	simm.s32 $0x13E00;
	v5 =	vperm.xlane v5, v3  }
0x2d1: {  	[hbm4b:s3+s20] =	stream.indirect_vreg.scatter [tilespmem:s19], [sflag:$0x4], $0x80, v6, vm0, $0xb8;
	[tilespmem:$0x19E00] =	vst v63  }
0x2d2: {  	s22 =	simm.s32 $0x14600;
	v5 =	vadd.s32 v2, v5  }
0x2d3: {  	[hbm4b:s9+s20] =	stream.indirect_vreg.scatter [tilespmem:s22], [sflag:$0x4], $0x80, v6, vm0, $0xb8;
	[tilespmem:$0x19E00] =	vst v63  }
0x2d4: {  	s23 =	simm.s32 $0x14E00  }
0x2d5: {  	[hbm4b:s10+s20] =	stream.indirect_vreg.scatter [tilespmem:s23], [sflag:$0x4], $0x80, v6, vm0, $0xb8;
	[tilespmem:$0x19E00] =	vst v63  }
0x2d6: {  	s24 =	simm.s32 $0x15600  }
0x2d7: {  	[hbm4b:s3+s20] =	stream.indirect_vreg.scatter [tilespmem:s24], [sflag:$0x4], $0x80, v5, vm0, $0xb8;
	[tilespmem:$0x19E00] =	vst v63  }
0x2d8: {  	s25 =	simm.s32 $0x15E00  }
0x2d9: {  	[hbm4b:s9+s20] =	stream.indirect_vreg.scatter [tilespmem:s25], [sflag:$0x4], $0x80, v5, vm0, $0xb8;
	[tilespmem:$0x19E00] =	vst v63  }
0x2da: {  	s26 =	simm.s32 $0x16600  }
0x2db: {  	[hbm4b:s10+s20] =	stream.indirect_vreg.scatter [tilespmem:s26], [sflag:$0x4], $0x80, v5, vm0, $0xb8;
	[tilespmem:$0x19E00] =	vst v63  }
0x2dc: {  	v5 =	vld [tilespmem:s21+$0x8B0];
	_ =	sdelay $0x4  }
0x2dd: {  	v6 =	vshrl.u32 v5, $0x3  }
0x2de: {  	v6 =	vmul.u32 $0x30, v6  }
0x2df: {  	v5 =	vand.u32 $0x7, v5  }
0x2e0: {  	v5 =	vor.u32 v5, v6  }
0x2e1: {  	v6 =	vperm.xlane v5, v1;
	_ =	sdelay $0x1  }
0x2e2: {  	v6 =	vadd.s32 v2, v6;
	_ =	sdelay $0x3  }
0x2e3: {  	s28 =	simm.s32 $0x16E00;
	v5 =	vperm.xlane v5, v3  }
0x2e4: {  	[hbm4b:s3+s20] =	stream.indirect_vreg.scatter [tilespmem:s28], [sflag:$0x4], $0x80, v6, vm0, $0xb8;
	[tilespmem:$0x19E00] =	vst v63  }
0x2e5: {  	s29 =	simm.s32 $0x17600;
	v5 =	vadd.s32 v2, v5  }
0x2e6: {  	[hbm4b:s9+s20] =	stream.indirect_vreg.scatter [tilespmem:s29], [sflag:$0x4], $0x80, v6, vm0, $0xb8;
	[tilespmem:$0x19E00] =	vst v63  }
0x2e7: {  	s30 =	simm.s32 $0x17E00  }
0x2e8: {  	[hbm4b:s10+s20] =	stream.indirect_vreg.scatter [tilespmem:s30], [sflag:$0x4], $0x80, v6, vm0, $0xb8;
	[tilespmem:$0x19E00] =	vst v63  }
0x2e9: {  	s31 =	simm.s32 $0x18600  }
0x2ea: {  	[hbm4b:s3+s20] =	stream.indirect_vreg.scatter [tilespmem:s31], [sflag:$0x4], $0x80, v5, vm0, $0xb8;
	[tilespmem:$0x19E00] =	vst v63  }
0x2eb: {  	s7 =	simm.s32 $0x18E00  }
0x2ec: {  	[hbm4b:s9+s20] =	stream.indirect_vreg.scatter [tilespmem:s7], [sflag:$0x4], $0x80, v5, vm0, $0xb8;
	[tilespmem:$0x19E00] =	vst v63  }
0x2ed: {  	s0 =	simm.s32 $0x4;
	s9 =	simm.s32 $0x19600  }
0x2ee: {  	[hbm4b:s10+s20] =	stream.indirect_vreg.scatter [tilespmem:s9], [sflag:$0x4], $0x80, v5, vm0, $0xb8;
	[tilespmem:$0x19E00] =	vst v63  }
0x2ef: {  	_ =	swait.ge [sflag:s0], $0xC000  }
0x2f0: {  	s21 =	sshll.u32 s18, $0x7;
	[sflag:s0] =	ssyncset.done $0x0  }
0x2f1: {  	s21 =	sand.u32 $0x3FFFFF80, s21;
	[sflag:s0] =	ssyncadd.s32 $0xFFFF4000  }
0x2f2: {  	v5 =	vld [tilespmem:s21+$0xC0];
	_ =	sdelay $0x4  }
0x2f3: {  	v6 =	vshrl.u32 v5, $0x3  }
0x2f4: {  	v6 =	vmul.u32 $0x30, v6  }
0x2f5: {  	v5 =	vand.u32 $0x7, v5  }
0x2f6: {  	v5 =	vor.u32 v5, v6  }
0x2f7: {  	v6 =	vperm.xlane v5, v1;
	_ =	sdelay $0x1  }
0x2f8: {  	v6 =	vadd.s32 v2, v6;
	_ =	sdelay $0x3  }
0x2f9: {  	s0 =	rddreg [dreg:$0x1];
	v5 =	vperm.xlane v5, v3  }
0x2fa: {  	[tilespmem:s1], [sflag:$0x2] =	stream.indirect_vreg.gather [hbm4b:s0+s20], $0x80, v6, vm0, $0xb8;
	[tilespmem:$0x19E00] =	vst v63  }
0x2fb: {  	v5 =	vadd.s32 v2, v5;
	s1 =	rddreg [dreg:$0x8]  }
0x2fc: {  	[tilespmem:s2], [sflag:$0x2] =	stream.indirect_vreg.gather [hbm4b:s1+s20], $0x80, v6, vm0, $0xb8;
	[tilespmem:$0x19E00] =	vst v63  }
0x2fd: {  	s2 =	rddreg [dreg:$0x9]  }
0x2fe: {  	[tilespmem:s4], [sflag:$0x2] =	stream.indirect_vreg.gather [hbm4b:s2+s20], $0x80, v6, vm0, $0xb8;
	[tilespmem:$0x19E00] =	vst v63  }
0x2ff: {  	_ = 	snop  }
0x300: {  	[tilespmem:s5], [sflag:$0x2] =	stream.indirect_vreg.gather [hbm4b:s0+s20], $0x80, v5, vm0, $0xb8;
	[tilespmem:$0x19E00] =	vst v63  }
0x301: {  	_ = 	snop  }
0x302: {  	[tilespmem:s6], [sflag:$0x2] =	stream.indirect_vreg.gather [hbm4b:s1+s20], $0x80, v5, vm0, $0xb8;
	[tilespmem:$0x19E00] =	vst v63  }
0x303: {  	_ = 	snop  }
0x304: {  	[tilespmem:s8], [sflag:$0x2] =	stream.indirect_vreg.gather [hbm4b:s2+s20], $0x80, v5, vm0, $0xb8;
	[tilespmem:$0x19E00] =	vst v63  }
0x305: {  	v5 =	vld [tilespmem:s21+$0xD0];
	_ =	sdelay $0x4  }
0x306: {  	v6 =	vshrl.u32 v5, $0x3  }
0x307: {  	v6 =	vmul.u32 $0x30, v6  }
0x308: {  	v5 =	vand.u32 $0x7, v5  }
0x309: {  	v5 =	vor.u32 v5, v6  }
0x30a: {  	v6 =	vperm.xlane v5, v1;
	_ =	sdelay $0x1  }
0x30b: {  	v6 =	vadd.s32 v2, v6;
	_ =	sdelay $0x3  }
0x30c: {  	v5 =	vperm.xlane v5, v3  }
0x30d: {  	[tilespmem:s11], [sflag:$0x2] =	stream.indirect_vreg.gather [hbm4b:s0+s20], $0x80, v6, vm0, $0xb8;
	[tilespmem:$0x19E00] =	vst v63  }
0x30e: {  	v5 =	vadd.s32 v2, v5  }
0x30f: {  	[tilespmem:s12], [sflag:$0x2] =	stream.indirect_vreg.gather [hbm4b:s1+s20], $0x80, v6, vm0, $0xb8;
	[tilespmem:$0x19E00] =	vst v63  }
0x310: {  	_ = 	snop  }
0x311: {  	[tilespmem:s13], [sflag:$0x2] =	stream.indirect_vreg.gather [hbm4b:s2+s20], $0x80, v6, vm0, $0xb8;
	[tilespmem:$0x19E00] =	vst v63  }
0x312: {  	_ = 	snop  }
0x313: {  	[tilespmem:s14], [sflag:$0x2] =	stream.indirect_vreg.gather [hbm4b:s0+s20], $0x80, v5, vm0, $0xb8;
	[tilespmem:$0x19E00] =	vst v63  }
0x314: {  	_ = 	snop  }
0x315: {  	[tilespmem:s15], [sflag:$0x2] =	stream.indirect_vreg.gather [hbm4b:s1+s20], $0x80, v5, vm0, $0xb8;
	[tilespmem:$0x19E00] =	vst v63  }
0x316: {  	_ = 	snop  }
0x317: {  	[tilespmem:s16], [sflag:$0x2] =	stream.indirect_vreg.gather [hbm4b:s2+s20], $0x80, v5, vm0, $0xb8;
	[tilespmem:$0x19E00] =	vst v63  }
0x318: {  	v5 =	vld [tilespmem:s21+$0xE0];
	_ =	sdelay $0x4  }
0x319: {  	v6 =	vshrl.u32 v5, $0x3  }
0x31a: {  	v6 =	vmul.u32 $0x30, v6  }
0x31b: {  	v5 =	vand.u32 $0x7, v5  }
0x31c: {  	v5 =	vor.u32 v5, v6  }
0x31d: {  	v6 =	vperm.xlane v5, v1;
	_ =	sdelay $0x1  }
0x31e: {  	v6 =	vadd.s32 v2, v6;
	_ =	sdelay $0x3  }
0x31f: {  	v5 =	vperm.xlane v5, v3  }
0x320: {  	[tilespmem:s19], [sflag:$0x2] =	stream.indirect_vreg.gather [hbm4b:s0+s20], $0x80, v6, vm0, $0xb8;
	[tilespmem:$0x19E00] =	vst v63  }
0x321: {  	v5 =	vadd.s32 v2, v5  }
0x322: {  	[tilespmem:s22], [sflag:$0x2] =	stream.indirect_vreg.gather [hbm4b:s1+s20], $0x80, v6, vm0, $0xb8;
	[tilespmem:$0x19E00] =	vst v63  }
0x323: {  	_ = 	snop  }
0x324: {  	[tilespmem:s23], [sflag:$0x2] =	stream.indirect_vreg.gather [hbm4b:s2+s20], $0x80, v6, vm0, $0xb8;
	[tilespmem:$0x19E00] =	vst v63  }
0x325: {  	_ = 	snop  }
0x326: {  	[tilespmem:s24], [sflag:$0x2] =	stream.indirect_vreg.gather [hbm4b:s0+s20], $0x80, v5, vm0, $0xb8;
	[tilespmem:$0x19E00] =	vst v63  }
0x327: {  	_ = 	snop  }
0x328: {  	[tilespmem:s25], [sflag:$0x2] =	stream.indirect_vreg.gather [hbm4b:s1+s20], $0x80, v5, vm0, $0xb8;
	[tilespmem:$0x19E00] =	vst v63  }
0x329: {  	_ = 	snop  }
0x32a: {  	[tilespmem:s26], [sflag:$0x2] =	stream.indirect_vreg.gather [hbm4b:s2+s20], $0x80, v5, vm0, $0xb8;
	[tilespmem:$0x19E00] =	vst v63  }
0x32b: {  	v5 =	vld [tilespmem:s21+$0xF0];
	_ =	sdelay $0x4  }
0x32c: {  	v6 =	vshrl.u32 v5, $0x3  }
0x32d: {  	v6 =	vmul.u32 $0x30, v6  }
0x32e: {  	v5 =	vand.u32 $0x7, v5  }
0x32f: {  	v5 =	vor.u32 v5, v6  }
0x330: {  	v6 =	vperm.xlane v5, v1;
	_ =	sdelay $0x1  }
0x331: {  	v6 =	vadd.s32 v2, v6;
	_ =	sdelay $0x3  }
0x332: {  	v5 =	vperm.xlane v5, v3  }
0x333: {  	[tilespmem:s28], [sflag:$0x2] =	stream.indirect_vreg.gather [hbm4b:s0+s20], $0x80, v6, vm0, $0xb8;
	[tilespmem:$0x19E00] =	vst v63  }
0x334: {  	v5 =	vadd.s32 v2, v5  }
0x335: {  	[tilespmem:s29], [sflag:$0x2] =	stream.indirect_vreg.gather [hbm4b:s1+s20], $0x80, v6, vm0, $0xb8;
	[tilespmem:$0x19E00] =	vst v63  }
0x336: {  	_ = 	snop  }
0x337: {  	[tilespmem:s30], [sflag:$0x2] =	stream.indirect_vreg.gather [hbm4b:s2+s20], $0x80, v6, vm0, $0xb8;
	[tilespmem:$0x19E00] =	vst v63  }
0x338: {  	_ = 	snop  }
0x339: {  	[tilespmem:s31], [sflag:$0x2] =	stream.indirect_vreg.gather [hbm4b:s0+s20], $0x80, v5, vm0, $0xb8;
	[tilespmem:$0x19E00] =	vst v63  }
0x33a: {  	_ = 	snop  }
0x33b: {  	[tilespmem:s7], [sflag:$0x2] =	stream.indirect_vreg.gather [hbm4b:s1+s20], $0x80, v5, vm0, $0xb8;
	[tilespmem:$0x19E00] =	vst v63  }
0x33c: {  	s1 =	rddreg [dreg:$0xc]  }
0x33d: {  	s25 =	sshrl.u32 s1, $0x5  }
0x33e: {  	s26 =	sshll.u32 s1, $0x3;
	s21 =	smul.u32 $0x1800, s25  }
0x33f: {  	[tilespmem:s9], [sflag:$0x2] =	stream.indirect_vreg.gather [hbm4b:s2+s20], $0x80, v5, vm0, $0xb8;
	[tilespmem:$0x19E00] =	vst v63  }
0x340: {  	s22 =	sand.u32 $0x80, s26;
	s21 =	sshra.s32 s21, $0x2  }
0x341: {  	s21 =	sor.u32 s22, s21  }
0x342: {  	v5 =	vld [tilespmem:s21+$0x1800]  }
0x343: {  	v6 =	vld [tilespmem:s21+$0x1810]  }
0x344: {  	v7 =	vld [tilespmem:s21+$0x1820]  }
0x345: {  	v8 =	vld [tilespmem:s21+$0x1830]  }
0x346: {  	v9 =	vld [tilespmem:s21+$0x1840]  }
0x347: {  	v10 =	vld [tilespmem:s21+$0x1850]  }
0x348: {  	v11 =	vld [tilespmem:s21+$0x1860]  }
0x349: {  	v12 =	vld [tilespmem:s21+$0x1870]  }
0x34a: {  	v13 =	vld [tilespmem:s21+$0x1900]  }
0x34b: {  	v14 =	vld [tilespmem:s21+$0x1910]  }
0x34c: {  	v15 =	vld [tilespmem:s21+$0x1920]  }
0x34d: {  	v16 =	vld [tilespmem:s21+$0x1930]  }
0x34e: {  	v17 =	vld [tilespmem:s21+$0x1940]  }
0x34f: {  	v18 =	vld [tilespmem:s21+$0x1950]  }
0x350: {  	v19 =	vld [tilespmem:s21+$0x1960]  }
0x351: {  	v20 =	vld [tilespmem:s21+$0x1970]  }
0x352: {  	v21 =	vld [tilespmem:s21+$0x1A00]  }
0x353: {  	v22 =	vld [tilespmem:s21+$0x1A10]  }
0x354: {  	v23 =	vld [tilespmem:s21+$0x1A20]  }
0x355: {  	v24 =	vld [tilespmem:s21+$0x1A30]  }
0x356: {  	v25 =	vld [tilespmem:s21+$0x1A40]  }
0x357: {  	v26 =	vld [tilespmem:s21+$0x1A50]  }
0x358: {  	v27 =	vld [tilespmem:s21+$0x1A60]  }
0x359: {  	v30 =	vld [tilespmem:s21+$0x1A70]  }
0x35a: {  	v32 =	vld [tilespmem:s21+$0x1B00]  }
0x35b: {  	v34 =	vld [tilespmem:s21+$0x1B10]  }
0x35c: {  	v36 =	vld [tilespmem:s21+$0x1B20]  }
0x35d: {  	v37 =	vld [tilespmem:s21+$0x1B30]  }
0x35e: {  	v39 =	vld [tilespmem:s21+$0x1B40]  }
0x35f: {  	v40 =	vld [tilespmem:s21+$0x1B50]  }
0x360: {  	v42 =	vld [tilespmem:s21+$0x1B60]  }
0x361: {  	v44 =	vld [tilespmem:s21+$0x1B70]  }
0x362: {  	v45 =	vld [tilespmem:s21+$0x1C00]  }
0x363: {  	v47 =	vld [tilespmem:s21+$0x1C10]  }
0x364: {  	v48 =	vld [tilespmem:s21+$0x1C20]  }
0x365: {  	v50 =	vld [tilespmem:s21+$0x1C30]  }
0x366: {  	v51 =	vld [tilespmem:s21+$0x1C40]  }
0x367: {  	v52 =	vld [tilespmem:s21+$0x1C50]  }
0x368: {  	v49 =	vld [tilespmem:s21+$0x1C60]  }
0x369: {  	v46 =	vld [tilespmem:s21+$0x1C70]  }
0x36a: {  	v43 =	vld [tilespmem:s21+$0x1D00]  }
0x36b: {  	v41 =	vld [tilespmem:s21+$0x1D10]  }
0x36c: {  	v38 =	vld [tilespmem:s21+$0x1D20]  }
0x36d: {  	v35 =	vld [tilespmem:s21+$0x1D30]  }
0x36e: {  	v33 =	vld [tilespmem:s21+$0x1D40]  }
0x36f: {  	s28 =	simm.s32 $0x0;
	v31 =	vld [tilespmem:s21+$0x1D50]  }
0x370: {  	s29 =	smul.u32 $0x6000, s28;
	s30 =	simm.s32 $0x1;
	v28 =	vld [tilespmem:s21+$0x1D60]  }
0x371: {  	v29 =	vld [tilespmem:s21+$0x1D70];
	_ =	swait.ge [sflag:s30], $0xC000  }
0x372: {  	s31 =	sand.u32 $0x380, s20;
	s21 =	sshra.s32 s29, $0x2;
	[sflag:s30] =	ssyncset.done $0x0  }
0x373: {  	s21 =	sor.u32 s31, s21;
	[sflag:s30] =	ssyncadd.s32 $0xFFFF4000  }
0x374: {  	v63 =	vld [tilespmem:s21+$0x1E00]  }
0x375: {  	v54 =	vld [tilespmem:s21+$0x1E10]  }
0x376: {  	v60 =	vld [tilespmem:s21+$0x1E20]  }
0x377: {  	v61 =	vld [tilespmem:s21+$0x1E30]  }
0x378: {  	v62 =	vld [tilespmem:s21+$0x1E40]  }
0x379: {  	v59 =	vld [tilespmem:s21+$0x1E60];
	v53 =	vadd.f32 v63, v5  }
0x37a: {  	v55 =	vld [tilespmem:s21+$0x1E70];
	v54 =	vadd.f32 v54, v6  }
0x37b: {  	v56 =	vld [tilespmem:s21+$0x2200];
	v60 =	vadd.f32 v60, v7;
	[tilespmem:s21+$0x1E00] =	vst v53  }
0x37c: {  	v63 =	vld [tilespmem:s21+$0x1E50];
	v61 =	vadd.f32 v61, v8;
	[tilespmem:s21+$0x1E10] =	vst v54  }
0x37d: {  	v58 =	vld [tilespmem:s21+$0x2220];
	v62 =	vadd.f32 v62, v9;
	[tilespmem:s21+$0x1E20] =	vst v60  }
0x37e: {  	v57 =	vld [tilespmem:s21+$0x2210];
	[tilespmem:s21+$0x1E30] =	vst v61;
	v60 =	vadd.f32 v59, v11  }
0x37f: {  	[tilespmem:s21+$0x1E40] =	vst v62;
	v61 =	vadd.f32 v55, v12;
	v55 =	vld [tilespmem:s21+$0x2230]  }
0x380: {  	v62 =	vadd.f32 v56, v13;
	v53 =	vld [tilespmem:s21+$0x2250];
	[tilespmem:s21+$0x1E60] =	vst v60  }
0x381: {  	v54 =	vld [tilespmem:s21+$0x2600];
	[tilespmem:s21+$0x1E70] =	vst v61;
	v63 =	vadd.f32 v63, v10  }
0x382: {  	v60 =	vld [tilespmem:s21+$0x2240];
	[tilespmem:s21+$0x2200] =	vst v62;
	v61 =	vadd.f32 v58, v15  }
0x383: {  	v62 =	vld [tilespmem:s21+$0x2260];
	[tilespmem:s21+$0x1E50] =	vst v63;
	v63 =	vadd.f32 v57, v14  }
0x384: {  	[tilespmem:s21+$0x2220] =	vst v61;
	v61 =	vld [tilespmem:s21+$0x2630];
	v55 =	vadd.f32 v55, v16  }
0x385: {  	v57 =	vld [tilespmem:s21+$0x2610];
	v53 =	vadd.f32 v53, v18;
	[tilespmem:s21+$0x2210] =	vst v63  }
0x386: {  	v54 =	vadd.f32 v54, v21;
	v63 =	vld [tilespmem:s21+$0x2270];
	[tilespmem:s21+$0x2230] =	vst v55  }
0x387: {  	v56 =	vadd.f32 v60, v17;
	v60 =	vld [tilespmem:s21+$0x2620];
	[tilespmem:s21+$0x2250] =	vst v53  }
0x388: {  	v58 =	vadd.f32 v62, v19;
	v62 =	vld [tilespmem:s21+$0x2640];
	[tilespmem:s21+$0x2600] =	vst v54  }
0x389: {  	v55 =	vld [tilespmem:s21+$0x2A00];
	[tilespmem:s21+$0x2240] =	vst v56;
	v56 =	vadd.f32 v61, v24  }
0x38a: {  	v54 =	vld [tilespmem:s21+$0x2A10];
	[tilespmem:s21+$0x2260] =	vst v58;
	v57 =	vadd.f32 v57, v22  }
0x38b: {  	v58 =	vld [tilespmem:s21+$0x2650];
	[tilespmem:s21+$0x2630] =	vst v56;
	v59 =	vadd.f32 v63, v20  }
0x38c: {  	v61 =	vld [tilespmem:s21+$0x2670];
	v63 =	vadd.f32 v60, v23;
	[tilespmem:s21+$0x2610] =	vst v57  }
0x38d: {  	v60 =	vld [tilespmem:s21+$0x2660];
	v53 =	vadd.f32 v62, v25;
	[tilespmem:s21+$0x2270] =	vst v59  }
0x38e: {  	v62 =	vld [tilespmem:s21+$0x2A20];
	v55 =	vadd.f32 v55, v32;
	[tilespmem:s21+$0x2620] =	vst v63  }
0x38f: {  	v54 =	vadd.f32 v54, v34;
	[tilespmem:s21+$0x2640] =	vst v53;
	v53 =	vld [tilespmem:s21+$0x2A30]  }
0x390: {  	v58 =	vadd.f32 v58, v26;
	v63 =	vld [tilespmem:s21+$0x2A40];
	[tilespmem:s21+$0x2A00] =	vst v55  }
0x391: {  	v59 =	vadd.f32 v61, v30;
	[tilespmem:s21+$0x2A10] =	vst v54;
	v54 =	vld [tilespmem:s21+$0x2E00]  }
0x392: {  	[tilespmem:s21+$0x2650] =	vst v58;
	v57 =	vadd.f32 v60, v27;
	v60 =	vld [tilespmem:s21+$0x2A50]  }
0x393: {  	[tilespmem:s21+$0x2670] =	vst v59;
	v61 =	vadd.f32 v62, v36;
	v62 =	vld [tilespmem:s21+$0x2A60]  }
0x394: {  	v59 =	vld [tilespmem:s21+$0x2A70];
	[tilespmem:s21+$0x2660] =	vst v57;
	v53 =	vadd.f32 v53, v37  }
0x395: {  	v55 =	vld [tilespmem:s21+$0x2E10];
	[tilespmem:s21+$0x2A20] =	vst v61;
	v58 =	vadd.f32 v63, v39  }
0x396: {  	v54 =	vadd.f32 v54, v45;
	[tilespmem:s21+$0x2A30] =	vst v53;
	v53 =	vld [tilespmem:s21+$0x2E20]  }
0x397: {  	[tilespmem:s21+$0x2A40] =	vst v58;
	v58 =	vld [tilespmem:s21+$0x2E30];
	v57 =	vadd.f32 v60, v40  }
0x398: {  	[tilespmem:s21+$0x2E00] =	vst v54;
	v56 =	vadd.f32 v62, v42;
	v60 =	vld [tilespmem:s21+$0x2E40]  }
0x399: {  	v61 =	vld [tilespmem:s21+$0x2E50];
	[tilespmem:s21+$0x2A50] =	vst v57;
	v57 =	vadd.f32 v59, v44  }
0x39a: {  	v55 =	vadd.f32 v55, v47;
	[tilespmem:s21+$0x2A60] =	vst v56;
	v56 =	vld [tilespmem:s21+$0x2E60]  }
0x39b: {  	[tilespmem:s21+$0x2A70] =	vst v57;
	v53 =	vadd.f32 v53, v48;
	v57 =	vld [tilespmem:s21+$0x2E70]  }
0x39c: {  	[tilespmem:s21+$0x2E10] =	vst v55;
	v54 =	vld [tilespmem:s21+$0x3200];
	v63 =	vadd.f32 v58, v50  }
0x39d: {  	v59 =	vadd.f32 v60, v51;
	[tilespmem:s21+$0x2E20] =	vst v53;
	v53 =	vld [tilespmem:s21+$0x3210]  }
0x39e: {  	s22 =	simm.s32 $0x1;
	v55 =	vld [tilespmem:s21+$0x3220];
	v58 =	vadd.f32 v61, v52;
	[tilespmem:s21+$0x2E30] =	vst v63  }
.LBB2_9:
0x39f: {  	s23 =	sshrl.u32 s22, $0x3;
	p0 =	sne.s32 s22, $0x3F;
	[tilespmem:s21+$0x2E40] =	vst v59;
	v56 =	vadd.f32 v56, v49;
	v59 =	vld [tilespmem:s21+$0x3230]  }
0x3a0: {  	s23 =	smul.u32 $0x6000, s23;
	[tilespmem:s21+$0x2E50] =	vst v58;
	v57 =	vadd.f32 v57, v46;
	v58 =	vld [tilespmem:s21+$0x3240]  }
0x3a1: {  	s20 =	sadd.s32 $0x80, s20;
	[tilespmem:s21+$0x2E60] =	vst v56;
	v54 =	vadd.f32 v54, v43;
	v56 =	vld [tilespmem:s21+$0x3250]  }
0x3a2: {  	s24 =	sand.u32 $0x380, s20;
	s23 =	sshra.s32 s23, $0x2;
	[tilespmem:s21+$0x2E70] =	vst v57;
	v53 =	vadd.f32 v53, v41;
	v57 =	vld [tilespmem:s21+$0x3260]  }
0x3a3: {  	s23 =	sor.u32 s24, s23;
	[tilespmem:s21+$0x3200] =	vst v54;
	v54 =	vadd.f32 v55, v38;
	v55 =	vld [tilespmem:s21+$0x3270]  }
0x3a4: {  	v60 =	vld [tilespmem:s23+$0x1E00];
	[tilespmem:s21+$0x3210] =	vst v53;
	v53 =	vadd.f32 v59, v35  }
0x3a5: {  	v59 =	vld [tilespmem:s23+$0x1E10];
	[tilespmem:s21+$0x3220] =	vst v54;
	v54 =	vadd.f32 v58, v33  }
0x3a6: {  	v58 =	vld [tilespmem:s23+$0x1E20];
	[tilespmem:s21+$0x3230] =	vst v53;
	v53 =	vadd.f32 v56, v31  }
0x3a7: {  	v56 =	vld [tilespmem:s23+$0x1E30];
	[tilespmem:s21+$0x3240] =	vst v54;
	v54 =	vadd.f32 v57, v28  }
0x3a8: {  	v57 =	vld [tilespmem:s23+$0x1E40];
	[tilespmem:s21+$0x3250] =	vst v53;
	v53 =	vadd.f32 v55, v29  }
0x3a9: {  	v55 =	vadd.f32 v60, v5;
	v60 =	vld [tilespmem:s23+$0x1E50];
	[tilespmem:s21+$0x3260] =	vst v54  }
0x3aa: {  	v54 =	vadd.f32 v59, v6;
	v59 =	vld [tilespmem:s23+$0x1E60];
	[tilespmem:s21+$0x3270] =	vst v53;
	s21 =	smov.u32 s23  }
0x3ab: {  	[tilespmem:s21+$0x1E00] =	vst v55;
	v53 =	vadd.f32 v58, v7;
	v55 =	vld [tilespmem:s21+$0x1E70]  }
0x3ac: {  	[tilespmem:s21+$0x1E10] =	vst v54;
	v54 =	vadd.f32 v56, v8;
	v56 =	vld [tilespmem:s21+$0x2200]  }
0x3ad: {  	[tilespmem:s21+$0x1E20] =	vst v53;
	v53 =	vadd.f32 v57, v9;
	v57 =	vld [tilespmem:s21+$0x2210]  }
0x3ae: {  	[tilespmem:s21+$0x1E30] =	vst v54;
	v54 =	vadd.f32 v60, v10;
	v58 =	vld [tilespmem:s21+$0x2220]  }
0x3af: {  	[tilespmem:s21+$0x1E40] =	vst v53;
	v53 =	vadd.f32 v59, v11;
	v59 =	vld [tilespmem:s21+$0x2230]  }
0x3b0: {  	[tilespmem:s21+$0x1E50] =	vst v54;
	v54 =	vadd.f32 v55, v12;
	v55 =	vld [tilespmem:s21+$0x2240]  }
0x3b1: {  	[tilespmem:s21+$0x1E60] =	vst v53;
	v53 =	vadd.f32 v56, v13;
	v56 =	vld [tilespmem:s21+$0x2250]  }
0x3b2: {  	[tilespmem:s21+$0x1E70] =	vst v54;
	v54 =	vadd.f32 v57, v14;
	v57 =	vld [tilespmem:s21+$0x2260]  }
0x3b3: {  	[tilespmem:s21+$0x2200] =	vst v53;
	v53 =	vadd.f32 v58, v15;
	v58 =	vld [tilespmem:s21+$0x2270]  }
0x3b4: {  	[tilespmem:s21+$0x2210] =	vst v54;
	v54 =	vadd.f32 v59, v16;
	v59 =	vld [tilespmem:s21+$0x2600]  }
0x3b5: {  	[tilespmem:s21+$0x2220] =	vst v53;
	v53 =	vadd.f32 v55, v17;
	v55 =	vld [tilespmem:s21+$0x2610]  }
0x3b6: {  	[tilespmem:s21+$0x2230] =	vst v54;
	v54 =	vadd.f32 v56, v18;
	v56 =	vld [tilespmem:s21+$0x2620]  }
0x3b7: {  	[tilespmem:s21+$0x2240] =	vst v53;
	v53 =	vadd.f32 v57, v19;
	v57 =	vld [tilespmem:s21+$0x2630]  }
0x3b8: {  	[tilespmem:s21+$0x2250] =	vst v54;
	v54 =	vadd.f32 v58, v20;
	v58 =	vld [tilespmem:s21+$0x2640]  }
0x3b9: {  	[tilespmem:s21+$0x2260] =	vst v53;
	v53 =	vadd.f32 v59, v21;
	v59 =	vld [tilespmem:s21+$0x2650]  }
0x3ba: {  	[tilespmem:s21+$0x2270] =	vst v54;
	v54 =	vadd.f32 v55, v22;
	v55 =	vld [tilespmem:s21+$0x2660]  }
0x3bb: {  	[tilespmem:s21+$0x2600] =	vst v53;
	v53 =	vadd.f32 v56, v23;
	v56 =	vld [tilespmem:s21+$0x2670]  }
0x3bc: {  	[tilespmem:s21+$0x2610] =	vst v54;
	v54 =	vadd.f32 v57, v24;
	v57 =	vld [tilespmem:s21+$0x2A00]  }
0x3bd: {  	[tilespmem:s21+$0x2620] =	vst v53;
	v53 =	vadd.f32 v58, v25;
	v58 =	vld [tilespmem:s21+$0x2A10]  }
0x3be: {  	[tilespmem:s21+$0x2630] =	vst v54;
	v54 =	vadd.f32 v59, v26;
	v59 =	vld [tilespmem:s21+$0x2A20]  }
0x3bf: {  	[tilespmem:s21+$0x2640] =	vst v53;
	v53 =	vadd.f32 v55, v27;
	v55 =	vld [tilespmem:s21+$0x2A30]  }
0x3c0: {  	[tilespmem:s21+$0x2650] =	vst v54;
	v54 =	vadd.f32 v56, v30;
	v56 =	vld [tilespmem:s21+$0x2A40]  }
0x3c1: {  	[tilespmem:s21+$0x2660] =	vst v53;
	v53 =	vadd.f32 v57, v32;
	v57 =	vld [tilespmem:s21+$0x2A50]  }
0x3c2: {  	[tilespmem:s21+$0x2670] =	vst v54;
	v54 =	vadd.f32 v58, v34;
	v58 =	vld [tilespmem:s21+$0x2A60]  }
0x3c3: {  	[tilespmem:s21+$0x2A00] =	vst v53;
	v53 =	vadd.f32 v59, v36;
	v59 =	vld [tilespmem:s21+$0x2A70]  }
0x3c4: {  	[tilespmem:s21+$0x2A10] =	vst v54;
	v54 =	vadd.f32 v55, v37;
	v55 =	vld [tilespmem:s21+$0x2E00]  }
0x3c5: {  	[tilespmem:s21+$0x2A20] =	vst v53;
	v53 =	vadd.f32 v56, v39;
	v56 =	vld [tilespmem:s21+$0x2E10]  }
0x3c6: {  	[tilespmem:s21+$0x2A30] =	vst v54;
	v54 =	vadd.f32 v57, v40;
	v57 =	vld [tilespmem:s21+$0x2E20]  }
0x3c7: {  	[tilespmem:s21+$0x2A40] =	vst v53;
	v53 =	vadd.f32 v58, v42;
	v58 =	vld [tilespmem:s21+$0x2E30]  }
0x3c8: {  	[tilespmem:s21+$0x2A50] =	vst v54;
	v54 =	vadd.f32 v59, v44;
	v59 =	vld [tilespmem:s21+$0x2E40]  }
0x3c9: {  	[tilespmem:s21+$0x2A60] =	vst v53;
	v53 =	vadd.f32 v55, v45;
	v55 =	vld [tilespmem:s21+$0x2E50]  }
.Ltmp3:
0x3ca: {  	[tilespmem:s21+$0x2A70] =	vst v54;
	v54 =	vadd.f32 v56, v47;
	v56 =	vld [tilespmem:s21+$0x2E60];
	(pc) =	sbr.rel @p0 .LBB2_9-.Ltmp3, $4  }
0x3cb: {  	[tilespmem:s21+$0x2E00] =	vst v53;
	v53 =	vadd.f32 v57, v48;
	v57 =	vld [tilespmem:s21+$0x2E70]  }
0x3cc: {  	[tilespmem:s21+$0x2E10] =	vst v54;
	v58 =	vadd.f32 v58, v50;
	v54 =	vld [tilespmem:s21+$0x3200]  }
0x3cd: {  	[tilespmem:s21+$0x2E20] =	vst v53;
	v59 =	vadd.f32 v59, v51;
	v53 =	vld [tilespmem:s21+$0x3210]  }
0x3ce: {  	s22 =	sadd.s32 $0x1, s22;
	[tilespmem:s21+$0x2E30] =	vst v58;
	v58 =	vadd.f32 v55, v52;
	v55 =	vld [tilespmem:s21+$0x3220]  }
0x3cf: {  	[tilespmem:s21+$0x2E40] =	vst v59;
	v5 =	vld [tilespmem:s21+$0x3230];
	v6 =	vadd.f32 v56, v49  }
0x3d0: {  	v7 =	vld [tilespmem:s21+$0x3240];
	[tilespmem:s21+$0x2E50] =	vst v58;
	v8 =	vadd.f32 v57, v46  }
0x3d1: {  	[tilespmem:s21+$0x2E60] =	vst v6;
	v6 =	vld [tilespmem:s21+$0x3250];
	v9 =	vadd.f32 v54, v43  }
0x3d2: {  	v10 =	vld [tilespmem:s21+$0x3260];
	[tilespmem:s21+$0x2E70] =	vst v8;
	v62 =	vadd.f32 v53, v41  }
0x3d3: {  	v11 =	vld [tilespmem:s21+$0x3270];
	[tilespmem:s21+$0x3200] =	vst v9;
	v63 =	vadd.f32 v55, v38  }
0x3d4: {  	[tilespmem:s21+$0x3210] =	vst v62;
	v5 =	vadd.f32 v5, v35  }
0x3d5: {  	v7 =	vadd.f32 v7, v33;
	[tilespmem:s21+$0x3220] =	vst v63  }
0x3d6: {  	[tilespmem:s21+$0x3230] =	vst v5;
	v5 =	vadd.f32 v6, v31  }
0x3d7: {  	[tilespmem:s21+$0x3240] =	vst v7;
	v6 =	vadd.f32 v10, v28  }
0x3d8: {  	[tilespmem:s21+$0x3250] =	vst v5;
	v5 =	vadd.f32 v11, v29  }
0x3d9: {  	s19 =	sshll.u32 s1, $0x7;
	[tilespmem:s21+$0x3260] =	vst v6  }
0x3da: {  	s19 =	sand.u32 $0x3FFFFF80, s19;
	[tilespmem:s21+$0x3270] =	vst v5  }
0x3db: {  	v5 =	vld [tilespmem:s19+$0x800];
	_ =	sdelay $0x4  }
0x3dc: {  	v6 =	vshrl.u32 v5, $0x3  }
0x3dd: {  	v6 =	vmul.u32 $0x30, v6  }
0x3de: {  	v5 =	vand.u32 $0x7, v5  }
0x3df: {  	v5 =	vor.u32 v5, v6  }
0x3e0: {  	v6 =	vperm.xlane v5, v1;
	_ =	sdelay $0x1  }
0x3e1: {  	v6 =	vadd.s32 v2, v6;
	_ =	sdelay $0x3  }
0x3e2: {  	s20 =	simm.s32 $0x0;
	s7 =	simm.s32 $0x1E00;
	v5 =	vperm.xlane v5, v3  }
0x3e3: {  	[hbm4b:s3+s20] =	stream.indirect_vreg.scatter [tilespmem:s7], [sflag:$0x3], $0x80, v6, vm0, $0xb8;
	[tilespmem:$0x19E00] =	vst v63  }
0x3e4: {  	s22 =	simm.s32 $0x2600;
	s9 =	rddreg [dreg:$0xa];
	v5 =	vadd.s32 v2, v5  }
0x3e5: {  	[hbm4b:s9+s20] =	stream.indirect_vreg.scatter [tilespmem:s22], [sflag:$0x3], $0x80, v6, vm0, $0xb8;
	[tilespmem:$0x19E00] =	vst v63  }
0x3e6: {  	s23 =	simm.s32 $0x2E00  }
0x3e7: {  	[hbm4b:s10+s20] =	stream.indirect_vreg.scatter [tilespmem:s23], [sflag:$0x3], $0x80, v6, vm0, $0xb8;
	[tilespmem:$0x19E00] =	vst v63  }
0x3e8: {  	s24 =	simm.s32 $0x3600  }
0x3e9: {  	[hbm4b:s3+s20] =	stream.indirect_vreg.scatter [tilespmem:s24], [sflag:$0x3], $0x80, v5, vm0, $0xb8;
	[tilespmem:$0x19E00] =	vst v63  }
0x3ea: {  	s21 =	simm.s32 $0x3E00  }
0x3eb: {  	[hbm4b:s9+s20] =	stream.indirect_vreg.scatter [tilespmem:s21], [sflag:$0x3], $0x80, v5, vm0, $0xb8;
	[tilespmem:$0x19E00] =	vst v63  }
0x3ec: {  	s26 =	simm.s32 $0x4600  }
0x3ed: {  	[hbm4b:s10+s20] =	stream.indirect_vreg.scatter [tilespmem:s26], [sflag:$0x3], $0x80, v5, vm0, $0xb8;
	[tilespmem:$0x19E00] =	vst v63  }
0x3ee: {  	v5 =	vld [tilespmem:s19+$0x810];
	_ =	sdelay $0x4  }
0x3ef: {  	v6 =	vshrl.u32 v5, $0x3  }
0x3f0: {  	v6 =	vmul.u32 $0x30, v6  }
0x3f1: {  	v5 =	vand.u32 $0x7, v5  }
0x3f2: {  	v5 =	vor.u32 v5, v6  }
0x3f3: {  	v6 =	vperm.xlane v5, v1;
	_ =	sdelay $0x1  }
0x3f4: {  	v6 =	vadd.s32 v2, v6;
	_ =	sdelay $0x3  }
0x3f5: {  	s28 =	simm.s32 $0x4E00;
	v5 =	vperm.xlane v5, v3  }
0x3f6: {  	[hbm4b:s3+s20] =	stream.indirect_vreg.scatter [tilespmem:s28], [sflag:$0x3], $0x80, v6, vm0, $0xb8;
	[tilespmem:$0x19E00] =	vst v63  }
0x3f7: {  	s29 =	simm.s32 $0x5600;
	v5 =	vadd.s32 v2, v5  }
0x3f8: {  	[hbm4b:s9+s20] =	stream.indirect_vreg.scatter [tilespmem:s29], [sflag:$0x3], $0x80, v6, vm0, $0xb8;
	[tilespmem:$0x19E00] =	vst v63  }
0x3f9: {  	s30 =	simm.s32 $0x5E00  }
0x3fa: {  	[hbm4b:s10+s20] =	stream.indirect_vreg.scatter [tilespmem:s30], [sflag:$0x3], $0x80, v6, vm0, $0xb8;
	[tilespmem:$0x19E00] =	vst v63  }
0x3fb: {  	s31 =	simm.s32 $0x6600  }
0x3fc: {  	[hbm4b:s3+s20] =	stream.indirect_vreg.scatter [tilespmem:s31], [sflag:$0x3], $0x80, v5, vm0, $0xb8;
	[tilespmem:$0x19E00] =	vst v63  }
0x3fd: {  	s0 =	simm.s32 $0x6E00  }
0x3fe: {  	[hbm4b:s9+s20] =	stream.indirect_vreg.scatter [tilespmem:s0], [sflag:$0x3], $0x80, v5, vm0, $0xb8;
	[tilespmem:$0x19E00] =	vst v63  }
0x3ff: {  	s2 =	simm.s32 $0x7600  }
0x400: {  	[hbm4b:s10+s20] =	stream.indirect_vreg.scatter [tilespmem:s2], [sflag:$0x3], $0x80, v5, vm0, $0xb8;
	[tilespmem:$0x19E00] =	vst v63  }
0x401: {  	v5 =	vld [tilespmem:s19+$0x820];
	_ =	sdelay $0x4  }
0x402: {  	v6 =	vshrl.u32 v5, $0x3  }
0x403: {  	v6 =	vmul.u32 $0x30, v6  }
0x404: {  	v5 =	vand.u32 $0x7, v5  }
0x405: {  	v5 =	vor.u32 v5, v6  }
0x406: {  	v6 =	vperm.xlane v5, v1;
	_ =	sdelay $0x1  }
0x407: {  	v6 =	vadd.s32 v2, v6;
	_ =	sdelay $0x3  }
0x408: {  	s5 =	simm.s32 $0x7E00;
	v5 =	vperm.xlane v5, v3  }
0x409: {  	[hbm4b:s3+s20] =	stream.indirect_vreg.scatter [tilespmem:s5], [sflag:$0x3], $0x80, v6, vm0, $0xb8;
	[tilespmem:$0x19E00] =	vst v63  }
0x40a: {  	s8 =	simm.s32 $0x8600;
	v5 =	vadd.s32 v2, v5  }
0x40b: {  	[hbm4b:s9+s20] =	stream.indirect_vreg.scatter [tilespmem:s8], [sflag:$0x3], $0x80, v6, vm0, $0xb8;
	[tilespmem:$0x19E00] =	vst v63  }
0x40c: {  	s11 =	simm.s32 $0x8E00  }
0x40d: {  	[hbm4b:s10+s20] =	stream.indirect_vreg.scatter [tilespmem:s11], [sflag:$0x3], $0x80, v6, vm0, $0xb8;
	[tilespmem:$0x19E00] =	vst v63  }
0x40e: {  	s12 =	simm.s32 $0x9600  }
0x40f: {  	[hbm4b:s3+s20] =	stream.indirect_vreg.scatter [tilespmem:s12], [sflag:$0x3], $0x80, v5, vm0, $0xb8;
	[tilespmem:$0x19E00] =	vst v63  }
0x410: {  	s13 =	simm.s32 $0x9E00  }
0x411: {  	[hbm4b:s9+s20] =	stream.indirect_vreg.scatter [tilespmem:s13], [sflag:$0x3], $0x80, v5, vm0, $0xb8;
	[tilespmem:$0x19E00] =	vst v63  }
0x412: {  	s14 =	simm.s32 $0xA600  }
0x413: {  	[hbm4b:s10+s20] =	stream.indirect_vreg.scatter [tilespmem:s14], [sflag:$0x3], $0x80, v5, vm0, $0xb8;
	[tilespmem:$0x19E00] =	vst v63  }
0x414: {  	v5 =	vld [tilespmem:s19+$0x830];
	_ =	sdelay $0x4  }
0x415: {  	v6 =	vshrl.u32 v5, $0x3  }
0x416: {  	v6 =	vmul.u32 $0x30, v6  }
0x417: {  	v5 =	vand.u32 $0x7, v5  }
0x418: {  	v5 =	vor.u32 v5, v6  }
0x419: {  	v6 =	vperm.xlane v5, v1;
	_ =	sdelay $0x1  }
0x41a: {  	v6 =	vadd.s32 v2, v6;
	_ =	sdelay $0x3  }
0x41b: {  	s15 =	simm.s32 $0xAE00;
	v5 =	vperm.xlane v5, v3  }
0x41c: {  	[hbm4b:s3+s20] =	stream.indirect_vreg.scatter [tilespmem:s15], [sflag:$0x3], $0x80, v6, vm0, $0xb8;
	[tilespmem:$0x19E00] =	vst v63  }
0x41d: {  	s16 =	simm.s32 $0xB600;
	v5 =	vadd.s32 v2, v5  }
0x41e: {  	[hbm4b:s9+s20] =	stream.indirect_vreg.scatter [tilespmem:s16], [sflag:$0x3], $0x80, v6, vm0, $0xb8;
	[tilespmem:$0x19E00] =	vst v63  }
0x41f: {  	s25 =	simm.s32 $0xBE00;
	s18 =	sadd.s32 $0x1, s18  }
0x420: {  	[hbm4b:s10+s20] =	stream.indirect_vreg.scatter [tilespmem:s25], [sflag:$0x3], $0x80, v6, vm0, $0xb8;
	[tilespmem:$0x19E00] =	vst v63  }
0x421: {  	s1 =	simm.s32 $0xC600;
	p0 =	sne.s32 s18, $0xF  }
0x422: {  	[hbm4b:s3+s20] =	stream.indirect_vreg.scatter [tilespmem:s1], [sflag:$0x3], $0x80, v5, vm0, $0xb8;
	[tilespmem:$0x19E00] =	vst v63  }
.Ltmp4:
0x423: {  	_ = 	snop;
	(pc) =	sbr.rel @p0 .LBB2_6-.Ltmp4, $4  }
0x424: {  	s4 =	simm.s32 $0xCE00  }
0x425: {  	[hbm4b:s9+s20] =	stream.indirect_vreg.scatter [tilespmem:s4], [sflag:$0x3], $0x80, v5, vm0, $0xb8;
	[tilespmem:$0x19E00] =	vst v63  }
0x426: {  	s6 =	simm.s32 $0xD600  }
0x427: {  	[hbm4b:s10+s20] =	stream.indirect_vreg.scatter [tilespmem:s6], [sflag:$0x3], $0x80, v5, vm0, $0xb8;
	[tilespmem:$0x19E00] =	vst v63  }
0x428: {  	s0 =	simm.s32 $0x3  }
0x429: {  	_ =	swait.ge [sflag:s0], $0xC000  }
0x42a: {  	[sflag:s0] =	ssyncset.done $0x0  }
0x42b: {  	[sflag:s0] =	ssyncadd.s32 $0xFFFF4000  }
0x42c: {  	v5 =	vld [tilespmem:$0x1880]  }
0x42d: {  	v6 =	vld [tilespmem:$0x1890]  }
0x42e: {  	v7 =	vld [tilespmem:$0x18A0]  }
0x42f: {  	v8 =	vld [tilespmem:$0x18B0]  }
0x430: {  	v9 =	vld [tilespmem:$0x18C0]  }
0x431: {  	v10 =	vld [tilespmem:$0x18D0]  }
0x432: {  	v11 =	vld [tilespmem:$0x18E0]  }
0x433: {  	v12 =	vld [tilespmem:$0x18F0]  }
0x434: {  	v13 =	vld [tilespmem:$0x1980]  }
0x435: {  	v14 =	vld [tilespmem:$0x1990]  }
0x436: {  	v15 =	vld [tilespmem:$0x19A0]  }
0x437: {  	v16 =	vld [tilespmem:$0x19B0]  }
0x438: {  	v17 =	vld [tilespmem:$0x19C0]  }
0x439: {  	v18 =	vld [tilespmem:$0x19D0]  }
0x43a: {  	v19 =	vld [tilespmem:$0x19E0]  }
0x43b: {  	v20 =	vld [tilespmem:$0x19F0]  }
0x43c: {  	v21 =	vld [tilespmem:$0x1A80]  }
0x43d: {  	v22 =	vld [tilespmem:$0x1A90]  }
0x43e: {  	v23 =	vld [tilespmem:$0x1AA0]  }
0x43f: {  	v24 =	vld [tilespmem:$0x1AB0]  }
0x440: {  	v25 =	vld [tilespmem:$0x1AC0]  }
0x441: {  	v26 =	vld [tilespmem:$0x1AD0]  }
0x442: {  	v27 =	vld [tilespmem:$0x1AE0]  }
0x443: {  	v30 =	vld [tilespmem:$0x1AF0]  }
0x444: {  	v32 =	vld [tilespmem:$0x1B80]  }
0x445: {  	v34 =	vld [tilespmem:$0x1B90]  }
0x446: {  	v36 =	vld [tilespmem:$0x1BA0]  }
0x447: {  	v37 =	vld [tilespmem:$0x1BB0]  }
0x448: {  	v39 =	vld [tilespmem:$0x1BC0]  }
0x449: {  	v40 =	vld [tilespmem:$0x1BD0]  }
0x44a: {  	v42 =	vld [tilespmem:$0x1BE0]  }
0x44b: {  	v44 =	vld [tilespmem:$0x1BF0]  }
0x44c: {  	v45 =	vld [tilespmem:$0x1C80]  }
0x44d: {  	v47 =	vld [tilespmem:$0x1C90]  }
0x44e: {  	v48 =	vld [tilespmem:$0x1CA0]  }
0x44f: {  	v50 =	vld [tilespmem:$0x1CB0]  }
0x450: {  	v51 =	vld [tilespmem:$0x1CC0]  }
0x451: {  	v52 =	vld [tilespmem:$0x1CD0]  }
0x452: {  	v49 =	vld [tilespmem:$0x1CE0]  }
0x453: {  	v46 =	vld [tilespmem:$0x1CF0]  }
0x454: {  	v43 =	vld [tilespmem:$0x1D80]  }
0x455: {  	v41 =	vld [tilespmem:$0x1D90]  }
0x456: {  	v38 =	vld [tilespmem:$0x1DA0]  }
0x457: {  	v35 =	vld [tilespmem:$0x1DB0]  }
0x458: {  	v33 =	vld [tilespmem:$0x1DC0]  }
0x459: {  	s17 =	simm.s32 $0x0;
	v31 =	vld [tilespmem:$0x1DD0]  }
0x45a: {  	s31 =	simm.s32 $0x2;
	s17 =	smul.u32 $0x6000, s17;
	v28 =	vld [tilespmem:$0x1DE0]  }
0x45b: {  	s18 =	simm.s32 $0x0;
	v29 =	vld [tilespmem:$0x1DF0];
	_ =	swait.ge [sflag:s31], $0xC000  }
0x45c: {  	s19 =	sand.u32 $0x380, s18;
	s17 =	sshra.s32 s17, $0x2;
	[sflag:s31] =	ssyncset.done $0x0  }
0x45d: {  	s17 =	sor.u32 s19, s17;
	[sflag:s31] =	ssyncadd.s32 $0xFFFF4000  }
0x45e: {  	v53 =	vld [tilespmem:s17+$0xDE00]  }
0x45f: {  	v54 =	vld [tilespmem:s17+$0xDE10]  }
0x460: {  	v55 =	vld [tilespmem:s17+$0xDE20]  }
0x461: {  	v56 =	vld [tilespmem:s17+$0xDE30]  }
0x462: {  	v57 =	vld [tilespmem:s17+$0xDE40]  }
0x463: {  	v58 =	vld [tilespmem:s17+$0xDE50]  }
0x464: {  	v59 =	vld [tilespmem:s17+$0xDE60];
	v53 =	vadd.f32 v53, v5  }
0x465: {  	v54 =	vadd.f32 v54, v6;
	v60 =	vadd.f32 v55, v7;
	v55 =	vld [tilespmem:s17+$0xDE70]  }
0x466: {  	v61 =	vadd.f32 v56, v8;
	v56 =	vld [tilespmem:s17+$0xE200];
	[tilespmem:s17+$0xDE00] =	vst v53  }
0x467: {  	v62 =	vadd.f32 v57, v9;
	v57 =	vld [tilespmem:s17+$0xE210];
	[tilespmem:s17+$0xDE10] =	vst v54  }
0x468: {  	v63 =	vadd.f32 v58, v10;
	v58 =	vld [tilespmem:s17+$0xE220];
	[tilespmem:s17+$0xDE20] =	vst v60  }
0x469: {  	[tilespmem:s17+$0xDE30] =	vst v61;
	v60 =	vadd.f32 v59, v11;
	v53 =	vld [tilespmem:s17+$0xE250]  }
0x46a: {  	[tilespmem:s17+$0xDE40] =	vst v62;
	v54 =	vld [tilespmem:s17+$0xE600]  }
0x46b: {  	[tilespmem:s17+$0xDE60] =	vst v60;
	v60 =	vld [tilespmem:s17+$0xE240];
	v61 =	vadd.f32 v55, v12  }
0x46c: {  	[tilespmem:s17+$0xDE50] =	vst v63;
	v55 =	vld [tilespmem:s17+$0xE230];
	v62 =	vadd.f32 v56, v13  }
0x46d: {  	v63 =	vadd.f32 v57, v14;
	v57 =	vld [tilespmem:s17+$0xE610];
	[tilespmem:s17+$0xDE70] =	vst v61  }
0x46e: {  	[tilespmem:s17+$0xE200] =	vst v62;
	v61 =	vadd.f32 v58, v15;
	v62 =	vld [tilespmem:s17+$0xE260]  }
0x46f: {  	[tilespmem:s17+$0xE210] =	vst v63;
	v63 =	vld [tilespmem:s17+$0xE270];
	v53 =	vadd.f32 v53, v18  }
0x470: {  	v54 =	vadd.f32 v54, v21;
	[tilespmem:s17+$0xE220] =	vst v61;
	v56 =	vadd.f32 v60, v17;
	v60 =	vld [tilespmem:s17+$0xE620]  }
0x471: {  	v61 =	vld [tilespmem:s17+$0xE630];
	[tilespmem:s17+$0xE250] =	vst v53  }
0x472: {  	[tilespmem:s17+$0xE600] =	vst v54;
	v54 =	vld [tilespmem:s17+$0xEA10];
	v55 =	vadd.f32 v55, v16  }
0x473: {  	[tilespmem:s17+$0xE240] =	vst v56;
	v58 =	vadd.f32 v62, v19;
	v62 =	vld [tilespmem:s17+$0xE640]  }
0x474: {  	v57 =	vadd.f32 v57, v22;
	[tilespmem:s17+$0xE230] =	vst v55;
	v55 =	vld [tilespmem:s17+$0xEA00]  }
0x475: {  	v59 =	vadd.f32 v63, v20;
	[tilespmem:s17+$0xE260] =	vst v58;
	v58 =	vld [tilespmem:s17+$0xE650]  }
0x476: {  	[tilespmem:s17+$0xE610] =	vst v57;
	v63 =	vadd.f32 v60, v23;
	v60 =	vld [tilespmem:s17+$0xE660]  }
0x477: {  	[tilespmem:s17+$0xE270] =	vst v59;
	v56 =	vadd.f32 v61, v24;
	v61 =	vld [tilespmem:s17+$0xE670]  }
0x478: {  	[tilespmem:s17+$0xE620] =	vst v63;
	v63 =	vld [tilespmem:s17+$0xEA40];
	v53 =	vadd.f32 v62, v25  }
0x479: {  	v54 =	vadd.f32 v54, v34;
	[tilespmem:s17+$0xE630] =	vst v56;
	v62 =	vld [tilespmem:s17+$0xEA20]  }
0x47a: {  	v55 =	vadd.f32 v55, v32;
	[tilespmem:s17+$0xE640] =	vst v53;
	v53 =	vld [tilespmem:s17+$0xEA30]  }
0x47b: {  	[tilespmem:s17+$0xEA10] =	vst v54;
	v54 =	vld [tilespmem:s17+$0xEE00];
	v58 =	vadd.f32 v58, v26  }
0x47c: {  	v57 =	vadd.f32 v60, v27;
	[tilespmem:s17+$0xEA00] =	vst v55  }
0x47d: {  	v59 =	vadd.f32 v61, v30;
	v60 =	vld [tilespmem:s17+$0xEA50];
	[tilespmem:s17+$0xE650] =	vst v58  }
0x47e: {  	[tilespmem:s17+$0xE660] =	vst v57;
	v58 =	vadd.f32 v63, v39;
	v61 =	vadd.f32 v62, v36;
	v62 =	vld [tilespmem:s17+$0xEA60]  }
0x47f: {  	[tilespmem:s17+$0xE670] =	vst v59;
	v59 =	vld [tilespmem:s17+$0xEA70];
	v53 =	vadd.f32 v53, v37  }
0x480: {  	v55 =	vld [tilespmem:s17+$0xEE10];
	v54 =	vadd.f32 v54, v45;
	[tilespmem:s17+$0xEA40] =	vst v58  }
0x481: {  	[tilespmem:s17+$0xEA30] =	vst v53;
	v53 =	vld [tilespmem:s17+$0xEE20]  }
0x482: {  	v58 =	vld [tilespmem:s17+$0xEE30];
	[tilespmem:s17+$0xEE00] =	vst v54;
	v57 =	vadd.f32 v60, v40  }
0x483: {  	[tilespmem:s17+$0xEA20] =	vst v61;
	v60 =	vld [tilespmem:s17+$0xEE40];
	v56 =	vadd.f32 v62, v42  }
0x484: {  	v61 =	vld [tilespmem:s17+$0xEE50];
	[tilespmem:s17+$0xEA50] =	vst v57;
	v57 =	vadd.f32 v59, v44  }
0x485: {  	v55 =	vadd.f32 v55, v47;
	[tilespmem:s17+$0xEA60] =	vst v56;
	v56 =	vld [tilespmem:s17+$0xEE60]  }
0x486: {  	[tilespmem:s17+$0xEA70] =	vst v57;
	v57 =	vld [tilespmem:s17+$0xEE70];
	v53 =	vadd.f32 v53, v48  }
0x487: {  	v54 =	vld [tilespmem:s17+$0xF200];
	[tilespmem:s17+$0xEE10] =	vst v55;
	v63 =	vadd.f32 v58, v50  }
0x488: {  	v59 =	vadd.f32 v60, v51;
	[tilespmem:s17+$0xEE20] =	vst v53;
	v53 =	vld [tilespmem:s17+$0xF210]  }
0x489: {  	s19 =	simm.s32 $0x1;
	v55 =	vld [tilespmem:s17+$0xF220];
	v58 =	vadd.f32 v61, v52;
	[tilespmem:s17+$0xEE30] =	vst v63  }
.LBB2_12:
0x48a: {  	s20 =	sshrl.u32 s19, $0x3;
	p0 =	sne.s32 s19, $0x3F;
	[tilespmem:s17+$0xEE40] =	vst v59;
	v56 =	vadd.f32 v56, v49;
	v59 =	vld [tilespmem:s17+$0xF230]  }
0x48b: {  	s20 =	smul.u32 $0x6000, s20;
	[tilespmem:s17+$0xEE50] =	vst v58;
	v57 =	vadd.f32 v57, v46;
	v58 =	vld [tilespmem:s17+$0xF240]  }
0x48c: {  	s18 =	sadd.s32 $0x80, s18;
	[tilespmem:s17+$0xEE60] =	vst v56;
	v54 =	vadd.f32 v54, v43;
	v56 =	vld [tilespmem:s17+$0xF250]  }
0x48d: {  	s21 =	sand.u32 $0x380, s18;
	s20 =	sshra.s32 s20, $0x2;
	[tilespmem:s17+$0xEE70] =	vst v57;
	v53 =	vadd.f32 v53, v41;
	v57 =	vld [tilespmem:s17+$0xF260]  }
0x48e: {  	s20 =	sor.u32 s21, s20;
	[tilespmem:s17+$0xF200] =	vst v54;
	v54 =	vadd.f32 v55, v38;
	v55 =	vld [tilespmem:s17+$0xF270]  }
0x48f: {  	v60 =	vld [tilespmem:s20+$0xDE00];
	[tilespmem:s17+$0xF210] =	vst v53;
	v53 =	vadd.f32 v59, v35  }
0x490: {  	v59 =	vld [tilespmem:s20+$0xDE10];
	[tilespmem:s17+$0xF220] =	vst v54;
	v54 =	vadd.f32 v58, v33  }
0x491: {  	v58 =	vld [tilespmem:s20+$0xDE20];
	[tilespmem:s17+$0xF230] =	vst v53;
	v53 =	vadd.f32 v56, v31  }
0x492: {  	v56 =	vld [tilespmem:s20+$0xDE30];
	[tilespmem:s17+$0xF240] =	vst v54;
	v54 =	vadd.f32 v57, v28  }
0x493: {  	v57 =	vld [tilespmem:s20+$0xDE40];
	[tilespmem:s17+$0xF250] =	vst v53;
	v53 =	vadd.f32 v55, v29  }
0x494: {  	v55 =	vadd.f32 v60, v5;
	v60 =	vld [tilespmem:s20+$0xDE50];
	[tilespmem:s17+$0xF260] =	vst v54  }
0x495: {  	v54 =	vadd.f32 v59, v6;
	v59 =	vld [tilespmem:s20+$0xDE60];
	[tilespmem:s17+$0xF270] =	vst v53;
	s17 =	smov.u32 s20  }
0x496: {  	[tilespmem:s17+$0xDE00] =	vst v55;
	v53 =	vadd.f32 v58, v7;
	v55 =	vld [tilespmem:s17+$0xDE70]  }
0x497: {  	[tilespmem:s17+$0xDE10] =	vst v54;
	v54 =	vadd.f32 v56, v8;
	v56 =	vld [tilespmem:s17+$0xE200]  }
0x498: {  	[tilespmem:s17+$0xDE20] =	vst v53;
	v53 =	vadd.f32 v57, v9;
	v57 =	vld [tilespmem:s17+$0xE210]  }
0x499: {  	[tilespmem:s17+$0xDE30] =	vst v54;
	v54 =	vadd.f32 v60, v10;
	v58 =	vld [tilespmem:s17+$0xE220]  }
0x49a: {  	[tilespmem:s17+$0xDE40] =	vst v53;
	v53 =	vadd.f32 v59, v11;
	v59 =	vld [tilespmem:s17+$0xE230]  }
0x49b: {  	[tilespmem:s17+$0xDE50] =	vst v54;
	v54 =	vadd.f32 v55, v12;
	v55 =	vld [tilespmem:s17+$0xE240]  }
0x49c: {  	[tilespmem:s17+$0xDE60] =	vst v53;
	v53 =	vadd.f32 v56, v13;
	v56 =	vld [tilespmem:s17+$0xE250]  }
0x49d: {  	[tilespmem:s17+$0xDE70] =	vst v54;
	v54 =	vadd.f32 v57, v14;
	v57 =	vld [tilespmem:s17+$0xE260]  }
0x49e: {  	[tilespmem:s17+$0xE200] =	vst v53;
	v53 =	vadd.f32 v58, v15;
	v58 =	vld [tilespmem:s17+$0xE270]  }
0x49f: {  	[tilespmem:s17+$0xE210] =	vst v54;
	v54 =	vadd.f32 v59, v16;
	v59 =	vld [tilespmem:s17+$0xE600]  }
0x4a0: {  	[tilespmem:s17+$0xE220] =	vst v53;
	v53 =	vadd.f32 v55, v17;
	v55 =	vld [tilespmem:s17+$0xE610]  }
0x4a1: {  	[tilespmem:s17+$0xE230] =	vst v54;
	v54 =	vadd.f32 v56, v18;
	v56 =	vld [tilespmem:s17+$0xE620]  }
0x4a2: {  	[tilespmem:s17+$0xE240] =	vst v53;
	v53 =	vadd.f32 v57, v19;
	v57 =	vld [tilespmem:s17+$0xE630]  }
0x4a3: {  	[tilespmem:s17+$0xE250] =	vst v54;
	v54 =	vadd.f32 v58, v20;
	v58 =	vld [tilespmem:s17+$0xE640]  }
0x4a4: {  	[tilespmem:s17+$0xE260] =	vst v53;
	v53 =	vadd.f32 v59, v21;
	v59 =	vld [tilespmem:s17+$0xE650]  }
0x4a5: {  	[tilespmem:s17+$0xE270] =	vst v54;
	v54 =	vadd.f32 v55, v22;
	v55 =	vld [tilespmem:s17+$0xE660]  }
0x4a6: {  	[tilespmem:s17+$0xE600] =	vst v53;
	v53 =	vadd.f32 v56, v23;
	v56 =	vld [tilespmem:s17+$0xE670]  }
0x4a7: {  	[tilespmem:s17+$0xE610] =	vst v54;
	v54 =	vadd.f32 v57, v24;
	v57 =	vld [tilespmem:s17+$0xEA00]  }
0x4a8: {  	[tilespmem:s17+$0xE620] =	vst v53;
	v53 =	vadd.f32 v58, v25;
	v58 =	vld [tilespmem:s17+$0xEA10]  }
0x4a9: {  	[tilespmem:s17+$0xE630] =	vst v54;
	v54 =	vadd.f32 v59, v26;
	v59 =	vld [tilespmem:s17+$0xEA20]  }
0x4aa: {  	[tilespmem:s17+$0xE640] =	vst v53;
	v53 =	vadd.f32 v55, v27;
	v55 =	vld [tilespmem:s17+$0xEA30]  }
0x4ab: {  	[tilespmem:s17+$0xE650] =	vst v54;
	v54 =	vadd.f32 v56, v30;
	v56 =	vld [tilespmem:s17+$0xEA40]  }
0x4ac: {  	[tilespmem:s17+$0xE660] =	vst v53;
	v53 =	vadd.f32 v57, v32;
	v57 =	vld [tilespmem:s17+$0xEA50]  }
0x4ad: {  	[tilespmem:s17+$0xE670] =	vst v54;
	v54 =	vadd.f32 v58, v34;
	v58 =	vld [tilespmem:s17+$0xEA60]  }
0x4ae: {  	[tilespmem:s17+$0xEA00] =	vst v53;
	v53 =	vadd.f32 v59, v36;
	v59 =	vld [tilespmem:s17+$0xEA70]  }
0x4af: {  	[tilespmem:s17+$0xEA10] =	vst v54;
	v54 =	vadd.f32 v55, v37;
	v55 =	vld [tilespmem:s17+$0xEE00]  }
0x4b0: {  	[tilespmem:s17+$0xEA20] =	vst v53;
	v53 =	vadd.f32 v56, v39;
	v56 =	vld [tilespmem:s17+$0xEE10]  }
0x4b1: {  	[tilespmem:s17+$0xEA30] =	vst v54;
	v54 =	vadd.f32 v57, v40;
	v57 =	vld [tilespmem:s17+$0xEE20]  }
0x4b2: {  	[tilespmem:s17+$0xEA40] =	vst v53;
	v53 =	vadd.f32 v58, v42;
	v58 =	vld [tilespmem:s17+$0xEE30]  }
0x4b3: {  	[tilespmem:s17+$0xEA50] =	vst v54;
	v54 =	vadd.f32 v59, v44;
	v59 =	vld [tilespmem:s17+$0xEE40]  }
0x4b4: {  	[tilespmem:s17+$0xEA60] =	vst v53;
	v53 =	vadd.f32 v55, v45;
	v55 =	vld [tilespmem:s17+$0xEE50]  }
.Ltmp5:
0x4b5: {  	[tilespmem:s17+$0xEA70] =	vst v54;
	v54 =	vadd.f32 v56, v47;
	v56 =	vld [tilespmem:s17+$0xEE60];
	(pc) =	sbr.rel @p0 .LBB2_12-.Ltmp5, $4  }
0x4b6: {  	[tilespmem:s17+$0xEE00] =	vst v53;
	v53 =	vadd.f32 v57, v48;
	v57 =	vld [tilespmem:s17+$0xEE70]  }
0x4b7: {  	[tilespmem:s17+$0xEE10] =	vst v54;
	v58 =	vadd.f32 v58, v50;
	v54 =	vld [tilespmem:s17+$0xF200]  }
0x4b8: {  	[tilespmem:s17+$0xEE20] =	vst v53;
	v59 =	vadd.f32 v59, v51;
	v53 =	vld [tilespmem:s17+$0xF210]  }
0x4b9: {  	s19 =	sadd.s32 $0x1, s19;
	[tilespmem:s17+$0xEE30] =	vst v58;
	v58 =	vadd.f32 v55, v52;
	v55 =	vld [tilespmem:s17+$0xF220]  }
0x4ba: {  	[tilespmem:s17+$0xEE40] =	vst v59;
	v5 =	vld [tilespmem:s17+$0xF230];
	v6 =	vadd.f32 v56, v49  }
0x4bb: {  	v7 =	vld [tilespmem:s17+$0xF240];
	[tilespmem:s17+$0xEE50] =	vst v58;
	v8 =	vadd.f32 v57, v46  }
0x4bc: {  	[tilespmem:s17+$0xEE60] =	vst v6;
	v6 =	vld [tilespmem:s17+$0xF250];
	v9 =	vadd.f32 v54, v43  }
0x4bd: {  	v10 =	vld [tilespmem:s17+$0xF260];
	[tilespmem:s17+$0xEE70] =	vst v8;
	v62 =	vadd.f32 v53, v41  }
0x4be: {  	v11 =	vld [tilespmem:s17+$0xF270];
	[tilespmem:s17+$0xF200] =	vst v9;
	v63 =	vadd.f32 v55, v38  }
0x4bf: {  	[tilespmem:s17+$0xF210] =	vst v62;
	v5 =	vadd.f32 v5, v35  }
0x4c0: {  	v7 =	vadd.f32 v7, v33;
	[tilespmem:s17+$0xF220] =	vst v63  }
0x4c1: {  	[tilespmem:s17+$0xF230] =	vst v5;
	v5 =	vadd.f32 v6, v31  }
0x4c2: {  	[tilespmem:s17+$0xF240] =	vst v7;
	v6 =	vadd.f32 v10, v28  }
0x4c3: {  	[tilespmem:s17+$0xF250] =	vst v5;
	v5 =	vadd.f32 v11, v29  }
0x4c4: {  	[tilespmem:s17+$0xF260] =	vst v6  }
0x4c5: {  	[tilespmem:s17+$0xF270] =	vst v5  }
0x4c6: {  	v5 =	vld [tilespmem:$0x1780];
	_ =	sdelay $0x4  }
0x4c7: {  	v6 =	vshrl.u32 v5, $0x3  }
0x4c8: {  	v6 =	vmul.u32 $0x30, v6  }
0x4c9: {  	v5 =	vand.u32 $0x7, v5  }
0x4ca: {  	v5 =	vor.u32 v5, v6  }
0x4cb: {  	v6 =	vperm.xlane v5, v1;
	_ =	sdelay $0x1  }
0x4cc: {  	v6 =	vadd.s32 v2, v6;
	_ =	sdelay $0x3  }
0x4cd: {  	s4 =	simm.s32 $0x0;
	s0 =	simm.s32 $0xDE00;
	v5 =	vperm.xlane v5, v3  }
0x4ce: {  	[hbm4b:s3+s4] =	stream.indirect_vreg.scatter [tilespmem:s0], [sflag:$0x4], $0x80, v6, vm0, $0xb8;
	[tilespmem:$0x19E00] =	vst v63  }
0x4cf: {  	s17 =	simm.s32 $0xE600;
	v5 =	vadd.s32 v2, v5  }
0x4d0: {  	[hbm4b:s9+s4] =	stream.indirect_vreg.scatter [tilespmem:s17], [sflag:$0x4], $0x80, v6, vm0, $0xb8;
	[tilespmem:$0x19E00] =	vst v63  }
0x4d1: {  	s18 =	simm.s32 $0xEE00  }
0x4d2: {  	[hbm4b:s10+s4] =	stream.indirect_vreg.scatter [tilespmem:s18], [sflag:$0x4], $0x80, v6, vm0, $0xb8;
	[tilespmem:$0x19E00] =	vst v63  }
0x4d3: {  	s19 =	simm.s32 $0xF600  }
0x4d4: {  	[hbm4b:s3+s4] =	stream.indirect_vreg.scatter [tilespmem:s19], [sflag:$0x4], $0x80, v5, vm0, $0xb8;
	[tilespmem:$0x19E00] =	vst v63  }
0x4d5: {  	s20 =	simm.s32 $0xFE00  }
0x4d6: {  	[hbm4b:s9+s4] =	stream.indirect_vreg.scatter [tilespmem:s20], [sflag:$0x4], $0x80, v5, vm0, $0xb8;
	[tilespmem:$0x19E00] =	vst v63  }
0x4d7: {  	s21 =	simm.s32 $0x10600  }
0x4d8: {  	[hbm4b:s10+s4] =	stream.indirect_vreg.scatter [tilespmem:s21], [sflag:$0x4], $0x80, v5, vm0, $0xb8;
	[tilespmem:$0x19E00] =	vst v63  }
0x4d9: {  	v5 =	vld [tilespmem:$0x1790];
	_ =	sdelay $0x4  }
0x4da: {  	v6 =	vshrl.u32 v5, $0x3  }
0x4db: {  	v6 =	vmul.u32 $0x30, v6  }
0x4dc: {  	v5 =	vand.u32 $0x7, v5  }
0x4dd: {  	v5 =	vor.u32 v5, v6  }
0x4de: {  	v6 =	vperm.xlane v5, v1;
	_ =	sdelay $0x1  }
0x4df: {  	v6 =	vadd.s32 v2, v6;
	_ =	sdelay $0x3  }
0x4e0: {  	s25 =	simm.s32 $0x10E00;
	v5 =	vperm.xlane v5, v3  }
0x4e1: {  	[hbm4b:s3+s4] =	stream.indirect_vreg.scatter [tilespmem:s25], [sflag:$0x4], $0x80, v6, vm0, $0xb8;
	[tilespmem:$0x19E00] =	vst v63  }
0x4e2: {  	s26 =	simm.s32 $0x11600;
	v5 =	vadd.s32 v2, v5  }
0x4e3: {  	[hbm4b:s9+s4] =	stream.indirect_vreg.scatter [tilespmem:s26], [sflag:$0x4], $0x80, v6, vm0, $0xb8;
	[tilespmem:$0x19E00] =	vst v63  }
0x4e4: {  	s1 =	simm.s32 $0x11E00  }
0x4e5: {  	[hbm4b:s10+s4] =	stream.indirect_vreg.scatter [tilespmem:s1], [sflag:$0x4], $0x80, v6, vm0, $0xb8;
	[tilespmem:$0x19E00] =	vst v63  }
0x4e6: {  	s2 =	simm.s32 $0x12600  }
0x4e7: {  	[hbm4b:s3+s4] =	stream.indirect_vreg.scatter [tilespmem:s2], [sflag:$0x4], $0x80, v5, vm0, $0xb8;
	[tilespmem:$0x19E00] =	vst v63  }
0x4e8: {  	s5 =	simm.s32 $0x12E00  }
0x4e9: {  	[hbm4b:s9+s4] =	stream.indirect_vreg.scatter [tilespmem:s5], [sflag:$0x4], $0x80, v5, vm0, $0xb8;
	[tilespmem:$0x19E00] =	vst v63  }
0x4ea: {  	s6 =	simm.s32 $0x13600  }
0x4eb: {  	[hbm4b:s10+s4] =	stream.indirect_vreg.scatter [tilespmem:s6], [sflag:$0x4], $0x80, v5, vm0, $0xb8;
	[tilespmem:$0x19E00] =	vst v63  }
0x4ec: {  	v5 =	vld [tilespmem:$0x17A0];
	_ =	sdelay $0x4  }
0x4ed: {  	v6 =	vshrl.u32 v5, $0x3  }
0x4ee: {  	v6 =	vmul.u32 $0x30, v6  }
0x4ef: {  	v5 =	vand.u32 $0x7, v5  }
0x4f0: {  	v5 =	vor.u32 v5, v6  }
0x4f1: {  	v6 =	vperm.xlane v5, v1;
	_ =	sdelay $0x1  }
0x4f2: {  	v6 =	vadd.s32 v2, v6;
	_ =	sdelay $0x3  }
0x4f3: {  	s8 =	simm.s32 $0x13E00;
	v5 =	vperm.xlane v5, v3  }
0x4f4: {  	[hbm4b:s3+s4] =	stream.indirect_vreg.scatter [tilespmem:s8], [sflag:$0x4], $0x80, v6, vm0, $0xb8;
	[tilespmem:$0x19E00] =	vst v63  }
0x4f5: {  	s11 =	simm.s32 $0x14600;
	v5 =	vadd.s32 v2, v5  }
0x4f6: {  	[hbm4b:s9+s4] =	stream.indirect_vreg.scatter [tilespmem:s11], [sflag:$0x4], $0x80, v6, vm0, $0xb8;
	[tilespmem:$0x19E00] =	vst v63  }
0x4f7: {  	s12 =	simm.s32 $0x14E00  }
0x4f8: {  	[hbm4b:s10+s4] =	stream.indirect_vreg.scatter [tilespmem:s12], [sflag:$0x4], $0x80, v6, vm0, $0xb8;
	[tilespmem:$0x19E00] =	vst v63  }
0x4f9: {  	s13 =	simm.s32 $0x15600  }
0x4fa: {  	[hbm4b:s3+s4] =	stream.indirect_vreg.scatter [tilespmem:s13], [sflag:$0x4], $0x80, v5, vm0, $0xb8;
	[tilespmem:$0x19E00] =	vst v63  }
0x4fb: {  	s14 =	simm.s32 $0x15E00  }
0x4fc: {  	[hbm4b:s9+s4] =	stream.indirect_vreg.scatter [tilespmem:s14], [sflag:$0x4], $0x80, v5, vm0, $0xb8;
	[tilespmem:$0x19E00] =	vst v63  }
0x4fd: {  	s15 =	simm.s32 $0x16600  }
0x4fe: {  	[hbm4b:s10+s4] =	stream.indirect_vreg.scatter [tilespmem:s15], [sflag:$0x4], $0x80, v5, vm0, $0xb8;
	[tilespmem:$0x19E00] =	vst v63  }
0x4ff: {  	v5 =	vld [tilespmem:$0x17B0];
	_ =	sdelay $0x4  }
0x500: {  	v6 =	vshrl.u32 v5, $0x3  }
0x501: {  	v6 =	vmul.u32 $0x30, v6  }
0x502: {  	v5 =	vand.u32 $0x7, v5  }
0x503: {  	v5 =	vor.u32 v5, v6  }
0x504: {  	v6 =	vperm.xlane v5, v1;
	_ =	sdelay $0x1  }
0x505: {  	v6 =	vadd.s32 v2, v6;
	_ =	sdelay $0x3  }
0x506: {  	s16 =	simm.s32 $0x16E00;
	v5 =	vperm.xlane v5, v3  }
0x507: {  	[hbm4b:s3+s4] =	stream.indirect_vreg.scatter [tilespmem:s16], [sflag:$0x4], $0x80, v6, vm0, $0xb8;
	[tilespmem:$0x19E00] =	vst v63  }
0x508: {  	s17 =	simm.s32 $0x17600;
	v5 =	vadd.s32 v2, v5  }
0x509: {  	[hbm4b:s9+s4] =	stream.indirect_vreg.scatter [tilespmem:s17], [sflag:$0x4], $0x80, v6, vm0, $0xb8;
	[tilespmem:$0x19E00] =	vst v63  }
0x50a: {  	s18 =	simm.s32 $0x17E00  }
0x50b: {  	[hbm4b:s10+s4] =	stream.indirect_vreg.scatter [tilespmem:s18], [sflag:$0x4], $0x80, v6, vm0, $0xb8;
	[tilespmem:$0x19E00] =	vst v63  }
0x50c: {  	s19 =	simm.s32 $0x18600  }
0x50d: {  	[hbm4b:s3+s4] =	stream.indirect_vreg.scatter [tilespmem:s19], [sflag:$0x4], $0x80, v5, vm0, $0xb8;
	[tilespmem:$0x19E00] =	vst v63  }
0x50e: {  	s20 =	simm.s32 $0x18E00  }
0x50f: {  	[hbm4b:s9+s4] =	stream.indirect_vreg.scatter [tilespmem:s20], [sflag:$0x4], $0x80, v5, vm0, $0xb8;
	[tilespmem:$0x19E00] =	vst v63  }
0x510: {  	s21 =	simm.s32 $0x19600;
	s25 =	simm.s32 $0x4  }
0x511: {  	[hbm4b:s10+s4] =	stream.indirect_vreg.scatter [tilespmem:s21], [sflag:$0x4], $0x80, v5, vm0, $0xb8;
	[tilespmem:$0x19E00] =	vst v63  }
0x512: {  	s28 =	simm.s32 $0x5E00;
	_ =	swait.ge [sflag:s25], $0xC000  }
0x513: {  	s29 =	simm.s32 $0x6600;
	s30 =	simm.s32 $0x7E00;
	s1 =	rddreg [dreg:$0xb]  }
0x514: {  	s31 =	simm.s32 $0x9E00;
	s26 =	rddreg [dreg:$0x7];
	s1 =	sadd.s32 $0x1, s1  }
0x515: {  	s0 =	simm.s32 $0x6E00;
	s2 =	simm.s32 $0x7600;
	p0 =	sne.s32 s1, s26  }
.Ltmp6:
0x516: {  	s5 =	simm.s32 $0x8600;
	s8 =	simm.s32 $0x8E00;
	(pc) =	sbr.rel @p0 .LBB2_1-.Ltmp6, $4  }
0x517: {  	s11 =	simm.s32 $0x9600;
	s13 =	simm.s32 $0xA600;
	s14 =	simm.s32 $0xAE00  }
0x518: {  	s15 =	simm.s32 $0xB600;
	s16 =	simm.s32 $0xBE00;
	s18 =	simm.s32 $0x3E00  }
0x519: {  	s19 =	simm.s32 $0x4600;
	s21 =	simm.s32 $0x4E00;
	[sflag:s25] =	ssyncset.done $0x0  }
0x51a: {  	[sflag:s25] =	ssyncadd.s32 $0xFFFF4000;
	s25 =	simm.s32 $0xC600;
	s26 =	simm.s32 $0x5600  }
0x51b: {  	_ =	sfence.sel $0x180000  }
0x51c: {  	[bflag:$0x0] =	sbarrier.arrive $0xFFFF  }
0x51d: {  	_ =	strace $0x90000047  }
0x51e: {  	s0 =	stileid.u32;
	[bflag:$0x2] =	sbarrier.arrive $0xFFFF  }
0x51f: {  	p0 =	sne.s32 s0, $0x0;
	s0 =	rddreg [dreg:$0x4]  }
0x520: {  	s0 =	sadd.s32 @!p0 $0x100000, s0  }
0x521: {  	[sflag:s0] =	ssyncadd.tile.s32 @!p0 $0x1;
	_ =	shalt  }
.Lfunc_end2:
_tile_overlayer_lowered:
.L_overlay_start_2:
0x522: {  	(tag) =	ssettag $0x2  }
0x523: {  	s0 =	rddreg [dreg:$0x0];
	s2 =	stileid.u32  }
0x524: {  	s1 =	rddreg [dreg:$0x1];
	p0 =	sne.s32 s2, $0x0  }
0x525: {  	s3 =	rddreg [dreg:$0x2];
	[bflag:$0x3] =	sbarrier.arrive $0xFFFF;
	s2 =	simm.s32 @!p0 $0x1C05  }
0x526: {  	[timem:s3], [sflag:s2] =	dma.local @!p0 [hbm:s0], s1  }
0x527: {  	s0 =	simm.s32 @!p0 $0x5  }
0x528: {  	_ =	swait.ge @!p0 [sflag:s0], s1  }
0x529: {  	s1 =	ssub.s32 @!p0 $0x0, s1;
	[sflag:s0] =	ssyncset.done @!p0 $0x0  }
0x52a: {  	[sflag:s0] =	ssyncadd.s32 @!p0 s1  }
0x52b: {  	[bflag:$0x3] =	sbarrier.arrive $0xFFFF  }
0x52c: {  	_ =	shalt  }

</sc_bundles>
